<compile_context>
chip_gen: v7x
topology: tpu7x:2x2x1
jax: 0.10.2.dev20260603
libtpu: 0.0.44.dev20260713+nightly
codegen_flags: <defaults>
</compile_context>

<pallas_src>
import jax
import jax.numpy as jnp
from jax import lax
from jax.experimental import pallas as pl
from jax.experimental.pallas import tpu as pltpu
from jax.experimental.pallas import tpu_sc as plsc

C = 1.0
KEEP = 5000
N = 10000
NPAD = 10240
D = 128
E = 320000
MIN_NORM = 1e-15
EPS = 1e-5

NC = 2
NS = 16
NW = NC * NS
EPT = E // NW
NODES_PER_SUB = NPAD // NS
ROWS_OUT = 5120
ROWS_PER_SUB = ROWS_OUT // NW


def _k1_body(x_ref, wt_ref, bias_ref, norm_in_ref, s_ref, norm_ref, f_ref):
    x = x_ref[...]
    norm = norm_in_ref[...]
    ncl = jnp.maximum(norm, MIN_NORM)
    scaled = jnp.minimum(ncl, 1.0 - EPS)
    arct = 0.5 * (jnp.log1p(scaled) - jnp.log1p(-scaled))
    f = arct / ncl
    xt = f * x
    dot = jnp.dot(xt, wt_ref[...],
                  preferred_element_type=jnp.float32)
    hb = bias_ref[0, 0]
    hbn = jnp.maximum(jnp.sqrt(hb * hb), MIN_NORM)
    e = jnp.tanh(hbn) * hb / hbn
    maxn = 1.0 - EPS
    en = jnp.maximum(jnp.sqrt(e * e), MIN_NORM)
    h = jnp.where(en > maxn, e / en * maxn, e)
    x2 = dot * dot
    y2 = h * h
    xy = dot * h
    num = (1.0 + 2.0 * xy + y2) * dot + (1.0 - x2) * h
    den = 1.0 + 2.0 * xy + x2 * y2
    m = num / jnp.maximum(den, MIN_NORM)
    mn = jnp.maximum(jnp.sqrt(m * m), MIN_NORM)
    s = jnp.where(mn > maxn, m / mn * maxn, m)
    s_ref[...] = s
    norm_ref[...] = norm
    f_ref[...] = f


K2CH = 5
K2CE = EPT // K2CH


def _k2_body(src_hbm, dst_hbm, ew_hbm, s_hbm, zeros_hbm, agg_hbm,
             src_v, dst_v, ew_v, sval_v, val_v, agg_sh,
             sem_s, sem_d, sem_e, sem_g, sem_sc, sem_z):
    cid = lax.axis_index("c")
    sid = lax.axis_index("s")
    wid = cid * NS + sid
    ebase = wid * EPT
    c_src = pltpu.async_copy(src_hbm.at[pl.ds(ebase, EPT)], src_v, sem_s)
    c_dst = pltpu.async_copy(dst_hbm.at[pl.ds(ebase, EPT)], dst_v, sem_d)
    c_ew = pltpu.async_copy(ew_hbm.at[pl.ds(ebase, EPT)], ew_v, sem_e)
    c_z = pltpu.async_copy(zeros_hbm.at[pl.ds(sid * NODES_PER_SUB, NODES_PER_SUB)],
                           agg_sh.at[pl.ds(sid * NODES_PER_SUB, NODES_PER_SUB)],
                           sem_z)
    c_src.wait()

    def _gather(c):
        d = pltpu.make_async_copy(s_hbm.at[src_v.at[pl.ds(c * K2CE, K2CE)]],
                                  sval_v.at[pl.ds(c * K2CE, K2CE)], sem_g)
        d.start()
        return d

    g_cur = _gather(0)
    c_ew.wait()
    c_dst.wait()
    c_z.wait()
    plsc.subcore_barrier()
    scatters = []
    for c in range(K2CH):
        g_cur.wait()
        if c + 1 < K2CH:
            g_next = _gather(c + 1)
        def body(i, _, c=c):
            for u in range(5):
                sl = pl.ds(c * K2CE + i * 80 + u * 16, 16)
                val_v[sl] = sval_v[sl] * ew_v[sl]
            return 0
        lax.fori_loop(0, K2CE // 80, body, 0)
        d = pltpu.make_async_copy(
            val_v.at[pl.ds(c * K2CE, K2CE)],
            agg_sh.at[dst_v.at[pl.ds(c * K2CE, K2CE)]], sem_sc)
        d.start(add=True)
        scatters.append(d)
        if c + 1 < K2CH:
            g_cur = g_next
    for sc in scatters:
        sc.wait()
    plsc.subcore_barrier()
    pltpu.sync_copy(agg_sh.at[pl.ds(sid * NODES_PER_SUB, NODES_PER_SUB)],
                    agg_hbm.at[cid, pl.ds(sid * NODES_PER_SUB, NODES_PER_SUB)])


def _k3_body(agg_ref, norm_ref, f_ref, w1_ref, b_ref,
             attn_ref, p_ref, g_ref):
    R = NPAD // 128
    agg = agg_ref[0:R, :] + agg_ref[R:2 * R, :]
    un = jnp.maximum(jnp.sqrt(agg * agg), MIN_NORM)
    e0 = jnp.tanh(un) * agg / un
    maxn = 1.0 - EPS
    e0n = jnp.maximum(jnp.sqrt(e0 * e0), MIN_NORM)
    e0p = jnp.where(e0n > maxn, e0 / e0n * maxn, e0)
    at = jnp.tanh(e0p)
    w1 = w1_ref[0, 0]
    b = b_ref[0, 0]
    attn = w1 * at + (1.0 - w1) * (1.0 - norm_ref[...]) + b
    attn_ref[...] = attn
    rid = lax.broadcasted_iota(jnp.int32, (R, 128), 0)
    cidx = lax.broadcasted_iota(jnp.int32, (R, 128), 1)
    nid = rid * 128 + cidx
    valid = nid < N
    attn_eff = jnp.where(valid, attn, -jnp.inf)
    bu = lax.bitcast_convert_type(attn_eff, jnp.uint32)
    sign = bu >> jnp.uint32(31)
    flip = jnp.where(sign == jnp.uint32(1),
                     jnp.uint32(0xFFFFFFFF), jnp.uint32(0x80000000))
    u = bu ^ flip
    kf32 = jnp.float32(KEEP)
    def bit_body(j, t):
        cand = t | (jnp.uint32(1) << jnp.uint32(31 - j))
        cnt = jnp.sum(jnp.where(u >= cand, 1.0, 0.0))
        return jnp.where(cnt >= kf32, cand, t)
    thr = lax.fori_loop(0, 32, bit_body, jnp.uint32(0))
    gt = u > thr
    eq = u == thr
    cnt_gt = jnp.sum(jnp.where(gt, 1.0, 0.0))
    l_ids = lax.broadcasted_iota(jnp.int32, (128, 128), 0)
    c_ids = lax.broadcasted_iota(jnp.int32, (128, 128), 1)
    tri = (l_ids <= c_ids).astype(jnp.float32)
    r_ids = lax.broadcasted_iota(jnp.int32, (R, R), 0)
    q_ids = lax.broadcasted_iota(jnp.int32, (R, R), 1)
    strict = (q_ids < r_ids).astype(jnp.float32)

    def excl_cumsum(mf):
        incl = jnp.dot(mf, tri, preferred_element_type=jnp.float32)
        row_tot = jnp.sum(mf, axis=1, keepdims=True)
        off = jnp.dot(strict, row_tot, preferred_element_type=jnp.float32)
        return incl - mf + off

    eqf = eq.astype(jnp.float32)
    eq_rank = excl_cumsum(eqf)
    keep = gt | (eq & (eq_rank < (kf32 - cnt_gt)))
    kpf = keep.astype(jnp.float32)
    kc = excl_cumsum(kpf)
    nidf = nid.astype(jnp.float32)
    pos = jnp.where(keep, kc, kf32 + (nidf - kc))
    p_ref[...] = pos.astype(jnp.int32)
    g_ref[...] = jnp.where(valid, f_ref[...] * attn, 0.0)


def _k4_body(p_hbm, g_hbm, x_hbm, out_hbm,
             p_v, ids_v, idx_v, gk_v, rows_v, kidx_sh, sem_g, sem_x):
    cid = lax.axis_index("c")
    sid = lax.axis_index("s")
    pltpu.sync_copy(p_hbm.at[sid], p_v)
    def ib(i, _):
        ids_v[pl.ds(i * 16, 16)] = (sid * NODES_PER_SUB + i * 16
                                    + lax.broadcasted_iota(jnp.int32, (16,), 0))
        return 0
    lax.fori_loop(0, NODES_PER_SUB // 16, ib, 0)
    pltpu.sync_copy(ids_v, kidx_sh.at[p_v])
    plsc.subcore_barrier()
    wid = cid * NS + sid
    base = wid * ROWS_PER_SUB
    pltpu.sync_copy(kidx_sh.at[pl.ds(base, ROWS_PER_SUB)], idx_v)
    cg = pltpu.async_copy(g_hbm.at[idx_v], gk_v, sem_g)
    cx = pltpu.async_copy(x_hbm.at[idx_v], rows_v, sem_x)
    cg.wait()
    cx.wait()
    def rb(cchunk, _):
        gv = gk_v[pl.ds(cchunk * 16, 16)]
        for r in range(16):
            gr = gv[r]
            row = cchunk * 16 + r
            for l in range(8):
                sl = pl.ds(l * 16, 16)
                rows_v[row, sl] = rows_v[row, sl] * gr
        return 0
    lax.fori_loop(0, ROWS_PER_SUB // 16, rb, 0)
    @pl.when(wid < NW - 1)
    def _full():
        pltpu.sync_copy(rows_v, out_hbm.at[pl.ds(base, ROWS_PER_SUB)])
    @pl.when(wid == NW - 1)
    def _tail():
        pltpu.sync_copy(rows_v.at[0:KEEP - (NW - 1) * ROWS_PER_SUB],
                        out_hbm.at[pl.ds(base, KEEP - (NW - 1) * ROWS_PER_SUB)])


def _sc_mesh():
    return plsc.VectorSubcoreMesh(core_axis_name="c", subcore_axis_name="s",
                                  num_cores=NC, num_subcores=NS)


@jax.jit
def kernel(input_feature, edge_index, edge_weight, weight, bias, w1, b):
    bias11 = bias.reshape(1, 1).astype(jnp.float32)
    w1a = jnp.asarray(w1, jnp.float32).reshape(1, 1)
    ba = jnp.asarray(b, jnp.float32).reshape(1, 1)
    norm_in = jnp.linalg.norm(input_feature, axis=-1, keepdims=True)

    KB = 5
    BR = N // KB
    s_col, norm_col, f_col = pl.pallas_call(
        _k1_body,
        grid=(KB,),
        in_specs=[
            pl.BlockSpec((BR, D), lambda i: (i, 0)),
            pl.BlockSpec((D, 1), lambda i: (0, 0)),
            pl.BlockSpec((1, 1), lambda i: (0, 0)),
            pl.BlockSpec((BR, 1), lambda i: (i, 0)),
        ],
        out_specs=[pl.BlockSpec((BR, 1), lambda i: (i, 0))] * 3,
        out_shape=[jax.ShapeDtypeStruct((N, 1), jnp.float32)] * 3,
    )(input_feature, weight, bias11, norm_in)

    s_flat = s_col.reshape(N)
    norm_col = jnp.pad(norm_col, ((0, NPAD - N), (0, 0)))
    f_col = jnp.pad(f_col, ((0, NPAD - N), (0, 0)))

    k2 = pl.kernel(
        _k2_body,
        out_type=jax.ShapeDtypeStruct((NC, NPAD), jnp.float32),
        mesh=_sc_mesh(),
        scratch_types=[
            pltpu.VMEM((EPT,), jnp.int32),
            pltpu.VMEM((EPT,), jnp.int32),
            pltpu.VMEM((EPT,), jnp.float32),
            pltpu.VMEM((EPT,), jnp.float32),
            pltpu.VMEM((EPT,), jnp.float32),
            pltpu.VMEM_SHARED((NPAD,), jnp.float32),
            pltpu.SemaphoreType.DMA,
            pltpu.SemaphoreType.DMA,
            pltpu.SemaphoreType.DMA,
            pltpu.SemaphoreType.DMA,
            pltpu.SemaphoreType.DMA,
            pltpu.SemaphoreType.DMA,
        ],
    )
    aggp = k2(edge_index[0], edge_index[1], edge_weight, s_flat,
              jnp.zeros((NPAD,), jnp.float32))

    attn2d, p2d, g2d = pl.pallas_call(
        _k3_body,
        out_shape=[
            jax.ShapeDtypeStruct((NPAD // 128, 128), jnp.float32),
            jax.ShapeDtypeStruct((NPAD // 128, 128), jnp.int32),
            jax.ShapeDtypeStruct((NPAD // 128, 128), jnp.float32),
        ],
    )(aggp.reshape(2 * (NPAD // 128), 128),
      norm_col.reshape(NPAD // 128, 128),
      f_col.reshape(NPAD // 128, 128), w1a, ba)

    attn_score = attn2d.reshape(NPAD)[:N]
    p16 = p2d.reshape(NS, NODES_PER_SUB)
    g_flat = g2d.reshape(NPAD)

    k4 = pl.kernel(
        _k4_body,
        out_type=jax.ShapeDtypeStruct((KEEP, D), jnp.float32),
        mesh=_sc_mesh(),
        scratch_types=[
            pltpu.VMEM((NODES_PER_SUB,), jnp.int32),
            pltpu.VMEM((NODES_PER_SUB,), jnp.int32),
            pltpu.VMEM((ROWS_PER_SUB,), jnp.int32),
            pltpu.VMEM((ROWS_PER_SUB,), jnp.float32),
            pltpu.VMEM((ROWS_PER_SUB, D), jnp.float32),
            pltpu.VMEM_SHARED((NPAD,), jnp.int32),
            pltpu.SemaphoreType.DMA,
            pltpu.SemaphoreType.DMA,
        ],
    )
    hidden = k4(p16, g_flat, input_feature)
    return hidden, attn_score

# --- scband reference (transcript-rebuilt; emitter-appended) ---
"""Pipeline reference for scband-self-attention-pooling-49246095016345 (READ-ONLY COPY).

The authoritative reference and input builder live on the scoring server;
editing this copy changes nothing except your own understanding.
"""

import jax, jax.numpy as jnp
import numpy as np

C = 1.0
KEEP_RATIO = 0.5
N_NODES = 10000
D = 128
N_EDGES = 320000
MIN_NORM = 1e-15
EPS = 1e-5

def _norm(x):
    return jnp.clip(jnp.linalg.norm(x, axis=-1, keepdims=True), MIN_NORM, None)

def proj(x, c):
    norm = _norm(x)
    maxnorm = (1.0 - EPS) / jnp.sqrt(c)
    return jnp.where(norm > maxnorm, x / norm * maxnorm, x)

def expmap0(u, c):
    sqrt_c = jnp.sqrt(c)
    u_norm = _norm(u)
    return jnp.tanh(sqrt_c * u_norm) * u / (sqrt_c * u_norm)

def logmap0(p, c):
    sqrt_c = jnp.sqrt(c)
    p_norm = _norm(p)
    scaled = jnp.clip(sqrt_c * p_norm, None, 1.0 - EPS)
    return jnp.arctanh(scaled) * p / (sqrt_c * p_norm)

def proj_tan0(u, c):
    return u

def mobius_add(x, y, c):
    x2 = jnp.sum(x * x, axis=-1, keepdims=True)
    y2 = jnp.sum(y * y, axis=-1, keepdims=True)
    xy = jnp.sum(x * y, axis=-1, keepdims=True)
    num = (1 + 2 * c * xy + c * y2) * x + (1 - c * x2) * y
    denom = 1 + 2 * c * xy + c * c * x2 * y2
    return num / jnp.clip(denom, MIN_NORM, None)

def setup_inputs(seed: int = 0):
    key = jax.random.key(seed)
    k0, k1, k2, k3 = jax.random.split(key, 4)
    x = 0.1 * jax.random.normal(k0, (N_NODES, D), dtype=jnp.float32)
    x = proj(x, C)
    edge_index = jax.random.randint(k1, (2, N_EDGES), 0, N_NODES).astype(jnp.int32)
    edge_weight = jax.random.uniform(k2, (N_EDGES,), dtype=jnp.float32)
    bound = float(np.sqrt(6.0 / (D + 1)))
    weight = jax.random.uniform(k3, (D, 1), dtype=jnp.float32, minval=-bound, maxval=bound)
    bias = jnp.zeros((1,), dtype=jnp.float32)
    w1 = jnp.asarray(0.5, dtype=jnp.float32)
    b = jnp.asarray(0.0, dtype=jnp.float32)
    return {"input_feature": x, "edge_index": edge_index, "edge_weight": edge_weight,
            "weight": weight, "bias": bias, "w1": w1, "b": b}

def _forward(input_feature, edge_weight, weight, bias, w1, b, edge_index):
    # HypGraphConvolution with output_dim=1 (attention GCN)
    x_tangent = logmap0(input_feature, C)
    support = x_tangent @ weight
    hb = proj_tan0(bias.reshape(1, -1), C)
    hyp_bias = proj(expmap0(hb, C), C)
    support = proj(mobius_add(support, hyp_bias, C), C)
    # torch.sparse.mm(adj, support) -> edge gather + segment_sum scatter-add
    src = edge_index[0]
    dst = edge_index[1]
    agg = jax.ops.segment_sum(edge_weight[:, None] * support[src], dst, num_segments=N_NODES)
    out = proj(expmap0(agg, C), C)
    attn_score = jnp.tanh(jnp.squeeze(out, axis=-1))
    # manifold.normalize -> per-node L2 norm
    norm = jnp.linalg.norm(input_feature, axis=-1)
    attn_score = w1 * attn_score + (1.0 - w1) * (1.0 - norm) + b
    # top_rank: keep top keep_ratio*N nodes, preserving original node order
    keep = int(KEEP_RATIO * N_NODES)
    order = jnp.argsort(-attn_score)
    kept_idx = jnp.sort(order[:keep])
    input_feature_euc = proj_tan0(logmap0(input_feature, C), C)
    hidden = input_feature_euc[kept_idx] * attn_score[kept_idx][:, None]
    return hidden, attn_score

def reference(input_feature, edge_index, edge_weight, weight, bias, w1, b):
    return _forward(input_feature, edge_weight, weight, bias, w1, b, edge_index)

if __name__ == "__main__":
    import jax
    _d = setup_inputs()
    print(jax.jit(kernel)(*tuple(_d.values())))

</pallas_src>

<mosaic_0001>
#map = affine_map<(d0, d1) -> (0)>
#map1 = affine_map<(d0, d1) -> (0, 0)>
module attributes {stable_mosaic.version = 14 : i64} {
  func.func @_k2_body(%arg0: i32, %arg1: i32, %arg2: memref<320000xi32, #tpu.memory_space<hbm>>, %arg3: memref<320000xi32, #tpu.memory_space<hbm>>, %arg4: memref<320000xf32, #tpu.memory_space<hbm>>, %arg5: memref<10000xf32, #tpu.memory_space<hbm>>, %arg6: memref<10240xf32, #tpu.memory_space<hbm>>, %arg7: memref<2x10240xf32, #tpu.memory_space<hbm>>, %arg8: memref<10000xi32, #tpu.memory_space<vmem>>, %arg9: memref<10000xi32, #tpu.memory_space<vmem>>, %arg10: memref<10000xf32, #tpu.memory_space<vmem>>, %arg11: memref<10000xf32, #tpu.memory_space<vmem>>, %arg12: memref<10000xf32, #tpu.memory_space<vmem>>, %arg13: memref<10240xf32, #tpu.memory_space<vmem_shared>>, %arg14: memref<!tpu.dma_semaphore, #tpu.memory_space<semaphore_mem>>, %arg15: memref<!tpu.dma_semaphore, #tpu.memory_space<semaphore_mem>>, %arg16: memref<!tpu.dma_semaphore, #tpu.memory_space<semaphore_mem>>, %arg17: memref<!tpu.dma_semaphore, #tpu.memory_space<semaphore_mem>>, %arg18: memref<!tpu.dma_semaphore, #tpu.memory_space<semaphore_mem>>, %arg19: memref<!tpu.dma_semaphore, #tpu.memory_space<semaphore_mem>>) attributes {dimension_semantics = [#tpu.dimension_semantics<core_parallel>, #tpu.dimension_semantics<subcore_parallel>], iteration_bounds = array<i64: 2, 16>, scalar_prefetch = 0 : i64, scratch_operands = 12 : i64, tpu.core_type = #tpu.core_type<sc_vector_subcore>, window_params = [{transform_indices = #map}, {transform_indices = #map}, {transform_indices = #map}, {transform_indices = #map}, {transform_indices = #map}, {transform_indices = #map1}]} {
    %mul3A = arith.constant 16 : i32
    %mul3A_0 = arith.muli %arg0, %mul3A : i32
    %add3A = arith.addi %mul3A_0, %arg1 : i32
    %mul3A_1 = arith.constant 10000 : i32
    %mul3A_2 = arith.muli %add3A, %mul3A_1 : i32
    %dma_start3A = tpu.memref_slice %arg2[%mul3A_2] : memref<320000xi32, #tpu.memory_space<hbm>> -> memref<10000xi32, #tpu.memory_space<hbm>>
    %dma_start3A_3 = tpu.memref_slice %arg2[%mul3A_2] : memref<320000xi32, #tpu.memory_space<hbm>> -> memref<10000xi32, #tpu.memory_space<hbm>>
    tpu.enqueue_dma source(%dma_start3A_3 : memref<10000xi32, #tpu.memory_space<hbm>>) target(%arg8 : memref<10000xi32, #tpu.memory_space<vmem>>) target_semaphore(%arg14 : memref<!tpu.dma_semaphore, #tpu.memory_space<semaphore_mem>>)
    %dma_start3A_4 = tpu.memref_slice %arg3[%mul3A_2] : memref<320000xi32, #tpu.memory_space<hbm>> -> memref<10000xi32, #tpu.memory_space<hbm>>
    %dma_start3A_5 = tpu.memref_slice %arg3[%mul3A_2] : memref<320000xi32, #tpu.memory_space<hbm>> -> memref<10000xi32, #tpu.memory_space<hbm>>
    tpu.enqueue_dma source(%dma_start3A_5 : memref<10000xi32, #tpu.memory_space<hbm>>) target(%arg9 : memref<10000xi32, #tpu.memory_space<vmem>>) target_semaphore(%arg15 : memref<!tpu.dma_semaphore, #tpu.memory_space<semaphore_mem>>)
    %dma_start3A_6 = tpu.memref_slice %arg4[%mul3A_2] : memref<320000xf32, #tpu.memory_space<hbm>> -> memref<10000xf32, #tpu.memory_space<hbm>>
    %dma_start3A_7 = tpu.memref_slice %arg4[%mul3A_2] : memref<320000xf32, #tpu.memory_space<hbm>> -> memref<10000xf32, #tpu.memory_space<hbm>>
    tpu.enqueue_dma source(%dma_start3A_7 : memref<10000xf32, #tpu.memory_space<hbm>>) target(%arg10 : memref<10000xf32, #tpu.memory_space<vmem>>) target_semaphore(%arg16 : memref<!tpu.dma_semaphore, #tpu.memory_space<semaphore_mem>>)
    %mul3A_8 = arith.constant 640 : i32
    %mul3A_9 = arith.muli %arg1, %mul3A_8 : i32
    %mul3A_10 = arith.constant 640 : i32
    %mul3A_11 = arith.muli %arg1, %mul3A_10 : i32
    %dma_start3A_12 = tpu.memref_slice %arg13[%mul3A_11] : memref<10240xf32, #tpu.memory_space<vmem_shared>> -> memref<640xf32, #tpu.memory_space<vmem_shared>>
    %dma_start3A_13 = tpu.memref_slice %arg6[%mul3A_9] : memref<10240xf32, #tpu.memory_space<hbm>> -> memref<640xf32, #tpu.memory_space<hbm>>
    tpu.enqueue_dma source(%dma_start3A_13 : memref<640xf32, #tpu.memory_space<hbm>>) target(%dma_start3A_12 : memref<640xf32, #tpu.memory_space<vmem_shared>>) target_semaphore(%arg19 : memref<!tpu.dma_semaphore, #tpu.memory_space<semaphore_mem>>)
    %dma_wait3A = tpu.memref_slice %arg2[%mul3A_2] : memref<320000xi32, #tpu.memory_space<hbm>> -> memref<10000xi32, #tpu.memory_space<hbm>>
    %dma_wait3A_14 = tpu.memref_slice %arg2[%mul3A_2] : memref<320000xi32, #tpu.memory_space<hbm>> -> memref<10000xi32, #tpu.memory_space<hbm>>
    tpu.wait_dma2 semaphore(%arg14 : memref<!tpu.dma_semaphore, #tpu.memory_space<semaphore_mem>>) src(%dma_wait3A_14 : memref<10000xi32, #tpu.memory_space<hbm>>) dst(%arg8 : memref<10000xi32, #tpu.memory_space<vmem>>)
    %dma_start3A_15 = arith.constant 0 : i32
    %dma_start3A_16 = tpu.memref_slice %arg11[%dma_start3A_15] : memref<10000xf32, #tpu.memory_space<vmem>> -> memref<2000xf32, #tpu.memory_space<vmem>>
    %dma_start3A_17 = arith.constant 0 : i32
    %dma_start3A_18 = tpu.memref_slice %arg8[%dma_start3A_17] : memref<10000xi32, #tpu.memory_space<vmem>> -> memref<2000xi32, #tpu.memory_space<vmem>>
    %dma_start3A_19 = arith.constant 0 : i32
    %dma_start3A_20 = tpu.memref_slice %arg5[%dma_start3A_19] : memref<10000xf32, #tpu.memory_space<hbm>> -> memref<10000xf32, #tpu.memory_space<hbm>>
    tpu.enqueue_indirect_dma source(%dma_start3A_20 : memref<10000xf32, #tpu.memory_space<hbm>>) target(%dma_start3A_16 : memref<2000xf32, #tpu.memory_space<vmem>>) offsets(%dma_start3A_18 : memref<2000xi32, #tpu.memory_space<vmem>>) semaphore(%arg17 : memref<!tpu.dma_semaphore, #tpu.memory_space<semaphore_mem>>)
    %dma_wait3A_21 = tpu.memref_slice %arg4[%mul3A_2] : memref<320000xf32, #tpu.memory_space<hbm>> -> memref<10000xf32, #tpu.memory_space<hbm>>
    %dma_wait3A_22 = tpu.memref_slice %arg4[%mul3A_2] : memref<320000xf32, #tpu.memory_space<hbm>> -> memref<10000xf32, #tpu.memory_space<hbm>>
    tpu.wait_dma2 semaphore(%arg16 : memref<!tpu.dma_semaphore, #tpu.memory_space<semaphore_mem>>) src(%dma_wait3A_22 : memref<10000xf32, #tpu.memory_space<hbm>>) dst(%arg10 : memref<10000xf32, #tpu.memory_space<vmem>>)
    %dma_wait3A_23 = tpu.memref_slice %arg3[%mul3A_2] : memref<320000xi32, #tpu.memory_space<hbm>> -> memref<10000xi32, #tpu.memory_space<hbm>>
    %dma_wait3A_24 = tpu.memref_slice %arg3[%mul3A_2] : memref<320000xi32, #tpu.memory_space<hbm>> -> memref<10000xi32, #tpu.memory_space<hbm>>
    tpu.wait_dma2 semaphore(%arg15 : memref<!tpu.dma_semaphore, #tpu.memory_space<semaphore_mem>>) src(%dma_wait3A_24 : memref<10000xi32, #tpu.memory_space<hbm>>) dst(%arg9 : memref<10000xi32, #tpu.memory_space<vmem>>)
    %dma_wait3A_25 = tpu.memref_slice %arg13[%mul3A_11] : memref<10240xf32, #tpu.memory_space<vmem_shared>> -> memref<640xf32, #tpu.memory_space<vmem_shared>>
    %dma_wait3A_26 = tpu.memref_slice %arg6[%mul3A_9] : memref<10240xf32, #tpu.memory_space<hbm>> -> memref<640xf32, #tpu.memory_space<hbm>>
    tpu.wait_dma2 semaphore(%arg19 : memref<!tpu.dma_semaphore, #tpu.memory_space<semaphore_mem>>) src(%dma_wait3A_26 : memref<640xf32, #tpu.memory_space<hbm>>) dst(%dma_wait3A_25 : memref<640xf32, #tpu.memory_space<vmem_shared>>)
    %barrier3A = arith.constant 0 : index
    tpu.barrier barrier_id(%barrier3A)
    %dma_wait3A_27 = arith.constant 0 : i32
    %dma_wait3A_28 = tpu.memref_slice %arg11[%dma_wait3A_27] : memref<10000xf32, #tpu.memory_space<vmem>> -> memref<2000xf32, #tpu.memory_space<vmem>>
    %dma_wait3A_29 = arith.constant 0 : i32
    %dma_wait3A_30 = tpu.memref_slice %arg8[%dma_wait3A_29] : memref<10000xi32, #tpu.memory_space<vmem>> -> memref<2000xi32, #tpu.memory_space<vmem>>
    %dma_wait3A_31 = arith.constant 0 : i32
    %dma_wait3A_32 = tpu.memref_slice %arg5[%dma_wait3A_31] : memref<10000xf32, #tpu.memory_space<hbm>> -> memref<10000xf32, #tpu.memory_space<hbm>>
    tpu.wait_indirect_dma semaphore(%arg17 : memref<!tpu.dma_semaphore, #tpu.memory_space<semaphore_mem>>) src(%dma_wait3A_32 : memref<10000xf32, #tpu.memory_space<hbm>>) dst(%dma_wait3A_28 : memref<2000xf32, #tpu.memory_space<vmem>>)
    %dma_start3A_33 = arith.constant 2000 : i32
    %dma_start3A_34 = tpu.memref_slice %arg11[%dma_start3A_33] : memref<10000xf32, #tpu.memory_space<vmem>> -> memref<2000xf32, #tpu.memory_space<vmem>>
    %dma_start3A_35 = arith.constant 2000 : i32
    %dma_start3A_36 = tpu.memref_slice %arg8[%dma_start3A_35] : memref<10000xi32, #tpu.memory_space<vmem>> -> memref<2000xi32, #tpu.memory_space<vmem>>
    %dma_start3A_37 = arith.constant 0 : i32
    %dma_start3A_38 = tpu.memref_slice %arg5[%dma_start3A_37] : memref<10000xf32, #tpu.memory_space<hbm>> -> memref<10000xf32, #tpu.memory_space<hbm>>
    tpu.enqueue_indirect_dma source(%dma_start3A_38 : memref<10000xf32, #tpu.memory_space<hbm>>) target(%dma_start3A_34 : memref<2000xf32, #tpu.memory_space<vmem>>) offsets(%dma_start3A_36 : memref<2000xi32, #tpu.memory_space<vmem>>) semaphore(%arg17 : memref<!tpu.dma_semaphore, #tpu.memory_space<semaphore_mem>>)
    %scan3A = arith.constant 0 : i32
    %scan3A_39 = arith.constant 0 : i32
    %scan3A_40 = arith.constant 25 : i32
    %scan3A_41 = arith.addi %scan3A_39, %scan3A_40 : i32
    %scan3A_42 = arith.constant 1 : i32
    %scan3A_43 = scf.for %scan3A_180 = %scan3A_39 to %scan3A_41 step %scan3A_42 iter_args(%scan3A_181 = %scan3A) -> (i32)  : i32 {
      %mul3A_182 = arith.constant 80 : i32
      %mul3A_183 = arith.muli %scan3A_180, %mul3A_182 : i32
      %add3A_184 = arith.constant 0 : i32
      %add3A_185 = arith.addi %add3A_184, %mul3A_183 : i32
      %add3A_186 = arith.constant 0 : i32
      %add3A_187 = arith.addi %add3A_185, %add3A_186 : i32
      %get3A = arith.index_cast %add3A_187 : i32 to index
      %get3A_188 = tpu.vector_load %arg11[%get3A] {strides = array<i32>} : memref<10000xf32, #tpu.memory_space<vmem>>, vector<16xf32>,
      %get3A_189 = vector.shape_cast %get3A_188 : vector<16xf32> to vector<16xf32>
      %get3A_190 = arith.index_cast %add3A_187 : i32 to index
      %get3A_191 = tpu.vector_load %arg10[%get3A_190] {strides = array<i32>} : memref<10000xf32, #tpu.memory_space<vmem>>, vector<16xf32>,
      %get3A_192 = vector.shape_cast %get3A_191 : vector<16xf32> to vector<16xf32>
      %mul3A_193 = arith.mulf %get3A_189, %get3A_192 : vector<16xf32>
      %swap3A = arith.index_cast %add3A_187 : i32 to index
      %swap3A_194 = tpu.vector_load %arg12[%swap3A] {strides = array<i32>} : memref<10000xf32, #tpu.memory_space<vmem>>, vector<16xf32>,
      %swap3A_195 = vector.shape_cast %swap3A_194 : vector<16xf32> to vector<16xf32>
      %swap3A_196 = vector.shape_cast %mul3A_193 : vector<16xf32> to vector<16xf32>
      tpu.vector_store %arg12[%swap3A], %swap3A_196 {strides = array<i32>} : memref<10000xf32, #tpu.memory_space<vmem>>, vector<16xf32>,
      %mul3A_197 = arith.constant 80 : i32
      %mul3A_198 = arith.muli %scan3A_180, %mul3A_197 : i32
      %add3A_199 = arith.constant 0 : i32
      %add3A_200 = arith.addi %add3A_199, %mul3A_198 : i32
      %add3A_201 = arith.constant 16 : i32
      %add3A_202 = arith.addi %add3A_200, %add3A_201 : i32
      %get3A_203 = arith.index_cast %add3A_202 : i32 to index
      %get3A_204 = tpu.vector_load %arg11[%get3A_203] {strides = array<i32>} : memref<10000xf32, #tpu.memory_space<vmem>>, vector<16xf32>,
      %get3A_205 = vector.shape_cast %get3A_204 : vector<16xf32> to vector<16xf32>
      %get3A_206 = arith.index_cast %add3A_202 : i32 to index
      %get3A_207 = tpu.vector_load %arg10[%get3A_206] {strides = array<i32>} : memref<10000xf32, #tpu.memory_space<vmem>>, vector<16xf32>,
      %get3A_208 = vector.shape_cast %get3A_207 : vector<16xf32> to vector<16xf32>
      %mul3A_209 = arith.mulf %get3A_205, %get3A_208 : vector<16xf32>
      %swap3A_210 = arith.index_cast %add3A_202 : i32 to index
      %swap3A_211 = tpu.vector_load %arg12[%swap3A_210] {strides = array<i32>} : memref<10000xf32, #tpu.memory_space<vmem>>, vector<16xf32>,
      %swap3A_212 = vector.shape_cast %swap3A_211 : vector<16xf32> to vector<16xf32>
      %swap3A_213 = vector.shape_cast %mul3A_209 : vector<16xf32> to vector<16xf32>
      tpu.vector_store %arg12[%swap3A_210], %swap3A_213 {strides = array<i32>} : memref<10000xf32, #tpu.memory_space<vmem>>, vector<16xf32>,
      %mul3A_214 = arith.constant 80 : i32
      %mul3A_215 = arith.muli %scan3A_180, %mul3A_214 : i32
      %add3A_216 = arith.constant 0 : i32
      %add3A_217 = arith.addi %add3A_216, %mul3A_215 : i32
      %add3A_218 = arith.constant 32 : i32
      %add3A_219 = arith.addi %add3A_217, %add3A_218 : i32
      %get3A_220 = arith.index_cast %add3A_219 : i32 to index
      %get3A_221 = tpu.vector_load %arg11[%get3A_220] {strides = array<i32>} : memref<10000xf32, #tpu.memory_space<vmem>>, vector<16xf32>,
      %get3A_222 = vector.shape_cast %get3A_221 : vector<16xf32> to vector<16xf32>
      %get3A_223 = arith.index_cast %add3A_219 : i32 to index
      %get3A_224 = tpu.vector_load %arg10[%get3A_223] {strides = array<i32>} : memref<10000xf32, #tpu.memory_space<vmem>>, vector<16xf32>,
      %get3A_225 = vector.shape_cast %get3A_224 : vector<16xf32> to vector<16xf32>
      %mul3A_226 = arith.mulf %get3A_222, %get3A_225 : vector<16xf32>
      %swap3A_227 = arith.index_cast %add3A_219 : i32 to index
      %swap3A_228 = tpu.vector_load %arg12[%swap3A_227] {strides = array<i32>} : memref<10000xf32, #tpu.memory_space<vmem>>, vector<16xf32>,
      %swap3A_229 = vector.shape_cast %swap3A_228 : vector<16xf32> to vector<16xf32>
      %swap3A_230 = vector.shape_cast %mul3A_226 : vector<16xf32> to vector<16xf32>
      tpu.vector_store %arg12[%swap3A_227], %swap3A_230 {strides = array<i32>} : memref<10000xf32, #tpu.memory_space<vmem>>, vector<16xf32>,
      %mul3A_231 = arith.constant 80 : i32
      %mul3A_232 = arith.muli %scan3A_180, %mul3A_231 : i32
      %add3A_233 = arith.constant 0 : i32
      %add3A_234 = arith.addi %add3A_233, %mul3A_232 : i32
      %add3A_235 = arith.constant 48 : i32
      %add3A_236 = arith.addi %add3A_234, %add3A_235 : i32
      %get3A_237 = arith.index_cast %add3A_236 : i32 to index
      %get3A_238 = tpu.vector_load %arg11[%get3A_237] {strides = array<i32>} : memref<10000xf32, #tpu.memory_space<vmem>>, vector<16xf32>,
      %get3A_239 = vector.shape_cast %get3A_238 : vector<16xf32> to vector<16xf32>
      %get3A_240 = arith.index_cast %add3A_236 : i32 to index
      %get3A_241 = tpu.vector_load %arg10[%get3A_240] {strides = array<i32>} : memref<10000xf32, #tpu.memory_space<vmem>>, vector<16xf32>,
      %get3A_242 = vector.shape_cast %get3A_241 : vector<16xf32> to vector<16xf32>
      %mul3A_243 = arith.mulf %get3A_239, %get3A_242 : vector<16xf32>
      %swap3A_244 = arith.index_cast %add3A_236 : i32 to index
      %swap3A_245 = tpu.vector_load %arg12[%swap3A_244] {strides = array<i32>} : memref<10000xf32, #tpu.memory_space<vmem>>, vector<16xf32>,
      %swap3A_246 = vector.shape_cast %swap3A_245 : vector<16xf32> to vector<16xf32>
      %swap3A_247 = vector.shape_cast %mul3A_243 : vector<16xf32> to vector<16xf32>
      tpu.vector_store %arg12[%swap3A_244], %swap3A_247 {strides = array<i32>} : memref<10000xf32, #tpu.memory_space<vmem>>, vector<16xf32>,
      %mul3A_248 = arith.constant 80 : i32
      %mul3A_249 = arith.muli %scan3A_180, %mul3A_248 : i32
      %add3A_250 = arith.constant 0 : i32
      %add3A_251 = arith.addi %add3A_250, %mul3A_249 : i32
      %add3A_252 = arith.constant 64 : i32
      %add3A_253 = arith.addi %add3A_251, %add3A_252 : i32
      %get3A_254 = arith.index_cast %add3A_253 : i32 to index
      %get3A_255 = tpu.vector_load %arg11[%get3A_254] {strides = array<i32>} : memref<10000xf32, #tpu.memory_space<vmem>>, vector<16xf32>,
      %get3A_256 = vector.shape_cast %get3A_255 : vector<16xf32> to vector<16xf32>
      %get3A_257 = arith.index_cast %add3A_253 : i32 to index
      %get3A_258 = tpu.vector_load %arg10[%get3A_257] {strides = array<i32>} : memref<10000xf32, #tpu.memory_space<vmem>>, vector<16xf32>,
      %get3A_259 = vector.shape_cast %get3A_258 : vector<16xf32> to vector<16xf32>
      %mul3A_260 = arith.mulf %get3A_256, %get3A_259 : vector<16xf32>
      %swap3A_261 = arith.index_cast %add3A_253 : i32 to index
      %swap3A_262 = tpu.vector_load %arg12[%swap3A_261] {strides = array<i32>} : memref<10000xf32, #tpu.memory_space<vmem>>, vector<16xf32>,
      %swap3A_263 = vector.shape_cast %swap3A_262 : vector<16xf32> to vector<16xf32>
      %swap3A_264 = vector.shape_cast %mul3A_260 : vector<16xf32> to vector<16xf32>
      tpu.vector_store %arg12[%swap3A_261], %swap3A_264 {strides = array<i32>} : memref<10000xf32, #tpu.memory_space<vmem>>, vector<16xf32>,
      %scan3A_265 = arith.constant 0 : i32
      scf.yield %scan3A_265 : i32
    }
    %scan3A_44 = arith.constant 25 : i32
    %dma_start3A_45 = arith.constant 0 : i32
    %dma_start3A_46 = tpu.memref_slice %arg12[%dma_start3A_45] : memref<10000xf32, #tpu.memory_space<vmem>> -> memref<2000xf32, #tpu.memory_space<vmem>>
    %dma_start3A_47 = arith.constant 0 : i32
    %dma_start3A_48 = tpu.memref_slice %arg9[%dma_start3A_47] : memref<10000xi32, #tpu.memory_space<vmem>> -> memref<2000xi32, #tpu.memory_space<vmem>>
    %dma_start3A_49 = arith.constant 0 : i32
    %dma_start3A_50 = tpu.memref_slice %arg13[%dma_start3A_49] : memref<10240xf32, #tpu.memory_space<vmem_shared>> -> memref<10240xf32, #tpu.memory_space<vmem_shared>>
    tpu.enqueue_indirect_dma source(%dma_start3A_46 : memref<2000xf32, #tpu.memory_space<vmem>>) target(%dma_start3A_50 : memref<10240xf32, #tpu.memory_space<vmem_shared>>) offsets(%dma_start3A_48 : memref<2000xi32, #tpu.memory_space<vmem>>) semaphore(%arg18 : memref<!tpu.dma_semaphore, #tpu.memory_space<semaphore_mem>>) {add = true}
    %dma_wait3A_51 = arith.constant 2000 : i32
    %dma_wait3A_52 = tpu.memref_slice %arg11[%dma_wait3A_51] : memref<10000xf32, #tpu.memory_space<vmem>> -> memref<2000xf32, #tpu.memory_space<vmem>>
    %dma_wait3A_53 = arith.constant 2000 : i32
    %dma_wait3A_54 = tpu.memref_slice %arg8[%dma_wait3A_53] : memref<10000xi32, #tpu.memory_space<vmem>> -> memref<2000xi32, #tpu.memory_space<vmem>>
    %dma_wait3A_55 = arith.constant 0 : i32
    %dma_wait3A_56 = tpu.memref_slice %arg5[%dma_wait3A_55] : memref<10000xf32, #tpu.memory_space<hbm>> -> memref<10000xf32, #tpu.memory_space<hbm>>
    tpu.wait_indirect_dma semaphore(%arg17 : memref<!tpu.dma_semaphore, #tpu.memory_space<semaphore_mem>>) src(%dma_wait3A_56 : memref<10000xf32, #tpu.memory_space<hbm>>) dst(%dma_wait3A_52 : memref<2000xf32, #tpu.memory_space<vmem>>)
    %dma_start3A_57 = arith.constant 4000 : i32
    %dma_start3A_58 = tpu.memref_slice %arg11[%dma_start3A_57] : memref<10000xf32, #tpu.memory_space<vmem>> -> memref<2000xf32, #tpu.memory_space<vmem>>
    %dma_start3A_59 = arith.constant 4000 : i32
    %dma_start3A_60 = tpu.memref_slice %arg8[%dma_start3A_59] : memref<10000xi32, #tpu.memory_space<vmem>> -> memref<2000xi32, #tpu.memory_space<vmem>>
    %dma_start3A_61 = arith.constant 0 : i32
    %dma_start3A_62 = tpu.memref_slice %arg5[%dma_start3A_61] : memref<10000xf32, #tpu.memory_space<hbm>> -> memref<10000xf32, #tpu.memory_space<hbm>>
    tpu.enqueue_indirect_dma source(%dma_start3A_62 : memref<10000xf32, #tpu.memory_space<hbm>>) target(%dma_start3A_58 : memref<2000xf32, #tpu.memory_space<vmem>>) offsets(%dma_start3A_60 : memref<2000xi32, #tpu.memory_space<vmem>>) semaphore(%arg17 : memref<!tpu.dma_semaphore, #tpu.memory_space<semaphore_mem>>)
    %scan3A_63 = arith.constant 0 : i32
    %scan3A_64 = arith.constant 0 : i32
    %scan3A_65 = arith.constant 25 : i32
    %scan3A_66 = arith.addi %scan3A_64, %scan3A_65 : i32
    %scan3A_67 = arith.constant 1 : i32
    %scan3A_68 = scf.for %scan3A_180 = %scan3A_64 to %scan3A_66 step %scan3A_67 iter_args(%scan3A_181 = %scan3A_63) -> (i32)  : i32 {
      %mul3A_182 = arith.constant 80 : i32
      %mul3A_183 = arith.muli %scan3A_180, %mul3A_182 : i32
      %add3A_184 = arith.constant 2000 : i32
      %add3A_185 = arith.addi %add3A_184, %mul3A_183 : i32
      %add3A_186 = arith.constant 0 : i32
      %add3A_187 = arith.addi %add3A_185, %add3A_186 : i32
      %get3A = arith.index_cast %add3A_187 : i32 to index
      %get3A_188 = tpu.vector_load %arg11[%get3A] {strides = array<i32>} : memref<10000xf32, #tpu.memory_space<vmem>>, vector<16xf32>,
      %get3A_189 = vector.shape_cast %get3A_188 : vector<16xf32> to vector<16xf32>
      %get3A_190 = arith.index_cast %add3A_187 : i32 to index
      %get3A_191 = tpu.vector_load %arg10[%get3A_190] {strides = array<i32>} : memref<10000xf32, #tpu.memory_space<vmem>>, vector<16xf32>,
      %get3A_192 = vector.shape_cast %get3A_191 : vector<16xf32> to vector<16xf32>
      %mul3A_193 = arith.mulf %get3A_189, %get3A_192 : vector<16xf32>
      %swap3A = arith.index_cast %add3A_187 : i32 to index
      %swap3A_194 = tpu.vector_load %arg12[%swap3A] {strides = array<i32>} : memref<10000xf32, #tpu.memory_space<vmem>>, vector<16xf32>,
      %swap3A_195 = vector.shape_cast %swap3A_194 : vector<16xf32> to vector<16xf32>
      %swap3A_196 = vector.shape_cast %mul3A_193 : vector<16xf32> to vector<16xf32>
      tpu.vector_store %arg12[%swap3A], %swap3A_196 {strides = array<i32>} : memref<10000xf32, #tpu.memory_space<vmem>>, vector<16xf32>,
      %mul3A_197 = arith.constant 80 : i32
      %mul3A_198 = arith.muli %scan3A_180, %mul3A_197 : i32
      %add3A_199 = arith.constant 2000 : i32
      %add3A_200 = arith.addi %add3A_199, %mul3A_198 : i32
      %add3A_201 = arith.constant 16 : i32
      %add3A_202 = arith.addi %add3A_200, %add3A_201 : i32
      %get3A_203 = arith.index_cast %add3A_202 : i32 to index
      %get3A_204 = tpu.vector_load %arg11[%get3A_203] {strides = array<i32>} : memref<10000xf32, #tpu.memory_space<vmem>>, vector<16xf32>,
      %get3A_205 = vector.shape_cast %get3A_204 : vector<16xf32> to vector<16xf32>
      %get3A_206 = arith.index_cast %add3A_202 : i32 to index
      %get3A_207 = tpu.vector_load %arg10[%get3A_206] {strides = array<i32>} : memref<10000xf32, #tpu.memory_space<vmem>>, vector<16xf32>,
      %get3A_208 = vector.shape_cast %get3A_207 : vector<16xf32> to vector<16xf32>
      %mul3A_209 = arith.mulf %get3A_205, %get3A_208 : vector<16xf32>
      %swap3A_210 = arith.index_cast %add3A_202 : i32 to index
      %swap3A_211 = tpu.vector_load %arg12[%swap3A_210] {strides = array<i32>} : memref<10000xf32, #tpu.memory_space<vmem>>, vector<16xf32>,
      %swap3A_212 = vector.shape_cast %swap3A_211 : vector<16xf32> to vector<16xf32>
      %swap3A_213 = vector.shape_cast %mul3A_209 : vector<16xf32> to vector<16xf32>
      tpu.vector_store %arg12[%swap3A_210], %swap3A_213 {strides = array<i32>} : memref<10000xf32, #tpu.memory_space<vmem>>, vector<16xf32>,
      %mul3A_214 = arith.constant 80 : i32
      %mul3A_215 = arith.muli %scan3A_180, %mul3A_214 : i32
      %add3A_216 = arith.constant 2000 : i32
      %add3A_217 = arith.addi %add3A_216, %mul3A_215 : i32
      %add3A_218 = arith.constant 32 : i32
      %add3A_219 = arith.addi %add3A_217, %add3A_218 : i32
      %get3A_220 = arith.index_cast %add3A_219 : i32 to index
      %get3A_221 = tpu.vector_load %arg11[%get3A_220] {strides = array<i32>} : memref<10000xf32, #tpu.memory_space<vmem>>, vector<16xf32>,
      %get3A_222 = vector.shape_cast %get3A_221 : vector<16xf32> to vector<16xf32>
      %get3A_223 = arith.index_cast %add3A_219 : i32 to index
      %get3A_224 = tpu.vector_load %arg10[%get3A_223] {strides = array<i32>} : memref<10000xf32, #tpu.memory_space<vmem>>, vector<16xf32>,
      %get3A_225 = vector.shape_cast %get3A_224 : vector<16xf32> to vector<16xf32>
      %mul3A_226 = arith.mulf %get3A_222, %get3A_225 : vector<16xf32>
      %swap3A_227 = arith.index_cast %add3A_219 : i32 to index
      %swap3A_228 = tpu.vector_load %arg12[%swap3A_227] {strides = array<i32>} : memref<10000xf32, #tpu.memory_space<vmem>>, vector<16xf32>,
      %swap3A_229 = vector.shape_cast %swap3A_228 : vector<16xf32> to vector<16xf32>
      %swap3A_230 = vector.shape_cast %mul3A_226 : vector<16xf32> to vector<16xf32>
      tpu.vector_store %arg12[%swap3A_227], %swap3A_230 {strides = array<i32>} : memref<10000xf32, #tpu.memory_space<vmem>>, vector<16xf32>,
      %mul3A_231 = arith.constant 80 : i32
      %mul3A_232 = arith.muli %scan3A_180, %mul3A_231 : i32
      %add3A_233 = arith.constant 2000 : i32
      %add3A_234 = arith.addi %add3A_233, %mul3A_232 : i32
      %add3A_235 = arith.constant 48 : i32
      %add3A_236 = arith.addi %add3A_234, %add3A_235 : i32
      %get3A_237 = arith.index_cast %add3A_236 : i32 to index
      %get3A_238 = tpu.vector_load %arg11[%get3A_237] {strides = array<i32>} : memref<10000xf32, #tpu.memory_space<vmem>>, vector<16xf32>,
      %get3A_239 = vector.shape_cast %get3A_238 : vector<16xf32> to vector<16xf32>
      %get3A_240 = arith.index_cast %add3A_236 : i32 to index
      %get3A_241 = tpu.vector_load %arg10[%get3A_240] {strides = array<i32>} : memref<10000xf32, #tpu.memory_space<vmem>>, vector<16xf32>,
      %get3A_242 = vector.shape_cast %get3A_241 : vector<16xf32> to vector<16xf32>
      %mul3A_243 = arith.mulf %get3A_239, %get3A_242 : vector<16xf32>
      %swap3A_244 = arith.index_cast %add3A_236 : i32 to index
      %swap3A_245 = tpu.vector_load %arg12[%swap3A_244] {strides = array<i32>} : memref<10000xf32, #tpu.memory_space<vmem>>, vector<16xf32>,
      %swap3A_246 = vector.shape_cast %swap3A_245 : vector<16xf32> to vector<16xf32>
      %swap3A_247 = vector.shape_cast %mul3A_243 : vector<16xf32> to vector<16xf32>
      tpu.vector_store %arg12[%swap3A_244], %swap3A_247 {strides = array<i32>} : memref<10000xf32, #tpu.memory_space<vmem>>, vector<16xf32>,
      %mul3A_248 = arith.constant 80 : i32
      %mul3A_249 = arith.muli %scan3A_180, %mul3A_248 : i32
      %add3A_250 = arith.constant 2000 : i32
      %add3A_251 = arith.addi %add3A_250, %mul3A_249 : i32
      %add3A_252 = arith.constant 64 : i32
      %add3A_253 = arith.addi %add3A_251, %add3A_252 : i32
      %get3A_254 = arith.index_cast %add3A_253 : i32 to index
      %get3A_255 = tpu.vector_load %arg11[%get3A_254] {strides = array<i32>} : memref<10000xf32, #tpu.memory_space<vmem>>, vector<16xf32>,
      %get3A_256 = vector.shape_cast %get3A_255 : vector<16xf32> to vector<16xf32>
      %get3A_257 = arith.index_cast %add3A_253 : i32 to index
      %get3A_258 = tpu.vector_load %arg10[%get3A_257] {strides = array<i32>} : memref<10000xf32, #tpu.memory_space<vmem>>, vector<16xf32>,
      %get3A_259 = vector.shape_cast %get3A_258 : vector<16xf32> to vector<16xf32>
      %mul3A_260 = arith.mulf %get3A_256, %get3A_259 : vector<16xf32>
      %swap3A_261 = arith.index_cast %add3A_253 : i32 to index
      %swap3A_262 = tpu.vector_load %arg12[%swap3A_261] {strides = array<i32>} : memref<10000xf32, #tpu.memory_space<vmem>>, vector<16xf32>,
      %swap3A_263 = vector.shape_cast %swap3A_262 : vector<16xf32> to vector<16xf32>
      %swap3A_264 = vector.shape_cast %mul3A_260 : vector<16xf32> to vector<16xf32>
      tpu.vector_store %arg12[%swap3A_261], %swap3A_264 {strides = array<i32>} : memref<10000xf32, #tpu.memory_space<vmem>>, vector<16xf32>,
      %scan3A_265 = arith.constant 0 : i32
      scf.yield %scan3A_265 : i32
    }
    %scan3A_69 = arith.constant 25 : i32
    %dma_start3A_70 = arith.constant 2000 : i32
    %dma_start3A_71 = tpu.memref_slice %arg12[%dma_start3A_70] : memref<10000xf32, #tpu.memory_space<vmem>> -> memref<2000xf32, #tpu.memory_space<vmem>>
    %dma_start3A_72 = arith.constant 2000 : i32
    %dma_start3A_73 = tpu.memref_slice %arg9[%dma_start3A_72] : memref<10000xi32, #tpu.memory_space<vmem>> -> memref<2000xi32, #tpu.memory_space<vmem>>
    %dma_start3A_74 = arith.constant 0 : i32
    %dma_start3A_75 = tpu.memref_slice %arg13[%dma_start3A_74] : memref<10240xf32, #tpu.memory_space<vmem_shared>> -> memref<10240xf32, #tpu.memory_space<vmem_shared>>
    tpu.enqueue_indirect_dma source(%dma_start3A_71 : memref<2000xf32, #tpu.memory_space<vmem>>) target(%dma_start3A_75 : memref<10240xf32, #tpu.memory_space<vmem_shared>>) offsets(%dma_start3A_73 : memref<2000xi32, #tpu.memory_space<vmem>>) semaphore(%arg18 : memref<!tpu.dma_semaphore, #tpu.memory_space<semaphore_mem>>) {add = true}
    %dma_wait3A_76 = arith.constant 4000 : i32
    %dma_wait3A_77 = tpu.memref_slice %arg11[%dma_wait3A_76] : memref<10000xf32, #tpu.memory_space<vmem>> -> memref<2000xf32, #tpu.memory_space<vmem>>
    %dma_wait3A_78 = arith.constant 4000 : i32
    %dma_wait3A_79 = tpu.memref_slice %arg8[%dma_wait3A_78] : memref<10000xi32, #tpu.memory_space<vmem>> -> memref<2000xi32, #tpu.memory_space<vmem>>
    %dma_wait3A_80 = arith.constant 0 : i32
    %dma_wait3A_81 = tpu.memref_slice %arg5[%dma_wait3A_80] : memref<10000xf32, #tpu.memory_space<hbm>> -> memref<10000xf32, #tpu.memory_space<hbm>>
    tpu.wait_indirect_dma semaphore(%arg17 : memref<!tpu.dma_semaphore, #tpu.memory_space<semaphore_mem>>) src(%dma_wait3A_81 : memref<10000xf32, #tpu.memory_space<hbm>>) dst(%dma_wait3A_77 : memref<2000xf32, #tpu.memory_space<vmem>>)
    %dma_start3A_82 = arith.constant 6000 : i32
    %dma_start3A_83 = tpu.memref_slice %arg11[%dma_start3A_82] : memref<10000xf32, #tpu.memory_space<vmem>> -> memref<2000xf32, #tpu.memory_space<vmem>>
    %dma_start3A_84 = arith.constant 6000 : i32
    %dma_start3A_85 = tpu.memref_slice %arg8[%dma_start3A_84] : memref<10000xi32, #tpu.memory_space<vmem>> -> memref<2000xi32, #tpu.memory_space<vmem>>
    %dma_start3A_86 = arith.constant 0 : i32
    %dma_start3A_87 = tpu.memref_slice %arg5[%dma_start3A_86] : memref<10000xf32, #tpu.memory_space<hbm>> -> memref<10000xf32, #tpu.memory_space<hbm>>
    tpu.enqueue_indirect_dma source(%dma_start3A_87 : memref<10000xf32, #tpu.memory_space<hbm>>) target(%dma_start3A_83 : memref<2000xf32, #tpu.memory_space<vmem>>) offsets(%dma_start3A_85 : memref<2000xi32, #tpu.memory_space<vmem>>) semaphore(%arg17 : memref<!tpu.dma_semaphore, #tpu.memory_space<semaphore_mem>>)
    %scan3A_88 = arith.constant 0 : i32
    %scan3A_89 = arith.constant 0 : i32
    %scan3A_90 = arith.constant 25 : i32
    %scan3A_91 = arith.addi %scan3A_89, %scan3A_90 : i32
    %scan3A_92 = arith.constant 1 : i32
    %scan3A_93 = scf.for %scan3A_180 = %scan3A_89 to %scan3A_91 step %scan3A_92 iter_args(%scan3A_181 = %scan3A_88) -> (i32)  : i32 {
      %mul3A_182 = arith.constant 80 : i32
      %mul3A_183 = arith.muli %scan3A_180, %mul3A_182 : i32
      %add3A_184 = arith.constant 4000 : i32
      %add3A_185 = arith.addi %add3A_184, %mul3A_183 : i32
      %add3A_186 = arith.constant 0 : i32
      %add3A_187 = arith.addi %add3A_185, %add3A_186 : i32
      %get3A = arith.index_cast %add3A_187 : i32 to index
      %get3A_188 = tpu.vector_load %arg11[%get3A] {strides = array<i32>} : memref<10000xf32, #tpu.memory_space<vmem>>, vector<16xf32>,
      %get3A_189 = vector.shape_cast %get3A_188 : vector<16xf32> to vector<16xf32>
      %get3A_190 = arith.index_cast %add3A_187 : i32 to index
      %get3A_191 = tpu.vector_load %arg10[%get3A_190] {strides = array<i32>} : memref<10000xf32, #tpu.memory_space<vmem>>, vector<16xf32>,
      %get3A_192 = vector.shape_cast %get3A_191 : vector<16xf32> to vector<16xf32>
      %mul3A_193 = arith.mulf %get3A_189, %get3A_192 : vector<16xf32>
      %swap3A = arith.index_cast %add3A_187 : i32 to index
      %swap3A_194 = tpu.vector_load %arg12[%swap3A] {strides = array<i32>} : memref<10000xf32, #tpu.memory_space<vmem>>, vector<16xf32>,
      %swap3A_195 = vector.shape_cast %swap3A_194 : vector<16xf32> to vector<16xf32>
      %swap3A_196 = vector.shape_cast %mul3A_193 : vector<16xf32> to vector<16xf32>
      tpu.vector_store %arg12[%swap3A], %swap3A_196 {strides = array<i32>} : memref<10000xf32, #tpu.memory_space<vmem>>, vector<16xf32>,
      %mul3A_197 = arith.constant 80 : i32
      %mul3A_198 = arith.muli %scan3A_180, %mul3A_197 : i32
      %add3A_199 = arith.constant 4000 : i32
      %add3A_200 = arith.addi %add3A_199, %mul3A_198 : i32
      %add3A_201 = arith.constant 16 : i32
      %add3A_202 = arith.addi %add3A_200, %add3A_201 : i32
      %get3A_203 = arith.index_cast %add3A_202 : i32 to index
      %get3A_204 = tpu.vector_load %arg11[%get3A_203] {strides = array<i32>} : memref<10000xf32, #tpu.memory_space<vmem>>, vector<16xf32>,
      %get3A_205 = vector.shape_cast %get3A_204 : vector<16xf32> to vector<16xf32>
      %get3A_206 = arith.index_cast %add3A_202 : i32 to index
      %get3A_207 = tpu.vector_load %arg10[%get3A_206] {strides = array<i32>} : memref<10000xf32, #tpu.memory_space<vmem>>, vector<16xf32>,
      %get3A_208 = vector.shape_cast %get3A_207 : vector<16xf32> to vector<16xf32>
      %mul3A_209 = arith.mulf %get3A_205, %get3A_208 : vector<16xf32>
      %swap3A_210 = arith.index_cast %add3A_202 : i32 to index
      %swap3A_211 = tpu.vector_load %arg12[%swap3A_210] {strides = array<i32>} : memref<10000xf32, #tpu.memory_space<vmem>>, vector<16xf32>,
      %swap3A_212 = vector.shape_cast %swap3A_211 : vector<16xf32> to vector<16xf32>
      %swap3A_213 = vector.shape_cast %mul3A_209 : vector<16xf32> to vector<16xf32>
      tpu.vector_store %arg12[%swap3A_210], %swap3A_213 {strides = array<i32>} : memref<10000xf32, #tpu.memory_space<vmem>>, vector<16xf32>,
      %mul3A_214 = arith.constant 80 : i32
      %mul3A_215 = arith.muli %scan3A_180, %mul3A_214 : i32
      %add3A_216 = arith.constant 4000 : i32
      %add3A_217 = arith.addi %add3A_216, %mul3A_215 : i32
      %add3A_218 = arith.constant 32 : i32
      %add3A_219 = arith.addi %add3A_217, %add3A_218 : i32
      %get3A_220 = arith.index_cast %add3A_219 : i32 to index
      %get3A_221 = tpu.vector_load %arg11[%get3A_220] {strides = array<i32>} : memref<10000xf32, #tpu.memory_space<vmem>>, vector<16xf32>,
      %get3A_222 = vector.shape_cast %get3A_221 : vector<16xf32> to vector<16xf32>
      %get3A_223 = arith.index_cast %add3A_219 : i32 to index
      %get3A_224 = tpu.vector_load %arg10[%get3A_223] {strides = array<i32>} : memref<10000xf32, #tpu.memory_space<vmem>>, vector<16xf32>,
      %get3A_225 = vector.shape_cast %get3A_224 : vector<16xf32> to vector<16xf32>
      %mul3A_226 = arith.mulf %get3A_222, %get3A_225 : vector<16xf32>
      %swap3A_227 = arith.index_cast %add3A_219 : i32 to index
      %swap3A_228 = tpu.vector_load %arg12[%swap3A_227] {strides = array<i32>} : memref<10000xf32, #tpu.memory_space<vmem>>, vector<16xf32>,
      %swap3A_229 = vector.shape_cast %swap3A_228 : vector<16xf32> to vector<16xf32>
      %swap3A_230 = vector.shape_cast %mul3A_226 : vector<16xf32> to vector<16xf32>
      tpu.vector_store %arg12[%swap3A_227], %swap3A_230 {strides = array<i32>} : memref<10000xf32, #tpu.memory_space<vmem>>, vector<16xf32>,
      %mul3A_231 = arith.constant 80 : i32
      %mul3A_232 = arith.muli %scan3A_180, %mul3A_231 : i32
      %add3A_233 = arith.constant 4000 : i32
      %add3A_234 = arith.addi %add3A_233, %mul3A_232 : i32
      %add3A_235 = arith.constant 48 : i32
      %add3A_236 = arith.addi %add3A_234, %add3A_235 : i32
      %get3A_237 = arith.index_cast %add3A_236 : i32 to index
      %get3A_238 = tpu.vector_load %arg11[%get3A_237] {strides = array<i32>} : memref<10000xf32, #tpu.memory_space<vmem>>, vector<16xf32>,
      %get3A_239 = vector.shape_cast %get3A_238 : vector<16xf32> to vector<16xf32>
      %get3A_240 = arith.index_cast %add3A_236 : i32 to index
      %get3A_241 = tpu.vector_load %arg10[%get3A_240] {strides = array<i32>} : memref<10000xf32, #tpu.memory_space<vmem>>, vector<16xf32>,
      %get3A_242 = vector.shape_cast %get3A_241 : vector<16xf32> to vector<16xf32>
      %mul3A_243 = arith.mulf %get3A_239, %get3A_242 : vector<16xf32>
      %swap3A_244 = arith.index_cast %add3A_236 : i32 to index
      %swap3A_245 = tpu.vector_load %arg12[%swap3A_244] {strides = array<i32>} : memref<10000xf32, #tpu.memory_space<vmem>>, vector<16xf32>,
      %swap3A_246 = vector.shape_cast %swap3A_245 : vector<16xf32> to vector<16xf32>
      %swap3A_247 = vector.shape_cast %mul3A_243 : vector<16xf32> to vector<16xf32>
      tpu.vector_store %arg12[%swap3A_244], %swap3A_247 {strides = array<i32>} : memref<10000xf32, #tpu.memory_space<vmem>>, vector<16xf32>,
      %mul3A_248 = arith.constant 80 : i32
      %mul3A_249 = arith.muli %scan3A_180, %mul3A_248 : i32
      %add3A_250 = arith.constant 4000 : i32
      %add3A_251 = arith.addi %add3A_250, %mul3A_249 : i32
      %add3A_252 = arith.constant 64 : i32
      %add3A_253 = arith.addi %add3A_251, %add3A_252 : i32
      %get3A_254 = arith.index_cast %add3A_253 : i32 to index
      %get3A_255 = tpu.vector_load %arg11[%get3A_254] {strides = array<i32>} : memref<10000xf32, #tpu.memory_space<vmem>>, vector<16xf32>,
      %get3A_256 = vector.shape_cast %get3A_255 : vector<16xf32> to vector<16xf32>
      %get3A_257 = arith.index_cast %add3A_253 : i32 to index
      %get3A_258 = tpu.vector_load %arg10[%get3A_257] {strides = array<i32>} : memref<10000xf32, #tpu.memory_space<vmem>>, vector<16xf32>,
      %get3A_259 = vector.shape_cast %get3A_258 : vector<16xf32> to vector<16xf32>
      %mul3A_260 = arith.mulf %get3A_256, %get3A_259 : vector<16xf32>
      %swap3A_261 = arith.index_cast %add3A_253 : i32 to index
      %swap3A_262 = tpu.vector_load %arg12[%swap3A_261] {strides = array<i32>} : memref<10000xf32, #tpu.memory_space<vmem>>, vector<16xf32>,
      %swap3A_263 = vector.shape_cast %swap3A_262 : vector<16xf32> to vector<16xf32>
      %swap3A_264 = vector.shape_cast %mul3A_260 : vector<16xf32> to vector<16xf32>
      tpu.vector_store %arg12[%swap3A_261], %swap3A_264 {strides = array<i32>} : memref<10000xf32, #tpu.memory_space<vmem>>, vector<16xf32>,
      %scan3A_265 = arith.constant 0 : i32
      scf.yield %scan3A_265 : i32
    }
    %scan3A_94 = arith.constant 25 : i32
    %dma_start3A_95 = arith.constant 4000 : i32
    %dma_start3A_96 = tpu.memref_slice %arg12[%dma_start3A_95] : memref<10000xf32, #tpu.memory_space<vmem>> -> memref<2000xf32, #tpu.memory_space<vmem>>
    %dma_start3A_97 = arith.constant 4000 : i32
    %dma_start3A_98 = tpu.memref_slice %arg9[%dma_start3A_97] : memref<10000xi32, #tpu.memory_space<vmem>> -> memref<2000xi32, #tpu.memory_space<vmem>>
    %dma_start3A_99 = arith.constant 0 : i32
    %dma_start3A_100 = tpu.memref_slice %arg13[%dma_start3A_99] : memref<10240xf32, #tpu.memory_space<vmem_shared>> -> memref<10240xf32, #tpu.memory_space<vmem_shared>>
    tpu.enqueue_indirect_dma source(%dma_start3A_96 : memref<2000xf32, #tpu.memory_space<vmem>>) target(%dma_start3A_100 : memref<10240xf32, #tpu.memory_space<vmem_shared>>) offsets(%dma_start3A_98 : memref<2000xi32, #tpu.memory_space<vmem>>) semaphore(%arg18 : memref<!tpu.dma_semaphore, #tpu.memory_space<semaphore_mem>>) {add = true}
    %dma_wait3A_101 = arith.constant 6000 : i32
    %dma_wait3A_102 = tpu.memref_slice %arg11[%dma_wait3A_101] : memref<10000xf32, #tpu.memory_space<vmem>> -> memref<2000xf32, #tpu.memory_space<vmem>>
    %dma_wait3A_103 = arith.constant 6000 : i32
    %dma_wait3A_104 = tpu.memref_slice %arg8[%dma_wait3A_103] : memref<10000xi32, #tpu.memory_space<vmem>> -> memref<2000xi32, #tpu.memory_space<vmem>>
    %dma_wait3A_105 = arith.constant 0 : i32
    %dma_wait3A_106 = tpu.memref_slice %arg5[%dma_wait3A_105] : memref<10000xf32, #tpu.memory_space<hbm>> -> memref<10000xf32, #tpu.memory_space<hbm>>
    tpu.wait_indirect_dma semaphore(%arg17 : memref<!tpu.dma_semaphore, #tpu.memory_space<semaphore_mem>>) src(%dma_wait3A_106 : memref<10000xf32, #tpu.memory_space<hbm>>) dst(%dma_wait3A_102 : memref<2000xf32, #tpu.memory_space<vmem>>)
    %dma_start3A_107 = arith.constant 8000 : i32
    %dma_start3A_108 = tpu.memref_slice %arg11[%dma_start3A_107] : memref<10000xf32, #tpu.memory_space<vmem>> -> memref<2000xf32, #tpu.memory_space<vmem>>
    %dma_start3A_109 = arith.constant 8000 : i32
    %dma_start3A_110 = tpu.memref_slice %arg8[%dma_start3A_109] : memref<10000xi32, #tpu.memory_space<vmem>> -> memref<2000xi32, #tpu.memory_space<vmem>>
    %dma_start3A_111 = arith.constant 0 : i32
    %dma_start3A_112 = tpu.memref_slice %arg5[%dma_start3A_111] : memref<10000xf32, #tpu.memory_space<hbm>> -> memref<10000xf32, #tpu.memory_space<hbm>>
    tpu.enqueue_indirect_dma source(%dma_start3A_112 : memref<10000xf32, #tpu.memory_space<hbm>>) target(%dma_start3A_108 : memref<2000xf32, #tpu.memory_space<vmem>>) offsets(%dma_start3A_110 : memref<2000xi32, #tpu.memory_space<vmem>>) semaphore(%arg17 : memref<!tpu.dma_semaphore, #tpu.memory_space<semaphore_mem>>)
    %scan3A_113 = arith.constant 0 : i32
    %scan3A_114 = arith.constant 0 : i32
    %scan3A_115 = arith.constant 25 : i32
    %scan3A_116 = arith.addi %scan3A_114, %scan3A_115 : i32
    %scan3A_117 = arith.constant 1 : i32
    %scan3A_118 = scf.for %scan3A_180 = %scan3A_114 to %scan3A_116 step %scan3A_117 iter_args(%scan3A_181 = %scan3A_113) -> (i32)  : i32 {
      %mul3A_182 = arith.constant 80 : i32
      %mul3A_183 = arith.muli %scan3A_180, %mul3A_182 : i32
      %add3A_184 = arith.constant 6000 : i32
      %add3A_185 = arith.addi %add3A_184, %mul3A_183 : i32
      %add3A_186 = arith.constant 0 : i32
      %add3A_187 = arith.addi %add3A_185, %add3A_186 : i32
      %get3A = arith.index_cast %add3A_187 : i32 to index
      %get3A_188 = tpu.vector_load %arg11[%get3A] {strides = array<i32>} : memref<10000xf32, #tpu.memory_space<vmem>>, vector<16xf32>,
      %get3A_189 = vector.shape_cast %get3A_188 : vector<16xf32> to vector<16xf32>
      %get3A_190 = arith.index_cast %add3A_187 : i32 to index
      %get3A_191 = tpu.vector_load %arg10[%get3A_190] {strides = array<i32>} : memref<10000xf32, #tpu.memory_space<vmem>>, vector<16xf32>,
      %get3A_192 = vector.shape_cast %get3A_191 : vector<16xf32> to vector<16xf32>
      %mul3A_193 = arith.mulf %get3A_189, %get3A_192 : vector<16xf32>
      %swap3A = arith.index_cast %add3A_187 : i32 to index
      %swap3A_194 = tpu.vector_load %arg12[%swap3A] {strides = array<i32>} : memref<10000xf32, #tpu.memory_space<vmem>>, vector<16xf32>,
      %swap3A_195 = vector.shape_cast %swap3A_194 : vector<16xf32> to vector<16xf32>
      %swap3A_196 = vector.shape_cast %mul3A_193 : vector<16xf32> to vector<16xf32>
      tpu.vector_store %arg12[%swap3A], %swap3A_196 {strides = array<i32>} : memref<10000xf32, #tpu.memory_space<vmem>>, vector<16xf32>,
      %mul3A_197 = arith.constant 80 : i32
      %mul3A_198 = arith.muli %scan3A_180, %mul3A_197 : i32
      %add3A_199 = arith.constant 6000 : i32
      %add3A_200 = arith.addi %add3A_199, %mul3A_198 : i32
      %add3A_201 = arith.constant 16 : i32
      %add3A_202 = arith.addi %add3A_200, %add3A_201 : i32
      %get3A_203 = arith.index_cast %add3A_202 : i32 to index
      %get3A_204 = tpu.vector_load %arg11[%get3A_203] {strides = array<i32>} : memref<10000xf32, #tpu.memory_space<vmem>>, vector<16xf32>,
      %get3A_205 = vector.shape_cast %get3A_204 : vector<16xf32> to vector<16xf32>
      %get3A_206 = arith.index_cast %add3A_202 : i32 to index
      %get3A_207 = tpu.vector_load %arg10[%get3A_206] {strides = array<i32>} : memref<10000xf32, #tpu.memory_space<vmem>>, vector<16xf32>,
      %get3A_208 = vector.shape_cast %get3A_207 : vector<16xf32> to vector<16xf32>
      %mul3A_209 = arith.mulf %get3A_205, %get3A_208 : vector<16xf32>
      %swap3A_210 = arith.index_cast %add3A_202 : i32 to index
      %swap3A_211 = tpu.vector_load %arg12[%swap3A_210] {strides = array<i32>} : memref<10000xf32, #tpu.memory_space<vmem>>, vector<16xf32>,
      %swap3A_212 = vector.shape_cast %swap3A_211 : vector<16xf32> to vector<16xf32>
      %swap3A_213 = vector.shape_cast %mul3A_209 : vector<16xf32> to vector<16xf32>
      tpu.vector_store %arg12[%swap3A_210], %swap3A_213 {strides = array<i32>} : memref<10000xf32, #tpu.memory_space<vmem>>, vector<16xf32>,
      %mul3A_214 = arith.constant 80 : i32
      %mul3A_215 = arith.muli %scan3A_180, %mul3A_214 : i32
      %add3A_216 = arith.constant 6000 : i32
      %add3A_217 = arith.addi %add3A_216, %mul3A_215 : i32
      %add3A_218 = arith.constant 32 : i32
      %add3A_219 = arith.addi %add3A_217, %add3A_218 : i32
      %get3A_220 = arith.index_cast %add3A_219 : i32 to index
      %get3A_221 = tpu.vector_load %arg11[%get3A_220] {strides = array<i32>} : memref<10000xf32, #tpu.memory_space<vmem>>, vector<16xf32>,
      %get3A_222 = vector.shape_cast %get3A_221 : vector<16xf32> to vector<16xf32>
      %get3A_223 = arith.index_cast %add3A_219 : i32 to index
      %get3A_224 = tpu.vector_load %arg10[%get3A_223] {strides = array<i32>} : memref<10000xf32, #tpu.memory_space<vmem>>, vector<16xf32>,
      %get3A_225 = vector.shape_cast %get3A_224 : vector<16xf32> to vector<16xf32>
      %mul3A_226 = arith.mulf %get3A_222, %get3A_225 : vector<16xf32>
      %swap3A_227 = arith.index_cast %add3A_219 : i32 to index
      %swap3A_228 = tpu.vector_load %arg12[%swap3A_227] {strides = array<i32>} : memref<10000xf32, #tpu.memory_space<vmem>>, vector<16xf32>,
      %swap3A_229 = vector.shape_cast %swap3A_228 : vector<16xf32> to vector<16xf32>
      %swap3A_230 = vector.shape_cast %mul3A_226 : vector<16xf32> to vector<16xf32>
      tpu.vector_store %arg12[%swap3A_227], %swap3A_230 {strides = array<i32>} : memref<10000xf32, #tpu.memory_space<vmem>>, vector<16xf32>,
      %mul3A_231 = arith.constant 80 : i32
      %mul3A_232 = arith.muli %scan3A_180, %mul3A_231 : i32
      %add3A_233 = arith.constant 6000 : i32
      %add3A_234 = arith.addi %add3A_233, %mul3A_232 : i32
      %add3A_235 = arith.constant 48 : i32
      %add3A_236 = arith.addi %add3A_234, %add3A_235 : i32
      %get3A_237 = arith.index_cast %add3A_236 : i32 to index
      %get3A_238 = tpu.vector_load %arg11[%get3A_237] {strides = array<i32>} : memref<10000xf32, #tpu.memory_space<vmem>>, vector<16xf32>,
      %get3A_239 = vector.shape_cast %get3A_238 : vector<16xf32> to vector<16xf32>
      %get3A_240 = arith.index_cast %add3A_236 : i32 to index
      %get3A_241 = tpu.vector_load %arg10[%get3A_240] {strides = array<i32>} : memref<10000xf32, #tpu.memory_space<vmem>>, vector<16xf32>,
      %get3A_242 = vector.shape_cast %get3A_241 : vector<16xf32> to vector<16xf32>
      %mul3A_243 = arith.mulf %get3A_239, %get3A_242 : vector<16xf32>
      %swap3A_244 = arith.index_cast %add3A_236 : i32 to index
      %swap3A_245 = tpu.vector_load %arg12[%swap3A_244] {strides = array<i32>} : memref<10000xf32, #tpu.memory_space<vmem>>, vector<16xf32>,
      %swap3A_246 = vector.shape_cast %swap3A_245 : vector<16xf32> to vector<16xf32>
      %swap3A_247 = vector.shape_cast %mul3A_243 : vector<16xf32> to vector<16xf32>
      tpu.vector_store %arg12[%swap3A_244], %swap3A_247 {strides = array<i32>} : memref<10000xf32, #tpu.memory_space<vmem>>, vector<16xf32>,
      %mul3A_248 = arith.constant 80 : i32
      %mul3A_249 = arith.muli %scan3A_180, %mul3A_248 : i32
      %add3A_250 = arith.constant 6000 : i32
      %add3A_251 = arith.addi %add3A_250, %mul3A_249 : i32
      %add3A_252 = arith.constant 64 : i32
      %add3A_253 = arith.addi %add3A_251, %add3A_252 : i32
      %get3A_254 = arith.index_cast %add3A_253 : i32 to index
      %get3A_255 = tpu.vector_load %arg11[%get3A_254] {strides = array<i32>} : memref<10000xf32, #tpu.memory_space<vmem>>, vector<16xf32>,
      %get3A_256 = vector.shape_cast %get3A_255 : vector<16xf32> to vector<16xf32>
      %get3A_257 = arith.index_cast %add3A_253 : i32 to index
      %get3A_258 = tpu.vector_load %arg10[%get3A_257] {strides = array<i32>} : memref<10000xf32, #tpu.memory_space<vmem>>, vector<16xf32>,
      %get3A_259 = vector.shape_cast %get3A_258 : vector<16xf32> to vector<16xf32>
      %mul3A_260 = arith.mulf %get3A_256, %get3A_259 : vector<16xf32>
      %swap3A_261 = arith.index_cast %add3A_253 : i32 to index
      %swap3A_262 = tpu.vector_load %arg12[%swap3A_261] {strides = array<i32>} : memref<10000xf32, #tpu.memory_space<vmem>>, vector<16xf32>,
      %swap3A_263 = vector.shape_cast %swap3A_262 : vector<16xf32> to vector<16xf32>
      %swap3A_264 = vector.shape_cast %mul3A_260 : vector<16xf32> to vector<16xf32>
      tpu.vector_store %arg12[%swap3A_261], %swap3A_264 {strides = array<i32>} : memref<10000xf32, #tpu.memory_space<vmem>>, vector<16xf32>,
      %scan3A_265 = arith.constant 0 : i32
      scf.yield %scan3A_265 : i32
    }
    %scan3A_119 = arith.constant 25 : i32
    %dma_start3A_120 = arith.constant 6000 : i32
    %dma_start3A_121 = tpu.memref_slice %arg12[%dma_start3A_120] : memref<10000xf32, #tpu.memory_space<vmem>> -> memref<2000xf32, #tpu.memory_space<vmem>>
    %dma_start3A_122 = arith.constant 6000 : i32
    %dma_start3A_123 = tpu.memref_slice %arg9[%dma_start3A_122] : memref<10000xi32, #tpu.memory_space<vmem>> -> memref<2000xi32, #tpu.memory_space<vmem>>
    %dma_start3A_124 = arith.constant 0 : i32
    %dma_start3A_125 = tpu.memref_slice %arg13[%dma_start3A_124] : memref<10240xf32, #tpu.memory_space<vmem_shared>> -> memref<10240xf32, #tpu.memory_space<vmem_shared>>
    tpu.enqueue_indirect_dma source(%dma_start3A_121 : memref<2000xf32, #tpu.memory_space<vmem>>) target(%dma_start3A_125 : memref<10240xf32, #tpu.memory_space<vmem_shared>>) offsets(%dma_start3A_123 : memref<2000xi32, #tpu.memory_space<vmem>>) semaphore(%arg18 : memref<!tpu.dma_semaphore, #tpu.memory_space<semaphore_mem>>) {add = true}
    %dma_wait3A_126 = arith.constant 8000 : i32
    %dma_wait3A_127 = tpu.memref_slice %arg11[%dma_wait3A_126] : memref<10000xf32, #tpu.memory_space<vmem>> -> memref<2000xf32, #tpu.memory_space<vmem>>
    %dma_wait3A_128 = arith.constant 8000 : i32
    %dma_wait3A_129 = tpu.memref_slice %arg8[%dma_wait3A_128] : memref<10000xi32, #tpu.memory_space<vmem>> -> memref<2000xi32, #tpu.memory_space<vmem>>
    %dma_wait3A_130 = arith.constant 0 : i32
    %dma_wait3A_131 = tpu.memref_slice %arg5[%dma_wait3A_130] : memref<10000xf32, #tpu.memory_space<hbm>> -> memref<10000xf32, #tpu.memory_space<hbm>>
    tpu.wait_indirect_dma semaphore(%arg17 : memref<!tpu.dma_semaphore, #tpu.memory_space<semaphore_mem>>) src(%dma_wait3A_131 : memref<10000xf32, #tpu.memory_space<hbm>>) dst(%dma_wait3A_127 : memref<2000xf32, #tpu.memory_space<vmem>>)
    %scan3A_132 = arith.constant 0 : i32
    %scan3A_133 = arith.constant 0 : i32
    %scan3A_134 = arith.constant 25 : i32
    %scan3A_135 = arith.addi %scan3A_133, %scan3A_134 : i32
    %scan3A_136 = arith.constant 1 : i32
    %scan3A_137 = scf.for %scan3A_180 = %scan3A_133 to %scan3A_135 step %scan3A_136 iter_args(%scan3A_181 = %scan3A_132) -> (i32)  : i32 {
      %mul3A_182 = arith.constant 80 : i32
      %mul3A_183 = arith.muli %scan3A_180, %mul3A_182 : i32
      %add3A_184 = arith.constant 8000 : i32
      %add3A_185 = arith.addi %add3A_184, %mul3A_183 : i32
      %add3A_186 = arith.constant 0 : i32
      %add3A_187 = arith.addi %add3A_185, %add3A_186 : i32
      %get3A = arith.index_cast %add3A_187 : i32 to index
      %get3A_188 = tpu.vector_load %arg11[%get3A] {strides = array<i32>} : memref<10000xf32, #tpu.memory_space<vmem>>, vector<16xf32>,
      %get3A_189 = vector.shape_cast %get3A_188 : vector<16xf32> to vector<16xf32>
      %get3A_190 = arith.index_cast %add3A_187 : i32 to index
      %get3A_191 = tpu.vector_load %arg10[%get3A_190] {strides = array<i32>} : memref<10000xf32, #tpu.memory_space<vmem>>, vector<16xf32>,
      %get3A_192 = vector.shape_cast %get3A_191 : vector<16xf32> to vector<16xf32>
      %mul3A_193 = arith.mulf %get3A_189, %get3A_192 : vector<16xf32>
      %swap3A = arith.index_cast %add3A_187 : i32 to index
      %swap3A_194 = tpu.vector_load %arg12[%swap3A] {strides = array<i32>} : memref<10000xf32, #tpu.memory_space<vmem>>, vector<16xf32>,
      %swap3A_195 = vector.shape_cast %swap3A_194 : vector<16xf32> to vector<16xf32>
      %swap3A_196 = vector.shape_cast %mul3A_193 : vector<16xf32> to vector<16xf32>
      tpu.vector_store %arg12[%swap3A], %swap3A_196 {strides = array<i32>} : memref<10000xf32, #tpu.memory_space<vmem>>, vector<16xf32>,
      %mul3A_197 = arith.constant 80 : i32
      %mul3A_198 = arith.muli %scan3A_180, %mul3A_197 : i32
      %add3A_199 = arith.constant 8000 : i32
      %add3A_200 = arith.addi %add3A_199, %mul3A_198 : i32
      %add3A_201 = arith.constant 16 : i32
      %add3A_202 = arith.addi %add3A_200, %add3A_201 : i32
      %get3A_203 = arith.index_cast %add3A_202 : i32 to index
      %get3A_204 = tpu.vector_load %arg11[%get3A_203] {strides = array<i32>} : memref<10000xf32, #tpu.memory_space<vmem>>, vector<16xf32>,
      %get3A_205 = vector.shape_cast %get3A_204 : vector<16xf32> to vector<16xf32>
      %get3A_206 = arith.index_cast %add3A_202 : i32 to index
      %get3A_207 = tpu.vector_load %arg10[%get3A_206] {strides = array<i32>} : memref<10000xf32, #tpu.memory_space<vmem>>, vector<16xf32>,
      %get3A_208 = vector.shape_cast %get3A_207 : vector<16xf32> to vector<16xf32>
      %mul3A_209 = arith.mulf %get3A_205, %get3A_208 : vector<16xf32>
      %swap3A_210 = arith.index_cast %add3A_202 : i32 to index
      %swap3A_211 = tpu.vector_load %arg12[%swap3A_210] {strides = array<i32>} : memref<10000xf32, #tpu.memory_space<vmem>>, vector<16xf32>,
      %swap3A_212 = vector.shape_cast %swap3A_211 : vector<16xf32> to vector<16xf32>
      %swap3A_213 = vector.shape_cast %mul3A_209 : vector<16xf32> to vector<16xf32>
      tpu.vector_store %arg12[%swap3A_210], %swap3A_213 {strides = array<i32>} : memref<10000xf32, #tpu.memory_space<vmem>>, vector<16xf32>,
      %mul3A_214 = arith.constant 80 : i32
      %mul3A_215 = arith.muli %scan3A_180, %mul3A_214 : i32
      %add3A_216 = arith.constant 8000 : i32
      %add3A_217 = arith.addi %add3A_216, %mul3A_215 : i32
      %add3A_218 = arith.constant 32 : i32
      %add3A_219 = arith.addi %add3A_217, %add3A_218 : i32
      %get3A_220 = arith.index_cast %add3A_219 : i32 to index
      %get3A_221 = tpu.vector_load %arg11[%get3A_220] {strides = array<i32>} : memref<10000xf32, #tpu.memory_space<vmem>>, vector<16xf32>,
      %get3A_222 = vector.shape_cast %get3A_221 : vector<16xf32> to vector<16xf32>
      %get3A_223 = arith.index_cast %add3A_219 : i32 to index
      %get3A_224 = tpu.vector_load %arg10[%get3A_223] {strides = array<i32>} : memref<10000xf32, #tpu.memory_space<vmem>>, vector<16xf32>,
      %get3A_225 = vector.shape_cast %get3A_224 : vector<16xf32> to vector<16xf32>
      %mul3A_226 = arith.mulf %get3A_222, %get3A_225 : vector<16xf32>
      %swap3A_227 = arith.index_cast %add3A_219 : i32 to index
      %swap3A_228 = tpu.vector_load %arg12[%swap3A_227] {strides = array<i32>} : memref<10000xf32, #tpu.memory_space<vmem>>, vector<16xf32>,
      %swap3A_229 = vector.shape_cast %swap3A_228 : vector<16xf32> to vector<16xf32>
      %swap3A_230 = vector.shape_cast %mul3A_226 : vector<16xf32> to vector<16xf32>
      tpu.vector_store %arg12[%swap3A_227], %swap3A_230 {strides = array<i32>} : memref<10000xf32, #tpu.memory_space<vmem>>, vector<16xf32>,
      %mul3A_231 = arith.constant 80 : i32
      %mul3A_232 = arith.muli %scan3A_180, %mul3A_231 : i32
      %add3A_233 = arith.constant 8000 : i32
      %add3A_234 = arith.addi %add3A_233, %mul3A_232 : i32
      %add3A_235 = arith.constant 48 : i32
      %add3A_236 = arith.addi %add3A_234, %add3A_235 : i32
      %get3A_237 = arith.index_cast %add3A_236 : i32 to index
      %get3A_238 = tpu.vector_load %arg11[%get3A_237] {strides = array<i32>} : memref<10000xf32, #tpu.memory_space<vmem>>, vector<16xf32>,
      %get3A_239 = vector.shape_cast %get3A_238 : vector<16xf32> to vector<16xf32>
      %get3A_240 = arith.index_cast %add3A_236 : i32 to index
      %get3A_241 = tpu.vector_load %arg10[%get3A_240] {strides = array<i32>} : memref<10000xf32, #tpu.memory_space<vmem>>, vector<16xf32>,
      %get3A_242 = vector.shape_cast %get3A_241 : vector<16xf32> to vector<16xf32>
      %mul3A_243 = arith.mulf %get3A_239, %get3A_242 : vector<16xf32>
      %swap3A_244 = arith.index_cast %add3A_236 : i32 to index
      %swap3A_245 = tpu.vector_load %arg12[%swap3A_244] {strides = array<i32>} : memref<10000xf32, #tpu.memory_space<vmem>>, vector<16xf32>,
      %swap3A_246 = vector.shape_cast %swap3A_245 : vector<16xf32> to vector<16xf32>
      %swap3A_247 = vector.shape_cast %mul3A_243 : vector<16xf32> to vector<16xf32>
      tpu.vector_store %arg12[%swap3A_244], %swap3A_247 {strides = array<i32>} : memref<10000xf32, #tpu.memory_space<vmem>>, vector<16xf32>,
      %mul3A_248 = arith.constant 80 : i32
      %mul3A_249 = arith.muli %scan3A_180, %mul3A_248 : i32
      %add3A_250 = arith.constant 8000 : i32
      %add3A_251 = arith.addi %add3A_250, %mul3A_249 : i32
      %add3A_252 = arith.constant 64 : i32
      %add3A_253 = arith.addi %add3A_251, %add3A_252 : i32
      %get3A_254 = arith.index_cast %add3A_253 : i32 to index
      %get3A_255 = tpu.vector_load %arg11[%get3A_254] {strides = array<i32>} : memref<10000xf32, #tpu.memory_space<vmem>>, vector<16xf32>,
      %get3A_256 = vector.shape_cast %get3A_255 : vector<16xf32> to vector<16xf32>
      %get3A_257 = arith.index_cast %add3A_253 : i32 to index
      %get3A_258 = tpu.vector_load %arg10[%get3A_257] {strides = array<i32>} : memref<10000xf32, #tpu.memory_space<vmem>>, vector<16xf32>,
      %get3A_259 = vector.shape_cast %get3A_258 : vector<16xf32> to vector<16xf32>
      %mul3A_260 = arith.mulf %get3A_256, %get3A_259 : vector<16xf32>
      %swap3A_261 = arith.index_cast %add3A_253 : i32 to index
      %swap3A_262 = tpu.vector_load %arg12[%swap3A_261] {strides = array<i32>} : memref<10000xf32, #tpu.memory_space<vmem>>, vector<16xf32>,
      %swap3A_263 = vector.shape_cast %swap3A_262 : vector<16xf32> to vector<16xf32>
      %swap3A_264 = vector.shape_cast %mul3A_260 : vector<16xf32> to vector<16xf32>
      tpu.vector_store %arg12[%swap3A_261], %swap3A_264 {strides = array<i32>} : memref<10000xf32, #tpu.memory_space<vmem>>, vector<16xf32>,
      %scan3A_265 = arith.constant 0 : i32
      scf.yield %scan3A_265 : i32
    }
    %scan3A_138 = arith.constant 25 : i32
    %dma_start3A_139 = arith.constant 8000 : i32
    %dma_start3A_140 = tpu.memref_slice %arg12[%dma_start3A_139] : memref<10000xf32, #tpu.memory_space<vmem>> -> memref<2000xf32, #tpu.memory_space<vmem>>
    %dma_start3A_141 = arith.constant 8000 : i32
    %dma_start3A_142 = tpu.memref_slice %arg9[%dma_start3A_141] : memref<10000xi32, #tpu.memory_space<vmem>> -> memref<2000xi32, #tpu.memory_space<vmem>>
    %dma_start3A_143 = arith.constant 0 : i32
    %dma_start3A_144 = tpu.memref_slice %arg13[%dma_start3A_143] : memref<10240xf32, #tpu.memory_space<vmem_shared>> -> memref<10240xf32, #tpu.memory_space<vmem_shared>>
    tpu.enqueue_indirect_dma source(%dma_start3A_140 : memref<2000xf32, #tpu.memory_space<vmem>>) target(%dma_start3A_144 : memref<10240xf32, #tpu.memory_space<vmem_shared>>) offsets(%dma_start3A_142 : memref<2000xi32, #tpu.memory_space<vmem>>) semaphore(%arg18 : memref<!tpu.dma_semaphore, #tpu.memory_space<semaphore_mem>>) {add = true}
    %dma_wait3A_145 = arith.constant 0 : i32
    %dma_wait3A_146 = tpu.memref_slice %arg12[%dma_wait3A_145] : memref<10000xf32, #tpu.memory_space<vmem>> -> memref<2000xf32, #tpu.memory_space<vmem>>
    %dma_wait3A_147 = arith.constant 0 : i32
    %dma_wait3A_148 = tpu.memref_slice %arg9[%dma_wait3A_147] : memref<10000xi32, #tpu.memory_space<vmem>> -> memref<2000xi32, #tpu.memory_space<vmem>>
    %dma_wait3A_149 = arith.constant 0 : i32
    %dma_wait3A_150 = tpu.memref_slice %arg13[%dma_wait3A_149] : memref<10240xf32, #tpu.memory_space<vmem_shared>> -> memref<10240xf32, #tpu.memory_space<vmem_shared>>
    tpu.wait_indirect_dma semaphore(%arg18 : memref<!tpu.dma_semaphore, #tpu.memory_space<semaphore_mem>>) src(%dma_wait3A_146 : memref<2000xf32, #tpu.memory_space<vmem>>) dst(%dma_wait3A_150 : memref<10240xf32, #tpu.memory_space<vmem_shared>>)
    %dma_wait3A_151 = arith.constant 2000 : i32
    %dma_wait3A_152 = tpu.memref_slice %arg12[%dma_wait3A_151] : memref<10000xf32, #tpu.memory_space<vmem>> -> memref<2000xf32, #tpu.memory_space<vmem>>
    %dma_wait3A_153 = arith.constant 2000 : i32
    %dma_wait3A_154 = tpu.memref_slice %arg9[%dma_wait3A_153] : memref<10000xi32, #tpu.memory_space<vmem>> -> memref<2000xi32, #tpu.memory_space<vmem>>
    %dma_wait3A_155 = arith.constant 0 : i32
    %dma_wait3A_156 = tpu.memref_slice %arg13[%dma_wait3A_155] : memref<10240xf32, #tpu.memory_space<vmem_shared>> -> memref<10240xf32, #tpu.memory_space<vmem_shared>>
    tpu.wait_indirect_dma semaphore(%arg18 : memref<!tpu.dma_semaphore, #tpu.memory_space<semaphore_mem>>) src(%dma_wait3A_152 : memref<2000xf32, #tpu.memory_space<vmem>>) dst(%dma_wait3A_156 : memref<10240xf32, #tpu.memory_space<vmem_shared>>)
    %dma_wait3A_157 = arith.constant 4000 : i32
    %dma_wait3A_158 = tpu.memref_slice %arg12[%dma_wait3A_157] : memref<10000xf32, #tpu.memory_space<vmem>> -> memref<2000xf32, #tpu.memory_space<vmem>>
    %dma_wait3A_159 = arith.constant 4000 : i32
    %dma_wait3A_160 = tpu.memref_slice %arg9[%dma_wait3A_159] : memref<10000xi32, #tpu.memory_space<vmem>> -> memref<2000xi32, #tpu.memory_space<vmem>>
    %dma_wait3A_161 = arith.constant 0 : i32
    %dma_wait3A_162 = tpu.memref_slice %arg13[%dma_wait3A_161] : memref<10240xf32, #tpu.memory_space<vmem_shared>> -> memref<10240xf32, #tpu.memory_space<vmem_shared>>
    tpu.wait_indirect_dma semaphore(%arg18 : memref<!tpu.dma_semaphore, #tpu.memory_space<semaphore_mem>>) src(%dma_wait3A_158 : memref<2000xf32, #tpu.memory_space<vmem>>) dst(%dma_wait3A_162 : memref<10240xf32, #tpu.memory_space<vmem_shared>>)
    %dma_wait3A_163 = arith.constant 6000 : i32
    %dma_wait3A_164 = tpu.memref_slice %arg12[%dma_wait3A_163] : memref<10000xf32, #tpu.memory_space<vmem>> -> memref<2000xf32, #tpu.memory_space<vmem>>
    %dma_wait3A_165 = arith.constant 6000 : i32
    %dma_wait3A_166 = tpu.memref_slice %arg9[%dma_wait3A_165] : memref<10000xi32, #tpu.memory_space<vmem>> -> memref<2000xi32, #tpu.memory_space<vmem>>
    %dma_wait3A_167 = arith.constant 0 : i32
    %dma_wait3A_168 = tpu.memref_slice %arg13[%dma_wait3A_167] : memref<10240xf32, #tpu.memory_space<vmem_shared>> -> memref<10240xf32, #tpu.memory_space<vmem_shared>>
    tpu.wait_indirect_dma semaphore(%arg18 : memref<!tpu.dma_semaphore, #tpu.memory_space<semaphore_mem>>) src(%dma_wait3A_164 : memref<2000xf32, #tpu.memory_space<vmem>>) dst(%dma_wait3A_168 : memref<10240xf32, #tpu.memory_space<vmem_shared>>)
    %dma_wait3A_169 = arith.constant 8000 : i32
    %dma_wait3A_170 = tpu.memref_slice %arg12[%dma_wait3A_169] : memref<10000xf32, #tpu.memory_space<vmem>> -> memref<2000xf32, #tpu.memory_space<vmem>>
    %dma_wait3A_171 = arith.constant 8000 : i32
    %dma_wait3A_172 = tpu.memref_slice %arg9[%dma_wait3A_171] : memref<10000xi32, #tpu.memory_space<vmem>> -> memref<2000xi32, #tpu.memory_space<vmem>>
    %dma_wait3A_173 = arith.constant 0 : i32
    %dma_wait3A_174 = tpu.memref_slice %arg13[%dma_wait3A_173] : memref<10240xf32, #tpu.memory_space<vmem_shared>> -> memref<10240xf32, #tpu.memory_space<vmem_shared>>
    tpu.wait_indirect_dma semaphore(%arg18 : memref<!tpu.dma_semaphore, #tpu.memory_space<semaphore_mem>>) src(%dma_wait3A_170 : memref<2000xf32, #tpu.memory_space<vmem>>) dst(%dma_wait3A_174 : memref<10240xf32, #tpu.memory_space<vmem_shared>>)
    %barrier3A_175 = arith.constant 0 : index
    tpu.barrier barrier_id(%barrier3A_175)
    %mul3A_176 = arith.constant 640 : i32
    %mul3A_177 = arith.muli %arg1, %mul3A_176 : i32
    %mul3A_178 = arith.constant 640 : i32
    %mul3A_179 = arith.muli %arg1, %mul3A_178 : i32
    "tpu.region"() ({
      %run_scoped3A = tpu.sem_alloc : memref<!tpu.dma_semaphore, #tpu.memory_space<semaphore_mem>>
      %dma_start3A_180 = tpu.memref_slice %arg7[%arg0, %mul3A_179] : memref<2x10240xf32, #tpu.memory_space<hbm>> -> memref<1x640xf32, #tpu.memory_space<hbm>>
      %dma_start3A_181 = tpu.memref_squeeze %dma_start3A_180 : memref<1x640xf32, #tpu.memory_space<hbm>> -> memref<640xf32, #tpu.memory_space<hbm>>
      %dma_start3A_182 = tpu.memref_slice %arg13[%mul3A_177] : memref<10240xf32, #tpu.memory_space<vmem_shared>> -> memref<640xf32, #tpu.memory_space<vmem_shared>>
      tpu.enqueue_dma source(%dma_start3A_182 : memref<640xf32, #tpu.memory_space<vmem_shared>>) target(%dma_start3A_181 : memref<640xf32, #tpu.memory_space<hbm>>) target_semaphore(%run_scoped3A : memref<!tpu.dma_semaphore, #tpu.memory_space<semaphore_mem>>)
      %dma_wait3A_183 = tpu.memref_slice %arg7[%arg0, %mul3A_179] : memref<2x10240xf32, #tpu.memory_space<hbm>> -> memref<1x640xf32, #tpu.memory_space<hbm>>
      %dma_wait3A_184 = tpu.memref_squeeze %dma_wait3A_183 : memref<1x640xf32, #tpu.memory_space<hbm>> -> memref<640xf32, #tpu.memory_space<hbm>>
      %dma_wait3A_185 = tpu.memref_slice %arg13[%mul3A_177] : memref<10240xf32, #tpu.memory_space<vmem_shared>> -> memref<640xf32, #tpu.memory_space<vmem_shared>>
      tpu.wait_dma2 semaphore(%run_scoped3A : memref<!tpu.dma_semaphore, #tpu.memory_space<semaphore_mem>>) src(%dma_wait3A_185 : memref<640xf32, #tpu.memory_space<vmem_shared>>) dst(%dma_wait3A_184 : memref<640xf32, #tpu.memory_space<hbm>>)
      tpu.yield
    }) : () -> ()
    return
  }
}

#map = affine_map<(d0, d1) -> (0, 0)>
#map1 = affine_map<(d0, d1) -> (0)>
module attributes {stable_mosaic.version = 14 : i64} {
  func.func @_k4_body(%arg0: i32, %arg1: i32, %arg2: memref<16x640xi32, #tpu.memory_space<hbm>>, %arg3: memref<10240xf32, #tpu.memory_space<hbm>>, %arg4: memref<10000x128xf32, #tpu.memory_space<hbm>>, %arg5: memref<5000x128xf32, #tpu.memory_space<hbm>>, %arg6: memref<640xi32, #tpu.memory_space<vmem>>, %arg7: memref<640xi32, #tpu.memory_space<vmem>>, %arg8: memref<160xi32, #tpu.memory_space<vmem>>, %arg9: memref<160xf32, #tpu.memory_space<vmem>>, %arg10: memref<160x128xf32, #tpu.memory_space<vmem>>, %arg11: memref<10240xi32, #tpu.memory_space<vmem_shared>>, %arg12: memref<!tpu.dma_semaphore, #tpu.memory_space<semaphore_mem>>, %arg13: memref<!tpu.dma_semaphore, #tpu.memory_space<semaphore_mem>>) attributes {dimension_semantics = [#tpu.dimension_semantics<core_parallel>, #tpu.dimension_semantics<subcore_parallel>], iteration_bounds = array<i64: 2, 16>, scalar_prefetch = 0 : i64, scratch_operands = 8 : i64, tpu.core_type = #tpu.core_type<sc_vector_subcore>, window_params = [{transform_indices = #map}, {transform_indices = #map1}, {transform_indices = #map}, {transform_indices = #map}]} {
    "tpu.region"() ({
      %run_scoped3A = tpu.sem_alloc : memref<!tpu.dma_semaphore, #tpu.memory_space<semaphore_mem>>
      %dma_start3A_30 = arith.constant 0 : i32
      %dma_start3A_31 = tpu.memref_slice %arg2[%arg1, %dma_start3A_30] : memref<16x640xi32, #tpu.memory_space<hbm>> -> memref<1x640xi32, #tpu.memory_space<hbm>>
      %dma_start3A_32 = tpu.memref_squeeze %dma_start3A_31 : memref<1x640xi32, #tpu.memory_space<hbm>> -> memref<640xi32, #tpu.memory_space<hbm>>
      %dma_start3A_33 = arith.constant 0 : i32
      %dma_start3A_34 = tpu.memref_slice %arg2[%arg1, %dma_start3A_33] : memref<16x640xi32, #tpu.memory_space<hbm>> -> memref<1x640xi32, #tpu.memory_space<hbm>>
      %dma_start3A_35 = tpu.memref_squeeze %dma_start3A_34 : memref<1x640xi32, #tpu.memory_space<hbm>> -> memref<640xi32, #tpu.memory_space<hbm>>
      tpu.enqueue_dma source(%dma_start3A_35 : memref<640xi32, #tpu.memory_space<hbm>>) target(%arg6 : memref<640xi32, #tpu.memory_space<vmem>>) target_semaphore(%run_scoped3A : memref<!tpu.dma_semaphore, #tpu.memory_space<semaphore_mem>>)
      %dma_wait3A_36 = arith.constant 0 : i32
      %dma_wait3A_37 = tpu.memref_slice %arg2[%arg1, %dma_wait3A_36] : memref<16x640xi32, #tpu.memory_space<hbm>> -> memref<1x640xi32, #tpu.memory_space<hbm>>
      %dma_wait3A_38 = tpu.memref_squeeze %dma_wait3A_37 : memref<1x640xi32, #tpu.memory_space<hbm>> -> memref<640xi32, #tpu.memory_space<hbm>>
      %dma_wait3A_39 = arith.constant 0 : i32
      %dma_wait3A_40 = tpu.memref_slice %arg2[%arg1, %dma_wait3A_39] : memref<16x640xi32, #tpu.memory_space<hbm>> -> memref<1x640xi32, #tpu.memory_space<hbm>>
      %dma_wait3A_41 = tpu.memref_squeeze %dma_wait3A_40 : memref<1x640xi32, #tpu.memory_space<hbm>> -> memref<640xi32, #tpu.memory_space<hbm>>
      tpu.wait_dma2 semaphore(%run_scoped3A : memref<!tpu.dma_semaphore, #tpu.memory_space<semaphore_mem>>) src(%dma_wait3A_41 : memref<640xi32, #tpu.memory_space<hbm>>) dst(%arg6 : memref<640xi32, #tpu.memory_space<vmem>>)
      tpu.yield
    }) : () -> ()
    %scan3A = arith.constant 0 : i32
    %scan3A_0 = arith.constant 0 : i32
    %scan3A_1 = arith.constant 40 : i32
    %scan3A_2 = arith.addi %scan3A_0, %scan3A_1 : i32
    %scan3A_3 = arith.constant 1 : i32
    %scan3A_4 = scf.for %scan3A_30 = %scan3A_0 to %scan3A_2 step %scan3A_3 iter_args(%scan3A_31 = %scan3A) -> (i32)  : i32 {
      %mul3A_32 = arith.constant 640 : i32
      %mul3A_33 = arith.muli %arg1, %mul3A_32 : i32
      %mul3A_34 = arith.constant 16 : i32
      %mul3A_35 = arith.muli %scan3A_30, %mul3A_34 : i32
      %add3A_36 = arith.addi %mul3A_33, %mul3A_35 : i32
      %iota3A = tpu.iota {dimensions = array<i32: 0>} : vector<16xi32>
      %add3A_37 = vector.broadcast %add3A_36 : i32 to vector<16xi32>
      %add3A_38 = arith.addi %add3A_37, %iota3A : vector<16xi32>
      %mul3A_39 = arith.constant 16 : i32
      %mul3A_40 = arith.muli %scan3A_30, %mul3A_39 : i32
      %swap3A = arith.index_cast %mul3A_40 : i32 to index
      %swap3A_41 = tpu.vector_load %arg7[%swap3A] {strides = array<i32>} : memref<640xi32, #tpu.memory_space<vmem>>, vector<16xi32>,
      %swap3A_42 = vector.shape_cast %swap3A_41 : vector<16xi32> to vector<16xi32>
      %swap3A_43 = vector.shape_cast %add3A_38 : vector<16xi32> to vector<16xi32>
      tpu.vector_store %arg7[%swap3A], %swap3A_43 {strides = array<i32>} : memref<640xi32, #tpu.memory_space<vmem>>, vector<16xi32>,
      %scan3A_44 = arith.constant 0 : i32
      scf.yield %scan3A_44 : i32
    }
    %scan3A_5 = arith.constant 40 : i32
    "tpu.region"() ({
      %run_scoped3A = tpu.sem_alloc : memref<!tpu.dma_semaphore, #tpu.memory_space<semaphore_mem>>
      %dma_start3A_30 = arith.constant 0 : i32
      %dma_start3A_31 = tpu.memref_slice %arg11[%dma_start3A_30] : memref<10240xi32, #tpu.memory_space<vmem_shared>> -> memref<10240xi32, #tpu.memory_space<vmem_shared>>
      tpu.enqueue_indirect_dma source(%arg7 : memref<640xi32, #tpu.memory_space<vmem>>) target(%dma_start3A_31 : memref<10240xi32, #tpu.memory_space<vmem_shared>>) offsets(%arg6 : memref<640xi32, #tpu.memory_space<vmem>>) semaphore(%run_scoped3A : memref<!tpu.dma_semaphore, #tpu.memory_space<semaphore_mem>>)
      %dma_wait3A_32 = arith.constant 0 : i32
      %dma_wait3A_33 = tpu.memref_slice %arg11[%dma_wait3A_32] : memref<10240xi32, #tpu.memory_space<vmem_shared>> -> memref<10240xi32, #tpu.memory_space<vmem_shared>>
      tpu.wait_indirect_dma semaphore(%run_scoped3A : memref<!tpu.dma_semaphore, #tpu.memory_space<semaphore_mem>>) src(%arg7 : memref<640xi32, #tpu.memory_space<vmem>>) dst(%dma_wait3A_33 : memref<10240xi32, #tpu.memory_space<vmem_shared>>)
      tpu.yield
    }) : () -> ()
    %barrier3A = arith.constant 0 : index
    tpu.barrier barrier_id(%barrier3A)
    %mul3A = arith.constant 16 : i32
    %mul3A_6 = arith.muli %arg0, %mul3A : i32
    %add3A = arith.addi %mul3A_6, %arg1 : i32
    %mul3A_7 = arith.constant 160 : i32
    %mul3A_8 = arith.muli %add3A, %mul3A_7 : i32
    "tpu.region"() ({
      %run_scoped3A = tpu.sem_alloc : memref<!tpu.dma_semaphore, #tpu.memory_space<semaphore_mem>>
      %dma_start3A_30 = tpu.memref_slice %arg11[%mul3A_8] : memref<10240xi32, #tpu.memory_space<vmem_shared>> -> memref<160xi32, #tpu.memory_space<vmem_shared>>
      %dma_start3A_31 = tpu.memref_slice %arg11[%mul3A_8] : memref<10240xi32, #tpu.memory_space<vmem_shared>> -> memref<160xi32, #tpu.memory_space<vmem_shared>>
      tpu.enqueue_dma source(%dma_start3A_31 : memref<160xi32, #tpu.memory_space<vmem_shared>>) target(%arg8 : memref<160xi32, #tpu.memory_space<vmem>>) target_semaphore(%run_scoped3A : memref<!tpu.dma_semaphore, #tpu.memory_space<semaphore_mem>>)
      %dma_wait3A_32 = tpu.memref_slice %arg11[%mul3A_8] : memref<10240xi32, #tpu.memory_space<vmem_shared>> -> memref<160xi32, #tpu.memory_space<vmem_shared>>
      %dma_wait3A_33 = tpu.memref_slice %arg11[%mul3A_8] : memref<10240xi32, #tpu.memory_space<vmem_shared>> -> memref<160xi32, #tpu.memory_space<vmem_shared>>
      tpu.wait_dma2 semaphore(%run_scoped3A : memref<!tpu.dma_semaphore, #tpu.memory_space<semaphore_mem>>) src(%dma_wait3A_33 : memref<160xi32, #tpu.memory_space<vmem_shared>>) dst(%arg8 : memref<160xi32, #tpu.memory_space<vmem>>)
      tpu.yield
    }) : () -> ()
    %dma_start3A = arith.constant 0 : i32
    %dma_start3A_9 = tpu.memref_slice %arg3[%dma_start3A] : memref<10240xf32, #tpu.memory_space<hbm>> -> memref<10240xf32, #tpu.memory_space<hbm>>
    tpu.enqueue_indirect_dma source(%dma_start3A_9 : memref<10240xf32, #tpu.memory_space<hbm>>) target(%arg9 : memref<160xf32, #tpu.memory_space<vmem>>) offsets(%arg8 : memref<160xi32, #tpu.memory_space<vmem>>) semaphore(%arg12 : memref<!tpu.dma_semaphore, #tpu.memory_space<semaphore_mem>>)
    %dma_start3A_10 = arith.constant 0 : i32
    %dma_start3A_11 = arith.constant 0 : i32
    %dma_start3A_12 = tpu.memref_slice %arg4[%dma_start3A_10, %dma_start3A_11] : memref<10000x128xf32, #tpu.memory_space<hbm>> -> memref<10000x128xf32, #tpu.memory_space<hbm>>
    tpu.enqueue_indirect_dma source(%dma_start3A_12 : memref<10000x128xf32, #tpu.memory_space<hbm>>) target(%arg10 : memref<160x128xf32, #tpu.memory_space<vmem>>) offsets(%arg8 : memref<160xi32, #tpu.memory_space<vmem>>) semaphore(%arg13 : memref<!tpu.dma_semaphore, #tpu.memory_space<semaphore_mem>>)
    %dma_wait3A = arith.constant 0 : i32
    %dma_wait3A_13 = tpu.memref_slice %arg3[%dma_wait3A] : memref<10240xf32, #tpu.memory_space<hbm>> -> memref<10240xf32, #tpu.memory_space<hbm>>
    tpu.wait_indirect_dma semaphore(%arg12 : memref<!tpu.dma_semaphore, #tpu.memory_space<semaphore_mem>>) src(%dma_wait3A_13 : memref<10240xf32, #tpu.memory_space<hbm>>) dst(%arg9 : memref<160xf32, #tpu.memory_space<vmem>>)
    %dma_wait3A_14 = arith.constant 0 : i32
    %dma_wait3A_15 = arith.constant 0 : i32
    %dma_wait3A_16 = tpu.memref_slice %arg4[%dma_wait3A_14, %dma_wait3A_15] : memref<10000x128xf32, #tpu.memory_space<hbm>> -> memref<10000x128xf32, #tpu.memory_space<hbm>>
    tpu.wait_indirect_dma semaphore(%arg13 : memref<!tpu.dma_semaphore, #tpu.memory_space<semaphore_mem>>) src(%dma_wait3A_16 : memref<10000x128xf32, #tpu.memory_space<hbm>>) dst(%arg10 : memref<160x128xf32, #tpu.memory_space<vmem>>)
    %scan3A_17 = arith.constant 0 : i32
    %scan3A_18 = arith.constant 0 : i32
    %scan3A_19 = arith.constant 10 : i32
    %scan3A_20 = arith.addi %scan3A_18, %scan3A_19 : i32
    %scan3A_21 = arith.constant 1 : i32
    %scan3A_22 = scf.for %scan3A_30 = %scan3A_18 to %scan3A_20 step %scan3A_21 iter_args(%scan3A_31 = %scan3A_17) -> (i32)  : i32 {
      %mul3A_32 = arith.constant 16 : i32
      %mul3A_33 = arith.muli %scan3A_30, %mul3A_32 : i32
      %get3A = arith.index_cast %mul3A_33 : i32 to index
      %get3A_34 = tpu.vector_load %arg9[%get3A] {strides = array<i32>} : memref<160xf32, #tpu.memory_space<vmem>>, vector<16xf32>,
      %get3A_35 = vector.shape_cast %get3A_34 : vector<16xf32> to vector<16xf32>
      %slice3A = vector.extract_strided_slice %get3A_35 {offsets = [0], sizes = [1], strides = [1]} : vector<16xf32> to vector<1xf32>
      %squeeze3A = vector.extract %slice3A[0] : f32 from vector<1xf32>
      %mul3A_36 = arith.constant 16 : i32
      %mul3A_37 = arith.muli %scan3A_30, %mul3A_36 : i32
      %add3A_38 = arith.constant 0 : i32
      %add3A_39 = arith.addi %mul3A_37, %add3A_38 : i32
      %get3A_40 = arith.index_cast %add3A_39 : i32 to index
      %get3A_41 = arith.constant 0 : index
      %get3A_42 = tpu.vector_load %arg10[%get3A_40, %get3A_41] {strides = array<i32>} : memref<160x128xf32, #tpu.memory_space<vmem>>, vector<1x16xf32>,
      %get3A_43 = vector.shape_cast %get3A_42 : vector<1x16xf32> to vector<16xf32>
      %mul3A_44 = vector.broadcast %squeeze3A : f32 to vector<16xf32>
      %mul3A_45 = arith.mulf %get3A_43, %mul3A_44 : vector<16xf32>
      %swap3A = arith.index_cast %add3A_39 : i32 to index
      %swap3A_46 = arith.constant 0 : index
      %swap3A_47 = tpu.vector_load %arg10[%swap3A, %swap3A_46] {strides = array<i32>} : memref<160x128xf32, #tpu.memory_space<vmem>>, vector<1x16xf32>,
      %swap3A_48 = vector.shape_cast %swap3A_47 : vector<1x16xf32> to vector<16xf32>
      %swap3A_49 = vector.shape_cast %mul3A_45 : vector<16xf32> to vector<1x16xf32>
      tpu.vector_store %arg10[%swap3A, %swap3A_46], %swap3A_49 {strides = array<i32>} : memref<160x128xf32, #tpu.memory_space<vmem>>, vector<1x16xf32>,
      %get3A_50 = arith.index_cast %add3A_39 : i32 to index
      %get3A_51 = arith.constant 16 : index
      %get3A_52 = tpu.vector_load %arg10[%get3A_50, %get3A_51] {strides = array<i32>} : memref<160x128xf32, #tpu.memory_space<vmem>>, vector<1x16xf32>,
      %get3A_53 = vector.shape_cast %get3A_52 : vector<1x16xf32> to vector<16xf32>
      %mul3A_54 = vector.broadcast %squeeze3A : f32 to vector<16xf32>
      %mul3A_55 = arith.mulf %get3A_53, %mul3A_54 : vector<16xf32>
      %swap3A_56 = arith.index_cast %add3A_39 : i32 to index
      %swap3A_57 = arith.constant 16 : index
      %swap3A_58 = tpu.vector_load %arg10[%swap3A_56, %swap3A_57] {strides = array<i32>} : memref<160x128xf32, #tpu.memory_space<vmem>>, vector<1x16xf32>,
      %swap3A_59 = vector.shape_cast %swap3A_58 : vector<1x16xf32> to vector<16xf32>
      %swap3A_60 = vector.shape_cast %mul3A_55 : vector<16xf32> to vector<1x16xf32>
      tpu.vector_store %arg10[%swap3A_56, %swap3A_57], %swap3A_60 {strides = array<i32>} : memref<160x128xf32, #tpu.memory_space<vmem>>, vector<1x16xf32>,
      %get3A_61 = arith.index_cast %add3A_39 : i32 to index
      %get3A_62 = arith.constant 32 : index
      %get3A_63 = tpu.vector_load %arg10[%get3A_61, %get3A_62] {strides = array<i32>} : memref<160x128xf32, #tpu.memory_space<vmem>>, vector<1x16xf32>,
      %get3A_64 = vector.shape_cast %get3A_63 : vector<1x16xf32> to vector<16xf32>
      %mul3A_65 = vector.broadcast %squeeze3A : f32 to vector<16xf32>
      %mul3A_66 = arith.mulf %get3A_64, %mul3A_65 : vector<16xf32>
      %swap3A_67 = arith.index_cast %add3A_39 : i32 to index
      %swap3A_68 = arith.constant 32 : index
      %swap3A_69 = tpu.vector_load %arg10[%swap3A_67, %swap3A_68] {strides = array<i32>} : memref<160x128xf32, #tpu.memory_space<vmem>>, vector<1x16xf32>,
      %swap3A_70 = vector.shape_cast %swap3A_69 : vector<1x16xf32> to vector<16xf32>
      %swap3A_71 = vector.shape_cast %mul3A_66 : vector<16xf32> to vector<1x16xf32>
      tpu.vector_store %arg10[%swap3A_67, %swap3A_68], %swap3A_71 {strides = array<i32>} : memref<160x128xf32, #tpu.memory_space<vmem>>, vector<1x16xf32>,
      %get3A_72 = arith.index_cast %add3A_39 : i32 to index
      %get3A_73 = arith.constant 48 : index
      %get3A_74 = tpu.vector_load %arg10[%get3A_72, %get3A_73] {strides = array<i32>} : memref<160x128xf32, #tpu.memory_space<vmem>>, vector<1x16xf32>,
      %get3A_75 = vector.shape_cast %get3A_74 : vector<1x16xf32> to vector<16xf32>
      %mul3A_76 = vector.broadcast %squeeze3A : f32 to vector<16xf32>
      %mul3A_77 = arith.mulf %get3A_75, %mul3A_76 : vector<16xf32>
      %swap3A_78 = arith.index_cast %add3A_39 : i32 to index
      %swap3A_79 = arith.constant 48 : index
      %swap3A_80 = tpu.vector_load %arg10[%swap3A_78, %swap3A_79] {strides = array<i32>} : memref<160x128xf32, #tpu.memory_space<vmem>>, vector<1x16xf32>,
      %swap3A_81 = vector.shape_cast %swap3A_80 : vector<1x16xf32> to vector<16xf32>
      %swap3A_82 = vector.shape_cast %mul3A_77 : vector<16xf32> to vector<1x16xf32>
      tpu.vector_store %arg10[%swap3A_78, %swap3A_79], %swap3A_82 {strides = array<i32>} : memref<160x128xf32, #tpu.memory_space<vmem>>, vector<1x16xf32>,
      %get3A_83 = arith.index_cast %add3A_39 : i32 to index
      %get3A_84 = arith.constant 64 : index
      %get3A_85 = tpu.vector_load %arg10[%get3A_83, %get3A_84] {strides = array<i32>} : memref<160x128xf32, #tpu.memory_space<vmem>>, vector<1x16xf32>,
      %get3A_86 = vector.shape_cast %get3A_85 : vector<1x16xf32> to vector<16xf32>
      %mul3A_87 = vector.broadcast %squeeze3A : f32 to vector<16xf32>
      %mul3A_88 = arith.mulf %get3A_86, %mul3A_87 : vector<16xf32>
      %swap3A_89 = arith.index_cast %add3A_39 : i32 to index
      %swap3A_90 = arith.constant 64 : index
      %swap3A_91 = tpu.vector_load %arg10[%swap3A_89, %swap3A_90] {strides = array<i32>} : memref<160x128xf32, #tpu.memory_space<vmem>>, vector<1x16xf32>,
      %swap3A_92 = vector.shape_cast %swap3A_91 : vector<1x16xf32> to vector<16xf32>
      %swap3A_93 = vector.shape_cast %mul3A_88 : vector<16xf32> to vector<1x16xf32>
      tpu.vector_store %arg10[%swap3A_89, %swap3A_90], %swap3A_93 {strides = array<i32>} : memref<160x128xf32, #tpu.memory_space<vmem>>, vector<1x16xf32>,
      %get3A_94 = arith.index_cast %add3A_39 : i32 to index
      %get3A_95 = arith.constant 80 : index
      %get3A_96 = tpu.vector_load %arg10[%get3A_94, %get3A_95] {strides = array<i32>} : memref<160x128xf32, #tpu.memory_space<vmem>>, vector<1x16xf32>,
      %get3A_97 = vector.shape_cast %get3A_96 : vector<1x16xf32> to vector<16xf32>
      %mul3A_98 = vector.broadcast %squeeze3A : f32 to vector<16xf32>
      %mul3A_99 = arith.mulf %get3A_97, %mul3A_98 : vector<16xf32>
      %swap3A_100 = arith.index_cast %add3A_39 : i32 to index
      %swap3A_101 = arith.constant 80 : index
      %swap3A_102 = tpu.vector_load %arg10[%swap3A_100, %swap3A_101] {strides = array<i32>} : memref<160x128xf32, #tpu.memory_space<vmem>>, vector<1x16xf32>,
      %swap3A_103 = vector.shape_cast %swap3A_102 : vector<1x16xf32> to vector<16xf32>
      %swap3A_104 = vector.shape_cast %mul3A_99 : vector<16xf32> to vector<1x16xf32>
      tpu.vector_store %arg10[%swap3A_100, %swap3A_101], %swap3A_104 {strides = array<i32>} : memref<160x128xf32, #tpu.memory_space<vmem>>, vector<1x16xf32>,
      %get3A_105 = arith.index_cast %add3A_39 : i32 to index
      %get3A_106 = arith.constant 96 : index
      %get3A_107 = tpu.vector_load %arg10[%get3A_105, %get3A_106] {strides = array<i32>} : memref<160x128xf32, #tpu.memory_space<vmem>>, vector<1x16xf32>,
      %get3A_108 = vector.shape_cast %get3A_107 : vector<1x16xf32> to vector<16xf32>
      %mul3A_109 = vector.broadcast %squeeze3A : f32 to vector<16xf32>
      %mul3A_110 = arith.mulf %get3A_108, %mul3A_109 : vector<16xf32>
      %swap3A_111 = arith.index_cast %add3A_39 : i32 to index
      %swap3A_112 = arith.constant 96 : index
      %swap3A_113 = tpu.vector_load %arg10[%swap3A_111, %swap3A_112] {strides = array<i32>} : memref<160x128xf32, #tpu.memory_space<vmem>>, vector<1x16xf32>,
      %swap3A_114 = vector.shape_cast %swap3A_113 : vector<1x16xf32> to vector<16xf32>
      %swap3A_115 = vector.shape_cast %mul3A_110 : vector<16xf32> to vector<1x16xf32>
      tpu.vector_store %arg10[%swap3A_111, %swap3A_112], %swap3A_115 {strides = array<i32>} : memref<160x128xf32, #tpu.memory_space<vmem>>, vector<1x16xf32>,
      %get3A_116 = arith.index_cast %add3A_39 : i32 to index
      %get3A_117 = arith.constant 112 : index
      %get3A_118 = tpu.vector_load %arg10[%get3A_116, %get3A_117] {strides = array<i32>} : memref<160x128xf32, #tpu.memory_space<vmem>>, vector<1x16xf32>,
      %get3A_119 = vector.shape_cast %get3A_118 : vector<1x16xf32> to vector<16xf32>
      %mul3A_120 = vector.broadcast %squeeze3A : f32 to vector<16xf32>
      %mul3A_121 = arith.mulf %get3A_119, %mul3A_120 : vector<16xf32>
      %swap3A_122 = arith.index_cast %add3A_39 : i32 to index
      %swap3A_123 = arith.constant 112 : index
      %swap3A_124 = tpu.vector_load %arg10[%swap3A_122, %swap3A_123] {strides = array<i32>} : memref<160x128xf32, #tpu.memory_space<vmem>>, vector<1x16xf32>,
      %swap3A_125 = vector.shape_cast %swap3A_124 : vector<1x16xf32> to vector<16xf32>
      %swap3A_126 = vector.shape_cast %mul3A_121 : vector<16xf32> to vector<1x16xf32>
      tpu.vector_store %arg10[%swap3A_122, %swap3A_123], %swap3A_126 {strides = array<i32>} : memref<160x128xf32, #tpu.memory_space<vmem>>, vector<1x16xf32>,
      %slice3A_127 = vector.extract_strided_slice %get3A_35 {offsets = [1], sizes = [1], strides = [1]} : vector<16xf32> to vector<1xf32>
      %squeeze3A_128 = vector.extract %slice3A_127[0] : f32 from vector<1xf32>
      %mul3A_129 = arith.constant 16 : i32
      %mul3A_130 = arith.muli %scan3A_30, %mul3A_129 : i32
      %add3A_131 = arith.constant 1 : i32
      %add3A_132 = arith.addi %mul3A_130, %add3A_131 : i32
      %get3A_133 = arith.index_cast %add3A_132 : i32 to index
      %get3A_134 = arith.constant 0 : index
      %get3A_135 = tpu.vector_load %arg10[%get3A_133, %get3A_134] {strides = array<i32>} : memref<160x128xf32, #tpu.memory_space<vmem>>, vector<1x16xf32>,
      %get3A_136 = vector.shape_cast %get3A_135 : vector<1x16xf32> to vector<16xf32>
      %mul3A_137 = vector.broadcast %squeeze3A_128 : f32 to vector<16xf32>
      %mul3A_138 = arith.mulf %get3A_136, %mul3A_137 : vector<16xf32>
      %swap3A_139 = arith.index_cast %add3A_132 : i32 to index
      %swap3A_140 = arith.constant 0 : index
      %swap3A_141 = tpu.vector_load %arg10[%swap3A_139, %swap3A_140] {strides = array<i32>} : memref<160x128xf32, #tpu.memory_space<vmem>>, vector<1x16xf32>,
      %swap3A_142 = vector.shape_cast %swap3A_141 : vector<1x16xf32> to vector<16xf32>
      %swap3A_143 = vector.shape_cast %mul3A_138 : vector<16xf32> to vector<1x16xf32>
      tpu.vector_store %arg10[%swap3A_139, %swap3A_140], %swap3A_143 {strides = array<i32>} : memref<160x128xf32, #tpu.memory_space<vmem>>, vector<1x16xf32>,
      %get3A_144 = arith.index_cast %add3A_132 : i32 to index
      %get3A_145 = arith.constant 16 : index
      %get3A_146 = tpu.vector_load %arg10[%get3A_144, %get3A_145] {strides = array<i32>} : memref<160x128xf32, #tpu.memory_space<vmem>>, vector<1x16xf32>,
      %get3A_147 = vector.shape_cast %get3A_146 : vector<1x16xf32> to vector<16xf32>
      %mul3A_148 = vector.broadcast %squeeze3A_128 : f32 to vector<16xf32>
      %mul3A_149 = arith.mulf %get3A_147, %mul3A_148 : vector<16xf32>
      %swap3A_150 = arith.index_cast %add3A_132 : i32 to index
      %swap3A_151 = arith.constant 16 : index
      %swap3A_152 = tpu.vector_load %arg10[%swap3A_150, %swap3A_151] {strides = array<i32>} : memref<160x128xf32, #tpu.memory_space<vmem>>, vector<1x16xf32>,
      %swap3A_153 = vector.shape_cast %swap3A_152 : vector<1x16xf32> to vector<16xf32>
      %swap3A_154 = vector.shape_cast %mul3A_149 : vector<16xf32> to vector<1x16xf32>
      tpu.vector_store %arg10[%swap3A_150, %swap3A_151], %swap3A_154 {strides = array<i32>} : memref<160x128xf32, #tpu.memory_space<vmem>>, vector<1x16xf32>,
      %get3A_155 = arith.index_cast %add3A_132 : i32 to index
      %get3A_156 = arith.constant 32 : index
      %get3A_157 = tpu.vector_load %arg10[%get3A_155, %get3A_156] {strides = array<i32>} : memref<160x128xf32, #tpu.memory_space<vmem>>, vector<1x16xf32>,
      %get3A_158 = vector.shape_cast %get3A_157 : vector<1x16xf32> to vector<16xf32>
      %mul3A_159 = vector.broadcast %squeeze3A_128 : f32 to vector<16xf32>
      %mul3A_160 = arith.mulf %get3A_158, %mul3A_159 : vector<16xf32>
      %swap3A_161 = arith.index_cast %add3A_132 : i32 to index
      %swap3A_162 = arith.constant 32 : index
      %swap3A_163 = tpu.vector_load %arg10[%swap3A_161, %swap3A_162] {strides = array<i32>} : memref<160x128xf32, #tpu.memory_space<vmem>>, vector<1x16xf32>,
      %swap3A_164 = vector.shape_cast %swap3A_163 : vector<1x16xf32> to vector<16xf32>
      %swap3A_165 = vector.shape_cast %mul3A_160 : vector<16xf32> to vector<1x16xf32>
      tpu.vector_store %arg10[%swap3A_161, %swap3A_162], %swap3A_165 {strides = array<i32>} : memref<160x128xf32, #tpu.memory_space<vmem>>, vector<1x16xf32>,
      %get3A_166 = arith.index_cast %add3A_132 : i32 to index
      %get3A_167 = arith.constant 48 : index
      %get3A_168 = tpu.vector_load %arg10[%get3A_166, %get3A_167] {strides = array<i32>} : memref<160x128xf32, #tpu.memory_space<vmem>>, vector<1x16xf32>,
      %get3A_169 = vector.shape_cast %get3A_168 : vector<1x16xf32> to vector<16xf32>
      %mul3A_170 = vector.broadcast %squeeze3A_128 : f32 to vector<16xf32>
      %mul3A_171 = arith.mulf %get3A_169, %mul3A_170 : vector<16xf32>
      %swap3A_172 = arith.index_cast %add3A_132 : i32 to index
      %swap3A_173 = arith.constant 48 : index
      %swap3A_174 = tpu.vector_load %arg10[%swap3A_172, %swap3A_173] {strides = array<i32>} : memref<160x128xf32, #tpu.memory_space<vmem>>, vector<1x16xf32>,
      %swap3A_175 = vector.shape_cast %swap3A_174 : vector<1x16xf32> to vector<16xf32>
      %swap3A_176 = vector.shape_cast %mul3A_171 : vector<16xf32> to vector<1x16xf32>
      tpu.vector_store %arg10[%swap3A_172, %swap3A_173], %swap3A_176 {strides = array<i32>} : memref<160x128xf32, #tpu.memory_space<vmem>>, vector<1x16xf32>,
      %get3A_177 = arith.index_cast %add3A_132 : i32 to index
      %get3A_178 = arith.constant 64 : index
      %get3A_179 = tpu.vector_load %arg10[%get3A_177, %get3A_178] {strides = array<i32>} : memref<160x128xf32, #tpu.memory_space<vmem>>, vector<1x16xf32>,
      %get3A_180 = vector.shape_cast %get3A_179 : vector<1x16xf32> to vector<16xf32>
      %mul3A_181 = vector.broadcast %squeeze3A_128 : f32 to vector<16xf32>
      %mul3A_182 = arith.mulf %get3A_180, %mul3A_181 : vector<16xf32>
      %swap3A_183 = arith.index_cast %add3A_132 : i32 to index
      %swap3A_184 = arith.constant 64 : index
      %swap3A_185 = tpu.vector_load %arg10[%swap3A_183, %swap3A_184] {strides = array<i32>} : memref<160x128xf32, #tpu.memory_space<vmem>>, vector<1x16xf32>,
      %swap3A_186 = vector.shape_cast %swap3A_185 : vector<1x16xf32> to vector<16xf32>
      %swap3A_187 = vector.shape_cast %mul3A_182 : vector<16xf32> to vector<1x16xf32>
      tpu.vector_store %arg10[%swap3A_183, %swap3A_184], %swap3A_187 {strides = array<i32>} : memref<160x128xf32, #tpu.memory_space<vmem>>, vector<1x16xf32>,
      %get3A_188 = arith.index_cast %add3A_132 : i32 to index
      %get3A_189 = arith.constant 80 : index
      %get3A_190 = tpu.vector_load %arg10[%get3A_188, %get3A_189] {strides = array<i32>} : memref<160x128xf32, #tpu.memory_space<vmem>>, vector<1x16xf32>,
      %get3A_191 = vector.shape_cast %get3A_190 : vector<1x16xf32> to vector<16xf32>
      %mul3A_192 = vector.broadcast %squeeze3A_128 : f32 to vector<16xf32>
      %mul3A_193 = arith.mulf %get3A_191, %mul3A_192 : vector<16xf32>
      %swap3A_194 = arith.index_cast %add3A_132 : i32 to index
      %swap3A_195 = arith.constant 80 : index
      %swap3A_196 = tpu.vector_load %arg10[%swap3A_194, %swap3A_195] {strides = array<i32>} : memref<160x128xf32, #tpu.memory_space<vmem>>, vector<1x16xf32>,
      %swap3A_197 = vector.shape_cast %swap3A_196 : vector<1x16xf32> to vector<16xf32>
      %swap3A_198 = vector.shape_cast %mul3A_193 : vector<16xf32> to vector<1x16xf32>
      tpu.vector_store %arg10[%swap3A_194, %swap3A_195], %swap3A_198 {strides = array<i32>} : memref<160x128xf32, #tpu.memory_space<vmem>>, vector<1x16xf32>,
      %get3A_199 = arith.index_cast %add3A_132 : i32 to index
      %get3A_200 = arith.constant 96 : index
      %get3A_201 = tpu.vector_load %arg10[%get3A_199, %get3A_200] {strides = array<i32>} : memref<160x128xf32, #tpu.memory_space<vmem>>, vector<1x16xf32>,
      %get3A_202 = vector.shape_cast %get3A_201 : vector<1x16xf32> to vector<16xf32>
      %mul3A_203 = vector.broadcast %squeeze3A_128 : f32 to vector<16xf32>
      %mul3A_204 = arith.mulf %get3A_202, %mul3A_203 : vector<16xf32>
      %swap3A_205 = arith.index_cast %add3A_132 : i32 to index
      %swap3A_206 = arith.constant 96 : index
      %swap3A_207 = tpu.vector_load %arg10[%swap3A_205, %swap3A_206] {strides = array<i32>} : memref<160x128xf32, #tpu.memory_space<vmem>>, vector<1x16xf32>,
      %swap3A_208 = vector.shape_cast %swap3A_207 : vector<1x16xf32> to vector<16xf32>
      %swap3A_209 = vector.shape_cast %mul3A_204 : vector<16xf32> to vector<1x16xf32>
      tpu.vector_store %arg10[%swap3A_205, %swap3A_206], %swap3A_209 {strides = array<i32>} : memref<160x128xf32, #tpu.memory_space<vmem>>, vector<1x16xf32>,
      %get3A_210 = arith.index_cast %add3A_132 : i32 to index
      %get3A_211 = arith.constant 112 : index
      %get3A_212 = tpu.vector_load %arg10[%get3A_210, %get3A_211] {strides = array<i32>} : memref<160x128xf32, #tpu.memory_space<vmem>>, vector<1x16xf32>,
      %get3A_213 = vector.shape_cast %get3A_212 : vector<1x16xf32> to vector<16xf32>
      %mul3A_214 = vector.broadcast %squeeze3A_128 : f32 to vector<16xf32>
      %mul3A_215 = arith.mulf %get3A_213, %mul3A_214 : vector<16xf32>
      %swap3A_216 = arith.index_cast %add3A_132 : i32 to index
      %swap3A_217 = arith.constant 112 : index
      %swap3A_218 = tpu.vector_load %arg10[%swap3A_216, %swap3A_217] {strides = array<i32>} : memref<160x128xf32, #tpu.memory_space<vmem>>, vector<1x16xf32>,
      %swap3A_219 = vector.shape_cast %swap3A_218 : vector<1x16xf32> to vector<16xf32>
      %swap3A_220 = vector.shape_cast %mul3A_215 : vector<16xf32> to vector<1x16xf32>
      tpu.vector_store %arg10[%swap3A_216, %swap3A_217], %swap3A_220 {strides = array<i32>} : memref<160x128xf32, #tpu.memory_space<vmem>>, vector<1x16xf32>,
      %slice3A_221 = vector.extract_strided_slice %get3A_35 {offsets = [2], sizes = [1], strides = [1]} : vector<16xf32> to vector<1xf32>
      %squeeze3A_222 = vector.extract %slice3A_221[0] : f32 from vector<1xf32>
      %mul3A_223 = arith.constant 16 : i32
      %mul3A_224 = arith.muli %scan3A_30, %mul3A_223 : i32
      %add3A_225 = arith.constant 2 : i32
      %add3A_226 = arith.addi %mul3A_224, %add3A_225 : i32
      %get3A_227 = arith.index_cast %add3A_226 : i32 to index
      %get3A_228 = arith.constant 0 : index
      %get3A_229 = tpu.vector_load %arg10[%get3A_227, %get3A_228] {strides = array<i32>} : memref<160x128xf32, #tpu.memory_space<vmem>>, vector<1x16xf32>,
      %get3A_230 = vector.shape_cast %get3A_229 : vector<1x16xf32> to vector<16xf32>
      %mul3A_231 = vector.broadcast %squeeze3A_222 : f32 to vector<16xf32>
      %mul3A_232 = arith.mulf %get3A_230, %mul3A_231 : vector<16xf32>
      %swap3A_233 = arith.index_cast %add3A_226 : i32 to index
      %swap3A_234 = arith.constant 0 : index
      %swap3A_235 = tpu.vector_load %arg10[%swap3A_233, %swap3A_234] {strides = array<i32>} : memref<160x128xf32, #tpu.memory_space<vmem>>, vector<1x16xf32>,
      %swap3A_236 = vector.shape_cast %swap3A_235 : vector<1x16xf32> to vector<16xf32>
      %swap3A_237 = vector.shape_cast %mul3A_232 : vector<16xf32> to vector<1x16xf32>
      tpu.vector_store %arg10[%swap3A_233, %swap3A_234], %swap3A_237 {strides = array<i32>} : memref<160x128xf32, #tpu.memory_space<vmem>>, vector<1x16xf32>,
      %get3A_238 = arith.index_cast %add3A_226 : i32 to index
      %get3A_239 = arith.constant 16 : index
      %get3A_240 = tpu.vector_load %arg10[%get3A_238, %get3A_239] {strides = array<i32>} : memref<160x128xf32, #tpu.memory_space<vmem>>, vector<1x16xf32>,
      %get3A_241 = vector.shape_cast %get3A_240 : vector<1x16xf32> to vector<16xf32>
      %mul3A_242 = vector.broadcast %squeeze3A_222 : f32 to vector<16xf32>
      %mul3A_243 = arith.mulf %get3A_241, %mul3A_242 : vector<16xf32>
      %swap3A_244 = arith.index_cast %add3A_226 : i32 to index
      %swap3A_245 = arith.constant 16 : index
      %swap3A_246 = tpu.vector_load %arg10[%swap3A_244, %swap3A_245] {strides = array<i32>} : memref<160x128xf32, #tpu.memory_space<vmem>>, vector<1x16xf32>,
      %swap3A_247 = vector.shape_cast %swap3A_246 : vector<1x16xf32> to vector<16xf32>
      %swap3A_248 = vector.shape_cast %mul3A_243 : vector<16xf32> to vector<1x16xf32>
      tpu.vector_store %arg10[%swap3A_244, %swap3A_245], %swap3A_248 {strides = array<i32>} : memref<160x128xf32, #tpu.memory_space<vmem>>, vector<1x16xf32>,
      %get3A_249 = arith.index_cast %add3A_226 : i32 to index
      %get3A_250 = arith.constant 32 : index
      %get3A_251 = tpu.vector_load %arg10[%get3A_249, %get3A_250] {strides = array<i32>} : memref<160x128xf32, #tpu.memory_space<vmem>>, vector<1x16xf32>,
      %get3A_252 = vector.shape_cast %get3A_251 : vector<1x16xf32> to vector<16xf32>
      %mul3A_253 = vector.broadcast %squeeze3A_222 : f32 to vector<16xf32>
      %mul3A_254 = arith.mulf %get3A_252, %mul3A_253 : vector<16xf32>
      %swap3A_255 = arith.index_cast %add3A_226 : i32 to index
      %swap3A_256 = arith.constant 32 : index
      %swap3A_257 = tpu.vector_load %arg10[%swap3A_255, %swap3A_256] {strides = array<i32>} : memref<160x128xf32, #tpu.memory_space<vmem>>, vector<1x16xf32>,
      %swap3A_258 = vector.shape_cast %swap3A_257 : vector<1x16xf32> to vector<16xf32>
      %swap3A_259 = vector.shape_cast %mul3A_254 : vector<16xf32> to vector<1x16xf32>
      tpu.vector_store %arg10[%swap3A_255, %swap3A_256], %swap3A_259 {strides = array<i32>} : memref<160x128xf32, #tpu.memory_space<vmem>>, vector<1x16xf32>,
      %get3A_260 = arith.index_cast %add3A_226 : i32 to index
      %get3A_261 = arith.constant 48 : index
      %get3A_262 = tpu.vector_load %arg10[%get3A_260, %get3A_261] {strides = array<i32>} : memref<160x128xf32, #tpu.memory_space<vmem>>, vector<1x16xf32>,
      %get3A_263 = vector.shape_cast %get3A_262 : vector<1x16xf32> to vector<16xf32>
      %mul3A_264 = vector.broadcast %squeeze3A_222 : f32 to vector<16xf32>
      %mul3A_265 = arith.mulf %get3A_263, %mul3A_264 : vector<16xf32>
      %swap3A_266 = arith.index_cast %add3A_226 : i32 to index
      %swap3A_267 = arith.constant 48 : index
      %swap3A_268 = tpu.vector_load %arg10[%swap3A_266, %swap3A_267] {strides = array<i32>} : memref<160x128xf32, #tpu.memory_space<vmem>>, vector<1x16xf32>,
      %swap3A_269 = vector.shape_cast %swap3A_268 : vector<1x16xf32> to vector<16xf32>
      %swap3A_270 = vector.shape_cast %mul3A_265 : vector<16xf32> to vector<1x16xf32>
      tpu.vector_store %arg10[%swap3A_266, %swap3A_267], %swap3A_270 {strides = array<i32>} : memref<160x128xf32, #tpu.memory_space<vmem>>, vector<1x16xf32>,
      %get3A_271 = arith.index_cast %add3A_226 : i32 to index
      %get3A_272 = arith.constant 64 : index
      %get3A_273 = tpu.vector_load %arg10[%get3A_271, %get3A_272] {strides = array<i32>} : memref<160x128xf32, #tpu.memory_space<vmem>>, vector<1x16xf32>,
      %get3A_274 = vector.shape_cast %get3A_273 : vector<1x16xf32> to vector<16xf32>
      %mul3A_275 = vector.broadcast %squeeze3A_222 : f32 to vector<16xf32>
      %mul3A_276 = arith.mulf %get3A_274, %mul3A_275 : vector<16xf32>
      %swap3A_277 = arith.index_cast %add3A_226 : i32 to index
      %swap3A_278 = arith.constant 64 : index
      %swap3A_279 = tpu.vector_load %arg10[%swap3A_277, %swap3A_278] {strides = array<i32>} : memref<160x128xf32, #tpu.memory_space<vmem>>, vector<1x16xf32>,
      %swap3A_280 = vector.shape_cast %swap3A_279 : vector<1x16xf32> to vector<16xf32>
      %swap3A_281 = vector.shape_cast %mul3A_276 : vector<16xf32> to vector<1x16xf32>
      tpu.vector_store %arg10[%swap3A_277, %swap3A_278], %swap3A_281 {strides = array<i32>} : memref<160x128xf32, #tpu.memory_space<vmem>>, vector<1x16xf32>,
      %get3A_282 = arith.index_cast %add3A_226 : i32 to index
      %get3A_283 = arith.constant 80 : index
      %get3A_284 = tpu.vector_load %arg10[%get3A_282, %get3A_283] {strides = array<i32>} : memref<160x128xf32, #tpu.memory_space<vmem>>, vector<1x16xf32>,
      %get3A_285 = vector.shape_cast %get3A_284 : vector<1x16xf32> to vector<16xf32>
      %mul3A_286 = vector.broadcast %squeeze3A_222 : f32 to vector<16xf32>
      %mul3A_287 = arith.mulf %get3A_285, %mul3A_286 : vector<16xf32>
      %swap3A_288 = arith.index_cast %add3A_226 : i32 to index
      %swap3A_289 = arith.constant 80 : index
      %swap3A_290 = tpu.vector_load %arg10[%swap3A_288, %swap3A_289] {strides = array<i32>} : memref<160x128xf32, #tpu.memory_space<vmem>>, vector<1x16xf32>,
      %swap3A_291 = vector.shape_cast %swap3A_290 : vector<1x16xf32> to vector<16xf32>
      %swap3A_292 = vector.shape_cast %mul3A_287 : vector<16xf32> to vector<1x16xf32>
      tpu.vector_store %arg10[%swap3A_288, %swap3A_289], %swap3A_292 {strides = array<i32>} : memref<160x128xf32, #tpu.memory_space<vmem>>, vector<1x16xf32>,
      %get3A_293 = arith.index_cast %add3A_226 : i32 to index
      %get3A_294 = arith.constant 96 : index
      %get3A_295 = tpu.vector_load %arg10[%get3A_293, %get3A_294] {strides = array<i32>} : memref<160x128xf32, #tpu.memory_space<vmem>>, vector<1x16xf32>,
      %get3A_296 = vector.shape_cast %get3A_295 : vector<1x16xf32> to vector<16xf32>
      %mul3A_297 = vector.broadcast %squeeze3A_222 : f32 to vector<16xf32>
      %mul3A_298 = arith.mulf %get3A_296, %mul3A_297 : vector<16xf32>
      %swap3A_299 = arith.index_cast %add3A_226 : i32 to index
      %swap3A_300 = arith.constant 96 : index
      %swap3A_301 = tpu.vector_load %arg10[%swap3A_299, %swap3A_300] {strides = array<i32>} : memref<160x128xf32, #tpu.memory_space<vmem>>, vector<1x16xf32>,
      %swap3A_302 = vector.shape_cast %swap3A_301 : vector<1x16xf32> to vector<16xf32>
      %swap3A_303 = vector.shape_cast %mul3A_298 : vector<16xf32> to vector<1x16xf32>
      tpu.vector_store %arg10[%swap3A_299, %swap3A_300], %swap3A_303 {strides = array<i32>} : memref<160x128xf32, #tpu.memory_space<vmem>>, vector<1x16xf32>,
      %get3A_304 = arith.index_cast %add3A_226 : i32 to index
      %get3A_305 = arith.constant 112 : index
      %get3A_306 = tpu.vector_load %arg10[%get3A_304, %get3A_305] {strides = array<i32>} : memref<160x128xf32, #tpu.memory_space<vmem>>, vector<1x16xf32>,
      %get3A_307 = vector.shape_cast %get3A_306 : vector<1x16xf32> to vector<16xf32>
      %mul3A_308 = vector.broadcast %squeeze3A_222 : f32 to vector<16xf32>
      %mul3A_309 = arith.mulf %get3A_307, %mul3A_308 : vector<16xf32>
      %swap3A_310 = arith.index_cast %add3A_226 : i32 to index
      %swap3A_311 = arith.constant 112 : index
      %swap3A_312 = tpu.vector_load %arg10[%swap3A_310, %swap3A_311] {strides = array<i32>} : memref<160x128xf32, #tpu.memory_space<vmem>>, vector<1x16xf32>,
      %swap3A_313 = vector.shape_cast %swap3A_312 : vector<1x16xf32> to vector<16xf32>
      %swap3A_314 = vector.shape_cast %mul3A_309 : vector<16xf32> to vector<1x16xf32>
      tpu.vector_store %arg10[%swap3A_310, %swap3A_311], %swap3A_314 {strides = array<i32>} : memref<160x128xf32, #tpu.memory_space<vmem>>, vector<1x16xf32>,
      %slice3A_315 = vector.extract_strided_slice %get3A_35 {offsets = [3], sizes = [1], strides = [1]} : vector<16xf32> to vector<1xf32>
      %squeeze3A_316 = vector.extract %slice3A_315[0] : f32 from vector<1xf32>
      %mul3A_317 = arith.constant 16 : i32
      %mul3A_318 = arith.muli %scan3A_30, %mul3A_317 : i32
      %add3A_319 = arith.constant 3 : i32
      %add3A_320 = arith.addi %mul3A_318, %add3A_319 : i32
      %get3A_321 = arith.index_cast %add3A_320 : i32 to index
      %get3A_322 = arith.constant 0 : index
      %get3A_323 = tpu.vector_load %arg10[%get3A_321, %get3A_322] {strides = array<i32>} : memref<160x128xf32, #tpu.memory_space<vmem>>, vector<1x16xf32>,
      %get3A_324 = vector.shape_cast %get3A_323 : vector<1x16xf32> to vector<16xf32>
      %mul3A_325 = vector.broadcast %squeeze3A_316 : f32 to vector<16xf32>
      %mul3A_326 = arith.mulf %get3A_324, %mul3A_325 : vector<16xf32>
      %swap3A_327 = arith.index_cast %add3A_320 : i32 to index
      %swap3A_328 = arith.constant 0 : index
      %swap3A_329 = tpu.vector_load %arg10[%swap3A_327, %swap3A_328] {strides = array<i32>} : memref<160x128xf32, #tpu.memory_space<vmem>>, vector<1x16xf32>,
      %swap3A_330 = vector.shape_cast %swap3A_329 : vector<1x16xf32> to vector<16xf32>
      %swap3A_331 = vector.shape_cast %mul3A_326 : vector<16xf32> to vector<1x16xf32>
      tpu.vector_store %arg10[%swap3A_327, %swap3A_328], %swap3A_331 {strides = array<i32>} : memref<160x128xf32, #tpu.memory_space<vmem>>, vector<1x16xf32>,
      %get3A_332 = arith.index_cast %add3A_320 : i32 to index
      %get3A_333 = arith.constant 16 : index
      %get3A_334 = tpu.vector_load %arg10[%get3A_332, %get3A_333] {strides = array<i32>} : memref<160x128xf32, #tpu.memory_space<vmem>>, vector<1x16xf32>,
      %get3A_335 = vector.shape_cast %get3A_334 : vector<1x16xf32> to vector<16xf32>
      %mul3A_336 = vector.broadcast %squeeze3A_316 : f32 to vector<16xf32>
      %mul3A_337 = arith.mulf %get3A_335, %mul3A_336 : vector<16xf32>
      %swap3A_338 = arith.index_cast %add3A_320 : i32 to index
      %swap3A_339 = arith.constant 16 : index
      %swap3A_340 = tpu.vector_load %arg10[%swap3A_338, %swap3A_339] {strides = array<i32>} : memref<160x128xf32, #tpu.memory_space<vmem>>, vector<1x16xf32>,
      %swap3A_341 = vector.shape_cast %swap3A_340 : vector<1x16xf32> to vector<16xf32>
      %swap3A_342 = vector.shape_cast %mul3A_337 : vector<16xf32> to vector<1x16xf32>
      tpu.vector_store %arg10[%swap3A_338, %swap3A_339], %swap3A_342 {strides = array<i32>} : memref<160x128xf32, #tpu.memory_space<vmem>>, vector<1x16xf32>,
      %get3A_343 = arith.index_cast %add3A_320 : i32 to index
      %get3A_344 = arith.constant 32 : index
      %get3A_345 = tpu.vector_load %arg10[%get3A_343, %get3A_344] {strides = array<i32>} : memref<160x128xf32, #tpu.memory_space<vmem>>, vector<1x16xf32>,
      %get3A_346 = vector.shape_cast %get3A_345 : vector<1x16xf32> to vector<16xf32>
      %mul3A_347 = vector.broadcast %squeeze3A_316 : f32 to vector<16xf32>
      %mul3A_348 = arith.mulf %get3A_346, %mul3A_347 : vector<16xf32>
      %swap3A_349 = arith.index_cast %add3A_320 : i32 to index
      %swap3A_350 = arith.constant 32 : index
      %swap3A_351 = tpu.vector_load %arg10[%swap3A_349, %swap3A_350] {strides = array<i32>} : memref<160x128xf32, #tpu.memory_space<vmem>>, vector<1x16xf32>,
      %swap3A_352 = vector.shape_cast %swap3A_351 : vector<1x16xf32> to vector<16xf32>
      %swap3A_353 = vector.shape_cast %mul3A_348 : vector<16xf32> to vector<1x16xf32>
      tpu.vector_store %arg10[%swap3A_349, %swap3A_350], %swap3A_353 {strides = array<i32>} : memref<160x128xf32, #tpu.memory_space<vmem>>, vector<1x16xf32>,
      %get3A_354 = arith.index_cast %add3A_320 : i32 to index
      %get3A_355 = arith.constant 48 : index
      %get3A_356 = tpu.vector_load %arg10[%get3A_354, %get3A_355] {strides = array<i32>} : memref<160x128xf32, #tpu.memory_space<vmem>>, vector<1x16xf32>,
      %get3A_357 = vector.shape_cast %get3A_356 : vector<1x16xf32> to vector<16xf32>
      %mul3A_358 = vector.broadcast %squeeze3A_316 : f32 to vector<16xf32>
      %mul3A_359 = arith.mulf %get3A_357, %mul3A_358 : vector<16xf32>
      %swap3A_360 = arith.index_cast %add3A_320 : i32 to index
      %swap3A_361 = arith.constant 48 : index
      %swap3A_362 = tpu.vector_load %arg10[%swap3A_360, %swap3A_361] {strides = array<i32>} : memref<160x128xf32, #tpu.memory_space<vmem>>, vector<1x16xf32>,
      %swap3A_363 = vector.shape_cast %swap3A_362 : vector<1x16xf32> to vector<16xf32>
      %swap3A_364 = vector.shape_cast %mul3A_359 : vector<16xf32> to vector<1x16xf32>
      tpu.vector_store %arg10[%swap3A_360, %swap3A_361], %swap3A_364 {strides = array<i32>} : memref<160x128xf32, #tpu.memory_space<vmem>>, vector<1x16xf32>,
      %get3A_365 = arith.index_cast %add3A_320 : i32 to index
      %get3A_366 = arith.constant 64 : index
      %get3A_367 = tpu.vector_load %arg10[%get3A_365, %get3A_366] {strides = array<i32>} : memref<160x128xf32, #tpu.memory_space<vmem>>, vector<1x16xf32>,
      %get3A_368 = vector.shape_cast %get3A_367 : vector<1x16xf32> to vector<16xf32>
      %mul3A_369 = vector.broadcast %squeeze3A_316 : f32 to vector<16xf32>
      %mul3A_370 = arith.mulf %get3A_368, %mul3A_369 : vector<16xf32>
      %swap3A_371 = arith.index_cast %add3A_320 : i32 to index
      %swap3A_372 = arith.constant 64 : index
      %swap3A_373 = tpu.vector_load %arg10[%swap3A_371, %swap3A_372] {strides = array<i32>} : memref<160x128xf32, #tpu.memory_space<vmem>>, vector<1x16xf32>,
      %swap3A_374 = vector.shape_cast %swap3A_373 : vector<1x16xf32> to vector<16xf32>
      %swap3A_375 = vector.shape_cast %mul3A_370 : vector<16xf32> to vector<1x16xf32>
      tpu.vector_store %arg10[%swap3A_371, %swap3A_372], %swap3A_375 {strides = array<i32>} : memref<160x128xf32, #tpu.memory_space<vmem>>, vector<1x16xf32>,
      %get3A_376 = arith.index_cast %add3A_320 : i32 to index
      %get3A_377 = arith.constant 80 : index
      %get3A_378 = tpu.vector_load %arg10[%get3A_376, %get3A_377] {strides = array<i32>} : memref<160x128xf32, #tpu.memory_space<vmem>>, vector<1x16xf32>,
      %get3A_379 = vector.shape_cast %get3A_378 : vector<1x16xf32> to vector<16xf32>
      %mul3A_380 = vector.broadcast %squeeze3A_316 : f32 to vector<16xf32>
      %mul3A_381 = arith.mulf %get3A_379, %mul3A_380 : vector<16xf32>
      %swap3A_382 = arith.index_cast %add3A_320 : i32 to index
      %swap3A_383 = arith.constant 80 : index
      %swap3A_384 = tpu.vector_load %arg10[%swap3A_382, %swap3A_383] {strides = array<i32>} : memref<160x128xf32, #tpu.memory_space<vmem>>, vector<1x16xf32>,
      %swap3A_385 = vector.shape_cast %swap3A_384 : vector<1x16xf32> to vector<16xf32>
      %swap3A_386 = vector.shape_cast %mul3A_381 : vector<16xf32> to vector<1x16xf32>
      tpu.vector_store %arg10[%swap3A_382, %swap3A_383], %swap3A_386 {strides = array<i32>} : memref<160x128xf32, #tpu.memory_space<vmem>>, vector<1x16xf32>,
      %get3A_387 = arith.index_cast %add3A_320 : i32 to index
      %get3A_388 = arith.constant 96 : index
      %get3A_389 = tpu.vector_load %arg10[%get3A_387, %get3A_388] {strides = array<i32>} : memref<160x128xf32, #tpu.memory_space<vmem>>, vector<1x16xf32>,
      %get3A_390 = vector.shape_cast %get3A_389 : vector<1x16xf32> to vector<16xf32>
      %mul3A_391 = vector.broadcast %squeeze3A_316 : f32 to vector<16xf32>
      %mul3A_392 = arith.mulf %get3A_390, %mul3A_391 : vector<16xf32>
      %swap3A_393 = arith.index_cast %add3A_320 : i32 to index
      %swap3A_394 = arith.constant 96 : index
      %swap3A_395 = tpu.vector_load %arg10[%swap3A_393, %swap3A_394] {strides = array<i32>} : memref<160x128xf32, #tpu.memory_space<vmem>>, vector<1x16xf32>,
      %swap3A_396 = vector.shape_cast %swap3A_395 : vector<1x16xf32> to vector<16xf32>
      %swap3A_397 = vector.shape_cast %mul3A_392 : vector<16xf32> to vector<1x16xf32>
      tpu.vector_store %arg10[%swap3A_393, %swap3A_394], %swap3A_397 {strides = array<i32>} : memref<160x128xf32, #tpu.memory_space<vmem>>, vector<1x16xf32>,
      %get3A_398 = arith.index_cast %add3A_320 : i32 to index
      %get3A_399 = arith.constant 112 : index
      %get3A_400 = tpu.vector_load %arg10[%get3A_398, %get3A_399] {strides = array<i32>} : memref<160x128xf32, #tpu.memory_space<vmem>>, vector<1x16xf32>,
      %get3A_401 = vector.shape_cast %get3A_400 : vector<1x16xf32> to vector<16xf32>
      %mul3A_402 = vector.broadcast %squeeze3A_316 : f32 to vector<16xf32>
      %mul3A_403 = arith.mulf %get3A_401, %mul3A_402 : vector<16xf32>
      %swap3A_404 = arith.index_cast %add3A_320 : i32 to index
      %swap3A_405 = arith.constant 112 : index
      %swap3A_406 = tpu.vector_load %arg10[%swap3A_404, %swap3A_405] {strides = array<i32>} : memref<160x128xf32, #tpu.memory_space<vmem>>, vector<1x16xf32>,
      %swap3A_407 = vector.shape_cast %swap3A_406 : vector<1x16xf32> to vector<16xf32>
      %swap3A_408 = vector.shape_cast %mul3A_403 : vector<16xf32> to vector<1x16xf32>
      tpu.vector_store %arg10[%swap3A_404, %swap3A_405], %swap3A_408 {strides = array<i32>} : memref<160x128xf32, #tpu.memory_space<vmem>>, vector<1x16xf32>,
      %slice3A_409 = vector.extract_strided_slice %get3A_35 {offsets = [4], sizes = [1], strides = [1]} : vector<16xf32> to vector<1xf32>
      %squeeze3A_410 = vector.extract %slice3A_409[0] : f32 from vector<1xf32>
      %mul3A_411 = arith.constant 16 : i32
      %mul3A_412 = arith.muli %scan3A_30, %mul3A_411 : i32
      %add3A_413 = arith.constant 4 : i32
      %add3A_414 = arith.addi %mul3A_412, %add3A_413 : i32
      %get3A_415 = arith.index_cast %add3A_414 : i32 to index
      %get3A_416 = arith.constant 0 : index
      %get3A_417 = tpu.vector_load %arg10[%get3A_415, %get3A_416] {strides = array<i32>} : memref<160x128xf32, #tpu.memory_space<vmem>>, vector<1x16xf32>,
      %get3A_418 = vector.shape_cast %get3A_417 : vector<1x16xf32> to vector<16xf32>
      %mul3A_419 = vector.broadcast %squeeze3A_410 : f32 to vector<16xf32>
      %mul3A_420 = arith.mulf %get3A_418, %mul3A_419 : vector<16xf32>
      %swap3A_421 = arith.index_cast %add3A_414 : i32 to index
      %swap3A_422 = arith.constant 0 : index
      %swap3A_423 = tpu.vector_load %arg10[%swap3A_421, %swap3A_422] {strides = array<i32>} : memref<160x128xf32, #tpu.memory_space<vmem>>, vector<1x16xf32>,
      %swap3A_424 = vector.shape_cast %swap3A_423 : vector<1x16xf32> to vector<16xf32>
      %swap3A_425 = vector.shape_cast %mul3A_420 : vector<16xf32> to vector<1x16xf32>
      tpu.vector_store %arg10[%swap3A_421, %swap3A_422], %swap3A_425 {strides = array<i32>} : memref<160x128xf32, #tpu.memory_space<vmem>>, vector<1x16xf32>,
      %get3A_426 = arith.index_cast %add3A_414 : i32 to index
      %get3A_427 = arith.constant 16 : index
      %get3A_428 = tpu.vector_load %arg10[%get3A_426, %get3A_427] {strides = array<i32>} : memref<160x128xf32, #tpu.memory_space<vmem>>, vector<1x16xf32>,
      %get3A_429 = vector.shape_cast %get3A_428 : vector<1x16xf32> to vector<16xf32>
      %mul3A_430 = vector.broadcast %squeeze3A_410 : f32 to vector<16xf32>
      %mul3A_431 = arith.mulf %get3A_429, %mul3A_430 : vector<16xf32>
      %swap3A_432 = arith.index_cast %add3A_414 : i32 to index
      %swap3A_433 = arith.constant 16 : index
      %swap3A_434 = tpu.vector_load %arg10[%swap3A_432, %swap3A_433] {strides = array<i32>} : memref<160x128xf32, #tpu.memory_space<vmem>>, vector<1x16xf32>,
      %swap3A_435 = vector.shape_cast %swap3A_434 : vector<1x16xf32> to vector<16xf32>
      %swap3A_436 = vector.shape_cast %mul3A_431 : vector<16xf32> to vector<1x16xf32>
      tpu.vector_store %arg10[%swap3A_432, %swap3A_433], %swap3A_436 {strides = array<i32>} : memref<160x128xf32, #tpu.memory_space<vmem>>, vector<1x16xf32>,
      %get3A_437 = arith.index_cast %add3A_414 : i32 to index
      %get3A_438 = arith.constant 32 : index
      %get3A_439 = tpu.vector_load %arg10[%get3A_437, %get3A_438] {strides = array<i32>} : memref<160x128xf32, #tpu.memory_space<vmem>>, vector<1x16xf32>,
      %get3A_440 = vector.shape_cast %get3A_439 : vector<1x16xf32> to vector<16xf32>
      %mul3A_441 = vector.broadcast %squeeze3A_410 : f32 to vector<16xf32>
      %mul3A_442 = arith.mulf %get3A_440, %mul3A_441 : vector<16xf32>
      %swap3A_443 = arith.index_cast %add3A_414 : i32 to index
      %swap3A_444 = arith.constant 32 : index
      %swap3A_445 = tpu.vector_load %arg10[%swap3A_443, %swap3A_444] {strides = array<i32>} : memref<160x128xf32, #tpu.memory_space<vmem>>, vector<1x16xf32>,
      %swap3A_446 = vector.shape_cast %swap3A_445 : vector<1x16xf32> to vector<16xf32>
      %swap3A_447 = vector.shape_cast %mul3A_442 : vector<16xf32> to vector<1x16xf32>
      tpu.vector_store %arg10[%swap3A_443, %swap3A_444], %swap3A_447 {strides = array<i32>} : memref<160x128xf32, #tpu.memory_space<vmem>>, vector<1x16xf32>,
      %get3A_448 = arith.index_cast %add3A_414 : i32 to index
      %get3A_449 = arith.constant 48 : index
      %get3A_450 = tpu.vector_load %arg10[%get3A_448, %get3A_449] {strides = array<i32>} : memref<160x128xf32, #tpu.memory_space<vmem>>, vector<1x16xf32>,
      %get3A_451 = vector.shape_cast %get3A_450 : vector<1x16xf32> to vector<16xf32>
      %mul3A_452 = vector.broadcast %squeeze3A_410 : f32 to vector<16xf32>
      %mul3A_453 = arith.mulf %get3A_451, %mul3A_452 : vector<16xf32>
      %swap3A_454 = arith.index_cast %add3A_414 : i32 to index
      %swap3A_455 = arith.constant 48 : index
      %swap3A_456 = tpu.vector_load %arg10[%swap3A_454, %swap3A_455] {strides = array<i32>} : memref<160x128xf32, #tpu.memory_space<vmem>>, vector<1x16xf32>,
      %swap3A_457 = vector.shape_cast %swap3A_456 : vector<1x16xf32> to vector<16xf32>
      %swap3A_458 = vector.shape_cast %mul3A_453 : vector<16xf32> to vector<1x16xf32>
      tpu.vector_store %arg10[%swap3A_454, %swap3A_455], %swap3A_458 {strides = array<i32>} : memref<160x128xf32, #tpu.memory_space<vmem>>, vector<1x16xf32>,
      %get3A_459 = arith.index_cast %add3A_414 : i32 to index
      %get3A_460 = arith.constant 64 : index
      %get3A_461 = tpu.vector_load %arg10[%get3A_459, %get3A_460] {strides = array<i32>} : memref<160x128xf32, #tpu.memory_space<vmem>>, vector<1x16xf32>,
      %get3A_462 = vector.shape_cast %get3A_461 : vector<1x16xf32> to vector<16xf32>
      %mul3A_463 = vector.broadcast %squeeze3A_410 : f32 to vector<16xf32>
      %mul3A_464 = arith.mulf %get3A_462, %mul3A_463 : vector<16xf32>
      %swap3A_465 = arith.index_cast %add3A_414 : i32 to index
      %swap3A_466 = arith.constant 64 : index
      %swap3A_467 = tpu.vector_load %arg10[%swap3A_465, %swap3A_466] {strides = array<i32>} : memref<160x128xf32, #tpu.memory_space<vmem>>, vector<1x16xf32>,
      %swap3A_468 = vector.shape_cast %swap3A_467 : vector<1x16xf32> to vector<16xf32>
      %swap3A_469 = vector.shape_cast %mul3A_464 : vector<16xf32> to vector<1x16xf32>
      tpu.vector_store %arg10[%swap3A_465, %swap3A_466], %swap3A_469 {strides = array<i32>} : memref<160x128xf32, #tpu.memory_space<vmem>>, vector<1x16xf32>,
      %get3A_470 = arith.index_cast %add3A_414 : i32 to index
      %get3A_471 = arith.constant 80 : index
      %get3A_472 = tpu.vector_load %arg10[%get3A_470, %get3A_471] {strides = array<i32>} : memref<160x128xf32, #tpu.memory_space<vmem>>, vector<1x16xf32>,
      %get3A_473 = vector.shape_cast %get3A_472 : vector<1x16xf32> to vector<16xf32>
      %mul3A_474 = vector.broadcast %squeeze3A_410 : f32 to vector<16xf32>
      %mul3A_475 = arith.mulf %get3A_473, %mul3A_474 : vector<16xf32>
      %swap3A_476 = arith.index_cast %add3A_414 : i32 to index
      %swap3A_477 = arith.constant 80 : index
      %swap3A_478 = tpu.vector_load %arg10[%swap3A_476, %swap3A_477] {strides = array<i32>} : memref<160x128xf32, #tpu.memory_space<vmem>>, vector<1x16xf32>,
      %swap3A_479 = vector.shape_cast %swap3A_478 : vector<1x16xf32> to vector<16xf32>
      %swap3A_480 = vector.shape_cast %mul3A_475 : vector<16xf32> to vector<1x16xf32>
      tpu.vector_store %arg10[%swap3A_476, %swap3A_477], %swap3A_480 {strides = array<i32>} : memref<160x128xf32, #tpu.memory_space<vmem>>, vector<1x16xf32>,
      %get3A_481 = arith.index_cast %add3A_414 : i32 to index
      %get3A_482 = arith.constant 96 : index
      %get3A_483 = tpu.vector_load %arg10[%get3A_481, %get3A_482] {strides = array<i32>} : memref<160x128xf32, #tpu.memory_space<vmem>>, vector<1x16xf32>,
      %get3A_484 = vector.shape_cast %get3A_483 : vector<1x16xf32> to vector<16xf32>
      %mul3A_485 = vector.broadcast %squeeze3A_410 : f32 to vector<16xf32>
      %mul3A_486 = arith.mulf %get3A_484, %mul3A_485 : vector<16xf32>
      %swap3A_487 = arith.index_cast %add3A_414 : i32 to index
      %swap3A_488 = arith.constant 96 : index
      %swap3A_489 = tpu.vector_load %arg10[%swap3A_487, %swap3A_488] {strides = array<i32>} : memref<160x128xf32, #tpu.memory_space<vmem>>, vector<1x16xf32>,
      %swap3A_490 = vector.shape_cast %swap3A_489 : vector<1x16xf32> to vector<16xf32>
      %swap3A_491 = vector.shape_cast %mul3A_486 : vector<16xf32> to vector<1x16xf32>
      tpu.vector_store %arg10[%swap3A_487, %swap3A_488], %swap3A_491 {strides = array<i32>} : memref<160x128xf32, #tpu.memory_space<vmem>>, vector<1x16xf32>,
      %get3A_492 = arith.index_cast %add3A_414 : i32 to index
      %get3A_493 = arith.constant 112 : index
      %get3A_494 = tpu.vector_load %arg10[%get3A_492, %get3A_493] {strides = array<i32>} : memref<160x128xf32, #tpu.memory_space<vmem>>, vector<1x16xf32>,
      %get3A_495 = vector.shape_cast %get3A_494 : vector<1x16xf32> to vector<16xf32>
      %mul3A_496 = vector.broadcast %squeeze3A_410 : f32 to vector<16xf32>
      %mul3A_497 = arith.mulf %get3A_495, %mul3A_496 : vector<16xf32>
      %swap3A_498 = arith.index_cast %add3A_414 : i32 to index
      %swap3A_499 = arith.constant 112 : index
      %swap3A_500 = tpu.vector_load %arg10[%swap3A_498, %swap3A_499] {strides = array<i32>} : memref<160x128xf32, #tpu.memory_space<vmem>>, vector<1x16xf32>,
      %swap3A_501 = vector.shape_cast %swap3A_500 : vector<1x16xf32> to vector<16xf32>
      %swap3A_502 = vector.shape_cast %mul3A_497 : vector<16xf32> to vector<1x16xf32>
      tpu.vector_store %arg10[%swap3A_498, %swap3A_499], %swap3A_502 {strides = array<i32>} : memref<160x128xf32, #tpu.memory_space<vmem>>, vector<1x16xf32>,
      %slice3A_503 = vector.extract_strided_slice %get3A_35 {offsets = [5], sizes = [1], strides = [1]} : vector<16xf32> to vector<1xf32>
      %squeeze3A_504 = vector.extract %slice3A_503[0] : f32 from vector<1xf32>
      %mul3A_505 = arith.constant 16 : i32
      %mul3A_506 = arith.muli %scan3A_30, %mul3A_505 : i32
      %add3A_507 = arith.constant 5 : i32
      %add3A_508 = arith.addi %mul3A_506, %add3A_507 : i32
      %get3A_509 = arith.index_cast %add3A_508 : i32 to index
      %get3A_510 = arith.constant 0 : index
      %get3A_511 = tpu.vector_load %arg10[%get3A_509, %get3A_510] {strides = array<i32>} : memref<160x128xf32, #tpu.memory_space<vmem>>, vector<1x16xf32>,
      %get3A_512 = vector.shape_cast %get3A_511 : vector<1x16xf32> to vector<16xf32>
      %mul3A_513 = vector.broadcast %squeeze3A_504 : f32 to vector<16xf32>
      %mul3A_514 = arith.mulf %get3A_512, %mul3A_513 : vector<16xf32>
      %swap3A_515 = arith.index_cast %add3A_508 : i32 to index
      %swap3A_516 = arith.constant 0 : index
      %swap3A_517 = tpu.vector_load %arg10[%swap3A_515, %swap3A_516] {strides = array<i32>} : memref<160x128xf32, #tpu.memory_space<vmem>>, vector<1x16xf32>,
      %swap3A_518 = vector.shape_cast %swap3A_517 : vector<1x16xf32> to vector<16xf32>
      %swap3A_519 = vector.shape_cast %mul3A_514 : vector<16xf32> to vector<1x16xf32>
      tpu.vector_store %arg10[%swap3A_515, %swap3A_516], %swap3A_519 {strides = array<i32>} : memref<160x128xf32, #tpu.memory_space<vmem>>, vector<1x16xf32>,
      %get3A_520 = arith.index_cast %add3A_508 : i32 to index
      %get3A_521 = arith.constant 16 : index
      %get3A_522 = tpu.vector_load %arg10[%get3A_520, %get3A_521] {strides = array<i32>} : memref<160x128xf32, #tpu.memory_space<vmem>>, vector<1x16xf32>,
      %get3A_523 = vector.shape_cast %get3A_522 : vector<1x16xf32> to vector<16xf32>
      %mul3A_524 = vector.broadcast %squeeze3A_504 : f32 to vector<16xf32>
      %mul3A_525 = arith.mulf %get3A_523, %mul3A_524 : vector<16xf32>
      %swap3A_526 = arith.index_cast %add3A_508 : i32 to index
      %swap3A_527 = arith.constant 16 : index
      %swap3A_528 = tpu.vector_load %arg10[%swap3A_526, %swap3A_527] {strides = array<i32>} : memref<160x128xf32, #tpu.memory_space<vmem>>, vector<1x16xf32>,
      %swap3A_529 = vector.shape_cast %swap3A_528 : vector<1x16xf32> to vector<16xf32>
      %swap3A_530 = vector.shape_cast %mul3A_525 : vector<16xf32> to vector<1x16xf32>
      tpu.vector_store %arg10[%swap3A_526, %swap3A_527], %swap3A_530 {strides = array<i32>} : memref<160x128xf32, #tpu.memory_space<vmem>>, vector<1x16xf32>,
      %get3A_531 = arith.index_cast %add3A_508 : i32 to index
      %get3A_532 = arith.constant 32 : index
      %get3A_533 = tpu.vector_load %arg10[%get3A_531, %get3A_532] {strides = array<i32>} : memref<160x128xf32, #tpu.memory_space<vmem>>, vector<1x16xf32>,
      %get3A_534 = vector.shape_cast %get3A_533 : vector<1x16xf32> to vector<16xf32>
      %mul3A_535 = vector.broadcast %squeeze3A_504 : f32 to vector<16xf32>
      %mul3A_536 = arith.mulf %get3A_534, %mul3A_535 : vector<16xf32>
      %swap3A_537 = arith.index_cast %add3A_508 : i32 to index
      %swap3A_538 = arith.constant 32 : index
      %swap3A_539 = tpu.vector_load %arg10[%swap3A_537, %swap3A_538] {strides = array<i32>} : memref<160x128xf32, #tpu.memory_space<vmem>>, vector<1x16xf32>,
      %swap3A_540 = vector.shape_cast %swap3A_539 : vector<1x16xf32> to vector<16xf32>
      %swap3A_541 = vector.shape_cast %mul3A_536 : vector<16xf32> to vector<1x16xf32>
      tpu.vector_store %arg10[%swap3A_537, %swap3A_538], %swap3A_541 {strides = array<i32>} : memref<160x128xf32, #tpu.memory_space<vmem>>, vector<1x16xf32>,
      %get3A_542 = arith.index_cast %add3A_508 : i32 to index
      %get3A_543 = arith.constant 48 : index
      %get3A_544 = tpu.vector_load %arg10[%get3A_542, %get3A_543] {strides = array<i32>} : memref<160x128xf32, #tpu.memory_space<vmem>>, vector<1x16xf32>,
      %get3A_545 = vector.shape_cast %get3A_544 : vector<1x16xf32> to vector<16xf32>
      %mul3A_546 = vector.broadcast %squeeze3A_504 : f32 to vector<16xf32>
      %mul3A_547 = arith.mulf %get3A_545, %mul3A_546 : vector<16xf32>
      %swap3A_548 = arith.index_cast %add3A_508 : i32 to index
      %swap3A_549 = arith.constant 48 : index
      %swap3A_550 = tpu.vector_load %arg10[%swap3A_548, %swap3A_549] {strides = array<i32>} : memref<160x128xf32, #tpu.memory_space<vmem>>, vector<1x16xf32>,
      %swap3A_551 = vector.shape_cast %swap3A_550 : vector<1x16xf32> to vector<16xf32>
      %swap3A_552 = vector.shape_cast %mul3A_547 : vector<16xf32> to vector<1x16xf32>
      tpu.vector_store %arg10[%swap3A_548, %swap3A_549], %swap3A_552 {strides = array<i32>} : memref<160x128xf32, #tpu.memory_space<vmem>>, vector<1x16xf32>,
      %get3A_553 = arith.index_cast %add3A_508 : i32 to index
      %get3A_554 = arith.constant 64 : index
      %get3A_555 = tpu.vector_load %arg10[%get3A_553, %get3A_554] {strides = array<i32>} : memref<160x128xf32, #tpu.memory_space<vmem>>, vector<1x16xf32>,
      %get3A_556 = vector.shape_cast %get3A_555 : vector<1x16xf32> to vector<16xf32>
      %mul3A_557 = vector.broadcast %squeeze3A_504 : f32 to vector<16xf32>
      %mul3A_558 = arith.mulf %get3A_556, %mul3A_557 : vector<16xf32>
      %swap3A_559 = arith.index_cast %add3A_508 : i32 to index
      %swap3A_560 = arith.constant 64 : index
      %swap3A_561 = tpu.vector_load %arg10[%swap3A_559, %swap3A_560] {strides = array<i32>} : memref<160x128xf32, #tpu.memory_space<vmem>>, vector<1x16xf32>,
      %swap3A_562 = vector.shape_cast %swap3A_561 : vector<1x16xf32> to vector<16xf32>
      %swap3A_563 = vector.shape_cast %mul3A_558 : vector<16xf32> to vector<1x16xf32>
      tpu.vector_store %arg10[%swap3A_559, %swap3A_560], %swap3A_563 {strides = array<i32>} : memref<160x128xf32, #tpu.memory_space<vmem>>, vector<1x16xf32>,
      %get3A_564 = arith.index_cast %add3A_508 : i32 to index
      %get3A_565 = arith.constant 80 : index
      %get3A_566 = tpu.vector_load %arg10[%get3A_564, %get3A_565] {strides = array<i32>} : memref<160x128xf32, #tpu.memory_space<vmem>>, vector<1x16xf32>,
      %get3A_567 = vector.shape_cast %get3A_566 : vector<1x16xf32> to vector<16xf32>
      %mul3A_568 = vector.broadcast %squeeze3A_504 : f32 to vector<16xf32>
      %mul3A_569 = arith.mulf %get3A_567, %mul3A_568 : vector<16xf32>
      %swap3A_570 = arith.index_cast %add3A_508 : i32 to index
      %swap3A_571 = arith.constant 80 : index
      %swap3A_572 = tpu.vector_load %arg10[%swap3A_570, %swap3A_571] {strides = array<i32>} : memref<160x128xf32, #tpu.memory_space<vmem>>, vector<1x16xf32>,
      %swap3A_573 = vector.shape_cast %swap3A_572 : vector<1x16xf32> to vector<16xf32>
      %swap3A_574 = vector.shape_cast %mul3A_569 : vector<16xf32> to vector<1x16xf32>
      tpu.vector_store %arg10[%swap3A_570, %swap3A_571], %swap3A_574 {strides = array<i32>} : memref<160x128xf32, #tpu.memory_space<vmem>>, vector<1x16xf32>,
      %get3A_575 = arith.index_cast %add3A_508 : i32 to index
      %get3A_576 = arith.constant 96 : index
      %get3A_577 = tpu.vector_load %arg10[%get3A_575, %get3A_576] {strides = array<i32>} : memref<160x128xf32, #tpu.memory_space<vmem>>, vector<1x16xf32>,
      %get3A_578 = vector.shape_cast %get3A_577 : vector<1x16xf32> to vector<16xf32>
      %mul3A_579 = vector.broadcast %squeeze3A_504 : f32 to vector<16xf32>
      %mul3A_580 = arith.mulf %get3A_578, %mul3A_579 : vector<16xf32>
      %swap3A_581 = arith.index_cast %add3A_508 : i32 to index
      %swap3A_582 = arith.constant 96 : index
      %swap3A_583 = tpu.vector_load %arg10[%swap3A_581, %swap3A_582] {strides = array<i32>} : memref<160x128xf32, #tpu.memory_space<vmem>>, vector<1x16xf32>,
      %swap3A_584 = vector.shape_cast %swap3A_583 : vector<1x16xf32> to vector<16xf32>
      %swap3A_585 = vector.shape_cast %mul3A_580 : vector<16xf32> to vector<1x16xf32>
      tpu.vector_store %arg10[%swap3A_581, %swap3A_582], %swap3A_585 {strides = array<i32>} : memref<160x128xf32, #tpu.memory_space<vmem>>, vector<1x16xf32>,
      %get3A_586 = arith.index_cast %add3A_508 : i32 to index
      %get3A_587 = arith.constant 112 : index
      %get3A_588 = tpu.vector_load %arg10[%get3A_586, %get3A_587] {strides = array<i32>} : memref<160x128xf32, #tpu.memory_space<vmem>>, vector<1x16xf32>,
      %get3A_589 = vector.shape_cast %get3A_588 : vector<1x16xf32> to vector<16xf32>
      %mul3A_590 = vector.broadcast %squeeze3A_504 : f32 to vector<16xf32>
      %mul3A_591 = arith.mulf %get3A_589, %mul3A_590 : vector<16xf32>
      %swap3A_592 = arith.index_cast %add3A_508 : i32 to index
      %swap3A_593 = arith.constant 112 : index
      %swap3A_594 = tpu.vector_load %arg10[%swap3A_592, %swap3A_593] {strides = array<i32>} : memref<160x128xf32, #tpu.memory_space<vmem>>, vector<1x16xf32>,
      %swap3A_595 = vector.shape_cast %swap3A_594 : vector<1x16xf32> to vector<16xf32>
      %swap3A_596 = vector.shape_cast %mul3A_591 : vector<16xf32> to vector<1x16xf32>
      tpu.vector_store %arg10[%swap3A_592, %swap3A_593], %swap3A_596 {strides = array<i32>} : memref<160x128xf32, #tpu.memory_space<vmem>>, vector<1x16xf32>,
      %slice3A_597 = vector.extract_strided_slice %get3A_35 {offsets = [6], sizes = [1], strides = [1]} : vector<16xf32> to vector<1xf32>
      %squeeze3A_598 = vector.extract %slice3A_597[0] : f32 from vector<1xf32>
      %mul3A_599 = arith.constant 16 : i32
      %mul3A_600 = arith.muli %scan3A_30, %mul3A_599 : i32
      %add3A_601 = arith.constant 6 : i32
      %add3A_602 = arith.addi %mul3A_600, %add3A_601 : i32
      %get3A_603 = arith.index_cast %add3A_602 : i32 to index
      %get3A_604 = arith.constant 0 : index
      %get3A_605 = tpu.vector_load %arg10[%get3A_603, %get3A_604] {strides = array<i32>} : memref<160x128xf32, #tpu.memory_space<vmem>>, vector<1x16xf32>,
      %get3A_606 = vector.shape_cast %get3A_605 : vector<1x16xf32> to vector<16xf32>
      %mul3A_607 = vector.broadcast %squeeze3A_598 : f32 to vector<16xf32>
      %mul3A_608 = arith.mulf %get3A_606, %mul3A_607 : vector<16xf32>
      %swap3A_609 = arith.index_cast %add3A_602 : i32 to index
      %swap3A_610 = arith.constant 0 : index
      %swap3A_611 = tpu.vector_load %arg10[%swap3A_609, %swap3A_610] {strides = array<i32>} : memref<160x128xf32, #tpu.memory_space<vmem>>, vector<1x16xf32>,
      %swap3A_612 = vector.shape_cast %swap3A_611 : vector<1x16xf32> to vector<16xf32>
      %swap3A_613 = vector.shape_cast %mul3A_608 : vector<16xf32> to vector<1x16xf32>
      tpu.vector_store %arg10[%swap3A_609, %swap3A_610], %swap3A_613 {strides = array<i32>} : memref<160x128xf32, #tpu.memory_space<vmem>>, vector<1x16xf32>,
      %get3A_614 = arith.index_cast %add3A_602 : i32 to index
      %get3A_615 = arith.constant 16 : index
      %get3A_616 = tpu.vector_load %arg10[%get3A_614, %get3A_615] {strides = array<i32>} : memref<160x128xf32, #tpu.memory_space<vmem>>, vector<1x16xf32>,
      %get3A_617 = vector.shape_cast %get3A_616 : vector<1x16xf32> to vector<16xf32>
      %mul3A_618 = vector.broadcast %squeeze3A_598 : f32 to vector<16xf32>
      %mul3A_619 = arith.mulf %get3A_617, %mul3A_618 : vector<16xf32>
      %swap3A_620 = arith.index_cast %add3A_602 : i32 to index
      %swap3A_621 = arith.constant 16 : index
      %swap3A_622 = tpu.vector_load %arg10[%swap3A_620, %swap3A_621] {strides = array<i32>} : memref<160x128xf32, #tpu.memory_space<vmem>>, vector<1x16xf32>,
      %swap3A_623 = vector.shape_cast %swap3A_622 : vector<1x16xf32> to vector<16xf32>
      %swap3A_624 = vector.shape_cast %mul3A_619 : vector<16xf32> to vector<1x16xf32>
      tpu.vector_store %arg10[%swap3A_620, %swap3A_621], %swap3A_624 {strides = array<i32>} : memref<160x128xf32, #tpu.memory_space<vmem>>, vector<1x16xf32>,
      %get3A_625 = arith.index_cast %add3A_602 : i32 to index
      %get3A_626 = arith.constant 32 : index
      %get3A_627 = tpu.vector_load %arg10[%get3A_625, %get3A_626] {strides = array<i32>} : memref<160x128xf32, #tpu.memory_space<vmem>>, vector<1x16xf32>,
      %get3A_628 = vector.shape_cast %get3A_627 : vector<1x16xf32> to vector<16xf32>
      %mul3A_629 = vector.broadcast %squeeze3A_598 : f32 to vector<16xf32>
      %mul3A_630 = arith.mulf %get3A_628, %mul3A_629 : vector<16xf32>
      %swap3A_631 = arith.index_cast %add3A_602 : i32 to index
      %swap3A_632 = arith.constant 32 : index
      %swap3A_633 = tpu.vector_load %arg10[%swap3A_631, %swap3A_632] {strides = array<i32>} : memref<160x128xf32, #tpu.memory_space<vmem>>, vector<1x16xf32>,
      %swap3A_634 = vector.shape_cast %swap3A_633 : vector<1x16xf32> to vector<16xf32>
      %swap3A_635 = vector.shape_cast %mul3A_630 : vector<16xf32> to vector<1x16xf32>
      tpu.vector_store %arg10[%swap3A_631, %swap3A_632], %swap3A_635 {strides = array<i32>} : memref<160x128xf32, #tpu.memory_space<vmem>>, vector<1x16xf32>,
      %get3A_636 = arith.index_cast %add3A_602 : i32 to index
      %get3A_637 = arith.constant 48 : index
      %get3A_638 = tpu.vector_load %arg10[%get3A_636, %get3A_637] {strides = array<i32>} : memref<160x128xf32, #tpu.memory_space<vmem>>, vector<1x16xf32>,
      %get3A_639 = vector.shape_cast %get3A_638 : vector<1x16xf32> to vector<16xf32>
      %mul3A_640 = vector.broadcast %squeeze3A_598 : f32 to vector<16xf32>
      %mul3A_641 = arith.mulf %get3A_639, %mul3A_640 : vector<16xf32>
      %swap3A_642 = arith.index_cast %add3A_602 : i32 to index
      %swap3A_643 = arith.constant 48 : index
      %swap3A_644 = tpu.vector_load %arg10[%swap3A_642, %swap3A_643] {strides = array<i32>} : memref<160x128xf32, #tpu.memory_space<vmem>>, vector<1x16xf32>,
      %swap3A_645 = vector.shape_cast %swap3A_644 : vector<1x16xf32> to vector<16xf32>
      %swap3A_646 = vector.shape_cast %mul3A_641 : vector<16xf32> to vector<1x16xf32>
      tpu.vector_store %arg10[%swap3A_642, %swap3A_643], %swap3A_646 {strides = array<i32>} : memref<160x128xf32, #tpu.memory_space<vmem>>, vector<1x16xf32>,
      %get3A_647 = arith.index_cast %add3A_602 : i32 to index
      %get3A_648 = arith.constant 64 : index
      %get3A_649 = tpu.vector_load %arg10[%get3A_647, %get3A_648] {strides = array<i32>} : memref<160x128xf32, #tpu.memory_space<vmem>>, vector<1x16xf32>,
      %get3A_650 = vector.shape_cast %get3A_649 : vector<1x16xf32> to vector<16xf32>
      %mul3A_651 = vector.broadcast %squeeze3A_598 : f32 to vector<16xf32>
      %mul3A_652 = arith.mulf %get3A_650, %mul3A_651 : vector<16xf32>
      %swap3A_653 = arith.index_cast %add3A_602 : i32 to index
      %swap3A_654 = arith.constant 64 : index
      %swap3A_655 = tpu.vector_load %arg10[%swap3A_653, %swap3A_654] {strides = array<i32>} : memref<160x128xf32, #tpu.memory_space<vmem>>, vector<1x16xf32>,
      %swap3A_656 = vector.shape_cast %swap3A_655 : vector<1x16xf32> to vector<16xf32>
      %swap3A_657 = vector.shape_cast %mul3A_652 : vector<16xf32> to vector<1x16xf32>
      tpu.vector_store %arg10[%swap3A_653, %swap3A_654], %swap3A_657 {strides = array<i32>} : memref<160x128xf32, #tpu.memory_space<vmem>>, vector<1x16xf32>,
      %get3A_658 = arith.index_cast %add3A_602 : i32 to index
      %get3A_659 = arith.constant 80 : index
      %get3A_660 = tpu.vector_load %arg10[%get3A_658, %get3A_659] {strides = array<i32>} : memref<160x128xf32, #tpu.memory_space<vmem>>, vector<1x16xf32>,
      %get3A_661 = vector.shape_cast %get3A_660 : vector<1x16xf32> to vector<16xf32>
      %mul3A_662 = vector.broadcast %squeeze3A_598 : f32 to vector<16xf32>
      %mul3A_663 = arith.mulf %get3A_661, %mul3A_662 : vector<16xf32>
      %swap3A_664 = arith.index_cast %add3A_602 : i32 to index
      %swap3A_665 = arith.constant 80 : index
      %swap3A_666 = tpu.vector_load %arg10[%swap3A_664, %swap3A_665] {strides = array<i32>} : memref<160x128xf32, #tpu.memory_space<vmem>>, vector<1x16xf32>,
      %swap3A_667 = vector.shape_cast %swap3A_666 : vector<1x16xf32> to vector<16xf32>
      %swap3A_668 = vector.shape_cast %mul3A_663 : vector<16xf32> to vector<1x16xf32>
      tpu.vector_store %arg10[%swap3A_664, %swap3A_665], %swap3A_668 {strides = array<i32>} : memref<160x128xf32, #tpu.memory_space<vmem>>, vector<1x16xf32>,
      %get3A_669 = arith.index_cast %add3A_602 : i32 to index
      %get3A_670 = arith.constant 96 : index
      %get3A_671 = tpu.vector_load %arg10[%get3A_669, %get3A_670] {strides = array<i32>} : memref<160x128xf32, #tpu.memory_space<vmem>>, vector<1x16xf32>,
      %get3A_672 = vector.shape_cast %get3A_671 : vector<1x16xf32> to vector<16xf32>
      %mul3A_673 = vector.broadcast %squeeze3A_598 : f32 to vector<16xf32>
      %mul3A_674 = arith.mulf %get3A_672, %mul3A_673 : vector<16xf32>
      %swap3A_675 = arith.index_cast %add3A_602 : i32 to index
      %swap3A_676 = arith.constant 96 : index
      %swap3A_677 = tpu.vector_load %arg10[%swap3A_675, %swap3A_676] {strides = array<i32>} : memref<160x128xf32, #tpu.memory_space<vmem>>, vector<1x16xf32>,
      %swap3A_678 = vector.shape_cast %swap3A_677 : vector<1x16xf32> to vector<16xf32>
      %swap3A_679 = vector.shape_cast %mul3A_674 : vector<16xf32> to vector<1x16xf32>
      tpu.vector_store %arg10[%swap3A_675, %swap3A_676], %swap3A_679 {strides = array<i32>} : memref<160x128xf32, #tpu.memory_space<vmem>>, vector<1x16xf32>,
      %get3A_680 = arith.index_cast %add3A_602 : i32 to index
      %get3A_681 = arith.constant 112 : index
      %get3A_682 = tpu.vector_load %arg10[%get3A_680, %get3A_681] {strides = array<i32>} : memref<160x128xf32, #tpu.memory_space<vmem>>, vector<1x16xf32>,
      %get3A_683 = vector.shape_cast %get3A_682 : vector<1x16xf32> to vector<16xf32>
      %mul3A_684 = vector.broadcast %squeeze3A_598 : f32 to vector<16xf32>
      %mul3A_685 = arith.mulf %get3A_683, %mul3A_684 : vector<16xf32>
      %swap3A_686 = arith.index_cast %add3A_602 : i32 to index
      %swap3A_687 = arith.constant 112 : index
      %swap3A_688 = tpu.vector_load %arg10[%swap3A_686, %swap3A_687] {strides = array<i32>} : memref<160x128xf32, #tpu.memory_space<vmem>>, vector<1x16xf32>,
      %swap3A_689 = vector.shape_cast %swap3A_688 : vector<1x16xf32> to vector<16xf32>
      %swap3A_690 = vector.shape_cast %mul3A_685 : vector<16xf32> to vector<1x16xf32>
      tpu.vector_store %arg10[%swap3A_686, %swap3A_687], %swap3A_690 {strides = array<i32>} : memref<160x128xf32, #tpu.memory_space<vmem>>, vector<1x16xf32>,
      %slice3A_691 = vector.extract_strided_slice %get3A_35 {offsets = [7], sizes = [1], strides = [1]} : vector<16xf32> to vector<1xf32>
      %squeeze3A_692 = vector.extract %slice3A_691[0] : f32 from vector<1xf32>
      %mul3A_693 = arith.constant 16 : i32
      %mul3A_694 = arith.muli %scan3A_30, %mul3A_693 : i32
      %add3A_695 = arith.constant 7 : i32
      %add3A_696 = arith.addi %mul3A_694, %add3A_695 : i32
      %get3A_697 = arith.index_cast %add3A_696 : i32 to index
      %get3A_698 = arith.constant 0 : index
      %get3A_699 = tpu.vector_load %arg10[%get3A_697, %get3A_698] {strides = array<i32>} : memref<160x128xf32, #tpu.memory_space<vmem>>, vector<1x16xf32>,
      %get3A_700 = vector.shape_cast %get3A_699 : vector<1x16xf32> to vector<16xf32>
      %mul3A_701 = vector.broadcast %squeeze3A_692 : f32 to vector<16xf32>
      %mul3A_702 = arith.mulf %get3A_700, %mul3A_701 : vector<16xf32>
      %swap3A_703 = arith.index_cast %add3A_696 : i32 to index
      %swap3A_704 = arith.constant 0 : index
      %swap3A_705 = tpu.vector_load %arg10[%swap3A_703, %swap3A_704] {strides = array<i32>} : memref<160x128xf32, #tpu.memory_space<vmem>>, vector<1x16xf32>,
      %swap3A_706 = vector.shape_cast %swap3A_705 : vector<1x16xf32> to vector<16xf32>
      %swap3A_707 = vector.shape_cast %mul3A_702 : vector<16xf32> to vector<1x16xf32>
      tpu.vector_store %arg10[%swap3A_703, %swap3A_704], %swap3A_707 {strides = array<i32>} : memref<160x128xf32, #tpu.memory_space<vmem>>, vector<1x16xf32>,
      %get3A_708 = arith.index_cast %add3A_696 : i32 to index
      %get3A_709 = arith.constant 16 : index
      %get3A_710 = tpu.vector_load %arg10[%get3A_708, %get3A_709] {strides = array<i32>} : memref<160x128xf32, #tpu.memory_space<vmem>>, vector<1x16xf32>,
      %get3A_711 = vector.shape_cast %get3A_710 : vector<1x16xf32> to vector<16xf32>
      %mul3A_712 = vector.broadcast %squeeze3A_692 : f32 to vector<16xf32>
      %mul3A_713 = arith.mulf %get3A_711, %mul3A_712 : vector<16xf32>
      %swap3A_714 = arith.index_cast %add3A_696 : i32 to index
      %swap3A_715 = arith.constant 16 : index
      %swap3A_716 = tpu.vector_load %arg10[%swap3A_714, %swap3A_715] {strides = array<i32>} : memref<160x128xf32, #tpu.memory_space<vmem>>, vector<1x16xf32>,
      %swap3A_717 = vector.shape_cast %swap3A_716 : vector<1x16xf32> to vector<16xf32>
      %swap3A_718 = vector.shape_cast %mul3A_713 : vector<16xf32> to vector<1x16xf32>
      tpu.vector_store %arg10[%swap3A_714, %swap3A_715], %swap3A_718 {strides = array<i32>} : memref<160x128xf32, #tpu.memory_space<vmem>>, vector<1x16xf32>,
      %get3A_719 = arith.index_cast %add3A_696 : i32 to index
      %get3A_720 = arith.constant 32 : index
      %get3A_721 = tpu.vector_load %arg10[%get3A_719, %get3A_720] {strides = array<i32>} : memref<160x128xf32, #tpu.memory_space<vmem>>, vector<1x16xf32>,
      %get3A_722 = vector.shape_cast %get3A_721 : vector<1x16xf32> to vector<16xf32>
      %mul3A_723 = vector.broadcast %squeeze3A_692 : f32 to vector<16xf32>
      %mul3A_724 = arith.mulf %get3A_722, %mul3A_723 : vector<16xf32>
      %swap3A_725 = arith.index_cast %add3A_696 : i32 to index
      %swap3A_726 = arith.constant 32 : index
      %swap3A_727 = tpu.vector_load %arg10[%swap3A_725, %swap3A_726] {strides = array<i32>} : memref<160x128xf32, #tpu.memory_space<vmem>>, vector<1x16xf32>,
      %swap3A_728 = vector.shape_cast %swap3A_727 : vector<1x16xf32> to vector<16xf32>
      %swap3A_729 = vector.shape_cast %mul3A_724 : vector<16xf32> to vector<1x16xf32>
      tpu.vector_store %arg10[%swap3A_725, %swap3A_726], %swap3A_729 {strides = array<i32>} : memref<160x128xf32, #tpu.memory_space<vmem>>, vector<1x16xf32>,
      %get3A_730 = arith.index_cast %add3A_696 : i32 to index
      %get3A_731 = arith.constant 48 : index
      %get3A_732 = tpu.vector_load %arg10[%get3A_730, %get3A_731] {strides = array<i32>} : memref<160x128xf32, #tpu.memory_space<vmem>>, vector<1x16xf32>,
      %get3A_733 = vector.shape_cast %get3A_732 : vector<1x16xf32> to vector<16xf32>
      %mul3A_734 = vector.broadcast %squeeze3A_692 : f32 to vector<16xf32>
      %mul3A_735 = arith.mulf %get3A_733, %mul3A_734 : vector<16xf32>
      %swap3A_736 = arith.index_cast %add3A_696 : i32 to index
      %swap3A_737 = arith.constant 48 : index
      %swap3A_738 = tpu.vector_load %arg10[%swap3A_736, %swap3A_737] {strides = array<i32>} : memref<160x128xf32, #tpu.memory_space<vmem>>, vector<1x16xf32>,
      %swap3A_739 = vector.shape_cast %swap3A_738 : vector<1x16xf32> to vector<16xf32>
      %swap3A_740 = vector.shape_cast %mul3A_735 : vector<16xf32> to vector<1x16xf32>
      tpu.vector_store %arg10[%swap3A_736, %swap3A_737], %swap3A_740 {strides = array<i32>} : memref<160x128xf32, #tpu.memory_space<vmem>>, vector<1x16xf32>,
      %get3A_741 = arith.index_cast %add3A_696 : i32 to index
      %get3A_742 = arith.constant 64 : index
      %get3A_743 = tpu.vector_load %arg10[%get3A_741, %get3A_742] {strides = array<i32>} : memref<160x128xf32, #tpu.memory_space<vmem>>, vector<1x16xf32>,
      %get3A_744 = vector.shape_cast %get3A_743 : vector<1x16xf32> to vector<16xf32>
      %mul3A_745 = vector.broadcast %squeeze3A_692 : f32 to vector<16xf32>
      %mul3A_746 = arith.mulf %get3A_744, %mul3A_745 : vector<16xf32>
      %swap3A_747 = arith.index_cast %add3A_696 : i32 to index
      %swap3A_748 = arith.constant 64 : index
      %swap3A_749 = tpu.vector_load %arg10[%swap3A_747, %swap3A_748] {strides = array<i32>} : memref<160x128xf32, #tpu.memory_space<vmem>>, vector<1x16xf32>,
      %swap3A_750 = vector.shape_cast %swap3A_749 : vector<1x16xf32> to vector<16xf32>
      %swap3A_751 = vector.shape_cast %mul3A_746 : vector<16xf32> to vector<1x16xf32>
      tpu.vector_store %arg10[%swap3A_747, %swap3A_748], %swap3A_751 {strides = array<i32>} : memref<160x128xf32, #tpu.memory_space<vmem>>, vector<1x16xf32>,
      %get3A_752 = arith.index_cast %add3A_696 : i32 to index
      %get3A_753 = arith.constant 80 : index
      %get3A_754 = tpu.vector_load %arg10[%get3A_752, %get3A_753] {strides = array<i32>} : memref<160x128xf32, #tpu.memory_space<vmem>>, vector<1x16xf32>,
      %get3A_755 = vector.shape_cast %get3A_754 : vector<1x16xf32> to vector<16xf32>
      %mul3A_756 = vector.broadcast %squeeze3A_692 : f32 to vector<16xf32>
      %mul3A_757 = arith.mulf %get3A_755, %mul3A_756 : vector<16xf32>
      %swap3A_758 = arith.index_cast %add3A_696 : i32 to index
      %swap3A_759 = arith.constant 80 : index
      %swap3A_760 = tpu.vector_load %arg10[%swap3A_758, %swap3A_759] {strides = array<i32>} : memref<160x128xf32, #tpu.memory_space<vmem>>, vector<1x16xf32>,
      %swap3A_761 = vector.shape_cast %swap3A_760 : vector<1x16xf32> to vector<16xf32>
      %swap3A_762 = vector.shape_cast %mul3A_757 : vector<16xf32> to vector<1x16xf32>
      tpu.vector_store %arg10[%swap3A_758, %swap3A_759], %swap3A_762 {strides = array<i32>} : memref<160x128xf32, #tpu.memory_space<vmem>>, vector<1x16xf32>,
      %get3A_763 = arith.index_cast %add3A_696 : i32 to index
      %get3A_764 = arith.constant 96 : index
      %get3A_765 = tpu.vector_load %arg10[%get3A_763, %get3A_764] {strides = array<i32>} : memref<160x128xf32, #tpu.memory_space<vmem>>, vector<1x16xf32>,
      %get3A_766 = vector.shape_cast %get3A_765 : vector<1x16xf32> to vector<16xf32>
      %mul3A_767 = vector.broadcast %squeeze3A_692 : f32 to vector<16xf32>
      %mul3A_768 = arith.mulf %get3A_766, %mul3A_767 : vector<16xf32>
      %swap3A_769 = arith.index_cast %add3A_696 : i32 to index
      %swap3A_770 = arith.constant 96 : index
      %swap3A_771 = tpu.vector_load %arg10[%swap3A_769, %swap3A_770] {strides = array<i32>} : memref<160x128xf32, #tpu.memory_space<vmem>>, vector<1x16xf32>,
      %swap3A_772 = vector.shape_cast %swap3A_771 : vector<1x16xf32> to vector<16xf32>
      %swap3A_773 = vector.shape_cast %mul3A_768 : vector<16xf32> to vector<1x16xf32>
      tpu.vector_store %arg10[%swap3A_769, %swap3A_770], %swap3A_773 {strides = array<i32>} : memref<160x128xf32, #tpu.memory_space<vmem>>, vector<1x16xf32>,
      %get3A_774 = arith.index_cast %add3A_696 : i32 to index
      %get3A_775 = arith.constant 112 : index
      %get3A_776 = tpu.vector_load %arg10[%get3A_774, %get3A_775] {strides = array<i32>} : memref<160x128xf32, #tpu.memory_space<vmem>>, vector<1x16xf32>,
      %get3A_777 = vector.shape_cast %get3A_776 : vector<1x16xf32> to vector<16xf32>
      %mul3A_778 = vector.broadcast %squeeze3A_692 : f32 to vector<16xf32>
      %mul3A_779 = arith.mulf %get3A_777, %mul3A_778 : vector<16xf32>
      %swap3A_780 = arith.index_cast %add3A_696 : i32 to index
      %swap3A_781 = arith.constant 112 : index
      %swap3A_782 = tpu.vector_load %arg10[%swap3A_780, %swap3A_781] {strides = array<i32>} : memref<160x128xf32, #tpu.memory_space<vmem>>, vector<1x16xf32>,
      %swap3A_783 = vector.shape_cast %swap3A_782 : vector<1x16xf32> to vector<16xf32>
      %swap3A_784 = vector.shape_cast %mul3A_779 : vector<16xf32> to vector<1x16xf32>
      tpu.vector_store %arg10[%swap3A_780, %swap3A_781], %swap3A_784 {strides = array<i32>} : memref<160x128xf32, #tpu.memory_space<vmem>>, vector<1x16xf32>,
      %slice3A_785 = vector.extract_strided_slice %get3A_35 {offsets = [8], sizes = [1], strides = [1]} : vector<16xf32> to vector<1xf32>
      %squeeze3A_786 = vector.extract %slice3A_785[0] : f32 from vector<1xf32>
      %mul3A_787 = arith.constant 16 : i32
      %mul3A_788 = arith.muli %scan3A_30, %mul3A_787 : i32
      %add3A_789 = arith.constant 8 : i32
      %add3A_790 = arith.addi %mul3A_788, %add3A_789 : i32
      %get3A_791 = arith.index_cast %add3A_790 : i32 to index
      %get3A_792 = arith.constant 0 : index
      %get3A_793 = tpu.vector_load %arg10[%get3A_791, %get3A_792] {strides = array<i32>} : memref<160x128xf32, #tpu.memory_space<vmem>>, vector<1x16xf32>,
      %get3A_794 = vector.shape_cast %get3A_793 : vector<1x16xf32> to vector<16xf32>
      %mul3A_795 = vector.broadcast %squeeze3A_786 : f32 to vector<16xf32>
      %mul3A_796 = arith.mulf %get3A_794, %mul3A_795 : vector<16xf32>
      %swap3A_797 = arith.index_cast %add3A_790 : i32 to index
      %swap3A_798 = arith.constant 0 : index
      %swap3A_799 = tpu.vector_load %arg10[%swap3A_797, %swap3A_798] {strides = array<i32>} : memref<160x128xf32, #tpu.memory_space<vmem>>, vector<1x16xf32>,
      %swap3A_800 = vector.shape_cast %swap3A_799 : vector<1x16xf32> to vector<16xf32>
      %swap3A_801 = vector.shape_cast %mul3A_796 : vector<16xf32> to vector<1x16xf32>
      tpu.vector_store %arg10[%swap3A_797, %swap3A_798], %swap3A_801 {strides = array<i32>} : memref<160x128xf32, #tpu.memory_space<vmem>>, vector<1x16xf32>,
      %get3A_802 = arith.index_cast %add3A_790 : i32 to index
      %get3A_803 = arith.constant 16 : index
      %get3A_804 = tpu.vector_load %arg10[%get3A_802, %get3A_803] {strides = array<i32>} : memref<160x128xf32, #tpu.memory_space<vmem>>, vector<1x16xf32>,
      %get3A_805 = vector.shape_cast %get3A_804 : vector<1x16xf32> to vector<16xf32>
      %mul3A_806 = vector.broadcast %squeeze3A_786 : f32 to vector<16xf32>
      %mul3A_807 = arith.mulf %get3A_805, %mul3A_806 : vector<16xf32>
      %swap3A_808 = arith.index_cast %add3A_790 : i32 to index
      %swap3A_809 = arith.constant 16 : index
      %swap3A_810 = tpu.vector_load %arg10[%swap3A_808, %swap3A_809] {strides = array<i32>} : memref<160x128xf32, #tpu.memory_space<vmem>>, vector<1x16xf32>,
      %swap3A_811 = vector.shape_cast %swap3A_810 : vector<1x16xf32> to vector<16xf32>
      %swap3A_812 = vector.shape_cast %mul3A_807 : vector<16xf32> to vector<1x16xf32>
      tpu.vector_store %arg10[%swap3A_808, %swap3A_809], %swap3A_812 {strides = array<i32>} : memref<160x128xf32, #tpu.memory_space<vmem>>, vector<1x16xf32>,
      %get3A_813 = arith.index_cast %add3A_790 : i32 to index
      %get3A_814 = arith.constant 32 : index
      %get3A_815 = tpu.vector_load %arg10[%get3A_813, %get3A_814] {strides = array<i32>} : memref<160x128xf32, #tpu.memory_space<vmem>>, vector<1x16xf32>,
      %get3A_816 = vector.shape_cast %get3A_815 : vector<1x16xf32> to vector<16xf32>
      %mul3A_817 = vector.broadcast %squeeze3A_786 : f32 to vector<16xf32>
      %mul3A_818 = arith.mulf %get3A_816, %mul3A_817 : vector<16xf32>
      %swap3A_819 = arith.index_cast %add3A_790 : i32 to index
      %swap3A_820 = arith.constant 32 : index
      %swap3A_821 = tpu.vector_load %arg10[%swap3A_819, %swap3A_820] {strides = array<i32>} : memref<160x128xf32, #tpu.memory_space<vmem>>, vector<1x16xf32>,
      %swap3A_822 = vector.shape_cast %swap3A_821 : vector<1x16xf32> to vector<16xf32>
      %swap3A_823 = vector.shape_cast %mul3A_818 : vector<16xf32> to vector<1x16xf32>
      tpu.vector_store %arg10[%swap3A_819, %swap3A_820], %swap3A_823 {strides = array<i32>} : memref<160x128xf32, #tpu.memory_space<vmem>>, vector<1x16xf32>,
      %get3A_824 = arith.index_cast %add3A_790 : i32 to index
      %get3A_825 = arith.constant 48 : index
      %get3A_826 = tpu.vector_load %arg10[%get3A_824, %get3A_825] {strides = array<i32>} : memref<160x128xf32, #tpu.memory_space<vmem>>, vector<1x16xf32>,
      %get3A_827 = vector.shape_cast %get3A_826 : vector<1x16xf32> to vector<16xf32>
      %mul3A_828 = vector.broadcast %squeeze3A_786 : f32 to vector<16xf32>
      %mul3A_829 = arith.mulf %get3A_827, %mul3A_828 : vector<16xf32>
      %swap3A_830 = arith.index_cast %add3A_790 : i32 to index
      %swap3A_831 = arith.constant 48 : index
      %swap3A_832 = tpu.vector_load %arg10[%swap3A_830, %swap3A_831] {strides = array<i32>} : memref<160x128xf32, #tpu.memory_space<vmem>>, vector<1x16xf32>,
      %swap3A_833 = vector.shape_cast %swap3A_832 : vector<1x16xf32> to vector<16xf32>
      %swap3A_834 = vector.shape_cast %mul3A_829 : vector<16xf32> to vector<1x16xf32>
      tpu.vector_store %arg10[%swap3A_830, %swap3A_831], %swap3A_834 {strides = array<i32>} : memref<160x128xf32, #tpu.memory_space<vmem>>, vector<1x16xf32>,
      %get3A_835 = arith.index_cast %add3A_790 : i32 to index
      %get3A_836 = arith.constant 64 : index
      %get3A_837 = tpu.vector_load %arg10[%get3A_835, %get3A_836] {strides = array<i32>} : memref<160x128xf32, #tpu.memory_space<vmem>>, vector<1x16xf32>,
      %get3A_838 = vector.shape_cast %get3A_837 : vector<1x16xf32> to vector<16xf32>
      %mul3A_839 = vector.broadcast %squeeze3A_786 : f32 to vector<16xf32>
      %mul3A_840 = arith.mulf %get3A_838, %mul3A_839 : vector<16xf32>
      %swap3A_841 = arith.index_cast %add3A_790 : i32 to index
      %swap3A_842 = arith.constant 64 : index
      %swap3A_843 = tpu.vector_load %arg10[%swap3A_841, %swap3A_842] {strides = array<i32>} : memref<160x128xf32, #tpu.memory_space<vmem>>, vector<1x16xf32>,
      %swap3A_844 = vector.shape_cast %swap3A_843 : vector<1x16xf32> to vector<16xf32>
      %swap3A_845 = vector.shape_cast %mul3A_840 : vector<16xf32> to vector<1x16xf32>
      tpu.vector_store %arg10[%swap3A_841, %swap3A_842], %swap3A_845 {strides = array<i32>} : memref<160x128xf32, #tpu.memory_space<vmem>>, vector<1x16xf32>,
      %get3A_846 = arith.index_cast %add3A_790 : i32 to index
      %get3A_847 = arith.constant 80 : index
      %get3A_848 = tpu.vector_load %arg10[%get3A_846, %get3A_847] {strides = array<i32>} : memref<160x128xf32, #tpu.memory_space<vmem>>, vector<1x16xf32>,
      %get3A_849 = vector.shape_cast %get3A_848 : vector<1x16xf32> to vector<16xf32>
      %mul3A_850 = vector.broadcast %squeeze3A_786 : f32 to vector<16xf32>
      %mul3A_851 = arith.mulf %get3A_849, %mul3A_850 : vector<16xf32>
      %swap3A_852 = arith.index_cast %add3A_790 : i32 to index
      %swap3A_853 = arith.constant 80 : index
      %swap3A_854 = tpu.vector_load %arg10[%swap3A_852, %swap3A_853] {strides = array<i32>} : memref<160x128xf32, #tpu.memory_space<vmem>>, vector<1x16xf32>,
      %swap3A_855 = vector.shape_cast %swap3A_854 : vector<1x16xf32> to vector<16xf32>
      %swap3A_856 = vector.shape_cast %mul3A_851 : vector<16xf32> to vector<1x16xf32>
      tpu.vector_store %arg10[%swap3A_852, %swap3A_853], %swap3A_856 {strides = array<i32>} : memref<160x128xf32, #tpu.memory_space<vmem>>, vector<1x16xf32>,
      %get3A_857 = arith.index_cast %add3A_790 : i32 to index
      %get3A_858 = arith.constant 96 : index
      %get3A_859 = tpu.vector_load %arg10[%get3A_857, %get3A_858] {strides = array<i32>} : memref<160x128xf32, #tpu.memory_space<vmem>>, vector<1x16xf32>,
      %get3A_860 = vector.shape_cast %get3A_859 : vector<1x16xf32> to vector<16xf32>
      %mul3A_861 = vector.broadcast %squeeze3A_786 : f32 to vector<16xf32>
      %mul3A_862 = arith.mulf %get3A_860, %mul3A_861 : vector<16xf32>
      %swap3A_863 = arith.index_cast %add3A_790 : i32 to index
      %swap3A_864 = arith.constant 96 : index
      %swap3A_865 = tpu.vector_load %arg10[%swap3A_863, %swap3A_864] {strides = array<i32>} : memref<160x128xf32, #tpu.memory_space<vmem>>, vector<1x16xf32>,
      %swap3A_866 = vector.shape_cast %swap3A_865 : vector<1x16xf32> to vector<16xf32>
      %swap3A_867 = vector.shape_cast %mul3A_862 : vector<16xf32> to vector<1x16xf32>
      tpu.vector_store %arg10[%swap3A_863, %swap3A_864], %swap3A_867 {strides = array<i32>} : memref<160x128xf32, #tpu.memory_space<vmem>>, vector<1x16xf32>,
      %get3A_868 = arith.index_cast %add3A_790 : i32 to index
      %get3A_869 = arith.constant 112 : index
      %get3A_870 = tpu.vector_load %arg10[%get3A_868, %get3A_869] {strides = array<i32>} : memref<160x128xf32, #tpu.memory_space<vmem>>, vector<1x16xf32>,
      %get3A_871 = vector.shape_cast %get3A_870 : vector<1x16xf32> to vector<16xf32>
      %mul3A_872 = vector.broadcast %squeeze3A_786 : f32 to vector<16xf32>
      %mul3A_873 = arith.mulf %get3A_871, %mul3A_872 : vector<16xf32>
      %swap3A_874 = arith.index_cast %add3A_790 : i32 to index
      %swap3A_875 = arith.constant 112 : index
      %swap3A_876 = tpu.vector_load %arg10[%swap3A_874, %swap3A_875] {strides = array<i32>} : memref<160x128xf32, #tpu.memory_space<vmem>>, vector<1x16xf32>,
      %swap3A_877 = vector.shape_cast %swap3A_876 : vector<1x16xf32> to vector<16xf32>
      %swap3A_878 = vector.shape_cast %mul3A_873 : vector<16xf32> to vector<1x16xf32>
      tpu.vector_store %arg10[%swap3A_874, %swap3A_875], %swap3A_878 {strides = array<i32>} : memref<160x128xf32, #tpu.memory_space<vmem>>, vector<1x16xf32>,
      %slice3A_879 = vector.extract_strided_slice %get3A_35 {offsets = [9], sizes = [1], strides = [1]} : vector<16xf32> to vector<1xf32>
      %squeeze3A_880 = vector.extract %slice3A_879[0] : f32 from vector<1xf32>
      %mul3A_881 = arith.constant 16 : i32
      %mul3A_882 = arith.muli %scan3A_30, %mul3A_881 : i32
      %add3A_883 = arith.constant 9 : i32
      %add3A_884 = arith.addi %mul3A_882, %add3A_883 : i32
      %get3A_885 = arith.index_cast %add3A_884 : i32 to index
      %get3A_886 = arith.constant 0 : index
      %get3A_887 = tpu.vector_load %arg10[%get3A_885, %get3A_886] {strides = array<i32>} : memref<160x128xf32, #tpu.memory_space<vmem>>, vector<1x16xf32>,
      %get3A_888 = vector.shape_cast %get3A_887 : vector<1x16xf32> to vector<16xf32>
      %mul3A_889 = vector.broadcast %squeeze3A_880 : f32 to vector<16xf32>
      %mul3A_890 = arith.mulf %get3A_888, %mul3A_889 : vector<16xf32>
      %swap3A_891 = arith.index_cast %add3A_884 : i32 to index
      %swap3A_892 = arith.constant 0 : index
      %swap3A_893 = tpu.vector_load %arg10[%swap3A_891, %swap3A_892] {strides = array<i32>} : memref<160x128xf32, #tpu.memory_space<vmem>>, vector<1x16xf32>,
      %swap3A_894 = vector.shape_cast %swap3A_893 : vector<1x16xf32> to vector<16xf32>
      %swap3A_895 = vector.shape_cast %mul3A_890 : vector<16xf32> to vector<1x16xf32>
      tpu.vector_store %arg10[%swap3A_891, %swap3A_892], %swap3A_895 {strides = array<i32>} : memref<160x128xf32, #tpu.memory_space<vmem>>, vector<1x16xf32>,
      %get3A_896 = arith.index_cast %add3A_884 : i32 to index
      %get3A_897 = arith.constant 16 : index
      %get3A_898 = tpu.vector_load %arg10[%get3A_896, %get3A_897] {strides = array<i32>} : memref<160x128xf32, #tpu.memory_space<vmem>>, vector<1x16xf32>,
      %get3A_899 = vector.shape_cast %get3A_898 : vector<1x16xf32> to vector<16xf32>
      %mul3A_900 = vector.broadcast %squeeze3A_880 : f32 to vector<16xf32>
      %mul3A_901 = arith.mulf %get3A_899, %mul3A_900 : vector<16xf32>
      %swap3A_902 = arith.index_cast %add3A_884 : i32 to index
      %swap3A_903 = arith.constant 16 : index
      %swap3A_904 = tpu.vector_load %arg10[%swap3A_902, %swap3A_903] {strides = array<i32>} : memref<160x128xf32, #tpu.memory_space<vmem>>, vector<1x16xf32>,
      %swap3A_905 = vector.shape_cast %swap3A_904 : vector<1x16xf32> to vector<16xf32>
      %swap3A_906 = vector.shape_cast %mul3A_901 : vector<16xf32> to vector<1x16xf32>
      tpu.vector_store %arg10[%swap3A_902, %swap3A_903], %swap3A_906 {strides = array<i32>} : memref<160x128xf32, #tpu.memory_space<vmem>>, vector<1x16xf32>,
      %get3A_907 = arith.index_cast %add3A_884 : i32 to index
      %get3A_908 = arith.constant 32 : index
      %get3A_909 = tpu.vector_load %arg10[%get3A_907, %get3A_908] {strides = array<i32>} : memref<160x128xf32, #tpu.memory_space<vmem>>, vector<1x16xf32>,
      %get3A_910 = vector.shape_cast %get3A_909 : vector<1x16xf32> to vector<16xf32>
      %mul3A_911 = vector.broadcast %squeeze3A_880 : f32 to vector<16xf32>
      %mul3A_912 = arith.mulf %get3A_910, %mul3A_911 : vector<16xf32>
      %swap3A_913 = arith.index_cast %add3A_884 : i32 to index
      %swap3A_914 = arith.constant 32 : index
      %swap3A_915 = tpu.vector_load %arg10[%swap3A_913, %swap3A_914] {strides = array<i32>} : memref<160x128xf32, #tpu.memory_space<vmem>>, vector<1x16xf32>,
      %swap3A_916 = vector.shape_cast %swap3A_915 : vector<1x16xf32> to vector<16xf32>
      %swap3A_917 = vector.shape_cast %mul3A_912 : vector<16xf32> to vector<1x16xf32>
      tpu.vector_store %arg10[%swap3A_913, %swap3A_914], %swap3A_917 {strides = array<i32>} : memref<160x128xf32, #tpu.memory_space<vmem>>, vector<1x16xf32>,
      %get3A_918 = arith.index_cast %add3A_884 : i32 to index
      %get3A_919 = arith.constant 48 : index
      %get3A_920 = tpu.vector_load %arg10[%get3A_918, %get3A_919] {strides = array<i32>} : memref<160x128xf32, #tpu.memory_space<vmem>>, vector<1x16xf32>,
      %get3A_921 = vector.shape_cast %get3A_920 : vector<1x16xf32> to vector<16xf32>
      %mul3A_922 = vector.broadcast %squeeze3A_880 : f32 to vector<16xf32>
      %mul3A_923 = arith.mulf %get3A_921, %mul3A_922 : vector<16xf32>
      %swap3A_924 = arith.index_cast %add3A_884 : i32 to index
      %swap3A_925 = arith.constant 48 : index
      %swap3A_926 = tpu.vector_load %arg10[%swap3A_924, %swap3A_925] {strides = array<i32>} : memref<160x128xf32, #tpu.memory_space<vmem>>, vector<1x16xf32>,
      %swap3A_927 = vector.shape_cast %swap3A_926 : vector<1x16xf32> to vector<16xf32>
      %swap3A_928 = vector.shape_cast %mul3A_923 : vector<16xf32> to vector<1x16xf32>
      tpu.vector_store %arg10[%swap3A_924, %swap3A_925], %swap3A_928 {strides = array<i32>} : memref<160x128xf32, #tpu.memory_space<vmem>>, vector<1x16xf32>,
      %get3A_929 = arith.index_cast %add3A_884 : i32 to index
      %get3A_930 = arith.constant 64 : index
      %get3A_931 = tpu.vector_load %arg10[%get3A_929, %get3A_930] {strides = array<i32>} : memref<160x128xf32, #tpu.memory_space<vmem>>, vector<1x16xf32>,
      %get3A_932 = vector.shape_cast %get3A_931 : vector<1x16xf32> to vector<16xf32>
      %mul3A_933 = vector.broadcast %squeeze3A_880 : f32 to vector<16xf32>
      %mul3A_934 = arith.mulf %get3A_932, %mul3A_933 : vector<16xf32>
      %swap3A_935 = arith.index_cast %add3A_884 : i32 to index
      %swap3A_936 = arith.constant 64 : index
      %swap3A_937 = tpu.vector_load %arg10[%swap3A_935, %swap3A_936] {strides = array<i32>} : memref<160x128xf32, #tpu.memory_space<vmem>>, vector<1x16xf32>,
      %swap3A_938 = vector.shape_cast %swap3A_937 : vector<1x16xf32> to vector<16xf32>
      %swap3A_939 = vector.shape_cast %mul3A_934 : vector<16xf32> to vector<1x16xf32>
      tpu.vector_store %arg10[%swap3A_935, %swap3A_936], %swap3A_939 {strides = array<i32>} : memref<160x128xf32, #tpu.memory_space<vmem>>, vector<1x16xf32>,
      %get3A_940 = arith.index_cast %add3A_884 : i32 to index
      %get3A_941 = arith.constant 80 : index
      %get3A_942 = tpu.vector_load %arg10[%get3A_940, %get3A_941] {strides = array<i32>} : memref<160x128xf32, #tpu.memory_space<vmem>>, vector<1x16xf32>,
      %get3A_943 = vector.shape_cast %get3A_942 : vector<1x16xf32> to vector<16xf32>
      %mul3A_944 = vector.broadcast %squeeze3A_880 : f32 to vector<16xf32>
      %mul3A_945 = arith.mulf %get3A_943, %mul3A_944 : vector<16xf32>
      %swap3A_946 = arith.index_cast %add3A_884 : i32 to index
      %swap3A_947 = arith.constant 80 : index
      %swap3A_948 = tpu.vector_load %arg10[%swap3A_946, %swap3A_947] {strides = array<i32>} : memref<160x128xf32, #tpu.memory_space<vmem>>, vector<1x16xf32>,
      %swap3A_949 = vector.shape_cast %swap3A_948 : vector<1x16xf32> to vector<16xf32>
      %swap3A_950 = vector.shape_cast %mul3A_945 : vector<16xf32> to vector<1x16xf32>
      tpu.vector_store %arg10[%swap3A_946, %swap3A_947], %swap3A_950 {strides = array<i32>} : memref<160x128xf32, #tpu.memory_space<vmem>>, vector<1x16xf32>,
      %get3A_951 = arith.index_cast %add3A_884 : i32 to index
      %get3A_952 = arith.constant 96 : index
      %get3A_953 = tpu.vector_load %arg10[%get3A_951, %get3A_952] {strides = array<i32>} : memref<160x128xf32, #tpu.memory_space<vmem>>, vector<1x16xf32>,
      %get3A_954 = vector.shape_cast %get3A_953 : vector<1x16xf32> to vector<16xf32>
      %mul3A_955 = vector.broadcast %squeeze3A_880 : f32 to vector<16xf32>
      %mul3A_956 = arith.mulf %get3A_954, %mul3A_955 : vector<16xf32>
      %swap3A_957 = arith.index_cast %add3A_884 : i32 to index
      %swap3A_958 = arith.constant 96 : index
      %swap3A_959 = tpu.vector_load %arg10[%swap3A_957, %swap3A_958] {strides = array<i32>} : memref<160x128xf32, #tpu.memory_space<vmem>>, vector<1x16xf32>,
      %swap3A_960 = vector.shape_cast %swap3A_959 : vector<1x16xf32> to vector<16xf32>
      %swap3A_961 = vector.shape_cast %mul3A_956 : vector<16xf32> to vector<1x16xf32>
      tpu.vector_store %arg10[%swap3A_957, %swap3A_958], %swap3A_961 {strides = array<i32>} : memref<160x128xf32, #tpu.memory_space<vmem>>, vector<1x16xf32>,
      %get3A_962 = arith.index_cast %add3A_884 : i32 to index
      %get3A_963 = arith.constant 112 : index
      %get3A_964 = tpu.vector_load %arg10[%get3A_962, %get3A_963] {strides = array<i32>} : memref<160x128xf32, #tpu.memory_space<vmem>>, vector<1x16xf32>,
      %get3A_965 = vector.shape_cast %get3A_964 : vector<1x16xf32> to vector<16xf32>
      %mul3A_966 = vector.broadcast %squeeze3A_880 : f32 to vector<16xf32>
      %mul3A_967 = arith.mulf %get3A_965, %mul3A_966 : vector<16xf32>
      %swap3A_968 = arith.index_cast %add3A_884 : i32 to index
      %swap3A_969 = arith.constant 112 : index
      %swap3A_970 = tpu.vector_load %arg10[%swap3A_968, %swap3A_969] {strides = array<i32>} : memref<160x128xf32, #tpu.memory_space<vmem>>, vector<1x16xf32>,
      %swap3A_971 = vector.shape_cast %swap3A_970 : vector<1x16xf32> to vector<16xf32>
      %swap3A_972 = vector.shape_cast %mul3A_967 : vector<16xf32> to vector<1x16xf32>
      tpu.vector_store %arg10[%swap3A_968, %swap3A_969], %swap3A_972 {strides = array<i32>} : memref<160x128xf32, #tpu.memory_space<vmem>>, vector<1x16xf32>,
      %slice3A_973 = vector.extract_strided_slice %get3A_35 {offsets = [10], sizes = [1], strides = [1]} : vector<16xf32> to vector<1xf32>
      %squeeze3A_974 = vector.extract %slice3A_973[0] : f32 from vector<1xf32>
      %mul3A_975 = arith.constant 16 : i32
      %mul3A_976 = arith.muli %scan3A_30, %mul3A_975 : i32
      %add3A_977 = arith.constant 10 : i32
      %add3A_978 = arith.addi %mul3A_976, %add3A_977 : i32
      %get3A_979 = arith.index_cast %add3A_978 : i32 to index
      %get3A_980 = arith.constant 0 : index
      %get3A_981 = tpu.vector_load %arg10[%get3A_979, %get3A_980] {strides = array<i32>} : memref<160x128xf32, #tpu.memory_space<vmem>>, vector<1x16xf32>,
      %get3A_982 = vector.shape_cast %get3A_981 : vector<1x16xf32> to vector<16xf32>
      %mul3A_983 = vector.broadcast %squeeze3A_974 : f32 to vector<16xf32>
      %mul3A_984 = arith.mulf %get3A_982, %mul3A_983 : vector<16xf32>
      %swap3A_985 = arith.index_cast %add3A_978 : i32 to index
      %swap3A_986 = arith.constant 0 : index
      %swap3A_987 = tpu.vector_load %arg10[%swap3A_985, %swap3A_986] {strides = array<i32>} : memref<160x128xf32, #tpu.memory_space<vmem>>, vector<1x16xf32>,
      %swap3A_988 = vector.shape_cast %swap3A_987 : vector<1x16xf32> to vector<16xf32>
      %swap3A_989 = vector.shape_cast %mul3A_984 : vector<16xf32> to vector<1x16xf32>
      tpu.vector_store %arg10[%swap3A_985, %swap3A_986], %swap3A_989 {strides = array<i32>} : memref<160x128xf32, #tpu.memory_space<vmem>>, vector<1x16xf32>,
      %get3A_990 = arith.index_cast %add3A_978 : i32 to index
      %get3A_991 = arith.constant 16 : index
      %get3A_992 = tpu.vector_load %arg10[%get3A_990, %get3A_991] {strides = array<i32>} : memref<160x128xf32, #tpu.memory_space<vmem>>, vector<1x16xf32>,
      %get3A_993 = vector.shape_cast %get3A_992 : vector<1x16xf32> to vector<16xf32>
      %mul3A_994 = vector.broadcast %squeeze3A_974 : f32 to vector<16xf32>
      %mul3A_995 = arith.mulf %get3A_993, %mul3A_994 : vector<16xf32>
      %swap3A_996 = arith.index_cast %add3A_978 : i32 to index
      %swap3A_997 = arith.constant 16 : index
      %swap3A_998 = tpu.vector_load %arg10[%swap3A_996, %swap3A_997] {strides = array<i32>} : memref<160x128xf32, #tpu.memory_space<vmem>>, vector<1x16xf32>,
      %swap3A_999 = vector.shape_cast %swap3A_998 : vector<1x16xf32> to vector<16xf32>
      %swap3A_1000 = vector.shape_cast %mul3A_995 : vector<16xf32> to vector<1x16xf32>
      tpu.vector_store %arg10[%swap3A_996, %swap3A_997], %swap3A_1000 {strides = array<i32>} : memref<160x128xf32, #tpu.memory_space<vmem>>, vector<1x16xf32>,
      %get3A_1001 = arith.index_cast %add3A_978 : i32 to index
      %get3A_1002 = arith.constant 32 : index
      %get3A_1003 = tpu.vector_load %arg10[%get3A_1001, %get3A_1002] {strides = array<i32>} : memref<160x128xf32, #tpu.memory_space<vmem>>, vector<1x16xf32>,
      %get3A_1004 = vector.shape_cast %get3A_1003 : vector<1x16xf32> to vector<16xf32>
      %mul3A_1005 = vector.broadcast %squeeze3A_974 : f32 to vector<16xf32>
      %mul3A_1006 = arith.mulf %get3A_1004, %mul3A_1005 : vector<16xf32>
      %swap3A_1007 = arith.index_cast %add3A_978 : i32 to index
      %swap3A_1008 = arith.constant 32 : index
      %swap3A_1009 = tpu.vector_load %arg10[%swap3A_1007, %swap3A_1008] {strides = array<i32>} : memref<160x128xf32, #tpu.memory_space<vmem>>, vector<1x16xf32>,
      %swap3A_1010 = vector.shape_cast %swap3A_1009 : vector<1x16xf32> to vector<16xf32>
      %swap3A_1011 = vector.shape_cast %mul3A_1006 : vector<16xf32> to vector<1x16xf32>
      tpu.vector_store %arg10[%swap3A_1007, %swap3A_1008], %swap3A_1011 {strides = array<i32>} : memref<160x128xf32, #tpu.memory_space<vmem>>, vector<1x16xf32>,
      %get3A_1012 = arith.index_cast %add3A_978 : i32 to index
      %get3A_1013 = arith.constant 48 : index
      %get3A_1014 = tpu.vector_load %arg10[%get3A_1012, %get3A_1013] {strides = array<i32>} : memref<160x128xf32, #tpu.memory_space<vmem>>, vector<1x16xf32>,
      %get3A_1015 = vector.shape_cast %get3A_1014 : vector<1x16xf32> to vector<16xf32>
      %mul3A_1016 = vector.broadcast %squeeze3A_974 : f32 to vector<16xf32>
      %mul3A_1017 = arith.mulf %get3A_1015, %mul3A_1016 : vector<16xf32>
      %swap3A_1018 = arith.index_cast %add3A_978 : i32 to index
      %swap3A_1019 = arith.constant 48 : index
      %swap3A_1020 = tpu.vector_load %arg10[%swap3A_1018, %swap3A_1019] {strides = array<i32>} : memref<160x128xf32, #tpu.memory_space<vmem>>, vector<1x16xf32>,
      %swap3A_1021 = vector.shape_cast %swap3A_1020 : vector<1x16xf32> to vector<16xf32>
      %swap3A_1022 = vector.shape_cast %mul3A_1017 : vector<16xf32> to vector<1x16xf32>
      tpu.vector_store %arg10[%swap3A_1018, %swap3A_1019], %swap3A_1022 {strides = array<i32>} : memref<160x128xf32, #tpu.memory_space<vmem>>, vector<1x16xf32>,
      %get3A_1023 = arith.index_cast %add3A_978 : i32 to index
      %get3A_1024 = arith.constant 64 : index
      %get3A_1025 = tpu.vector_load %arg10[%get3A_1023, %get3A_1024] {strides = array<i32>} : memref<160x128xf32, #tpu.memory_space<vmem>>, vector<1x16xf32>,
      %get3A_1026 = vector.shape_cast %get3A_1025 : vector<1x16xf32> to vector<16xf32>
      %mul3A_1027 = vector.broadcast %squeeze3A_974 : f32 to vector<16xf32>
      %mul3A_1028 = arith.mulf %get3A_1026, %mul3A_1027 : vector<16xf32>
      %swap3A_1029 = arith.index_cast %add3A_978 : i32 to index
      %swap3A_1030 = arith.constant 64 : index
      %swap3A_1031 = tpu.vector_load %arg10[%swap3A_1029, %swap3A_1030] {strides = array<i32>} : memref<160x128xf32, #tpu.memory_space<vmem>>, vector<1x16xf32>,
      %swap3A_1032 = vector.shape_cast %swap3A_1031 : vector<1x16xf32> to vector<16xf32>
      %swap3A_1033 = vector.shape_cast %mul3A_1028 : vector<16xf32> to vector<1x16xf32>
      tpu.vector_store %arg10[%swap3A_1029, %swap3A_1030], %swap3A_1033 {strides = array<i32>} : memref<160x128xf32, #tpu.memory_space<vmem>>, vector<1x16xf32>,
      %get3A_1034 = arith.index_cast %add3A_978 : i32 to index
      %get3A_1035 = arith.constant 80 : index
      %get3A_1036 = tpu.vector_load %arg10[%get3A_1034, %get3A_1035] {strides = array<i32>} : memref<160x128xf32, #tpu.memory_space<vmem>>, vector<1x16xf32>,
      %get3A_1037 = vector.shape_cast %get3A_1036 : vector<1x16xf32> to vector<16xf32>
      %mul3A_1038 = vector.broadcast %squeeze3A_974 : f32 to vector<16xf32>
      %mul3A_1039 = arith.mulf %get3A_1037, %mul3A_1038 : vector<16xf32>
      %swap3A_1040 = arith.index_cast %add3A_978 : i32 to index
      %swap3A_1041 = arith.constant 80 : index
      %swap3A_1042 = tpu.vector_load %arg10[%swap3A_1040, %swap3A_1041] {strides = array<i32>} : memref<160x128xf32, #tpu.memory_space<vmem>>, vector<1x16xf32>,
      %swap3A_1043 = vector.shape_cast %swap3A_1042 : vector<1x16xf32> to vector<16xf32>
      %swap3A_1044 = vector.shape_cast %mul3A_1039 : vector<16xf32> to vector<1x16xf32>
      tpu.vector_store %arg10[%swap3A_1040, %swap3A_1041], %swap3A_1044 {strides = array<i32>} : memref<160x128xf32, #tpu.memory_space<vmem>>, vector<1x16xf32>,
      %get3A_1045 = arith.index_cast %add3A_978 : i32 to index
      %get3A_1046 = arith.constant 96 : index
      %get3A_1047 = tpu.vector_load %arg10[%get3A_1045, %get3A_1046] {strides = array<i32>} : memref<160x128xf32, #tpu.memory_space<vmem>>, vector<1x16xf32>,
      %get3A_1048 = vector.shape_cast %get3A_1047 : vector<1x16xf32> to vector<16xf32>
      %mul3A_1049 = vector.broadcast %squeeze3A_974 : f32 to vector<16xf32>
      %mul3A_1050 = arith.mulf %get3A_1048, %mul3A_1049 : vector<16xf32>
      %swap3A_1051 = arith.index_cast %add3A_978 : i32 to index
      %swap3A_1052 = arith.constant 96 : index
      %swap3A_1053 = tpu.vector_load %arg10[%swap3A_1051, %swap3A_1052] {strides = array<i32>} : memref<160x128xf32, #tpu.memory_space<vmem>>, vector<1x16xf32>,
      %swap3A_1054 = vector.shape_cast %swap3A_1053 : vector<1x16xf32> to vector<16xf32>
      %swap3A_1055 = vector.shape_cast %mul3A_1050 : vector<16xf32> to vector<1x16xf32>
      tpu.vector_store %arg10[%swap3A_1051, %swap3A_1052], %swap3A_1055 {strides = array<i32>} : memref<160x128xf32, #tpu.memory_space<vmem>>, vector<1x16xf32>,
      %get3A_1056 = arith.index_cast %add3A_978 : i32 to index
      %get3A_1057 = arith.constant 112 : index
      %get3A_1058 = tpu.vector_load %arg10[%get3A_1056, %get3A_1057] {strides = array<i32>} : memref<160x128xf32, #tpu.memory_space<vmem>>, vector<1x16xf32>,
      %get3A_1059 = vector.shape_cast %get3A_1058 : vector<1x16xf32> to vector<16xf32>
      %mul3A_1060 = vector.broadcast %squeeze3A_974 : f32 to vector<16xf32>
      %mul3A_1061 = arith.mulf %get3A_1059, %mul3A_1060 : vector<16xf32>
      %swap3A_1062 = arith.index_cast %add3A_978 : i32 to index
      %swap3A_1063 = arith.constant 112 : index
      %swap3A_1064 = tpu.vector_load %arg10[%swap3A_1062, %swap3A_1063] {strides = array<i32>} : memref<160x128xf32, #tpu.memory_space<vmem>>, vector<1x16xf32>,
      %swap3A_1065 = vector.shape_cast %swap3A_1064 : vector<1x16xf32> to vector<16xf32>
      %swap3A_1066 = vector.shape_cast %mul3A_1061 : vector<16xf32> to vector<1x16xf32>
      tpu.vector_store %arg10[%swap3A_1062, %swap3A_1063], %swap3A_1066 {strides = array<i32>} : memref<160x128xf32, #tpu.memory_space<vmem>>, vector<1x16xf32>,
      %slice3A_1067 = vector.extract_strided_slice %get3A_35 {offsets = [11], sizes = [1], strides = [1]} : vector<16xf32> to vector<1xf32>
      %squeeze3A_1068 = vector.extract %slice3A_1067[0] : f32 from vector<1xf32>
      %mul3A_1069 = arith.constant 16 : i32
      %mul3A_1070 = arith.muli %scan3A_30, %mul3A_1069 : i32
      %add3A_1071 = arith.constant 11 : i32
      %add3A_1072 = arith.addi %mul3A_1070, %add3A_1071 : i32
      %get3A_1073 = arith.index_cast %add3A_1072 : i32 to index
      %get3A_1074 = arith.constant 0 : index
      %get3A_1075 = tpu.vector_load %arg10[%get3A_1073, %get3A_1074] {strides = array<i32>} : memref<160x128xf32, #tpu.memory_space<vmem>>, vector<1x16xf32>,
      %get3A_1076 = vector.shape_cast %get3A_1075 : vector<1x16xf32> to vector<16xf32>
      %mul3A_1077 = vector.broadcast %squeeze3A_1068 : f32 to vector<16xf32>
      %mul3A_1078 = arith.mulf %get3A_1076, %mul3A_1077 : vector<16xf32>
      %swap3A_1079 = arith.index_cast %add3A_1072 : i32 to index
      %swap3A_1080 = arith.constant 0 : index
      %swap3A_1081 = tpu.vector_load %arg10[%swap3A_1079, %swap3A_1080] {strides = array<i32>} : memref<160x128xf32, #tpu.memory_space<vmem>>, vector<1x16xf32>,
      %swap3A_1082 = vector.shape_cast %swap3A_1081 : vector<1x16xf32> to vector<16xf32>
      %swap3A_1083 = vector.shape_cast %mul3A_1078 : vector<16xf32> to vector<1x16xf32>
      tpu.vector_store %arg10[%swap3A_1079, %swap3A_1080], %swap3A_1083 {strides = array<i32>} : memref<160x128xf32, #tpu.memory_space<vmem>>, vector<1x16xf32>,
      %get3A_1084 = arith.index_cast %add3A_1072 : i32 to index
      %get3A_1085 = arith.constant 16 : index
      %get3A_1086 = tpu.vector_load %arg10[%get3A_1084, %get3A_1085] {strides = array<i32>} : memref<160x128xf32, #tpu.memory_space<vmem>>, vector<1x16xf32>,
      %get3A_1087 = vector.shape_cast %get3A_1086 : vector<1x16xf32> to vector<16xf32>
      %mul3A_1088 = vector.broadcast %squeeze3A_1068 : f32 to vector<16xf32>
      %mul3A_1089 = arith.mulf %get3A_1087, %mul3A_1088 : vector<16xf32>
      %swap3A_1090 = arith.index_cast %add3A_1072 : i32 to index
      %swap3A_1091 = arith.constant 16 : index
      %swap3A_1092 = tpu.vector_load %arg10[%swap3A_1090, %swap3A_1091] {strides = array<i32>} : memref<160x128xf32, #tpu.memory_space<vmem>>, vector<1x16xf32>,
      %swap3A_1093 = vector.shape_cast %swap3A_1092 : vector<1x16xf32> to vector<16xf32>
      %swap3A_1094 = vector.shape_cast %mul3A_1089 : vector<16xf32> to vector<1x16xf32>
      tpu.vector_store %arg10[%swap3A_1090, %swap3A_1091], %swap3A_1094 {strides = array<i32>} : memref<160x128xf32, #tpu.memory_space<vmem>>, vector<1x16xf32>,
      %get3A_1095 = arith.index_cast %add3A_1072 : i32 to index
      %get3A_1096 = arith.constant 32 : index
      %get3A_1097 = tpu.vector_load %arg10[%get3A_1095, %get3A_1096] {strides = array<i32>} : memref<160x128xf32, #tpu.memory_space<vmem>>, vector<1x16xf32>,
      %get3A_1098 = vector.shape_cast %get3A_1097 : vector<1x16xf32> to vector<16xf32>
      %mul3A_1099 = vector.broadcast %squeeze3A_1068 : f32 to vector<16xf32>
      %mul3A_1100 = arith.mulf %get3A_1098, %mul3A_1099 : vector<16xf32>
      %swap3A_1101 = arith.index_cast %add3A_1072 : i32 to index
      %swap3A_1102 = arith.constant 32 : index
      %swap3A_1103 = tpu.vector_load %arg10[%swap3A_1101, %swap3A_1102] {strides = array<i32>} : memref<160x128xf32, #tpu.memory_space<vmem>>, vector<1x16xf32>,
      %swap3A_1104 = vector.shape_cast %swap3A_1103 : vector<1x16xf32> to vector<16xf32>
      %swap3A_1105 = vector.shape_cast %mul3A_1100 : vector<16xf32> to vector<1x16xf32>
      tpu.vector_store %arg10[%swap3A_1101, %swap3A_1102], %swap3A_1105 {strides = array<i32>} : memref<160x128xf32, #tpu.memory_space<vmem>>, vector<1x16xf32>,
      %get3A_1106 = arith.index_cast %add3A_1072 : i32 to index
      %get3A_1107 = arith.constant 48 : index
      %get3A_1108 = tpu.vector_load %arg10[%get3A_1106, %get3A_1107] {strides = array<i32>} : memref<160x128xf32, #tpu.memory_space<vmem>>, vector<1x16xf32>,
      %get3A_1109 = vector.shape_cast %get3A_1108 : vector<1x16xf32> to vector<16xf32>
      %mul3A_1110 = vector.broadcast %squeeze3A_1068 : f32 to vector<16xf32>
      %mul3A_1111 = arith.mulf %get3A_1109, %mul3A_1110 : vector<16xf32>
      %swap3A_1112 = arith.index_cast %add3A_1072 : i32 to index
      %swap3A_1113 = arith.constant 48 : index
      %swap3A_1114 = tpu.vector_load %arg10[%swap3A_1112, %swap3A_1113] {strides = array<i32>} : memref<160x128xf32, #tpu.memory_space<vmem>>, vector<1x16xf32>,
      %swap3A_1115 = vector.shape_cast %swap3A_1114 : vector<1x16xf32> to vector<16xf32>
      %swap3A_1116 = vector.shape_cast %mul3A_1111 : vector<16xf32> to vector<1x16xf32>
      tpu.vector_store %arg10[%swap3A_1112, %swap3A_1113], %swap3A_1116 {strides = array<i32>} : memref<160x128xf32, #tpu.memory_space<vmem>>, vector<1x16xf32>,
      %get3A_1117 = arith.index_cast %add3A_1072 : i32 to index
      %get3A_1118 = arith.constant 64 : index
      %get3A_1119 = tpu.vector_load %arg10[%get3A_1117, %get3A_1118] {strides = array<i32>} : memref<160x128xf32, #tpu.memory_space<vmem>>, vector<1x16xf32>,
      %get3A_1120 = vector.shape_cast %get3A_1119 : vector<1x16xf32> to vector<16xf32>
      %mul3A_1121 = vector.broadcast %squeeze3A_1068 : f32 to vector<16xf32>
      %mul3A_1122 = arith.mulf %get3A_1120, %mul3A_1121 : vector<16xf32>
      %swap3A_1123 = arith.index_cast %add3A_1072 : i32 to index
      %swap3A_1124 = arith.constant 64 : index
      %swap3A_1125 = tpu.vector_load %arg10[%swap3A_1123, %swap3A_1124] {strides = array<i32>} : memref<160x128xf32, #tpu.memory_space<vmem>>, vector<1x16xf32>,
      %swap3A_1126 = vector.shape_cast %swap3A_1125 : vector<1x16xf32> to vector<16xf32>
      %swap3A_1127 = vector.shape_cast %mul3A_1122 : vector<16xf32> to vector<1x16xf32>
      tpu.vector_store %arg10[%swap3A_1123, %swap3A_1124], %swap3A_1127 {strides = array<i32>} : memref<160x128xf32, #tpu.memory_space<vmem>>, vector<1x16xf32>,
      %get3A_1128 = arith.index_cast %add3A_1072 : i32 to index
      %get3A_1129 = arith.constant 80 : index
      %get3A_1130 = tpu.vector_load %arg10[%get3A_1128, %get3A_1129] {strides = array<i32>} : memref<160x128xf32, #tpu.memory_space<vmem>>, vector<1x16xf32>,
      %get3A_1131 = vector.shape_cast %get3A_1130 : vector<1x16xf32> to vector<16xf32>
      %mul3A_1132 = vector.broadcast %squeeze3A_1068 : f32 to vector<16xf32>
      %mul3A_1133 = arith.mulf %get3A_1131, %mul3A_1132 : vector<16xf32>
      %swap3A_1134 = arith.index_cast %add3A_1072 : i32 to index
      %swap3A_1135 = arith.constant 80 : index
      %swap3A_1136 = tpu.vector_load %arg10[%swap3A_1134, %swap3A_1135] {strides = array<i32>} : memref<160x128xf32, #tpu.memory_space<vmem>>, vector<1x16xf32>,
      %swap3A_1137 = vector.shape_cast %swap3A_1136 : vector<1x16xf32> to vector<16xf32>
      %swap3A_1138 = vector.shape_cast %mul3A_1133 : vector<16xf32> to vector<1x16xf32>
      tpu.vector_store %arg10[%swap3A_1134, %swap3A_1135], %swap3A_1138 {strides = array<i32>} : memref<160x128xf32, #tpu.memory_space<vmem>>, vector<1x16xf32>,
      %get3A_1139 = arith.index_cast %add3A_1072 : i32 to index
      %get3A_1140 = arith.constant 96 : index
      %get3A_1141 = tpu.vector_load %arg10[%get3A_1139, %get3A_1140] {strides = array<i32>} : memref<160x128xf32, #tpu.memory_space<vmem>>, vector<1x16xf32>,
      %get3A_1142 = vector.shape_cast %get3A_1141 : vector<1x16xf32> to vector<16xf32>
      %mul3A_1143 = vector.broadcast %squeeze3A_1068 : f32 to vector<16xf32>
      %mul3A_1144 = arith.mulf %get3A_1142, %mul3A_1143 : vector<16xf32>
      %swap3A_1145 = arith.index_cast %add3A_1072 : i32 to index
      %swap3A_1146 = arith.constant 96 : index
      %swap3A_1147 = tpu.vector_load %arg10[%swap3A_1145, %swap3A_1146] {strides = array<i32>} : memref<160x128xf32, #tpu.memory_space<vmem>>, vector<1x16xf32>,
      %swap3A_1148 = vector.shape_cast %swap3A_1147 : vector<1x16xf32> to vector<16xf32>
      %swap3A_1149 = vector.shape_cast %mul3A_1144 : vector<16xf32> to vector<1x16xf32>
      tpu.vector_store %arg10[%swap3A_1145, %swap3A_1146], %swap3A_1149 {strides = array<i32>} : memref<160x128xf32, #tpu.memory_space<vmem>>, vector<1x16xf32>,
      %get3A_1150 = arith.index_cast %add3A_1072 : i32 to index
      %get3A_1151 = arith.constant 112 : index
      %get3A_1152 = tpu.vector_load %arg10[%get3A_1150, %get3A_1151] {strides = array<i32>} : memref<160x128xf32, #tpu.memory_space<vmem>>, vector<1x16xf32>,
      %get3A_1153 = vector.shape_cast %get3A_1152 : vector<1x16xf32> to vector<16xf32>
      %mul3A_1154 = vector.broadcast %squeeze3A_1068 : f32 to vector<16xf32>
      %mul3A_1155 = arith.mulf %get3A_1153, %mul3A_1154 : vector<16xf32>
      %swap3A_1156 = arith.index_cast %add3A_1072 : i32 to index
      %swap3A_1157 = arith.constant 112 : index
      %swap3A_1158 = tpu.vector_load %arg10[%swap3A_1156, %swap3A_1157] {strides = array<i32>} : memref<160x128xf32, #tpu.memory_space<vmem>>, vector<1x16xf32>,
      %swap3A_1159 = vector.shape_cast %swap3A_1158 : vector<1x16xf32> to vector<16xf32>
      %swap3A_1160 = vector.shape_cast %mul3A_1155 : vector<16xf32> to vector<1x16xf32>
      tpu.vector_store %arg10[%swap3A_1156, %swap3A_1157], %swap3A_1160 {strides = array<i32>} : memref<160x128xf32, #tpu.memory_space<vmem>>, vector<1x16xf32>,
      %slice3A_1161 = vector.extract_strided_slice %get3A_35 {offsets = [12], sizes = [1], strides = [1]} : vector<16xf32> to vector<1xf32>
      %squeeze3A_1162 = vector.extract %slice3A_1161[0] : f32 from vector<1xf32>
      %mul3A_1163 = arith.constant 16 : i32
      %mul3A_1164 = arith.muli %scan3A_30, %mul3A_1163 : i32
      %add3A_1165 = arith.constant 12 : i32
      %add3A_1166 = arith.addi %mul3A_1164, %add3A_1165 : i32
      %get3A_1167 = arith.index_cast %add3A_1166 : i32 to index
      %get3A_1168 = arith.constant 0 : index
      %get3A_1169 = tpu.vector_load %arg10[%get3A_1167, %get3A_1168] {strides = array<i32>} : memref<160x128xf32, #tpu.memory_space<vmem>>, vector<1x16xf32>,
      %get3A_1170 = vector.shape_cast %get3A_1169 : vector<1x16xf32> to vector<16xf32>
      %mul3A_1171 = vector.broadcast %squeeze3A_1162 : f32 to vector<16xf32>
      %mul3A_1172 = arith.mulf %get3A_1170, %mul3A_1171 : vector<16xf32>
      %swap3A_1173 = arith.index_cast %add3A_1166 : i32 to index
      %swap3A_1174 = arith.constant 0 : index
      %swap3A_1175 = tpu.vector_load %arg10[%swap3A_1173, %swap3A_1174] {strides = array<i32>} : memref<160x128xf32, #tpu.memory_space<vmem>>, vector<1x16xf32>,
      %swap3A_1176 = vector.shape_cast %swap3A_1175 : vector<1x16xf32> to vector<16xf32>
      %swap3A_1177 = vector.shape_cast %mul3A_1172 : vector<16xf32> to vector<1x16xf32>
      tpu.vector_store %arg10[%swap3A_1173, %swap3A_1174], %swap3A_1177 {strides = array<i32>} : memref<160x128xf32, #tpu.memory_space<vmem>>, vector<1x16xf32>,
      %get3A_1178 = arith.index_cast %add3A_1166 : i32 to index
      %get3A_1179 = arith.constant 16 : index
      %get3A_1180 = tpu.vector_load %arg10[%get3A_1178, %get3A_1179] {strides = array<i32>} : memref<160x128xf32, #tpu.memory_space<vmem>>, vector<1x16xf32>,
      %get3A_1181 = vector.shape_cast %get3A_1180 : vector<1x16xf32> to vector<16xf32>
      %mul3A_1182 = vector.broadcast %squeeze3A_1162 : f32 to vector<16xf32>
      %mul3A_1183 = arith.mulf %get3A_1181, %mul3A_1182 : vector<16xf32>
      %swap3A_1184 = arith.index_cast %add3A_1166 : i32 to index
      %swap3A_1185 = arith.constant 16 : index
      %swap3A_1186 = tpu.vector_load %arg10[%swap3A_1184, %swap3A_1185] {strides = array<i32>} : memref<160x128xf32, #tpu.memory_space<vmem>>, vector<1x16xf32>,
      %swap3A_1187 = vector.shape_cast %swap3A_1186 : vector<1x16xf32> to vector<16xf32>
      %swap3A_1188 = vector.shape_cast %mul3A_1183 : vector<16xf32> to vector<1x16xf32>
      tpu.vector_store %arg10[%swap3A_1184, %swap3A_1185], %swap3A_1188 {strides = array<i32>} : memref<160x128xf32, #tpu.memory_space<vmem>>, vector<1x16xf32>,
      %get3A_1189 = arith.index_cast %add3A_1166 : i32 to index
      %get3A_1190 = arith.constant 32 : index
      %get3A_1191 = tpu.vector_load %arg10[%get3A_1189, %get3A_1190] {strides = array<i32>} : memref<160x128xf32, #tpu.memory_space<vmem>>, vector<1x16xf32>,
      %get3A_1192 = vector.shape_cast %get3A_1191 : vector<1x16xf32> to vector<16xf32>
      %mul3A_1193 = vector.broadcast %squeeze3A_1162 : f32 to vector<16xf32>
      %mul3A_1194 = arith.mulf %get3A_1192, %mul3A_1193 : vector<16xf32>
      %swap3A_1195 = arith.index_cast %add3A_1166 : i32 to index
      %swap3A_1196 = arith.constant 32 : index
      %swap3A_1197 = tpu.vector_load %arg10[%swap3A_1195, %swap3A_1196] {strides = array<i32>} : memref<160x128xf32, #tpu.memory_space<vmem>>, vector<1x16xf32>,
      %swap3A_1198 = vector.shape_cast %swap3A_1197 : vector<1x16xf32> to vector<16xf32>
      %swap3A_1199 = vector.shape_cast %mul3A_1194 : vector<16xf32> to vector<1x16xf32>
      tpu.vector_store %arg10[%swap3A_1195, %swap3A_1196], %swap3A_1199 {strides = array<i32>} : memref<160x128xf32, #tpu.memory_space<vmem>>, vector<1x16xf32>,
      %get3A_1200 = arith.index_cast %add3A_1166 : i32 to index
      %get3A_1201 = arith.constant 48 : index
      %get3A_1202 = tpu.vector_load %arg10[%get3A_1200, %get3A_1201] {strides = array<i32>} : memref<160x128xf32, #tpu.memory_space<vmem>>, vector<1x16xf32>,
      %get3A_1203 = vector.shape_cast %get3A_1202 : vector<1x16xf32> to vector<16xf32>
      %mul3A_1204 = vector.broadcast %squeeze3A_1162 : f32 to vector<16xf32>
      %mul3A_1205 = arith.mulf %get3A_1203, %mul3A_1204 : vector<16xf32>
      %swap3A_1206 = arith.index_cast %add3A_1166 : i32 to index
      %swap3A_1207 = arith.constant 48 : index
      %swap3A_1208 = tpu.vector_load %arg10[%swap3A_1206, %swap3A_1207] {strides = array<i32>} : memref<160x128xf32, #tpu.memory_space<vmem>>, vector<1x16xf32>,
      %swap3A_1209 = vector.shape_cast %swap3A_1208 : vector<1x16xf32> to vector<16xf32>
      %swap3A_1210 = vector.shape_cast %mul3A_1205 : vector<16xf32> to vector<1x16xf32>
      tpu.vector_store %arg10[%swap3A_1206, %swap3A_1207], %swap3A_1210 {strides = array<i32>} : memref<160x128xf32, #tpu.memory_space<vmem>>, vector<1x16xf32>,
      %get3A_1211 = arith.index_cast %add3A_1166 : i32 to index
      %get3A_1212 = arith.constant 64 : index
      %get3A_1213 = tpu.vector_load %arg10[%get3A_1211, %get3A_1212] {strides = array<i32>} : memref<160x128xf32, #tpu.memory_space<vmem>>, vector<1x16xf32>,
      %get3A_1214 = vector.shape_cast %get3A_1213 : vector<1x16xf32> to vector<16xf32>
      %mul3A_1215 = vector.broadcast %squeeze3A_1162 : f32 to vector<16xf32>
      %mul3A_1216 = arith.mulf %get3A_1214, %mul3A_1215 : vector<16xf32>
      %swap3A_1217 = arith.index_cast %add3A_1166 : i32 to index
      %swap3A_1218 = arith.constant 64 : index
      %swap3A_1219 = tpu.vector_load %arg10[%swap3A_1217, %swap3A_1218] {strides = array<i32>} : memref<160x128xf32, #tpu.memory_space<vmem>>, vector<1x16xf32>,
      %swap3A_1220 = vector.shape_cast %swap3A_1219 : vector<1x16xf32> to vector<16xf32>
      %swap3A_1221 = vector.shape_cast %mul3A_1216 : vector<16xf32> to vector<1x16xf32>
      tpu.vector_store %arg10[%swap3A_1217, %swap3A_1218], %swap3A_1221 {strides = array<i32>} : memref<160x128xf32, #tpu.memory_space<vmem>>, vector<1x16xf32>,
      %get3A_1222 = arith.index_cast %add3A_1166 : i32 to index
      %get3A_1223 = arith.constant 80 : index
      %get3A_1224 = tpu.vector_load %arg10[%get3A_1222, %get3A_1223] {strides = array<i32>} : memref<160x128xf32, #tpu.memory_space<vmem>>, vector<1x16xf32>,
      %get3A_1225 = vector.shape_cast %get3A_1224 : vector<1x16xf32> to vector<16xf32>
      %mul3A_1226 = vector.broadcast %squeeze3A_1162 : f32 to vector<16xf32>
      %mul3A_1227 = arith.mulf %get3A_1225, %mul3A_1226 : vector<16xf32>
      %swap3A_1228 = arith.index_cast %add3A_1166 : i32 to index
      %swap3A_1229 = arith.constant 80 : index
      %swap3A_1230 = tpu.vector_load %arg10[%swap3A_1228, %swap3A_1229] {strides = array<i32>} : memref<160x128xf32, #tpu.memory_space<vmem>>, vector<1x16xf32>,
      %swap3A_1231 = vector.shape_cast %swap3A_1230 : vector<1x16xf32> to vector<16xf32>
      %swap3A_1232 = vector.shape_cast %mul3A_1227 : vector<16xf32> to vector<1x16xf32>
      tpu.vector_store %arg10[%swap3A_1228, %swap3A_1229], %swap3A_1232 {strides = array<i32>} : memref<160x128xf32, #tpu.memory_space<vmem>>, vector<1x16xf32>,
      %get3A_1233 = arith.index_cast %add3A_1166 : i32 to index
      %get3A_1234 = arith.constant 96 : index
      %get3A_1235 = tpu.vector_load %arg10[%get3A_1233, %get3A_1234] {strides = array<i32>} : memref<160x128xf32, #tpu.memory_space<vmem>>, vector<1x16xf32>,
      %get3A_1236 = vector.shape_cast %get3A_1235 : vector<1x16xf32> to vector<16xf32>
      %mul3A_1237 = vector.broadcast %squeeze3A_1162 : f32 to vector<16xf32>
      %mul3A_1238 = arith.mulf %get3A_1236, %mul3A_1237 : vector<16xf32>
      %swap3A_1239 = arith.index_cast %add3A_1166 : i32 to index
      %swap3A_1240 = arith.constant 96 : index
      %swap3A_1241 = tpu.vector_load %arg10[%swap3A_1239, %swap3A_1240] {strides = array<i32>} : memref<160x128xf32, #tpu.memory_space<vmem>>, vector<1x16xf32>,
      %swap3A_1242 = vector.shape_cast %swap3A_1241 : vector<1x16xf32> to vector<16xf32>
      %swap3A_1243 = vector.shape_cast %mul3A_1238 : vector<16xf32> to vector<1x16xf32>
      tpu.vector_store %arg10[%swap3A_1239, %swap3A_1240], %swap3A_1243 {strides = array<i32>} : memref<160x128xf32, #tpu.memory_space<vmem>>, vector<1x16xf32>,
      %get3A_1244 = arith.index_cast %add3A_1166 : i32 to index
      %get3A_1245 = arith.constant 112 : index
      %get3A_1246 = tpu.vector_load %arg10[%get3A_1244, %get3A_1245] {strides = array<i32>} : memref<160x128xf32, #tpu.memory_space<vmem>>, vector<1x16xf32>,
      %get3A_1247 = vector.shape_cast %get3A_1246 : vector<1x16xf32> to vector<16xf32>
      %mul3A_1248 = vector.broadcast %squeeze3A_1162 : f32 to vector<16xf32>
      %mul3A_1249 = arith.mulf %get3A_1247, %mul3A_1248 : vector<16xf32>
      %swap3A_1250 = arith.index_cast %add3A_1166 : i32 to index
      %swap3A_1251 = arith.constant 112 : index
      %swap3A_1252 = tpu.vector_load %arg10[%swap3A_1250, %swap3A_1251] {strides = array<i32>} : memref<160x128xf32, #tpu.memory_space<vmem>>, vector<1x16xf32>,
      %swap3A_1253 = vector.shape_cast %swap3A_1252 : vector<1x16xf32> to vector<16xf32>
      %swap3A_1254 = vector.shape_cast %mul3A_1249 : vector<16xf32> to vector<1x16xf32>
      tpu.vector_store %arg10[%swap3A_1250, %swap3A_1251], %swap3A_1254 {strides = array<i32>} : memref<160x128xf32, #tpu.memory_space<vmem>>, vector<1x16xf32>,
      %slice3A_1255 = vector.extract_strided_slice %get3A_35 {offsets = [13], sizes = [1], strides = [1]} : vector<16xf32> to vector<1xf32>
      %squeeze3A_1256 = vector.extract %slice3A_1255[0] : f32 from vector<1xf32>
      %mul3A_1257 = arith.constant 16 : i32
      %mul3A_1258 = arith.muli %scan3A_30, %mul3A_1257 : i32
      %add3A_1259 = arith.constant 13 : i32
      %add3A_1260 = arith.addi %mul3A_1258, %add3A_1259 : i32
      %get3A_1261 = arith.index_cast %add3A_1260 : i32 to index
      %get3A_1262 = arith.constant 0 : index
      %get3A_1263 = tpu.vector_load %arg10[%get3A_1261, %get3A_1262] {strides = array<i32>} : memref<160x128xf32, #tpu.memory_space<vmem>>, vector<1x16xf32>,
      %get3A_1264 = vector.shape_cast %get3A_1263 : vector<1x16xf32> to vector<16xf32>
      %mul3A_1265 = vector.broadcast %squeeze3A_1256 : f32 to vector<16xf32>
      %mul3A_1266 = arith.mulf %get3A_1264, %mul3A_1265 : vector<16xf32>
      %swap3A_1267 = arith.index_cast %add3A_1260 : i32 to index
      %swap3A_1268 = arith.constant 0 : index
      %swap3A_1269 = tpu.vector_load %arg10[%swap3A_1267, %swap3A_1268] {strides = array<i32>} : memref<160x128xf32, #tpu.memory_space<vmem>>, vector<1x16xf32>,
      %swap3A_1270 = vector.shape_cast %swap3A_1269 : vector<1x16xf32> to vector<16xf32>
      %swap3A_1271 = vector.shape_cast %mul3A_1266 : vector<16xf32> to vector<1x16xf32>
      tpu.vector_store %arg10[%swap3A_1267, %swap3A_1268], %swap3A_1271 {strides = array<i32>} : memref<160x128xf32, #tpu.memory_space<vmem>>, vector<1x16xf32>,
      %get3A_1272 = arith.index_cast %add3A_1260 : i32 to index
      %get3A_1273 = arith.constant 16 : index
      %get3A_1274 = tpu.vector_load %arg10[%get3A_1272, %get3A_1273] {strides = array<i32>} : memref<160x128xf32, #tpu.memory_space<vmem>>, vector<1x16xf32>,
      %get3A_1275 = vector.shape_cast %get3A_1274 : vector<1x16xf32> to vector<16xf32>
      %mul3A_1276 = vector.broadcast %squeeze3A_1256 : f32 to vector<16xf32>
      %mul3A_1277 = arith.mulf %get3A_1275, %mul3A_1276 : vector<16xf32>
      %swap3A_1278 = arith.index_cast %add3A_1260 : i32 to index
      %swap3A_1279 = arith.constant 16 : index
      %swap3A_1280 = tpu.vector_load %arg10[%swap3A_1278, %swap3A_1279] {strides = array<i32>} : memref<160x128xf32, #tpu.memory_space<vmem>>, vector<1x16xf32>,
      %swap3A_1281 = vector.shape_cast %swap3A_1280 : vector<1x16xf32> to vector<16xf32>
      %swap3A_1282 = vector.shape_cast %mul3A_1277 : vector<16xf32> to vector<1x16xf32>
      tpu.vector_store %arg10[%swap3A_1278, %swap3A_1279], %swap3A_1282 {strides = array<i32>} : memref<160x128xf32, #tpu.memory_space<vmem>>, vector<1x16xf32>,
      %get3A_1283 = arith.index_cast %add3A_1260 : i32 to index
      %get3A_1284 = arith.constant 32 : index
      %get3A_1285 = tpu.vector_load %arg10[%get3A_1283, %get3A_1284] {strides = array<i32>} : memref<160x128xf32, #tpu.memory_space<vmem>>, vector<1x16xf32>,
      %get3A_1286 = vector.shape_cast %get3A_1285 : vector<1x16xf32> to vector<16xf32>
      %mul3A_1287 = vector.broadcast %squeeze3A_1256 : f32 to vector<16xf32>
      %mul3A_1288 = arith.mulf %get3A_1286, %mul3A_1287 : vector<16xf32>
      %swap3A_1289 = arith.index_cast %add3A_1260 : i32 to index
      %swap3A_1290 = arith.constant 32 : index
      %swap3A_1291 = tpu.vector_load %arg10[%swap3A_1289, %swap3A_1290] {strides = array<i32>} : memref<160x128xf32, #tpu.memory_space<vmem>>, vector<1x16xf32>,
      %swap3A_1292 = vector.shape_cast %swap3A_1291 : vector<1x16xf32> to vector<16xf32>
      %swap3A_1293 = vector.shape_cast %mul3A_1288 : vector<16xf32> to vector<1x16xf32>
      tpu.vector_store %arg10[%swap3A_1289, %swap3A_1290], %swap3A_1293 {strides = array<i32>} : memref<160x128xf32, #tpu.memory_space<vmem>>, vector<1x16xf32>,
      %get3A_1294 = arith.index_cast %add3A_1260 : i32 to index
      %get3A_1295 = arith.constant 48 : index
      %get3A_1296 = tpu.vector_load %arg10[%get3A_1294, %get3A_1295] {strides = array<i32>} : memref<160x128xf32, #tpu.memory_space<vmem>>, vector<1x16xf32>,
      %get3A_1297 = vector.shape_cast %get3A_1296 : vector<1x16xf32> to vector<16xf32>
      %mul3A_1298 = vector.broadcast %squeeze3A_1256 : f32 to vector<16xf32>
      %mul3A_1299 = arith.mulf %get3A_1297, %mul3A_1298 : vector<16xf32>
      %swap3A_1300 = arith.index_cast %add3A_1260 : i32 to index
      %swap3A_1301 = arith.constant 48 : index
      %swap3A_1302 = tpu.vector_load %arg10[%swap3A_1300, %swap3A_1301] {strides = array<i32>} : memref<160x128xf32, #tpu.memory_space<vmem>>, vector<1x16xf32>,
      %swap3A_1303 = vector.shape_cast %swap3A_1302 : vector<1x16xf32> to vector<16xf32>
      %swap3A_1304 = vector.shape_cast %mul3A_1299 : vector<16xf32> to vector<1x16xf32>
      tpu.vector_store %arg10[%swap3A_1300, %swap3A_1301], %swap3A_1304 {strides = array<i32>} : memref<160x128xf32, #tpu.memory_space<vmem>>, vector<1x16xf32>,
      %get3A_1305 = arith.index_cast %add3A_1260 : i32 to index
      %get3A_1306 = arith.constant 64 : index
      %get3A_1307 = tpu.vector_load %arg10[%get3A_1305, %get3A_1306] {strides = array<i32>} : memref<160x128xf32, #tpu.memory_space<vmem>>, vector<1x16xf32>,
      %get3A_1308 = vector.shape_cast %get3A_1307 : vector<1x16xf32> to vector<16xf32>
      %mul3A_1309 = vector.broadcast %squeeze3A_1256 : f32 to vector<16xf32>
      %mul3A_1310 = arith.mulf %get3A_1308, %mul3A_1309 : vector<16xf32>
      %swap3A_1311 = arith.index_cast %add3A_1260 : i32 to index
      %swap3A_1312 = arith.constant 64 : index
      %swap3A_1313 = tpu.vector_load %arg10[%swap3A_1311, %swap3A_1312] {strides = array<i32>} : memref<160x128xf32, #tpu.memory_space<vmem>>, vector<1x16xf32>,
      %swap3A_1314 = vector.shape_cast %swap3A_1313 : vector<1x16xf32> to vector<16xf32>
      %swap3A_1315 = vector.shape_cast %mul3A_1310 : vector<16xf32> to vector<1x16xf32>
      tpu.vector_store %arg10[%swap3A_1311, %swap3A_1312], %swap3A_1315 {strides = array<i32>} : memref<160x128xf32, #tpu.memory_space<vmem>>, vector<1x16xf32>,
      %get3A_1316 = arith.index_cast %add3A_1260 : i32 to index
      %get3A_1317 = arith.constant 80 : index
      %get3A_1318 = tpu.vector_load %arg10[%get3A_1316, %get3A_1317] {strides = array<i32>} : memref<160x128xf32, #tpu.memory_space<vmem>>, vector<1x16xf32>,
      %get3A_1319 = vector.shape_cast %get3A_1318 : vector<1x16xf32> to vector<16xf32>
      %mul3A_1320 = vector.broadcast %squeeze3A_1256 : f32 to vector<16xf32>
      %mul3A_1321 = arith.mulf %get3A_1319, %mul3A_1320 : vector<16xf32>
      %swap3A_1322 = arith.index_cast %add3A_1260 : i32 to index
      %swap3A_1323 = arith.constant 80 : index
      %swap3A_1324 = tpu.vector_load %arg10[%swap3A_1322, %swap3A_1323] {strides = array<i32>} : memref<160x128xf32, #tpu.memory_space<vmem>>, vector<1x16xf32>,
      %swap3A_1325 = vector.shape_cast %swap3A_1324 : vector<1x16xf32> to vector<16xf32>
      %swap3A_1326 = vector.shape_cast %mul3A_1321 : vector<16xf32> to vector<1x16xf32>
      tpu.vector_store %arg10[%swap3A_1322, %swap3A_1323], %swap3A_1326 {strides = array<i32>} : memref<160x128xf32, #tpu.memory_space<vmem>>, vector<1x16xf32>,
      %get3A_1327 = arith.index_cast %add3A_1260 : i32 to index
      %get3A_1328 = arith.constant 96 : index
      %get3A_1329 = tpu.vector_load %arg10[%get3A_1327, %get3A_1328] {strides = array<i32>} : memref<160x128xf32, #tpu.memory_space<vmem>>, vector<1x16xf32>,
      %get3A_1330 = vector.shape_cast %get3A_1329 : vector<1x16xf32> to vector<16xf32>
      %mul3A_1331 = vector.broadcast %squeeze3A_1256 : f32 to vector<16xf32>
      %mul3A_1332 = arith.mulf %get3A_1330, %mul3A_1331 : vector<16xf32>
      %swap3A_1333 = arith.index_cast %add3A_1260 : i32 to index
      %swap3A_1334 = arith.constant 96 : index
      %swap3A_1335 = tpu.vector_load %arg10[%swap3A_1333, %swap3A_1334] {strides = array<i32>} : memref<160x128xf32, #tpu.memory_space<vmem>>, vector<1x16xf32>,
      %swap3A_1336 = vector.shape_cast %swap3A_1335 : vector<1x16xf32> to vector<16xf32>
      %swap3A_1337 = vector.shape_cast %mul3A_1332 : vector<16xf32> to vector<1x16xf32>
      tpu.vector_store %arg10[%swap3A_1333, %swap3A_1334], %swap3A_1337 {strides = array<i32>} : memref<160x128xf32, #tpu.memory_space<vmem>>, vector<1x16xf32>,
      %get3A_1338 = arith.index_cast %add3A_1260 : i32 to index
      %get3A_1339 = arith.constant 112 : index
      %get3A_1340 = tpu.vector_load %arg10[%get3A_1338, %get3A_1339] {strides = array<i32>} : memref<160x128xf32, #tpu.memory_space<vmem>>, vector<1x16xf32>,
      %get3A_1341 = vector.shape_cast %get3A_1340 : vector<1x16xf32> to vector<16xf32>
      %mul3A_1342 = vector.broadcast %squeeze3A_1256 : f32 to vector<16xf32>
      %mul3A_1343 = arith.mulf %get3A_1341, %mul3A_1342 : vector<16xf32>
      %swap3A_1344 = arith.index_cast %add3A_1260 : i32 to index
      %swap3A_1345 = arith.constant 112 : index
      %swap3A_1346 = tpu.vector_load %arg10[%swap3A_1344, %swap3A_1345] {strides = array<i32>} : memref<160x128xf32, #tpu.memory_space<vmem>>, vector<1x16xf32>,
      %swap3A_1347 = vector.shape_cast %swap3A_1346 : vector<1x16xf32> to vector<16xf32>
      %swap3A_1348 = vector.shape_cast %mul3A_1343 : vector<16xf32> to vector<1x16xf32>
      tpu.vector_store %arg10[%swap3A_1344, %swap3A_1345], %swap3A_1348 {strides = array<i32>} : memref<160x128xf32, #tpu.memory_space<vmem>>, vector<1x16xf32>,
      %slice3A_1349 = vector.extract_strided_slice %get3A_35 {offsets = [14], sizes = [1], strides = [1]} : vector<16xf32> to vector<1xf32>
      %squeeze3A_1350 = vector.extract %slice3A_1349[0] : f32 from vector<1xf32>
      %mul3A_1351 = arith.constant 16 : i32
      %mul3A_1352 = arith.muli %scan3A_30, %mul3A_1351 : i32
      %add3A_1353 = arith.constant 14 : i32
      %add3A_1354 = arith.addi %mul3A_1352, %add3A_1353 : i32
      %get3A_1355 = arith.index_cast %add3A_1354 : i32 to index
      %get3A_1356 = arith.constant 0 : index
      %get3A_1357 = tpu.vector_load %arg10[%get3A_1355, %get3A_1356] {strides = array<i32>} : memref<160x128xf32, #tpu.memory_space<vmem>>, vector<1x16xf32>,
      %get3A_1358 = vector.shape_cast %get3A_1357 : vector<1x16xf32> to vector<16xf32>
      %mul3A_1359 = vector.broadcast %squeeze3A_1350 : f32 to vector<16xf32>
      %mul3A_1360 = arith.mulf %get3A_1358, %mul3A_1359 : vector<16xf32>
      %swap3A_1361 = arith.index_cast %add3A_1354 : i32 to index
      %swap3A_1362 = arith.constant 0 : index
      %swap3A_1363 = tpu.vector_load %arg10[%swap3A_1361, %swap3A_1362] {strides = array<i32>} : memref<160x128xf32, #tpu.memory_space<vmem>>, vector<1x16xf32>,
      %swap3A_1364 = vector.shape_cast %swap3A_1363 : vector<1x16xf32> to vector<16xf32>
      %swap3A_1365 = vector.shape_cast %mul3A_1360 : vector<16xf32> to vector<1x16xf32>
      tpu.vector_store %arg10[%swap3A_1361, %swap3A_1362], %swap3A_1365 {strides = array<i32>} : memref<160x128xf32, #tpu.memory_space<vmem>>, vector<1x16xf32>,
      %get3A_1366 = arith.index_cast %add3A_1354 : i32 to index
      %get3A_1367 = arith.constant 16 : index
      %get3A_1368 = tpu.vector_load %arg10[%get3A_1366, %get3A_1367] {strides = array<i32>} : memref<160x128xf32, #tpu.memory_space<vmem>>, vector<1x16xf32>,
      %get3A_1369 = vector.shape_cast %get3A_1368 : vector<1x16xf32> to vector<16xf32>
      %mul3A_1370 = vector.broadcast %squeeze3A_1350 : f32 to vector<16xf32>
      %mul3A_1371 = arith.mulf %get3A_1369, %mul3A_1370 : vector<16xf32>
      %swap3A_1372 = arith.index_cast %add3A_1354 : i32 to index
      %swap3A_1373 = arith.constant 16 : index
      %swap3A_1374 = tpu.vector_load %arg10[%swap3A_1372, %swap3A_1373] {strides = array<i32>} : memref<160x128xf32, #tpu.memory_space<vmem>>, vector<1x16xf32>,
      %swap3A_1375 = vector.shape_cast %swap3A_1374 : vector<1x16xf32> to vector<16xf32>
      %swap3A_1376 = vector.shape_cast %mul3A_1371 : vector<16xf32> to vector<1x16xf32>
      tpu.vector_store %arg10[%swap3A_1372, %swap3A_1373], %swap3A_1376 {strides = array<i32>} : memref<160x128xf32, #tpu.memory_space<vmem>>, vector<1x16xf32>,
      %get3A_1377 = arith.index_cast %add3A_1354 : i32 to index
      %get3A_1378 = arith.constant 32 : index
      %get3A_1379 = tpu.vector_load %arg10[%get3A_1377, %get3A_1378] {strides = array<i32>} : memref<160x128xf32, #tpu.memory_space<vmem>>, vector<1x16xf32>,
      %get3A_1380 = vector.shape_cast %get3A_1379 : vector<1x16xf32> to vector<16xf32>
      %mul3A_1381 = vector.broadcast %squeeze3A_1350 : f32 to vector<16xf32>
      %mul3A_1382 = arith.mulf %get3A_1380, %mul3A_1381 : vector<16xf32>
      %swap3A_1383 = arith.index_cast %add3A_1354 : i32 to index
      %swap3A_1384 = arith.constant 32 : index
      %swap3A_1385 = tpu.vector_load %arg10[%swap3A_1383, %swap3A_1384] {strides = array<i32>} : memref<160x128xf32, #tpu.memory_space<vmem>>, vector<1x16xf32>,
      %swap3A_1386 = vector.shape_cast %swap3A_1385 : vector<1x16xf32> to vector<16xf32>
      %swap3A_1387 = vector.shape_cast %mul3A_1382 : vector<16xf32> to vector<1x16xf32>
      tpu.vector_store %arg10[%swap3A_1383, %swap3A_1384], %swap3A_1387 {strides = array<i32>} : memref<160x128xf32, #tpu.memory_space<vmem>>, vector<1x16xf32>,
      %get3A_1388 = arith.index_cast %add3A_1354 : i32 to index
      %get3A_1389 = arith.constant 48 : index
      %get3A_1390 = tpu.vector_load %arg10[%get3A_1388, %get3A_1389] {strides = array<i32>} : memref<160x128xf32, #tpu.memory_space<vmem>>, vector<1x16xf32>,
      %get3A_1391 = vector.shape_cast %get3A_1390 : vector<1x16xf32> to vector<16xf32>
      %mul3A_1392 = vector.broadcast %squeeze3A_1350 : f32 to vector<16xf32>
      %mul3A_1393 = arith.mulf %get3A_1391, %mul3A_1392 : vector<16xf32>
      %swap3A_1394 = arith.index_cast %add3A_1354 : i32 to index
      %swap3A_1395 = arith.constant 48 : index
      %swap3A_1396 = tpu.vector_load %arg10[%swap3A_1394, %swap3A_1395] {strides = array<i32>} : memref<160x128xf32, #tpu.memory_space<vmem>>, vector<1x16xf32>,
      %swap3A_1397 = vector.shape_cast %swap3A_1396 : vector<1x16xf32> to vector<16xf32>
      %swap3A_1398 = vector.shape_cast %mul3A_1393 : vector<16xf32> to vector<1x16xf32>
      tpu.vector_store %arg10[%swap3A_1394, %swap3A_1395], %swap3A_1398 {strides = array<i32>} : memref<160x128xf32, #tpu.memory_space<vmem>>, vector<1x16xf32>,
      %get3A_1399 = arith.index_cast %add3A_1354 : i32 to index
      %get3A_1400 = arith.constant 64 : index
      %get3A_1401 = tpu.vector_load %arg10[%get3A_1399, %get3A_1400] {strides = array<i32>} : memref<160x128xf32, #tpu.memory_space<vmem>>, vector<1x16xf32>,
      %get3A_1402 = vector.shape_cast %get3A_1401 : vector<1x16xf32> to vector<16xf32>
      %mul3A_1403 = vector.broadcast %squeeze3A_1350 : f32 to vector<16xf32>
      %mul3A_1404 = arith.mulf %get3A_1402, %mul3A_1403 : vector<16xf32>
      %swap3A_1405 = arith.index_cast %add3A_1354 : i32 to index
      %swap3A_1406 = arith.constant 64 : index
      %swap3A_1407 = tpu.vector_load %arg10[%swap3A_1405, %swap3A_1406] {strides = array<i32>} : memref<160x128xf32, #tpu.memory_space<vmem>>, vector<1x16xf32>,
      %swap3A_1408 = vector.shape_cast %swap3A_1407 : vector<1x16xf32> to vector<16xf32>
      %swap3A_1409 = vector.shape_cast %mul3A_1404 : vector<16xf32> to vector<1x16xf32>
      tpu.vector_store %arg10[%swap3A_1405, %swap3A_1406], %swap3A_1409 {strides = array<i32>} : memref<160x128xf32, #tpu.memory_space<vmem>>, vector<1x16xf32>,
      %get3A_1410 = arith.index_cast %add3A_1354 : i32 to index
      %get3A_1411 = arith.constant 80 : index
      %get3A_1412 = tpu.vector_load %arg10[%get3A_1410, %get3A_1411] {strides = array<i32>} : memref<160x128xf32, #tpu.memory_space<vmem>>, vector<1x16xf32>,
      %get3A_1413 = vector.shape_cast %get3A_1412 : vector<1x16xf32> to vector<16xf32>
      %mul3A_1414 = vector.broadcast %squeeze3A_1350 : f32 to vector<16xf32>
      %mul3A_1415 = arith.mulf %get3A_1413, %mul3A_1414 : vector<16xf32>
      %swap3A_1416 = arith.index_cast %add3A_1354 : i32 to index
      %swap3A_1417 = arith.constant 80 : index
      %swap3A_1418 = tpu.vector_load %arg10[%swap3A_1416, %swap3A_1417] {strides = array<i32>} : memref<160x128xf32, #tpu.memory_space<vmem>>, vector<1x16xf32>,
      %swap3A_1419 = vector.shape_cast %swap3A_1418 : vector<1x16xf32> to vector<16xf32>
      %swap3A_1420 = vector.shape_cast %mul3A_1415 : vector<16xf32> to vector<1x16xf32>
      tpu.vector_store %arg10[%swap3A_1416, %swap3A_1417], %swap3A_1420 {strides = array<i32>} : memref<160x128xf32, #tpu.memory_space<vmem>>, vector<1x16xf32>,
      %get3A_1421 = arith.index_cast %add3A_1354 : i32 to index
      %get3A_1422 = arith.constant 96 : index
      %get3A_1423 = tpu.vector_load %arg10[%get3A_1421, %get3A_1422] {strides = array<i32>} : memref<160x128xf32, #tpu.memory_space<vmem>>, vector<1x16xf32>,
      %get3A_1424 = vector.shape_cast %get3A_1423 : vector<1x16xf32> to vector<16xf32>
      %mul3A_1425 = vector.broadcast %squeeze3A_1350 : f32 to vector<16xf32>
      %mul3A_1426 = arith.mulf %get3A_1424, %mul3A_1425 : vector<16xf32>
      %swap3A_1427 = arith.index_cast %add3A_1354 : i32 to index
      %swap3A_1428 = arith.constant 96 : index
      %swap3A_1429 = tpu.vector_load %arg10[%swap3A_1427, %swap3A_1428] {strides = array<i32>} : memref<160x128xf32, #tpu.memory_space<vmem>>, vector<1x16xf32>,
      %swap3A_1430 = vector.shape_cast %swap3A_1429 : vector<1x16xf32> to vector<16xf32>
      %swap3A_1431 = vector.shape_cast %mul3A_1426 : vector<16xf32> to vector<1x16xf32>
      tpu.vector_store %arg10[%swap3A_1427, %swap3A_1428], %swap3A_1431 {strides = array<i32>} : memref<160x128xf32, #tpu.memory_space<vmem>>, vector<1x16xf32>,
      %get3A_1432 = arith.index_cast %add3A_1354 : i32 to index
      %get3A_1433 = arith.constant 112 : index
      %get3A_1434 = tpu.vector_load %arg10[%get3A_1432, %get3A_1433] {strides = array<i32>} : memref<160x128xf32, #tpu.memory_space<vmem>>, vector<1x16xf32>,
      %get3A_1435 = vector.shape_cast %get3A_1434 : vector<1x16xf32> to vector<16xf32>
      %mul3A_1436 = vector.broadcast %squeeze3A_1350 : f32 to vector<16xf32>
      %mul3A_1437 = arith.mulf %get3A_1435, %mul3A_1436 : vector<16xf32>
      %swap3A_1438 = arith.index_cast %add3A_1354 : i32 to index
      %swap3A_1439 = arith.constant 112 : index
      %swap3A_1440 = tpu.vector_load %arg10[%swap3A_1438, %swap3A_1439] {strides = array<i32>} : memref<160x128xf32, #tpu.memory_space<vmem>>, vector<1x16xf32>,
      %swap3A_1441 = vector.shape_cast %swap3A_1440 : vector<1x16xf32> to vector<16xf32>
      %swap3A_1442 = vector.shape_cast %mul3A_1437 : vector<16xf32> to vector<1x16xf32>
      tpu.vector_store %arg10[%swap3A_1438, %swap3A_1439], %swap3A_1442 {strides = array<i32>} : memref<160x128xf32, #tpu.memory_space<vmem>>, vector<1x16xf32>,
      %slice3A_1443 = vector.extract_strided_slice %get3A_35 {offsets = [15], sizes = [1], strides = [1]} : vector<16xf32> to vector<1xf32>
      %squeeze3A_1444 = vector.extract %slice3A_1443[0] : f32 from vector<1xf32>
      %mul3A_1445 = arith.constant 16 : i32
      %mul3A_1446 = arith.muli %scan3A_30, %mul3A_1445 : i32
      %add3A_1447 = arith.constant 15 : i32
      %add3A_1448 = arith.addi %mul3A_1446, %add3A_1447 : i32
      %get3A_1449 = arith.index_cast %add3A_1448 : i32 to index
      %get3A_1450 = arith.constant 0 : index
      %get3A_1451 = tpu.vector_load %arg10[%get3A_1449, %get3A_1450] {strides = array<i32>} : memref<160x128xf32, #tpu.memory_space<vmem>>, vector<1x16xf32>,
      %get3A_1452 = vector.shape_cast %get3A_1451 : vector<1x16xf32> to vector<16xf32>
      %mul3A_1453 = vector.broadcast %squeeze3A_1444 : f32 to vector<16xf32>
      %mul3A_1454 = arith.mulf %get3A_1452, %mul3A_1453 : vector<16xf32>
      %swap3A_1455 = arith.index_cast %add3A_1448 : i32 to index
      %swap3A_1456 = arith.constant 0 : index
      %swap3A_1457 = tpu.vector_load %arg10[%swap3A_1455, %swap3A_1456] {strides = array<i32>} : memref<160x128xf32, #tpu.memory_space<vmem>>, vector<1x16xf32>,
      %swap3A_1458 = vector.shape_cast %swap3A_1457 : vector<1x16xf32> to vector<16xf32>
      %swap3A_1459 = vector.shape_cast %mul3A_1454 : vector<16xf32> to vector<1x16xf32>
      tpu.vector_store %arg10[%swap3A_1455, %swap3A_1456], %swap3A_1459 {strides = array<i32>} : memref<160x128xf32, #tpu.memory_space<vmem>>, vector<1x16xf32>,
      %get3A_1460 = arith.index_cast %add3A_1448 : i32 to index
      %get3A_1461 = arith.constant 16 : index
      %get3A_1462 = tpu.vector_load %arg10[%get3A_1460, %get3A_1461] {strides = array<i32>} : memref<160x128xf32, #tpu.memory_space<vmem>>, vector<1x16xf32>,
      %get3A_1463 = vector.shape_cast %get3A_1462 : vector<1x16xf32> to vector<16xf32>
      %mul3A_1464 = vector.broadcast %squeeze3A_1444 : f32 to vector<16xf32>
      %mul3A_1465 = arith.mulf %get3A_1463, %mul3A_1464 : vector<16xf32>
      %swap3A_1466 = arith.index_cast %add3A_1448 : i32 to index
      %swap3A_1467 = arith.constant 16 : index
      %swap3A_1468 = tpu.vector_load %arg10[%swap3A_1466, %swap3A_1467] {strides = array<i32>} : memref<160x128xf32, #tpu.memory_space<vmem>>, vector<1x16xf32>,
      %swap3A_1469 = vector.shape_cast %swap3A_1468 : vector<1x16xf32> to vector<16xf32>
      %swap3A_1470 = vector.shape_cast %mul3A_1465 : vector<16xf32> to vector<1x16xf32>
      tpu.vector_store %arg10[%swap3A_1466, %swap3A_1467], %swap3A_1470 {strides = array<i32>} : memref<160x128xf32, #tpu.memory_space<vmem>>, vector<1x16xf32>,
      %get3A_1471 = arith.index_cast %add3A_1448 : i32 to index
      %get3A_1472 = arith.constant 32 : index
      %get3A_1473 = tpu.vector_load %arg10[%get3A_1471, %get3A_1472] {strides = array<i32>} : memref<160x128xf32, #tpu.memory_space<vmem>>, vector<1x16xf32>,
      %get3A_1474 = vector.shape_cast %get3A_1473 : vector<1x16xf32> to vector<16xf32>
      %mul3A_1475 = vector.broadcast %squeeze3A_1444 : f32 to vector<16xf32>
      %mul3A_1476 = arith.mulf %get3A_1474, %mul3A_1475 : vector<16xf32>
      %swap3A_1477 = arith.index_cast %add3A_1448 : i32 to index
      %swap3A_1478 = arith.constant 32 : index
      %swap3A_1479 = tpu.vector_load %arg10[%swap3A_1477, %swap3A_1478] {strides = array<i32>} : memref<160x128xf32, #tpu.memory_space<vmem>>, vector<1x16xf32>,
      %swap3A_1480 = vector.shape_cast %swap3A_1479 : vector<1x16xf32> to vector<16xf32>
      %swap3A_1481 = vector.shape_cast %mul3A_1476 : vector<16xf32> to vector<1x16xf32>
      tpu.vector_store %arg10[%swap3A_1477, %swap3A_1478], %swap3A_1481 {strides = array<i32>} : memref<160x128xf32, #tpu.memory_space<vmem>>, vector<1x16xf32>,
      %get3A_1482 = arith.index_cast %add3A_1448 : i32 to index
      %get3A_1483 = arith.constant 48 : index
      %get3A_1484 = tpu.vector_load %arg10[%get3A_1482, %get3A_1483] {strides = array<i32>} : memref<160x128xf32, #tpu.memory_space<vmem>>, vector<1x16xf32>,
      %get3A_1485 = vector.shape_cast %get3A_1484 : vector<1x16xf32> to vector<16xf32>
      %mul3A_1486 = vector.broadcast %squeeze3A_1444 : f32 to vector<16xf32>
      %mul3A_1487 = arith.mulf %get3A_1485, %mul3A_1486 : vector<16xf32>
      %swap3A_1488 = arith.index_cast %add3A_1448 : i32 to index
      %swap3A_1489 = arith.constant 48 : index
      %swap3A_1490 = tpu.vector_load %arg10[%swap3A_1488, %swap3A_1489] {strides = array<i32>} : memref<160x128xf32, #tpu.memory_space<vmem>>, vector<1x16xf32>,
      %swap3A_1491 = vector.shape_cast %swap3A_1490 : vector<1x16xf32> to vector<16xf32>
      %swap3A_1492 = vector.shape_cast %mul3A_1487 : vector<16xf32> to vector<1x16xf32>
      tpu.vector_store %arg10[%swap3A_1488, %swap3A_1489], %swap3A_1492 {strides = array<i32>} : memref<160x128xf32, #tpu.memory_space<vmem>>, vector<1x16xf32>,
      %get3A_1493 = arith.index_cast %add3A_1448 : i32 to index
      %get3A_1494 = arith.constant 64 : index
      %get3A_1495 = tpu.vector_load %arg10[%get3A_1493, %get3A_1494] {strides = array<i32>} : memref<160x128xf32, #tpu.memory_space<vmem>>, vector<1x16xf32>,
      %get3A_1496 = vector.shape_cast %get3A_1495 : vector<1x16xf32> to vector<16xf32>
      %mul3A_1497 = vector.broadcast %squeeze3A_1444 : f32 to vector<16xf32>
      %mul3A_1498 = arith.mulf %get3A_1496, %mul3A_1497 : vector<16xf32>
      %swap3A_1499 = arith.index_cast %add3A_1448 : i32 to index
      %swap3A_1500 = arith.constant 64 : index
      %swap3A_1501 = tpu.vector_load %arg10[%swap3A_1499, %swap3A_1500] {strides = array<i32>} : memref<160x128xf32, #tpu.memory_space<vmem>>, vector<1x16xf32>,
      %swap3A_1502 = vector.shape_cast %swap3A_1501 : vector<1x16xf32> to vector<16xf32>
      %swap3A_1503 = vector.shape_cast %mul3A_1498 : vector<16xf32> to vector<1x16xf32>
      tpu.vector_store %arg10[%swap3A_1499, %swap3A_1500], %swap3A_1503 {strides = array<i32>} : memref<160x128xf32, #tpu.memory_space<vmem>>, vector<1x16xf32>,
      %get3A_1504 = arith.index_cast %add3A_1448 : i32 to index
      %get3A_1505 = arith.constant 80 : index
      %get3A_1506 = tpu.vector_load %arg10[%get3A_1504, %get3A_1505] {strides = array<i32>} : memref<160x128xf32, #tpu.memory_space<vmem>>, vector<1x16xf32>,
      %get3A_1507 = vector.shape_cast %get3A_1506 : vector<1x16xf32> to vector<16xf32>
      %mul3A_1508 = vector.broadcast %squeeze3A_1444 : f32 to vector<16xf32>
      %mul3A_1509 = arith.mulf %get3A_1507, %mul3A_1508 : vector<16xf32>
      %swap3A_1510 = arith.index_cast %add3A_1448 : i32 to index
      %swap3A_1511 = arith.constant 80 : index
      %swap3A_1512 = tpu.vector_load %arg10[%swap3A_1510, %swap3A_1511] {strides = array<i32>} : memref<160x128xf32, #tpu.memory_space<vmem>>, vector<1x16xf32>,
      %swap3A_1513 = vector.shape_cast %swap3A_1512 : vector<1x16xf32> to vector<16xf32>
      %swap3A_1514 = vector.shape_cast %mul3A_1509 : vector<16xf32> to vector<1x16xf32>
      tpu.vector_store %arg10[%swap3A_1510, %swap3A_1511], %swap3A_1514 {strides = array<i32>} : memref<160x128xf32, #tpu.memory_space<vmem>>, vector<1x16xf32>,
      %get3A_1515 = arith.index_cast %add3A_1448 : i32 to index
      %get3A_1516 = arith.constant 96 : index
      %get3A_1517 = tpu.vector_load %arg10[%get3A_1515, %get3A_1516] {strides = array<i32>} : memref<160x128xf32, #tpu.memory_space<vmem>>, vector<1x16xf32>,
      %get3A_1518 = vector.shape_cast %get3A_1517 : vector<1x16xf32> to vector<16xf32>
      %mul3A_1519 = vector.broadcast %squeeze3A_1444 : f32 to vector<16xf32>
      %mul3A_1520 = arith.mulf %get3A_1518, %mul3A_1519 : vector<16xf32>
      %swap3A_1521 = arith.index_cast %add3A_1448 : i32 to index
      %swap3A_1522 = arith.constant 96 : index
      %swap3A_1523 = tpu.vector_load %arg10[%swap3A_1521, %swap3A_1522] {strides = array<i32>} : memref<160x128xf32, #tpu.memory_space<vmem>>, vector<1x16xf32>,
      %swap3A_1524 = vector.shape_cast %swap3A_1523 : vector<1x16xf32> to vector<16xf32>
      %swap3A_1525 = vector.shape_cast %mul3A_1520 : vector<16xf32> to vector<1x16xf32>
      tpu.vector_store %arg10[%swap3A_1521, %swap3A_1522], %swap3A_1525 {strides = array<i32>} : memref<160x128xf32, #tpu.memory_space<vmem>>, vector<1x16xf32>,
      %get3A_1526 = arith.index_cast %add3A_1448 : i32 to index
      %get3A_1527 = arith.constant 112 : index
      %get3A_1528 = tpu.vector_load %arg10[%get3A_1526, %get3A_1527] {strides = array<i32>} : memref<160x128xf32, #tpu.memory_space<vmem>>, vector<1x16xf32>,
      %get3A_1529 = vector.shape_cast %get3A_1528 : vector<1x16xf32> to vector<16xf32>
      %mul3A_1530 = vector.broadcast %squeeze3A_1444 : f32 to vector<16xf32>
      %mul3A_1531 = arith.mulf %get3A_1529, %mul3A_1530 : vector<16xf32>
      %swap3A_1532 = arith.index_cast %add3A_1448 : i32 to index
      %swap3A_1533 = arith.constant 112 : index
      %swap3A_1534 = tpu.vector_load %arg10[%swap3A_1532, %swap3A_1533] {strides = array<i32>} : memref<160x128xf32, #tpu.memory_space<vmem>>, vector<1x16xf32>,
      %swap3A_1535 = vector.shape_cast %swap3A_1534 : vector<1x16xf32> to vector<16xf32>
      %swap3A_1536 = vector.shape_cast %mul3A_1531 : vector<16xf32> to vector<1x16xf32>
      tpu.vector_store %arg10[%swap3A_1532, %swap3A_1533], %swap3A_1536 {strides = array<i32>} : memref<160x128xf32, #tpu.memory_space<vmem>>, vector<1x16xf32>,
      %scan3A_1537 = arith.constant 0 : i32
      scf.yield %scan3A_1537 : i32
    }
    %scan3A_23 = arith.constant 10 : i32
    %lt3A = arith.constant 31 : i32
    %lt3A_24 = arith.cmpi slt, %add3A, %lt3A : i32
    %convert_element_type3A = arith.extui %lt3A_24 : i1 to i32
    %cond3A = arith.constant 0 : i32
    %cond3A_25 = arith.cmpi ne, %convert_element_type3A, %cond3A : i32
    scf.if %cond3A_25 {
      "tpu.region"() ({
        %run_scoped3A = tpu.sem_alloc : memref<!tpu.dma_semaphore, #tpu.memory_space<semaphore_mem>>
        %dma_start3A_30 = arith.constant 0 : i32
        %dma_start3A_31 = tpu.memref_slice %arg5[%mul3A_8, %dma_start3A_30] : memref<5000x128xf32, #tpu.memory_space<hbm>> -> memref<160x128xf32, #tpu.memory_space<hbm>>
        %dma_start3A_32 = arith.constant 0 : i32
        %dma_start3A_33 = tpu.memref_slice %arg5[%mul3A_8, %dma_start3A_32] : memref<5000x128xf32, #tpu.memory_space<hbm>> -> memref<160x128xf32, #tpu.memory_space<hbm>>
        tpu.enqueue_dma source(%arg10 : memref<160x128xf32, #tpu.memory_space<vmem>>) target(%dma_start3A_33 : memref<160x128xf32, #tpu.memory_space<hbm>>) target_semaphore(%run_scoped3A : memref<!tpu.dma_semaphore, #tpu.memory_space<semaphore_mem>>)
        %dma_wait3A_34 = arith.constant 0 : i32
        %dma_wait3A_35 = tpu.memref_slice %arg5[%mul3A_8, %dma_wait3A_34] : memref<5000x128xf32, #tpu.memory_space<hbm>> -> memref<160x128xf32, #tpu.memory_space<hbm>>
        %dma_wait3A_36 = arith.constant 0 : i32
        %dma_wait3A_37 = tpu.memref_slice %arg5[%mul3A_8, %dma_wait3A_36] : memref<5000x128xf32, #tpu.memory_space<hbm>> -> memref<160x128xf32, #tpu.memory_space<hbm>>
        tpu.wait_dma2 semaphore(%run_scoped3A : memref<!tpu.dma_semaphore, #tpu.memory_space<semaphore_mem>>) src(%arg10 : memref<160x128xf32, #tpu.memory_space<vmem>>) dst(%dma_wait3A_37 : memref<160x128xf32, #tpu.memory_space<hbm>>)
        tpu.yield
      }) : () -> ()
    } else {
    }
    %eq3A = arith.constant 31 : i32
    %eq3A_26 = arith.cmpi eq, %add3A, %eq3A : i32
    %convert_element_type3A_27 = arith.extui %eq3A_26 : i1 to i32
    %cond3A_28 = arith.constant 0 : i32
    %cond3A_29 = arith.cmpi ne, %convert_element_type3A_27, %cond3A_28 : i32
    scf.if %cond3A_29 {
      "tpu.region"() ({
        %run_scoped3A = tpu.sem_alloc : memref<!tpu.dma_semaphore, #tpu.memory_space<semaphore_mem>>
        %dma_start3A_30 = arith.constant 0 : i32
        %dma_start3A_31 = arith.constant 0 : i32
        %dma_start3A_32 = tpu.memref_slice %arg10[%dma_start3A_30, %dma_start3A_31] : memref<160x128xf32, #tpu.memory_space<vmem>> -> memref<40x128xf32, #tpu.memory_space<vmem>>
        %dma_start3A_33 = arith.constant 0 : i32
        %dma_start3A_34 = tpu.memref_slice %arg5[%mul3A_8, %dma_start3A_33] : memref<5000x128xf32, #tpu.memory_space<hbm>> -> memref<40x128xf32, #tpu.memory_space<hbm>>
        %dma_start3A_35 = arith.constant 0 : i32
        %dma_start3A_36 = tpu.memref_slice %arg5[%mul3A_8, %dma_start3A_35] : memref<5000x128xf32, #tpu.memory_space<hbm>> -> memref<40x128xf32, #tpu.memory_space<hbm>>
        %dma_start3A_37 = arith.constant 0 : i32
        %dma_start3A_38 = arith.constant 0 : i32
        %dma_start3A_39 = tpu.memref_slice %arg10[%dma_start3A_37, %dma_start3A_38] : memref<160x128xf32, #tpu.memory_space<vmem>> -> memref<40x128xf32, #tpu.memory_space<vmem>>
        tpu.enqueue_dma source(%dma_start3A_39 : memref<40x128xf32, #tpu.memory_space<vmem>>) target(%dma_start3A_36 : memref<40x128xf32, #tpu.memory_space<hbm>>) target_semaphore(%run_scoped3A : memref<!tpu.dma_semaphore, #tpu.memory_space<semaphore_mem>>)
        %dma_wait3A_40 = arith.constant 0 : i32
        %dma_wait3A_41 = arith.constant 0 : i32
        %dma_wait3A_42 = tpu.memref_slice %arg10[%dma_wait3A_40, %dma_wait3A_41] : memref<160x128xf32, #tpu.memory_space<vmem>> -> memref<40x128xf32, #tpu.memory_space<vmem>>
        %dma_wait3A_43 = arith.constant 0 : i32
        %dma_wait3A_44 = tpu.memref_slice %arg5[%mul3A_8, %dma_wait3A_43] : memref<5000x128xf32, #tpu.memory_space<hbm>> -> memref<40x128xf32, #tpu.memory_space<hbm>>
        %dma_wait3A_45 = arith.constant 0 : i32
        %dma_wait3A_46 = tpu.memref_slice %arg5[%mul3A_8, %dma_wait3A_45] : memref<5000x128xf32, #tpu.memory_space<hbm>> -> memref<40x128xf32, #tpu.memory_space<hbm>>
        %dma_wait3A_47 = arith.constant 0 : i32
        %dma_wait3A_48 = arith.constant 0 : i32
        %dma_wait3A_49 = tpu.memref_slice %arg10[%dma_wait3A_47, %dma_wait3A_48] : memref<160x128xf32, #tpu.memory_space<vmem>> -> memref<40x128xf32, #tpu.memory_space<vmem>>
        tpu.wait_dma2 semaphore(%run_scoped3A : memref<!tpu.dma_semaphore, #tpu.memory_space<semaphore_mem>>) src(%dma_wait3A_49 : memref<40x128xf32, #tpu.memory_space<vmem>>) dst(%dma_wait3A_46 : memref<40x128xf32, #tpu.memory_space<hbm>>)
        tpu.yield
      }) : () -> ()
    } else {
    }
    return
  }
}

module attributes {stable_mosaic.version = 14 : i64} {
  func.func @_k1_body(%arg0: i32, %arg1: memref<2000x128xf32, #tpu.memory_space<vmem>>, %arg2: memref<128x1xf32, #tpu.memory_space<vmem>>, %arg3: memref<1x1xf32, #tpu.memory_space<vmem>>, %arg4: memref<2000x1xf32, #tpu.memory_space<vmem>>, %arg5: memref<2000x1xf32, #tpu.memory_space<vmem>>, %arg6: memref<2000x1xf32, #tpu.memory_space<vmem>>, %arg7: memref<2000x1xf32, #tpu.memory_space<vmem>>) attributes {dimension_semantics = [#tpu.dimension_semantics<arbitrary>], iteration_bounds = array<i64: 5>, scalar_prefetch = 0 : i64, scratch_operands = 0 : i64, tpu.core_type = #tpu.core_type<tc>, window_params = [{transform_indices = @transform_0, window_bounds = array<i64: 2000, 128>}, {pipeline_mode = #tpu.pipeline_mode<synchronous>, transform_indices = @transform_1, window_bounds = array<i64: 128, 1>}, {pipeline_mode = #tpu.pipeline_mode<synchronous>, transform_indices = @transform_2, window_bounds = array<i64: 1, 1>}, {transform_indices = @transform_3, window_bounds = array<i64: 2000, 1>}, {transform_indices = @transform_4, window_bounds = array<i64: 2000, 1>}, {transform_indices = @transform_5, window_bounds = array<i64: 2000, 1>}, {transform_indices = @transform_6, window_bounds = array<i64: 2000, 1>}]} {
    %get3A = arith.constant 0 : index
    %get3A_0 = arith.constant 0 : index
    %get3A_1 = vector.load %arg1[%get3A, %get3A_0] : memref<2000x128xf32, #tpu.memory_space<vmem>>, vector<2000x128xf32>
    %get3A_2 = arith.constant 0 : index
    %get3A_3 = arith.constant 0 : index
    %get3A_4 = vector.load %arg4[%get3A_2, %get3A_3] : memref<2000x1xf32, #tpu.memory_space<vmem>>, vector<2000x1xf32>
    %max3A = arith.constant 1.000000e-15 : f32
    %max3A_5 = vector.broadcast %max3A : f32 to vector<2000x1xf32>
    %max3A_6 = arith.maximumf %get3A_4, %max3A_5 : vector<2000x1xf32>
    %min3A = arith.constant 0.999989986 : f32
    %min3A_7 = vector.broadcast %min3A : f32 to vector<2000x1xf32>
    %min3A_8 = arith.minimumf %max3A_6, %min3A_7 : vector<2000x1xf32>
    %log1p3A = math.log1p %min3A_8 : vector<2000x1xf32>
    %neg3A = arith.constant 0.000000e+00 : f32
    %neg3A_9 = vector.broadcast %neg3A : f32 to vector<2000x1xf32>
    %neg3A_10 = arith.subf %neg3A_9, %min3A_8 : vector<2000x1xf32>
    %log1p3A_11 = math.log1p %neg3A_10 : vector<2000x1xf32>
    %sub3A = arith.subf %log1p3A, %log1p3A_11 : vector<2000x1xf32>
    %mul3A = arith.constant 5.000000e-01 : f32
    %mul3A_12 = vector.broadcast %mul3A : f32 to vector<2000x1xf32>
    %mul3A_13 = arith.mulf %mul3A_12, %sub3A : vector<2000x1xf32>
    %div3A = arith.divf %mul3A_13, %max3A_6 : vector<2000x1xf32>
    %mul3A_14 = vector.broadcast %div3A : vector<2000x1xf32> to vector<2000x128xf32>
    %mul3A_15 = arith.mulf %mul3A_14, %get3A_1 : vector<2000x128xf32>
    %get3A_16 = arith.constant 0 : index
    %get3A_17 = arith.constant 0 : index
    %get3A_18 = vector.load %arg2[%get3A_16, %get3A_17] : memref<128x1xf32, #tpu.memory_space<vmem>>, vector<128x1xf32>
    %dot_general3A = arith.constant dense<0.000000e+00> : vector<2000x1xf32>
    %dot_general3A_19 = tpu.matmul %mul3A_15, %get3A_18, %dot_general3A {dimension_numbers = #tpu.dot_dimension_numbers<[1], [0], [0], [1], [0, 0, 1, 1], [], []>, transpose_lhs_hint = false} : vector<2000x128xf32>, vector<128x1xf32>, vector<2000x1xf32> -> vector<2000x1xf32>
    %get3A_20 = arith.constant 0 : index
    %get3A_21 = arith.constant 0 : index
    %get3A_22 = vector.load %arg3[%get3A_20, %get3A_21] : memref<1x1xf32, #tpu.memory_space<vmem>>, vector<1x1xf32>
    %get3A_23 = vector.extract %get3A_22[0, 0] : f32 from vector<1x1xf32>
    %mul3A_24 = arith.mulf %get3A_23, %get3A_23 : f32
    %sqrt3A = math.sqrt %mul3A_24 : f32
    %max3A_25 = arith.constant 1.000000e-15 : f32
    %max3A_26 = arith.maximumf %sqrt3A, %max3A_25 : f32
    %tanh3A = math.tanh %max3A_26 : f32
    %mul3A_27 = arith.mulf %tanh3A, %get3A_23 : f32
    %div3A_28 = arith.divf %mul3A_27, %max3A_26 : f32
    %mul3A_29 = arith.mulf %div3A_28, %div3A_28 : f32
    %sqrt3A_30 = math.sqrt %mul3A_29 : f32
    %max3A_31 = arith.constant 1.000000e-15 : f32
    %max3A_32 = arith.maximumf %sqrt3A_30, %max3A_31 : f32
    %gt3A = arith.constant 0.999989986 : f32
    %gt3A_33 = arith.cmpf ogt, %max3A_32, %gt3A : f32
    %div3A_34 = arith.divf %div3A_28, %max3A_32 : f32
    %mul3A_35 = arith.constant 0.999989986 : f32
    %mul3A_36 = arith.mulf %div3A_34, %mul3A_35 : f32
    %select_n3A = arith.select %gt3A_33, %mul3A_36, %div3A_28 : f32
    %mul3A_37 = arith.mulf %dot_general3A_19, %dot_general3A_19 : vector<2000x1xf32>
    %mul3A_38 = arith.mulf %select_n3A, %select_n3A : f32
    %mul3A_39 = vector.broadcast %select_n3A : f32 to vector<2000x1xf32>
    %mul3A_40 = arith.mulf %dot_general3A_19, %mul3A_39 : vector<2000x1xf32>
    %mul3A_41 = arith.constant 2.000000e+00 : f32
    %mul3A_42 = vector.broadcast %mul3A_41 : f32 to vector<2000x1xf32>
    %mul3A_43 = arith.mulf %mul3A_42, %mul3A_40 : vector<2000x1xf32>
    %add3A = arith.constant 1.000000e+00 : f32
    %add3A_44 = vector.broadcast %add3A : f32 to vector<2000x1xf32>
    %add3A_45 = arith.addf %add3A_44, %mul3A_43 : vector<2000x1xf32>
    %add3A_46 = vector.broadcast %mul3A_38 : f32 to vector<2000x1xf32>
    %add3A_47 = arith.addf %add3A_45, %add3A_46 : vector<2000x1xf32>
    %mul3A_48 = arith.mulf %add3A_47, %dot_general3A_19 : vector<2000x1xf32>
    %sub3A_49 = arith.constant 1.000000e+00 : f32
    %sub3A_50 = vector.broadcast %sub3A_49 : f32 to vector<2000x1xf32>
    %sub3A_51 = arith.subf %sub3A_50, %mul3A_37 : vector<2000x1xf32>
    %mul3A_52 = vector.broadcast %select_n3A : f32 to vector<2000x1xf32>
    %mul3A_53 = arith.mulf %sub3A_51, %mul3A_52 : vector<2000x1xf32>
    %add3A_54 = arith.addf %mul3A_48, %mul3A_53 : vector<2000x1xf32>
    %mul3A_55 = arith.constant 2.000000e+00 : f32
    %mul3A_56 = vector.broadcast %mul3A_55 : f32 to vector<2000x1xf32>
    %mul3A_57 = arith.mulf %mul3A_56, %mul3A_40 : vector<2000x1xf32>
    %add3A_58 = arith.constant 1.000000e+00 : f32
    %add3A_59 = vector.broadcast %add3A_58 : f32 to vector<2000x1xf32>
    %add3A_60 = arith.addf %add3A_59, %mul3A_57 : vector<2000x1xf32>
    %mul3A_61 = vector.broadcast %mul3A_38 : f32 to vector<2000x1xf32>
    %mul3A_62 = arith.mulf %mul3A_37, %mul3A_61 : vector<2000x1xf32>
    %add3A_63 = arith.addf %add3A_60, %mul3A_62 : vector<2000x1xf32>
    %max3A_64 = arith.constant 1.000000e-15 : f32
    %max3A_65 = vector.broadcast %max3A_64 : f32 to vector<2000x1xf32>
    %max3A_66 = arith.maximumf %add3A_63, %max3A_65 : vector<2000x1xf32>
    %div3A_67 = arith.divf %add3A_54, %max3A_66 : vector<2000x1xf32>
    %mul3A_68 = arith.mulf %div3A_67, %div3A_67 : vector<2000x1xf32>
    %sqrt3A_69 = math.sqrt %mul3A_68 : vector<2000x1xf32>
    %max3A_70 = arith.constant 1.000000e-15 : f32
    %max3A_71 = vector.broadcast %max3A_70 : f32 to vector<2000x1xf32>
    %max3A_72 = arith.maximumf %sqrt3A_69, %max3A_71 : vector<2000x1xf32>
    %gt3A_73 = arith.constant 0.999989986 : f32
    %gt3A_74 = vector.broadcast %gt3A_73 : f32 to vector<2000x1xf32>
    %gt3A_75 = arith.cmpf ogt, %max3A_72, %gt3A_74 : vector<2000x1xf32>
    %div3A_76 = arith.divf %div3A_67, %max3A_72 : vector<2000x1xf32>
    %mul3A_77 = arith.constant 0.999989986 : f32
    %mul3A_78 = vector.broadcast %mul3A_77 : f32 to vector<2000x1xf32>
    %mul3A_79 = arith.mulf %div3A_76, %mul3A_78 : vector<2000x1xf32>
    %select_n3A_80 = arith.select %gt3A_75, %mul3A_79, %div3A_67 : vector<2000x1xi1>, vector<2000x1xf32>
    %swap3A = arith.constant 0 : index
    %swap3A_81 = arith.constant 0 : index
    %swap3A_82 = vector.load %arg5[%swap3A, %swap3A_81] : memref<2000x1xf32, #tpu.memory_space<vmem>>, vector<2000x1xf32>
    tpu.vector_store %arg5[%swap3A, %swap3A_81], %select_n3A_80 {strides = array<i32>} : memref<2000x1xf32, #tpu.memory_space<vmem>>, vector<2000x1xf32>,
    %swap3A_83 = arith.constant 0 : index
    %swap3A_84 = arith.constant 0 : index
    %swap3A_85 = vector.load %arg6[%swap3A_83, %swap3A_84] : memref<2000x1xf32, #tpu.memory_space<vmem>>, vector<2000x1xf32>
    tpu.vector_store %arg6[%swap3A_83, %swap3A_84], %get3A_4 {strides = array<i32>} : memref<2000x1xf32, #tpu.memory_space<vmem>>, vector<2000x1xf32>,
    %swap3A_86 = arith.constant 0 : index
    %swap3A_87 = arith.constant 0 : index
    %swap3A_88 = vector.load %arg7[%swap3A_86, %swap3A_87] : memref<2000x1xf32, #tpu.memory_space<vmem>>, vector<2000x1xf32>
    tpu.vector_store %arg7[%swap3A_86, %swap3A_87], %div3A {strides = array<i32>} : memref<2000x1xf32, #tpu.memory_space<vmem>>, vector<2000x1xf32>,
    return
  }
  func.func @transform_0(%arg0: i32) -> (i32, i32) {
    %c0_i32 = arith.constant 0 : i32
    %c0_i32_0 = arith.constant 0 : i32
    return %arg0, %c0_i32 : i32, i32
  }
  func.func @transform_1(%arg0: i32) -> (i32, i32) {
    %c0_i32 = arith.constant 0 : i32
    %c0_i32_0 = arith.constant 0 : i32
    %c0_i32_1 = arith.constant 0 : i32
    return %c0_i32, %c0_i32_0 : i32, i32
  }
  func.func @transform_2(%arg0: i32) -> (i32, i32) {
    %c0_i32 = arith.constant 0 : i32
    %c0_i32_0 = arith.constant 0 : i32
    %c0_i32_1 = arith.constant 0 : i32
    return %c0_i32, %c0_i32_0 : i32, i32
  }
  func.func @transform_3(%arg0: i32) -> (i32, i32) {
    %c0_i32 = arith.constant 0 : i32
    %c0_i32_0 = arith.constant 0 : i32
    return %arg0, %c0_i32 : i32, i32
  }
  func.func @transform_4(%arg0: i32) -> (i32, i32) {
    %c0_i32 = arith.constant 0 : i32
    %c0_i32_0 = arith.constant 0 : i32
    return %arg0, %c0_i32 : i32, i32
  }
  func.func @transform_5(%arg0: i32) -> (i32, i32) {
    %c0_i32 = arith.constant 0 : i32
    %c0_i32_0 = arith.constant 0 : i32
    return %arg0, %c0_i32 : i32, i32
  }
  func.func @transform_6(%arg0: i32) -> (i32, i32) {
    %c0_i32 = arith.constant 0 : i32
    %c0_i32_0 = arith.constant 0 : i32
    return %arg0, %c0_i32 : i32, i32
  }
}

module attributes {stable_mosaic.version = 14 : i64} {
  func.func @_k3_body(%arg0: memref<160x128xf32, #tpu.memory_space<vmem>>, %arg1: memref<80x128xf32, #tpu.memory_space<vmem>>, %arg2: memref<80x128xf32, #tpu.memory_space<vmem>>, %arg3: memref<1x1xf32, #tpu.memory_space<vmem>>, %arg4: memref<1x1xf32, #tpu.memory_space<vmem>>, %arg5: memref<80x128xf32, #tpu.memory_space<vmem>>, %arg6: memref<80x128xi32, #tpu.memory_space<vmem>>, %arg7: memref<80x128xf32, #tpu.memory_space<vmem>>) attributes {dimension_semantics = [], scalar_prefetch = 0 : i64, scratch_operands = 0 : i64, tpu.core_type = #tpu.core_type<tc>} {
    %get3A = arith.constant 0 : index
    %get3A_0 = arith.constant 0 : index
    %get3A_1 = vector.load %arg0[%get3A, %get3A_0] : memref<160x128xf32, #tpu.memory_space<vmem>>, vector<80x128xf32>
    %get3A_2 = arith.constant 80 : index
    %get3A_3 = arith.constant 0 : index
    %get3A_4 = vector.load %arg0[%get3A_2, %get3A_3] : memref<160x128xf32, #tpu.memory_space<vmem>>, vector<80x128xf32>
    %add3A = arith.addf %get3A_1, %get3A_4 : vector<80x128xf32>
    %mul3A = arith.mulf %add3A, %add3A : vector<80x128xf32>
    %sqrt3A = math.sqrt %mul3A : vector<80x128xf32>
    %max3A = arith.constant 1.000000e-15 : f32
    %max3A_5 = vector.broadcast %max3A : f32 to vector<80x128xf32>
    %max3A_6 = arith.maximumf %sqrt3A, %max3A_5 : vector<80x128xf32>
    %tanh3A = math.tanh %max3A_6 : vector<80x128xf32>
    %mul3A_7 = arith.mulf %tanh3A, %add3A : vector<80x128xf32>
    %div3A = arith.divf %mul3A_7, %max3A_6 : vector<80x128xf32>
    %mul3A_8 = arith.mulf %div3A, %div3A : vector<80x128xf32>
    %sqrt3A_9 = math.sqrt %mul3A_8 : vector<80x128xf32>
    %max3A_10 = arith.constant 1.000000e-15 : f32
    %max3A_11 = vector.broadcast %max3A_10 : f32 to vector<80x128xf32>
    %max3A_12 = arith.maximumf %sqrt3A_9, %max3A_11 : vector<80x128xf32>
    %gt3A = arith.constant 0.999989986 : f32
    %gt3A_13 = vector.broadcast %gt3A : f32 to vector<80x128xf32>
    %gt3A_14 = arith.cmpf ogt, %max3A_12, %gt3A_13 : vector<80x128xf32>
    %div3A_15 = arith.divf %div3A, %max3A_12 : vector<80x128xf32>
    %mul3A_16 = arith.constant 0.999989986 : f32
    %mul3A_17 = vector.broadcast %mul3A_16 : f32 to vector<80x128xf32>
    %mul3A_18 = arith.mulf %div3A_15, %mul3A_17 : vector<80x128xf32>
    %select_n3A = arith.select %gt3A_14, %mul3A_18, %div3A : vector<80x128xi1>, vector<80x128xf32>
    %tanh3A_19 = math.tanh %select_n3A : vector<80x128xf32>
    %get3A_20 = arith.constant 0 : index
    %get3A_21 = arith.constant 0 : index
    %get3A_22 = vector.load %arg3[%get3A_20, %get3A_21] : memref<1x1xf32, #tpu.memory_space<vmem>>, vector<1x1xf32>
    %get3A_23 = vector.extract %get3A_22[0, 0] : f32 from vector<1x1xf32>
    %get3A_24 = arith.constant 0 : index
    %get3A_25 = arith.constant 0 : index
    %get3A_26 = vector.load %arg4[%get3A_24, %get3A_25] : memref<1x1xf32, #tpu.memory_space<vmem>>, vector<1x1xf32>
    %get3A_27 = vector.extract %get3A_26[0, 0] : f32 from vector<1x1xf32>
    %mul3A_28 = vector.broadcast %get3A_23 : f32 to vector<80x128xf32>
    %mul3A_29 = arith.mulf %mul3A_28, %tanh3A_19 : vector<80x128xf32>
    %sub3A = arith.constant 1.000000e+00 : f32
    %sub3A_30 = arith.subf %sub3A, %get3A_23 : f32
    %get3A_31 = arith.constant 0 : index
    %get3A_32 = arith.constant 0 : index
    %get3A_33 = vector.load %arg1[%get3A_31, %get3A_32] : memref<80x128xf32, #tpu.memory_space<vmem>>, vector<80x128xf32>
    %sub3A_34 = arith.constant 1.000000e+00 : f32
    %sub3A_35 = vector.broadcast %sub3A_34 : f32 to vector<80x128xf32>
    %sub3A_36 = arith.subf %sub3A_35, %get3A_33 : vector<80x128xf32>
    %mul3A_37 = vector.broadcast %sub3A_30 : f32 to vector<80x128xf32>
    %mul3A_38 = arith.mulf %mul3A_37, %sub3A_36 : vector<80x128xf32>
    %add3A_39 = arith.addf %mul3A_29, %mul3A_38 : vector<80x128xf32>
    %add3A_40 = vector.broadcast %get3A_27 : f32 to vector<80x128xf32>
    %add3A_41 = arith.addf %add3A_39, %add3A_40 : vector<80x128xf32>
    %swap3A = arith.constant 0 : index
    %swap3A_42 = arith.constant 0 : index
    %swap3A_43 = vector.load %arg5[%swap3A, %swap3A_42] : memref<80x128xf32, #tpu.memory_space<vmem>>, vector<80x128xf32>
    tpu.vector_store %arg5[%swap3A, %swap3A_42], %add3A_41 {strides = array<i32>} : memref<80x128xf32, #tpu.memory_space<vmem>>, vector<80x128xf32>,
    %iota3A = tpu.iota {dimensions = array<i32: 0>} : vector<80x128xi32>
    %iota3A_44 = tpu.iota {dimensions = array<i32: 1>} : vector<80x128xi32>
    %mul3A_45 = arith.constant 128 : i32
    %mul3A_46 = vector.broadcast %mul3A_45 : i32 to vector<80x128xi32>
    %mul3A_47 = arith.muli %iota3A, %mul3A_46 : vector<80x128xi32>
    %add3A_48 = arith.addi %mul3A_47, %iota3A_44 : vector<80x128xi32>
    %lt3A = arith.constant 10000 : i32
    %lt3A_49 = vector.broadcast %lt3A : i32 to vector<80x128xi32>
    %lt3A_50 = arith.cmpi slt, %add3A_48, %lt3A_49 : vector<80x128xi32>
    %jit3A = arith.constant 0xFF800000 : f32
    %broadcast_in_dim3A = vector.broadcast %jit3A : f32 to vector<80x128xf32>
    %select_n3A_51 = arith.select %lt3A_50, %add3A_41, %broadcast_in_dim3A : vector<80x128xi1>, vector<80x128xf32>
    %bitcast_convert_type3A = tpu.bitcast %select_n3A_51 : vector<80x128xf32> -> vector<80x128xi32>
    %shift_right_logical3A = arith.constant 31 : i32
    %shift_right_logical3A_52 = vector.broadcast %shift_right_logical3A : i32 to vector<80x128xi32>
    %shift_right_logical3A_53 = arith.shrui %bitcast_convert_type3A, %shift_right_logical3A_52 : vector<80x128xi32>
    %eq3A = arith.constant 1 : i32
    %eq3A_54 = vector.broadcast %eq3A : i32 to vector<80x128xi32>
    %eq3A_55 = arith.cmpi eq, %shift_right_logical3A_53, %eq3A_54 : vector<80x128xi32>
    %jit3A_56 = arith.constant -1 : i32
    %jit3A_57 = arith.constant -2147483648 : i32
    %broadcast_in_dim3A_58 = vector.broadcast %jit3A_56 : i32 to vector<80x128xi32>
    %broadcast_in_dim3A_59 = vector.broadcast %jit3A_57 : i32 to vector<80x128xi32>
    %select_n3A_60 = arith.select %eq3A_55, %broadcast_in_dim3A_58, %broadcast_in_dim3A_59 : vector<80x128xi1>, vector<80x128xi32>
    %xor3A = arith.xori %bitcast_convert_type3A, %select_n3A_60 : vector<80x128xi32>
    %scan3A = arith.constant 5.000000e+03 : f32
    %scan3A_61 = arith.constant 0 : i32
    %scan3A_62 = arith.constant 0 : i32
    %scan3A_63 = arith.constant 32 : i32
    %scan3A_64 = arith.addi %scan3A_62, %scan3A_63 : i32
    %scan3A_65 = arith.constant 1 : i32
    %scan3A_66 = scf.for %scan3A_136 = %scan3A_62 to %scan3A_64 step %scan3A_65 iter_args(%scan3A_137 = %scan3A_61) -> (i32)  : i32 {
      %sub3A_138 = arith.constant 31 : i32
      %sub3A_139 = arith.subi %sub3A_138, %scan3A_136 : i32
      %shift_left3A = arith.constant 1 : i32
      %shift_left3A_140 = arith.shli %shift_left3A, %sub3A_139 : i32
      %or3A_141 = arith.ori %scan3A_137, %shift_left3A_140 : i32
      %ge3A = vector.broadcast %or3A_141 : i32 to vector<80x128xi32>
      %ge3A_142 = arith.cmpi uge, %xor3A, %ge3A : vector<80x128xi32>
      %jit3A_143 = arith.constant 1.000000e+00 : f32
      %jit3A_144 = arith.constant 0.000000e+00 : f32
      %broadcast_in_dim3A_145 = vector.broadcast %jit3A_143 : f32 to vector<80x128xf32>
      %broadcast_in_dim3A_146 = vector.broadcast %jit3A_144 : f32 to vector<80x128xf32>
      %select_n3A_147 = arith.select %ge3A_142, %broadcast_in_dim3A_145, %broadcast_in_dim3A_146 : vector<80x128xi1>, vector<80x128xf32>
      %reduce_sum3A_148 = vector.shape_cast %select_n3A_147 : vector<80x128xf32> to vector<1x80x128xf32>
      %reduce_sum3A_149 = arith.constant dense<0.000000e+00> : vector<1xf32>
      %reduce_sum3A_150 = vector.multi_reduction <add>, %reduce_sum3A_148, %reduce_sum3A_149 [1, 2] : vector<1x80x128xf32> to vector<1xf32>
      %reduce_sum3A_151 = vector.shape_cast %reduce_sum3A_150 : vector<1xf32> to vector<1x1x1xf32>
      %reduce_sum3A_152 = vector.extract %reduce_sum3A_151[0, 0, 0] : f32 from vector<1x1x1xf32>
      %ge3A_153 = arith.cmpf oge, %reduce_sum3A_152, %scan3A : f32
      %select_n3A_154 = arith.select %ge3A_153, %or3A_141, %scan3A_137 : i32
      scf.yield %select_n3A_154 : i32
    }
    %scan3A_67 = arith.constant 32 : i32
    %gt3A_68 = vector.broadcast %scan3A_66 : i32 to vector<80x128xi32>
    %gt3A_69 = arith.cmpi ugt, %xor3A, %gt3A_68 : vector<80x128xi32>
    %eq3A_70 = vector.broadcast %scan3A_66 : i32 to vector<80x128xi32>
    %eq3A_71 = arith.cmpi eq, %xor3A, %eq3A_70 : vector<80x128xi32>
    %jit3A_72 = arith.constant 1.000000e+00 : f32
    %jit3A_73 = arith.constant 0.000000e+00 : f32
    %broadcast_in_dim3A_74 = vector.broadcast %jit3A_72 : f32 to vector<80x128xf32>
    %broadcast_in_dim3A_75 = vector.broadcast %jit3A_73 : f32 to vector<80x128xf32>
    %select_n3A_76 = arith.select %gt3A_69, %broadcast_in_dim3A_74, %broadcast_in_dim3A_75 : vector<80x128xi1>, vector<80x128xf32>
    %reduce_sum3A = vector.shape_cast %select_n3A_76 : vector<80x128xf32> to vector<1x80x128xf32>
    %reduce_sum3A_77 = arith.constant dense<0.000000e+00> : vector<1xf32>
    %reduce_sum3A_78 = vector.multi_reduction <add>, %reduce_sum3A, %reduce_sum3A_77 [1, 2] : vector<1x80x128xf32> to vector<1xf32>
    %reduce_sum3A_79 = vector.shape_cast %reduce_sum3A_78 : vector<1xf32> to vector<1x1x1xf32>
    %reduce_sum3A_80 = vector.extract %reduce_sum3A_79[0, 0, 0] : f32 from vector<1x1x1xf32>
    %iota3A_81 = tpu.iota {dimensions = array<i32: 0>} : vector<128x128xi32>
    %iota3A_82 = tpu.iota {dimensions = array<i32: 1>} : vector<128x128xi32>
    %le3A = arith.cmpi sle, %iota3A_81, %iota3A_82 : vector<128x128xi32>
    %convert_element_type3A = arith.extui %le3A : vector<128x128xi1> to vector<128x128xi32>
    %convert_element_type3A_83 = arith.sitofp %convert_element_type3A : vector<128x128xi32> to vector<128x128xf32>
    %iota3A_84 = tpu.iota {dimensions = array<i32: 0>} : vector<80x80xi32>
    %iota3A_85 = tpu.iota {dimensions = array<i32: 1>} : vector<80x80xi32>
    %lt3A_86 = arith.cmpi slt, %iota3A_85, %iota3A_84 : vector<80x80xi32>
    %convert_element_type3A_87 = arith.extui %lt3A_86 : vector<80x80xi1> to vector<80x80xi32>
    %convert_element_type3A_88 = arith.sitofp %convert_element_type3A_87 : vector<80x80xi32> to vector<80x80xf32>
    %convert_element_type3A_89 = arith.extui %eq3A_71 : vector<80x128xi1> to vector<80x128xi32>
    %convert_element_type3A_90 = arith.sitofp %convert_element_type3A_89 : vector<80x128xi32> to vector<80x128xf32>
    %dot_general3A = arith.constant dense<0.000000e+00> : vector<80x128xf32>
    %dot_general3A_91 = tpu.matmul %convert_element_type3A_90, %convert_element_type3A_83, %dot_general3A {dimension_numbers = #tpu.dot_dimension_numbers<[1], [0], [0], [1], [0, 0, 1, 1], [], []>, transpose_lhs_hint = false} : vector<80x128xf32>, vector<128x128xf32>, vector<80x128xf32> -> vector<80x128xf32>
    %reduce_sum3A_92 = arith.constant dense<0.000000e+00> : vector<80xf32>
    %reduce_sum3A_93 = vector.multi_reduction <add>, %convert_element_type3A_90, %reduce_sum3A_92 [1] : vector<80x128xf32> to vector<80xf32>
    %broadcast_in_dim3A_94 = vector.shape_cast %reduce_sum3A_93 : vector<80xf32> to vector<80x1xf32>
    %dot_general3A_95 = arith.constant dense<0.000000e+00> : vector<80x1xf32>
    %dot_general3A_96 = tpu.matmul %convert_element_type3A_88, %broadcast_in_dim3A_94, %dot_general3A_95 {dimension_numbers = #tpu.dot_dimension_numbers<[1], [0], [0], [1], [0, 0, 1, 1], [], []>, transpose_lhs_hint = false} : vector<80x80xf32>, vector<80x1xf32>, vector<80x1xf32> -> vector<80x1xf32>
    %sub3A_97 = arith.subf %dot_general3A_91, %convert_element_type3A_90 : vector<80x128xf32>
    %add3A_98 = vector.broadcast %dot_general3A_96 : vector<80x1xf32> to vector<80x128xf32>
    %add3A_99 = arith.addf %sub3A_97, %add3A_98 : vector<80x128xf32>
    %sub3A_100 = arith.constant 5.000000e+03 : f32
    %sub3A_101 = arith.subf %sub3A_100, %reduce_sum3A_80 : f32
    %lt3A_102 = vector.broadcast %sub3A_101 : f32 to vector<80x128xf32>
    %lt3A_103 = arith.cmpf olt, %add3A_99, %lt3A_102 : vector<80x128xf32>
    %and3A = arith.andi %eq3A_71, %lt3A_103 : vector<80x128xi1>
    %or3A = arith.ori %gt3A_69, %and3A : vector<80x128xi1>
    %convert_element_type3A_104 = arith.extui %or3A : vector<80x128xi1> to vector<80x128xi32>
    %convert_element_type3A_105 = arith.sitofp %convert_element_type3A_104 : vector<80x128xi32> to vector<80x128xf32>
    %dot_general3A_106 = arith.constant dense<0.000000e+00> : vector<80x128xf32>
    %dot_general3A_107 = tpu.matmul %convert_element_type3A_105, %convert_element_type3A_83, %dot_general3A_106 {dimension_numbers = #tpu.dot_dimension_numbers<[1], [0], [0], [1], [0, 0, 1, 1], [], []>, transpose_lhs_hint = false} : vector<80x128xf32>, vector<128x128xf32>, vector<80x128xf32> -> vector<80x128xf32>
    %reduce_sum3A_108 = arith.constant dense<0.000000e+00> : vector<80xf32>
    %reduce_sum3A_109 = vector.multi_reduction <add>, %convert_element_type3A_105, %reduce_sum3A_108 [1] : vector<80x128xf32> to vector<80xf32>
    %broadcast_in_dim3A_110 = vector.shape_cast %reduce_sum3A_109 : vector<80xf32> to vector<80x1xf32>
    %dot_general3A_111 = arith.constant dense<0.000000e+00> : vector<80x1xf32>
    %dot_general3A_112 = tpu.matmul %convert_element_type3A_88, %broadcast_in_dim3A_110, %dot_general3A_111 {dimension_numbers = #tpu.dot_dimension_numbers<[1], [0], [0], [1], [0, 0, 1, 1], [], []>, transpose_lhs_hint = false} : vector<80x80xf32>, vector<80x1xf32>, vector<80x1xf32> -> vector<80x1xf32>
    %sub3A_113 = arith.subf %dot_general3A_107, %convert_element_type3A_105 : vector<80x128xf32>
    %add3A_114 = vector.broadcast %dot_general3A_112 : vector<80x1xf32> to vector<80x128xf32>
    %add3A_115 = arith.addf %sub3A_113, %add3A_114 : vector<80x128xf32>
    %convert_element_type3A_116 = arith.sitofp %add3A_48 : vector<80x128xi32> to vector<80x128xf32>
    %sub3A_117 = arith.subf %convert_element_type3A_116, %add3A_115 : vector<80x128xf32>
    %add3A_118 = arith.constant 5.000000e+03 : f32
    %add3A_119 = vector.broadcast %add3A_118 : f32 to vector<80x128xf32>
    %add3A_120 = arith.addf %add3A_119, %sub3A_117 : vector<80x128xf32>
    %select_n3A_121 = arith.select %or3A, %add3A_115, %add3A_120 : vector<80x128xi1>, vector<80x128xf32>
    %convert_element_type3A_122 = arith.fptosi %select_n3A_121 : vector<80x128xf32> to vector<80x128xi32>
    %swap3A_123 = arith.constant 0 : index
    %swap3A_124 = arith.constant 0 : index
    %swap3A_125 = vector.load %arg6[%swap3A_123, %swap3A_124] : memref<80x128xi32, #tpu.memory_space<vmem>>, vector<80x128xi32>
    tpu.vector_store %arg6[%swap3A_123, %swap3A_124], %convert_element_type3A_122 {strides = array<i32>} : memref<80x128xi32, #tpu.memory_space<vmem>>, vector<80x128xi32>,
    %get3A_126 = arith.constant 0 : index
    %get3A_127 = arith.constant 0 : index
    %get3A_128 = vector.load %arg2[%get3A_126, %get3A_127] : memref<80x128xf32, #tpu.memory_space<vmem>>, vector<80x128xf32>
    %mul3A_129 = arith.mulf %get3A_128, %add3A_41 : vector<80x128xf32>
    %jit3A_130 = arith.constant 0.000000e+00 : f32
    %broadcast_in_dim3A_131 = vector.broadcast %jit3A_130 : f32 to vector<80x128xf32>
    %select_n3A_132 = arith.select %lt3A_50, %mul3A_129, %broadcast_in_dim3A_131 : vector<80x128xi1>, vector<80x128xf32>
    %swap3A_133 = arith.constant 0 : index
    %swap3A_134 = arith.constant 0 : index
    %swap3A_135 = vector.load %arg7[%swap3A_133, %swap3A_134] : memref<80x128xf32, #tpu.memory_space<vmem>>, vector<80x128xf32>
    tpu.vector_store %arg7[%swap3A_133, %swap3A_134], %select_n3A_132 {strides = array<i32>} : memref<80x128xf32, #tpu.memory_space<vmem>>, vector<80x128xf32>,
    return
  }
}

</mosaic_0001>

<sc_bundles>
// kernel: kernel.6.cloned.1.call-start
scs
__scs_entry_jumppad:
0x0: {  	(pc) =	sbr.rel $0x88, $3  }
0x1: {  	(tag) =	ssettag $0x0;
	lr =	simm.s32 $0x1  }
0x2: {  	[smem:$0x3F9A] =	sst lr;
	_ =	strace $0xD0000000  }
0x3: {  	_ = 	snop  }
0x4: {  	_ = 	snop  }
0x5: {  	_ = 	snop  }
0x6: {  	_ = 	snop  }
0x7: {  	_ = 	snop  }
__scs_overlays_trampoline_lowered:
0x8: {  	[smem:$0x3FA9] =	sst s0  }
0x9: {  	[smem:$0x3FAA] =	sst s1  }
0xa: {  	[smem:$0x3FAB] =	sst s2  }
0xb: {  	[smem:$0x3FAC] =	sst s3  }
0xc: {  	[smem:$0x3FAD] =	sst s4  }
0xd: {  	[smem:$0x3FAE] =	sst s5  }
0xe: {  	[smem:$0x3FAF] =	sst s6  }
0xf: {  	[smem:$0x3FB0] =	sst s7  }
0x10: {  	[smem:$0x3FB1] =	sst s8  }
0x11: {  	[smem:$0x3FB2] =	sst s9;
	s0 =	simm.s32 @!p0 $0x0  }
0x12: {  	s1 =	sld [smem:$0x3F98];
	s0 =	simm.s32 @p0 $0x1  }
0x13: {  	[smem:$0x3FB3] =	sst s0;
	s0 =	simm.s32 @!p1 $0x0  }
0x14: {  	s2 =	sld [smem:$0x3F97];
	s0 =	simm.s32 @p1 $0x1  }
0x15: {  	[smem:$0x3FB4] =	sst s0;
	s0 =	simm.s32 @!p2 $0x0  }
0x16: {  	s3 =	sld [smem:$0x3FDB];
	s0 =	simm.s32 @p2 $0x1  }
0x17: {  	s4 =	simm.s32 $0x1BF5;
	[smem:$0x3FB6] =	sst s0  }
0x18: {  	s0 =	sld [smem:$0x3F99];
	_ =	swait.ge [sflag:s4], $0x0  }
0x19: {  	s7 =	sld [smem:$0x3F9A]  }
0x1a: {  	s8 =	sadd.s32 $0xFFFFE003, lr  }
0x1b: {  	s9 =	sadd.s32 $0xFFFFFEF7, lr;
	s5 =	simm.s32 $0xFFFFFFFF;
	p2 =	slt.u32 s8, $0xFFFFF086  }
0x1c: {  	p1 =	slt.u32 s9, $0xF7A;
	s5 =	simm.s32 @!p2 $0x0  }
0x1d: {  	s5 =	simm.s32 @p1 $0x1;
	p0 =	seq.s32 s7, s2  }
0x1e: {  	s7 =	smul.u32 @!p0 $0xF7A, s2;
	p2 =	seq.s32 @!p0 s5, $0x0  }
0x1f: {  	s9 =	smul.u32 $0xF7A, s1;
	s8 =	simm.s32 @!p0 $0x1BF5;
	p2 =	por !p2, p0  }
0x20: {  	[sflag:s8] =	ssyncset.s32 @!p0 $0xFFFFF086;
	s6 =	sadd.s32 @!p0 s3, s7;
	s7 =	simm.s32 @!p0 $0x108  }
0x21: {  	s3 =	sadd.s32 s3, s9;
	s6 =	sadd.s32 @!p0 $0x88, s6;
	s7 =	simm.s32 @p2 $0x1082  }
0x22: {  	[simem:s7], [sflag:s8] =	dma.local @!p0 [hbm:s6], $0xF7A  }
0x23: {  	s9 =	sor.u32 $0xD0000000, s2;
	s6 =	simm.s32 $0x108;
	_ =	swait.ge @!p0 [sflag:s8], $0x0  }
0x24: {  	s3 =	sadd.s32 $0x88, s3;
	s6 =	simm.s32 @!p1 $0x1082;
	[sflag:s4] =	ssyncset.s32 $0xFFFFF086  }
0x25: {  	[simem:s6], [sflag:s4] =	dma.local [hbm:s3], $0xF7A  }
0x26: {  	[smem:$0x3F9A] =	sst s1;
	(tag) =	ssettag s2;
	_ =	strace s9  }
0x27: {  	s1 =	sld [smem:$0x3FAA]  }
0x28: {  	s2 =	sld [smem:$0x3FAB]  }
0x29: {  	s4 =	sld [smem:$0x3FAD]  }
0x2a: {  	p0 =	seq.s32 s5, $0x0;
	s5 =	sld [smem:$0x3FAE]  }
0x2b: {  	s6 =	sld [smem:$0x3FAF]  }
0x2c: {  	s7 =	sld [smem:$0x3FB0]  }
0x2d: {  	s3 =	simm.s32 $0x108;
	s8 =	sld [smem:$0x3FB1]  }
0x2e: {  	s3 =	simm.s32 @!p0 $0x1082;
	s9 =	sld [smem:$0x3FB2]  }
0x2f: {  	lr =	sadd.s32 s0, s3;
	s0 =	sld [smem:$0x3FA9]  }
0x30: {  	s3 =	sld [smem:$0x3FAC]  }
0x31: {  	[smem:$0x3FB5] =	sst s10  }
0x32: {  	s10 =	sld [smem:$0x3FB3];
	_ =	sdelay $0x3  }
0x33: {  	p0 =	seq.s32 s10, $0x1;
	s10 =	sld [smem:$0x3FB5];
	_ =	sdelay $0x3  }
0x34: {  	[smem:$0x3FB5] =	sst s10  }
0x35: {  	s10 =	sld [smem:$0x3FB4];
	_ =	sdelay $0x3  }
0x36: {  	p1 =	seq.s32 s10, $0x1;
	s10 =	sld [smem:$0x3FB5];
	_ =	sdelay $0x3  }
0x37: {  	[smem:$0x3FB5] =	sst s10  }
0x38: {  	s10 =	sld [smem:$0x3FB6]  }
0x39: {  	_ = 	snop;
	(pc) =	sbr.ind lr, $3  }
0x3a: {  	_ = 	snop  }
0x3b: {  	_ = 	snop  }
0x3c: {  	p2 =	seq.s32 s10, $0x1;
	s10 =	sld [smem:$0x3FB5]  }
0x3d: {  	_ =	shalt  }
0x3e: {  	_ =	shalt  }
0x3f: {  	_ =	shalt  }
0x40: {  	_ =	shalt  }
0x41: {  	_ =	shalt  }
0x42: {  	_ =	shalt  }
0x43: {  	_ =	shalt  }
0x44: {  	_ =	shalt  }
0x45: {  	_ =	shalt  }
0x46: {  	_ =	shalt  }
0x47: {  	_ =	shalt  }
0x48: {  	_ =	shalt  }
0x49: {  	_ =	shalt  }
0x4a: {  	_ =	shalt  }
0x4b: {  	_ =	shalt  }
0x4c: {  	_ =	shalt  }
0x4d: {  	_ =	shalt  }
0x4e: {  	_ =	shalt  }
0x4f: {  	_ =	shalt  }
0x50: {  	_ =	shalt  }
0x51: {  	_ =	shalt  }
0x52: {  	_ =	shalt  }
0x53: {  	_ =	shalt  }
0x54: {  	_ =	shalt  }
0x55: {  	_ =	shalt  }
0x56: {  	_ =	shalt  }
0x57: {  	_ =	shalt  }
0x58: {  	_ =	shalt  }
0x59: {  	_ =	shalt  }
0x5a: {  	_ =	shalt  }
0x5b: {  	_ =	shalt  }
0x5c: {  	_ =	shalt  }
0x5d: {  	_ =	shalt  }
0x5e: {  	_ =	shalt  }
0x5f: {  	_ =	shalt  }
0x60: {  	_ =	shalt  }
0x61: {  	_ =	shalt  }
0x62: {  	_ =	shalt  }
0x63: {  	_ =	shalt  }
0x64: {  	_ =	shalt  }
0x65: {  	_ =	shalt  }
0x66: {  	_ =	shalt  }
0x67: {  	_ =	shalt  }
0x68: {  	_ =	shalt  }
0x69: {  	_ =	shalt  }
0x6a: {  	_ =	shalt  }
0x6b: {  	_ =	shalt  }
0x6c: {  	_ =	shalt  }
0x6d: {  	_ =	shalt  }
0x6e: {  	_ =	shalt  }
0x6f: {  	_ =	shalt  }
0x70: {  	_ =	shalt  }
0x71: {  	_ =	shalt  }
0x72: {  	_ =	shalt  }
0x73: {  	_ =	shalt  }
0x74: {  	_ =	shalt  }
0x75: {  	_ =	shalt  }
0x76: {  	_ =	shalt  }
0x77: {  	_ =	shalt  }
0x78: {  	_ =	shalt  }
0x79: {  	_ =	shalt  }
0x7a: {  	_ =	shalt  }
0x7b: {  	_ =	shalt  }
0x7c: {  	_ =	shalt  }
0x7d: {  	_ =	shalt  }
0x7e: {  	_ =	shalt  }
0x7f: {  	_ =	shalt  }
0x80: {  	_ =	shalt  }
0x81: {  	_ =	shalt  }
0x82: {  	_ =	shalt  }
0x83: {  	_ =	shalt  }
0x84: {  	_ =	shalt  }
0x85: {  	_ =	shalt  }
0x86: {  	_ =	shalt  }
0x87: {  	_ =	shalt  }
.Lfunc_end0:
.L_simem_size_0:
called_computation_lowered:
.L_overlay_start_0:
0x88: {  	s2 =	sld [smem:$0x3FD9]  }
0x89: {  	s3 =	sld [smem:$0x3FFE];
	_ =	sdelay $0x1  }
0x8a: {  	s1 =	srdreg.scid  }
0x8b: {  	s0 =	sand.u32 $0x1, s1  }
0x8c: {  	s14 =	sshll.u32 s0, $0xA;
	s2 =	sadd.s32 s3, s2  }
0x8d: {  	s2 =	sadd.s32 s2, s14  }
0x8e: {  	[smem:$0x3FC1] =	sst s2  }
0x8f: {  	_ = 	snop  }
0x90: {  	s2 =	sld [smem:$0x3FD0];
	_ =	sdelay $0x2  }
0x91: {  	s4 =	simm.s32 $0xA;
	s5 =	simm.s32 $0x10;
	s15 =	sld [smem:$0x3FC7]  }
0x92: {  	[smem:s5], [sflag:s4] =	dma.local [hbm:s2], $0x1  }
0x93: {  	_ =	swait.eq [sflag:s4], $0x1  }
0x94: {  	[sflag:s4] =	ssyncset.done $0x0  }
0x95: {  	s16 =	sld [smem:$0x10];
	[sflag:s4] =	ssyncadd.s32 $0xFFFFFFFF  }
0x96: {  	s17 =	sld [smem:$0x11];
	(tm) =	ssettm $0x1  }
0x97: {  	s18 =	sld [smem:$0x3FFB];
	_ =	sdelay $0x3  }
0x98: {  	_ =	strace s18  }
0x99: {  	s5 =	sld [smem:$0x3FFC];
	_ =	sdelay $0x3  }
0x9a: {  	_ =	strace s5  }
0x9b: {  	s5 =	sld [smem:$0x3FFD];
	_ =	sdelay $0x3  }
0x9c: {  	_ =	strace s5  }
0x9d: {  	_ =	strace $0x8FFFFFFF  }
0x9e: {  	s19 =	sld [smem:$0x3FDB];
	_ =	sdelay $0x1  }
0x9f: {  	s6 =	simm.s32 $_scs_section_size  }
0xa0: {  	s7 =	simm.s32 $_size__tile_overlayer_lowered;
	s8 =	simm.s32 $_tile_overlayer_lowered  }
0xa1: {  	s22 =	simm.s32 $0x1BFF;
	s21 =	sshll.u32 s8, $0x1;
	s5 =	sadd.s32 s6, s19  }
0xa2: {  	s9 =	simm.s32 $0x0;
	s20 =	sshll.u32 s7, $0x1;
	s7 =	sadd.s32 s21, s5  }
0xa3: {  	[timem:s9], [sflag:s22] =	dma.local [hbm:s7], s20  }
0xa4: {  	_ =	swait.ge [sflag:s22], s20  }
0xa5: {  	s6 =	ssub.s32 $0x0, s20;
	[sflag:s22] =	ssyncset.done $0x0  }
0xa6: {  	[sflag:s22] =	ssyncadd.s32 s6;
	_ =	sdelay $0x1  }
0xa7: {  	s23 =	simm.s32 $0x1B8B  }
0xa8: {  	_ =	swait.ge [sflag:s23], $0x1  }
0xa9: {  	[sflag:s23] =	ssyncset.done $0x0  }
0xaa: {  	s25 =	simm.s32 $0x1B8E;
	s24 =	sld [smem:$0x3FFE];
	[sflag:s23] =	ssyncadd.s32 $0xFFFFFFFF  }
0xab: {  	s26 =	simm.s32 $execute0_lowered;
	[smem:$0x3FD2] =	sst s25  }
0xac: {  	s7 =	sshll.u32 s26, $0x1;
	_ =	strace $0x80000046;
	[dreg:$0x1] =	wrdreg $0xFFFFFFFF  }
0xad: {  	s28 =	simm.s32 $_size_execute0_lowered;
	s5 =	sadd.s32 s5, s7;
	[dreg:$0x0] =	wrdreg $0x0  }
0xae: {  	s7 =	sshll.u32 s28, $0x1;
	[dreg:$0x2] =	wrdreg s5  }
0xaf: {  	[dreg:$0x3] =	wrdreg s7  }
0xb0: {  	[dreg:$0x4] =	wrdreg $0xC0  }
0xb1: {  	_ =	task [dreg:s9], $0x5FFFF  }
0xb2: {  	[dreg:$0x1] =	wrdreg $0xFFFFFFFF  }
0xb3: {  	[dreg:$0x0] =	wrdreg $0x60  }
0xb4: {  	[dreg:$0x2] =	wrdreg s24  }
0xb5: {  	[dreg:$0x3] =	wrdreg s16  }
0xb6: {  	[dreg:$0x4] =	wrdreg s15  }
0xb7: {  	[dreg:$0x5] =	wrdreg s17  }
0xb8: {  	[dreg:$0x6] =	wrdreg $0xC5800  }
0xb9: {  	[dreg:$0x7] =	wrdreg $0x9  }
0xba: {  	_ =	task.clear_ibuf [dreg:s9], $0x8FFFF;
	_ =	strace $0x90000046  }
0xbb: {  	s29 =	simm.s32 $0x9;
	_ =	strace $0x80000048  }
0xbc: {  	_ =	swait.ge [sflag:s29], $0x1  }
0xbd: {  	[sflag:s29] =	ssyncadd.s32 $0xFFFFFFFF  }
0xbe: {  	_ =	strace $0x90000048  }
0xbf: {  	_ =	sfence  }
0xc0: {  	s30 =	sld [smem:$0x0];
	_ =	sdelay $0x2  }
0xc1: {  	s31 =	sshll.u32 s1, $0xD;
	s1 =	sshrl.u32 s1, $0x2  }
0xc2: {  	s3 =	sand.u32 $0x4000, s31;
	s1 =	sadd.s32 s1, s30  }
0xc3: {  	s0 =	sor.u32 s3, s0;
	s1 =	sshll.u32 s1, $0x11  }
0xc4: {  	s0 =	sor.u32 s1, s0  }
0xc5: {  	s0 =	sadd.s32 $0x8F2B, s0  }
0xc6: {  	[sflag:s0] =	ssyncadd.remote.s32 $0x1  }
0xc7: {  	_ =	sfence.sel $0xFFFF  }
0xc8: {  	[dreg:$0x0] =	wrdreg $0xFFFFFFFF;
	(pc) =	sbr.abs _section_cstart, $3  }
0xc9: {  	[dreg:$0x1] =	wrdreg $0xFFFFFFFF  }
0xca: {  	_ =	task.clear_ibuf [dreg:s9], $0x2FFFF;
	_ =	strace $0x9FFFFFFF  }
0xcb: {  	(tm) =	ssettm $0x7FFFFFFF  }
tec
execute0_lowered:
.L_overlay_start_1:
0x0: {  	(tag) =	ssettag $0x1  }
0x1: {  	s0 =	rddreg [dreg:$0x0]  }
0x2: {  	s2 =	rddreg [dreg:$0x1]  }
0x3: {  	s7 =	rddreg [dreg:$0x2]  }
0x4: {  	s1 =	rddreg [dreg:$0x3]  }
0x5: {  	s4 =	srdreg.scid;
	s3 =	rddreg [dreg:$0x4]  }
0x6: {  	s13 =	stileid.u32;
	s16 =	simm.s32 $0x1;
	s17 =	simm.s32 $0x7D0  }
0x7: {  	s19 =	simm.s32 $0x3;
	s20 =	simm.s32 $0x2;
	s21 =	simm.s32 $0x6  }
0x8: {  	s22 =	simm.s32 $0x4;
	s28 =	simm.s32 $0x5;
	s29 =	simm.s32 $0x20  }
0x9: {  	s30 =	simm.s32 $0x10;
	s31 =	simm.s32 $0x7;
	s8 =	smul.u32 $0x500, s13  }
0xa: {  	s5 =	sand.u32 $0x1, s4;
	s4 =	simm.s32 $0x0;
	s10 =	smul.u32 $0x280, s13  }
0xb: {  	s6 =	sshll.u32 s5, $0x4;
	[smem:$0x7FF] =	sst s4;
	s23 =	sshll.u32 s5, $0x7  }
0xc: {  	s5 =	ssub.s32 $0x2, s5;
	s6 =	sor.u32 s13, s6;
	_ =	strace $0x80000047  }
0xd: {  	s25 =	sshrl.u32 s5, $0x1;
	s26 =	sshrl.u32 s10, $0x3;
	s14 =	sadd.s32 s10, s3  }
0xe: {  	s9 =	smul.u32 $0x4E2, s6;
	s6 =	sor.u32 s23, s8;
	s12 =	ssub.s32 s5, s25  }
0xf: {  	s8 =	sshll.u32 s13, $0x6;
	s13 =	simm.s32 $0x2780;
	s15 =	sshrl.u32 s14, $0x3  }
0x10: {  	s6 =	sshrl.u32 s6, $0x3;
	s10 =	sor.u32 $0x1C06, s8;
	s12 =	smax.u32 s12, $0x1  }
0x11: {  	s24 =	sadd.s32 s9, s0;
	s11 =	sadd.s32 s6, s0;
	s6 =	sadd.s32 s2, s9  }
0x12: {  	s7 =	sadd.s32 s7, s9;
	s9 =	sadd.s32 s0, s26;
	s26 =	simm.s32 $0xBD40  }
0x13: {  	s0 =	simm.s32 $0x0;
	s5 =	sadd.s32 $0x27200, s24;
	s11 =	sadd.s32 $0x600, s11  }
.LBB2_1:
0x14: {  	[tilespmem:s4], [sflag:$0x1] =	stream.linear.gather [hbm4b:s5+s4], $0x2710, $0x38;
	[tilespmem:$0xC800] =	vst v63  }
0x15: {  	_ = 	snop  }
0x16: {  	[tilespmem:s13], [sflag:$0x2] =	stream.linear.gather [hbm4b:s6+s4], $0x2710, $0x38;
	[tilespmem:$0xC800] =	vst v63  }
0x17: {  	s2 =	simm.s32 $0x4F00  }
0x18: {  	[tilespmem:s2], [sflag:$0x3] =	stream.linear.gather [hbm4b:s7+s4], $0x2710, $0x38;
	[tilespmem:$0xC800] =	vst v63  }
0x19: {  	[spmem:s15], [sflag:s10] =	dma.local [hbm:s9], $0x50  }
0x1a: {  	_ =	swait.ge [sflag:s16], $0x2710  }
0x1b: {  	[sflag:s16] =	ssyncset.done $0x0  }
0x1c: {  	s24 =	simm.s32 $0x7680;
	[sflag:s16] =	ssyncadd.s32 $0xFFFFD8F0  }
0x1d: {  	[tilespmem:s24], [sflag:$0x4] =	stream.indirect.gather [hbm4b:s1+s17], $0x1, s4, s17, $0xb8;
	[tilespmem:$0xC800] =	vst v63  }
0x1e: {  	_ =	swait.ge [sflag:s19], $0x2710  }
0x1f: {  	[sflag:s19] =	ssyncset.done $0x0  }
0x20: {  	[sflag:s19] =	ssyncadd.s32 $0xFFFFD8F0  }
0x21: {  	_ =	swait.ge [sflag:s20], $0x2710  }
0x22: {  	[sflag:s20] =	ssyncset.done $0x0  }
0x23: {  	[sflag:s20] =	ssyncadd.s32 $0xFFFFD8F0  }
0x24: {  	_ =	swait.ge [sflag:s21], $0x50  }
0x25: {  	[sflag:s21] =	ssyncset.done $0x0  }
0x26: {  	[sflag:s21] =	ssyncadd.s32 $0xFFFFFFB0  }
0x27: {  	[bflag:$0x0] =	sbarrier.arrive $0xFFFF  }
0x28: {  	_ =	swait.ge [sflag:s22], $0x7D0  }
0x29: {  	[sflag:s22] =	ssyncset.done $0x0  }
0x2a: {  	s25 =	simm.s32 $0x7E50;
	s2 =	simm.s32 $0x0;
	[sflag:s22] =	ssyncadd.s32 $0xFFFFF830  }
0x2b: {  	[tilespmem:s25], [sflag:$0x4] =	stream.indirect.gather [hbm4b:s1+s17], $0x1, s17, s17, $0xb8;
	[tilespmem:$0xC800] =	vst v63  }
0x2c: {  	v1 =	vld [tilespmem:s2+$0x76C0]  }
0x2d: {  	v2 =	vld [tilespmem:s2+$0x4F40]  }
0x2e: {  	v4 =	vld [tilespmem:s2+$0x7680]  }
0x2f: {  	v5 =	vld [tilespmem:s2+$0x4F00]  }
0x30: {  	v6 =	vld [tilespmem:s2+$0x7690]  }
0x31: {  	v7 =	vld [tilespmem:s2+$0x4F10]  }
0x32: {  	v0 =	vld [tilespmem:s2+$0x76A0]  }
0x33: {  	v3 =	vld [tilespmem:s2+$0x4F20];
	v2 =	vmul.f32 v2, v1  }
0x34: {  	v1 =	vld [tilespmem:s2+$0x76B0];
	v5 =	vmul.f32 v5, v4  }
0x35: {  	s14 =	simm.s32 $0x50;
	v4 =	vld [tilespmem:s2+$0x4F30];
	[tilespmem:s2+$0x9E40] =	vst v2  }
0x36: {  	s18 =	simm.s32 $0x280;
	v2 =	vld [tilespmem:s14+$0x76C0];
	[tilespmem:s2+$0x9E00] =	vst v5;
	v5 =	vmul.f32 v7, v6  }
.LBB2_2:
0x37: {  	p0 =	sne.s32 s18, $0x1E00;
	v6 =	vld [tilespmem:s14+$0x4F40]  }
0x38: {  	v7 =	vld [tilespmem:s14+$0x7680];
	[tilespmem:s2+$0x9E10] =	vst v5;
	v0 =	vmul.f32 v3, v0  }
0x39: {  	v5 =	vld [tilespmem:s14+$0x4F00]  }
0x3a: {  	v8 =	vld [tilespmem:s14+$0x7690];
	[tilespmem:s2+$0x9E20] =	vst v0;
	v1 =	vmul.f32 v4, v1  }
0x3b: {  	v9 =	vld [tilespmem:s14+$0x4F10]  }
.Ltmp0:
0x3c: {  	v0 =	vld [tilespmem:s14+$0x76A0];
	v2 =	vmul.f32 v6, v2;
	[tilespmem:s2+$0x9E30] =	vst v1;
	s2 =	smov.u32 s14;
	(pc) =	sbr.rel @p0 .LBB2_2-.Ltmp0, $4  }
0x3d: {  	v3 =	vld [tilespmem:s2+$0x4F20]  }
0x3e: {  	v5 =	vmul.f32 v5, v7;
	v1 =	vld [tilespmem:s2+$0x76B0];
	[tilespmem:s2+$0x9E40] =	vst v2  }
0x3f: {  	s14 =	sshra.s32 s18, $0x2;
	v4 =	vld [tilespmem:s2+$0x4F30]  }
0x40: {  	s18 =	sadd.s32 $0x140, s18;
	v2 =	vld [tilespmem:s14+$0x76C0];
	[tilespmem:s2+$0x9E00] =	vst v5;
	v5 =	vmul.f32 v9, v8  }
0x41: {  	v6 =	vld [tilespmem:s14+$0x4F40]  }
0x42: {  	v7 =	vld [tilespmem:s14+$0x7680];
	[tilespmem:s2+$0x9E10] =	vst v5;
	v0 =	vmul.f32 v3, v0  }
0x43: {  	v3 =	vld [tilespmem:s14+$0x4F00]  }
0x44: {  	v5 =	vld [tilespmem:s14+$0x7690];
	[tilespmem:s2+$0x9E20] =	vst v0;
	v0 =	vmul.f32 v4, v1  }
0x45: {  	v1 =	vld [tilespmem:s14+$0x4F10]  }
0x46: {  	v62 =	vld [tilespmem:s14+$0x76A0];
	[tilespmem:s2+$0x9E30] =	vst v0  }
0x47: {  	v0 =	vmul.f32 v6, v2;
	v2 =	vld [tilespmem:s14+$0x4F20]  }
0x48: {  	v63 =	vld [tilespmem:s14+$0x76B0]  }
0x49: {  	[tilespmem:s14+$0x9E40] =	vst v0;
	v0 =	vld [tilespmem:s14+$0x4F30];
	_ =	sdelay $0x1  }
0x4a: {  	v3 =	vmul.f32 v3, v7  }
0x4b: {  	v1 =	vmul.f32 v1, v5  }
0x4c: {  	[tilespmem:s14+$0x9E00] =	vst v3;
	v2 =	vmul.f32 v2, v62  }
0x4d: {  	[tilespmem:s14+$0x9E10] =	vst v1;
	v0 =	vmul.f32 v0, v63  }
0x4e: {  	[tilespmem:s14+$0x9E20] =	vst v2  }
0x4f: {  	s23 =	simm.s32 $0x9E00;
	[tilespmem:s14+$0x9E30] =	vst v0  }
0x50: {  	[spmem:s3] =	stream.indirect.scatter.add.f32 [tilespmem:s23], [sflag:$0x5], $0x1, s13, s17, $0xb8;
	[tilespmem:$0xC800] =	vst v63  }
0x51: {  	_ =	swait.ge [sflag:s22], $0x7D0  }
0x52: {  	s24 =	simm.s32 $0xFA0;
	[sflag:s22] =	ssyncset.done $0x0  }
0x53: {  	s25 =	simm.s32 $0x8620;
	s2 =	simm.s32 $0x7E90;
	[sflag:s22] =	ssyncadd.s32 $0xFFFFF830  }
0x54: {  	[tilespmem:s25], [sflag:$0x4] =	stream.indirect.gather [hbm4b:s1+s17], $0x1, s24, s17, $0xb8;
	[tilespmem:$0xC800] =	vst v63  }
0x55: {  	s14 =	simm.s32 $0x5710;
	v0 =	vld [tilespmem:s2+$0xFFFFFFC0]  }
0x56: {  	v1 =	vld [tilespmem:s14+$0xFFFFFFC0];
	_ =	sdelay $0x4  }
0x57: {  	v0 =	vmul.f32 v1, v0  }
0x58: {  	s18 =	simm.s32 $0xA610  }
0x59: {  	[tilespmem:s18+$0xFFFFFFC0] =	vst v0  }
0x5a: {  	v0 =	vld [tilespmem:s14+$0xFFFFFFD0]  }
0x5b: {  	v1 =	vld [tilespmem:s2+$0xFFFFFFD0];
	_ =	sdelay $0x4  }
0x5c: {  	v0 =	vmul.f32 v0, v1;
	_ =	sdelay $0x1  }
0x5d: {  	[tilespmem:s18+$0xFFFFFFD0] =	vst v0  }
0x5e: {  	v0 =	vld [tilespmem:s2+$0xFFFFFFE0]  }
0x5f: {  	v1 =	vld [tilespmem:s14+$0xFFFFFFE0];
	_ =	sdelay $0x4  }
0x60: {  	v0 =	vmul.f32 v1, v0  }
0x61: {  	s23 =	simm.s32 $0x0  }
0x62: {  	s23 =	sand.u32 $0xFF0, s23;
	[tilespmem:s18+$0xFFFFFFE0] =	vst v0  }
0x63: {  	v0 =	vld [tilespmem:s23+$0x7E80]  }
0x64: {  	v1 =	vld [tilespmem:s23+$0x5700];
	_ =	sdelay $0x4  }
0x65: {  	v0 =	vmul.f32 v1, v0;
	_ =	sdelay $0x1  }
0x66: {  	[tilespmem:s23+$0xA600] =	vst v0  }
0x67: {  	v0 =	vld [tilespmem:s2+$0x0]  }
0x68: {  	s24 =	simm.s32 $0xA610;
	s23 =	simm.s32 $0x50;
	v1 =	vld [tilespmem:s14+$0x0]  }
.LBB2_4:
0x69: {  	_ =	sdelay $0x1  }
0x6a: {  	s2 =	sadd.s32 $0x50, s2;
	s14 =	sadd.s32 $0x50, s14;
	s18 =	sadd.s32 $0x50, s18  }
0x6b: {  	p0 =	sne.s32 s23, $0x780;
	s25 =	smov.u32 s23;
	s23 =	sadd.s32 $0x50, s23  }
0x6c: {  	v0 =	vmul.f32 v1, v0;
	_ =	sdelay $0x1  }
0x6d: {  	[tilespmem:s24+$0x0] =	vst v0;
	s24 =	smov.u32 s18  }
0x6e: {  	v0 =	vld [tilespmem:s2+$0xFFFFFFC0]  }
0x6f: {  	v1 =	vld [tilespmem:s14+$0xFFFFFFC0];
	_ =	sdelay $0x4  }
0x70: {  	v0 =	vmul.f32 v1, v0;
	_ =	sdelay $0x1  }
0x71: {  	[tilespmem:s18+$0xFFFFFFC0] =	vst v0  }
0x72: {  	v0 =	vld [tilespmem:s14+$0xFFFFFFD0]  }
0x73: {  	v1 =	vld [tilespmem:s2+$0xFFFFFFD0];
	_ =	sdelay $0x4  }
0x74: {  	v0 =	vmul.f32 v0, v1;
	_ =	sdelay $0x1  }
0x75: {  	[tilespmem:s18+$0xFFFFFFD0] =	vst v0  }
0x76: {  	v0 =	vld [tilespmem:s2+$0xFFFFFFE0]  }
0x77: {  	v1 =	vld [tilespmem:s14+$0xFFFFFFE0];
	_ =	sdelay $0x4  }
0x78: {  	v0 =	vmul.f32 v1, v0;
	_ =	sdelay $0x1  }
0x79: {  	s25 =	sand.u32 $0xFF0, s25;
	[tilespmem:s18+$0xFFFFFFE0] =	vst v0  }
0x7a: {  	v0 =	vld [tilespmem:s25+$0x7E80]  }
0x7b: {  	v1 =	vld [tilespmem:s25+$0x5700];
	_ =	sdelay $0x4  }
.Ltmp1:
0x7c: {  	v0 =	vmul.f32 v1, v0;
	(pc) =	sbr.rel @p0 .LBB2_4-.Ltmp1, $4  }
0x7d: {  	_ = 	snop  }
0x7e: {  	[tilespmem:s25+$0xA600] =	vst v0  }
0x7f: {  	v0 =	vld [tilespmem:s2+$0x0]  }
0x80: {  	v1 =	vld [tilespmem:s14+$0x0]  }
0x81: {  	_ =	sdelay $0x3  }
0x82: {  	v0 =	vmul.f32 v1, v0;
	_ =	sdelay $0x1  }
0x83: {  	s2 =	simm.s32 $0x2F50;
	s14 =	simm.s32 $0xA5D0;
	[tilespmem:s24+$0x0] =	vst v0  }
0x84: {  	[spmem:s3] =	stream.indirect.scatter.add.f32 [tilespmem:s14], [sflag:$0x5], $0x1, s2, s17, $0xb8;
	[tilespmem:$0xC800] =	vst v63  }
0x85: {  	_ =	swait.ge [sflag:s22], $0x7D0  }
0x86: {  	s25 =	simm.s32 $0x8DF0;
	[sflag:s22] =	ssyncset.done $0x0  }
0x87: {  	s24 =	simm.s32 $0x1770;
	s2 =	simm.s32 $0x0;
	[sflag:s22] =	ssyncadd.s32 $0xFFFFF830  }
0x88: {  	[tilespmem:s25], [sflag:$0x4] =	stream.indirect.gather [hbm4b:s1+s17], $0x1, s24, s17, $0xb8;
	[tilespmem:$0xC800] =	vst v63  }
0x89: {  	v1 =	vld [tilespmem:s2+$0x8660]  }
0x8a: {  	v2 =	vld [tilespmem:s2+$0x5EE0]  }
0x8b: {  	v4 =	vld [tilespmem:s2+$0x8620]  }
0x8c: {  	v5 =	vld [tilespmem:s2+$0x5EA0]  }
0x8d: {  	v6 =	vld [tilespmem:s2+$0x8630]  }
0x8e: {  	v7 =	vld [tilespmem:s2+$0x5EB0]  }
0x8f: {  	v0 =	vld [tilespmem:s2+$0x8640]  }
0x90: {  	v3 =	vld [tilespmem:s2+$0x5EC0];
	v2 =	vmul.f32 v2, v1  }
0x91: {  	v1 =	vld [tilespmem:s2+$0x8650];
	v5 =	vmul.f32 v5, v4  }
0x92: {  	s14 =	simm.s32 $0x50;
	v4 =	vld [tilespmem:s2+$0x5ED0];
	[tilespmem:s2+$0xADE0] =	vst v2  }
0x93: {  	s18 =	simm.s32 $0x280;
	v2 =	vld [tilespmem:s14+$0x8660];
	[tilespmem:s2+$0xADA0] =	vst v5;
	v5 =	vmul.f32 v7, v6  }
.LBB2_6:
0x94: {  	p0 =	sne.s32 s18, $0x1E00;
	v6 =	vld [tilespmem:s14+$0x5EE0]  }
0x95: {  	v7 =	vld [tilespmem:s14+$0x8620];
	[tilespmem:s2+$0xADB0] =	vst v5;
	v0 =	vmul.f32 v3, v0  }
0x96: {  	v5 =	vld [tilespmem:s14+$0x5EA0]  }
0x97: {  	v8 =	vld [tilespmem:s14+$0x8630];
	[tilespmem:s2+$0xADC0] =	vst v0;
	v1 =	vmul.f32 v4, v1  }
0x98: {  	v9 =	vld [tilespmem:s14+$0x5EB0]  }
.Ltmp2:
0x99: {  	v0 =	vld [tilespmem:s14+$0x8640];
	v2 =	vmul.f32 v6, v2;
	[tilespmem:s2+$0xADD0] =	vst v1;
	s2 =	smov.u32 s14;
	(pc) =	sbr.rel @p0 .LBB2_6-.Ltmp2, $4  }
0x9a: {  	v3 =	vld [tilespmem:s2+$0x5EC0]  }
0x9b: {  	v5 =	vmul.f32 v5, v7;
	v1 =	vld [tilespmem:s2+$0x8650];
	[tilespmem:s2+$0xADE0] =	vst v2  }
0x9c: {  	s14 =	sshra.s32 s18, $0x2;
	v4 =	vld [tilespmem:s2+$0x5ED0]  }
0x9d: {  	s18 =	sadd.s32 $0x140, s18;
	v2 =	vld [tilespmem:s14+$0x8660];
	[tilespmem:s2+$0xADA0] =	vst v5;
	v5 =	vmul.f32 v9, v8  }
0x9e: {  	v6 =	vld [tilespmem:s14+$0x5EE0]  }
0x9f: {  	v7 =	vld [tilespmem:s14+$0x8620];
	[tilespmem:s2+$0xADB0] =	vst v5;
	v0 =	vmul.f32 v3, v0  }
0xa0: {  	v3 =	vld [tilespmem:s14+$0x5EA0]  }
0xa1: {  	v5 =	vld [tilespmem:s14+$0x8630];
	[tilespmem:s2+$0xADC0] =	vst v0;
	v0 =	vmul.f32 v4, v1  }
0xa2: {  	v1 =	vld [tilespmem:s14+$0x5EB0]  }
0xa3: {  	v62 =	vld [tilespmem:s14+$0x8640];
	[tilespmem:s2+$0xADD0] =	vst v0  }
0xa4: {  	v0 =	vmul.f32 v6, v2;
	v2 =	vld [tilespmem:s14+$0x5EC0]  }
0xa5: {  	v63 =	vld [tilespmem:s14+$0x8650]  }
0xa6: {  	[tilespmem:s14+$0xADE0] =	vst v0;
	v0 =	vld [tilespmem:s14+$0x5ED0];
	_ =	sdelay $0x1  }
0xa7: {  	v3 =	vmul.f32 v3, v7  }
0xa8: {  	v1 =	vmul.f32 v1, v5  }
0xa9: {  	[tilespmem:s14+$0xADA0] =	vst v3;
	v2 =	vmul.f32 v2, v62  }
0xaa: {  	[tilespmem:s14+$0xADB0] =	vst v1;
	v0 =	vmul.f32 v0, v63  }
0xab: {  	[tilespmem:s14+$0xADC0] =	vst v2  }
0xac: {  	s18 =	simm.s32 $0x3720;
	s23 =	simm.s32 $0xADA0;
	[tilespmem:s14+$0xADD0] =	vst v0  }
0xad: {  	[spmem:s3] =	stream.indirect.scatter.add.f32 [tilespmem:s23], [sflag:$0x5], $0x1, s18, s17, $0xb8;
	[tilespmem:$0xC800] =	vst v63  }
0xae: {  	_ =	swait.ge [sflag:s22], $0x7D0  }
0xaf: {  	s24 =	simm.s32 $0x1F40;
	[sflag:s22] =	ssyncset.done $0x0  }
0xb0: {  	s25 =	simm.s32 $0x95C0;
	s2 =	simm.s32 $0x8E30;
	[sflag:s22] =	ssyncadd.s32 $0xFFFFF830  }
0xb1: {  	[tilespmem:s25], [sflag:$0x4] =	stream.indirect.gather [hbm4b:s1+s17], $0x1, s24, s17, $0xb8;
	[tilespmem:$0xC800] =	vst v63  }
0xb2: {  	s14 =	simm.s32 $0x66B0;
	v0 =	vld [tilespmem:s2+$0xFFFFFFC0]  }
0xb3: {  	v1 =	vld [tilespmem:s14+$0xFFFFFFC0];
	_ =	sdelay $0x4  }
0xb4: {  	v0 =	vmul.f32 v1, v0  }
0xb5: {  	s23 =	simm.s32 $0x0;
	s18 =	simm.s32 $0xB5B0  }
0xb6: {  	s23 =	sand.u32 $0xFF0, s23;
	[tilespmem:s18+$0xFFFFFFC0] =	vst v0  }
0xb7: {  	v0 =	vld [tilespmem:s23+$0x8E00]  }
0xb8: {  	v1 =	vld [tilespmem:s23+$0x6680];
	_ =	sdelay $0x4  }
0xb9: {  	v0 =	vmul.f32 v1, v0;
	_ =	sdelay $0x1  }
0xba: {  	[tilespmem:s23+$0xB580] =	vst v0  }
0xbb: {  	v0 =	vld [tilespmem:s2+$0xFFFFFFE0]  }
0xbc: {  	v1 =	vld [tilespmem:s14+$0xFFFFFFE0];
	_ =	sdelay $0x4  }
0xbd: {  	v0 =	vmul.f32 v1, v0;
	_ =	sdelay $0x1  }
0xbe: {  	[tilespmem:s18+$0xFFFFFFE0] =	vst v0  }
0xbf: {  	v0 =	vld [tilespmem:s2+$0xFFFFFFF0]  }
0xc0: {  	v1 =	vld [tilespmem:s14+$0xFFFFFFF0];
	_ =	sdelay $0x4  }
0xc1: {  	v0 =	vmul.f32 v1, v0;
	_ =	sdelay $0x1  }
0xc2: {  	[tilespmem:s18+$0xFFFFFFF0] =	vst v0  }
0xc3: {  	v0 =	vld [tilespmem:s2+$0x0]  }
0xc4: {  	s24 =	simm.s32 $0xB5B0;
	s23 =	simm.s32 $0x50;
	v1 =	vld [tilespmem:s14+$0x0]  }
.LBB2_8:
0xc5: {  	_ =	sdelay $0x1  }
0xc6: {  	s2 =	sadd.s32 $0x50, s2;
	s14 =	sadd.s32 $0x50, s14;
	s18 =	sadd.s32 $0x50, s18  }
0xc7: {  	p0 =	sne.s32 s23, $0x780;
	s25 =	smov.u32 s23;
	s23 =	sadd.s32 $0x50, s23  }
0xc8: {  	v0 =	vmul.f32 v1, v0;
	_ =	sdelay $0x1  }
0xc9: {  	[tilespmem:s24+$0x0] =	vst v0;
	s24 =	smov.u32 s18  }
0xca: {  	v0 =	vld [tilespmem:s2+$0xFFFFFFC0]  }
0xcb: {  	v1 =	vld [tilespmem:s14+$0xFFFFFFC0];
	_ =	sdelay $0x4  }
0xcc: {  	v0 =	vmul.f32 v1, v0;
	_ =	sdelay $0x1  }
0xcd: {  	s25 =	sand.u32 $0xFF0, s25;
	[tilespmem:s18+$0xFFFFFFC0] =	vst v0  }
0xce: {  	v0 =	vld [tilespmem:s25+$0x8E00]  }
0xcf: {  	v1 =	vld [tilespmem:s25+$0x6680];
	_ =	sdelay $0x4  }
0xd0: {  	v0 =	vmul.f32 v1, v0;
	_ =	sdelay $0x1  }
0xd1: {  	[tilespmem:s25+$0xB580] =	vst v0  }
0xd2: {  	v0 =	vld [tilespmem:s2+$0xFFFFFFE0]  }
0xd3: {  	v1 =	vld [tilespmem:s14+$0xFFFFFFE0];
	_ =	sdelay $0x4  }
0xd4: {  	v0 =	vmul.f32 v1, v0;
	_ =	sdelay $0x1  }
0xd5: {  	[tilespmem:s18+$0xFFFFFFE0] =	vst v0  }
0xd6: {  	v0 =	vld [tilespmem:s2+$0xFFFFFFF0]  }
0xd7: {  	v1 =	vld [tilespmem:s14+$0xFFFFFFF0];
	_ =	sdelay $0x4  }
.Ltmp3:
0xd8: {  	v0 =	vmul.f32 v1, v0;
	(pc) =	sbr.rel @p0 .LBB2_8-.Ltmp3, $4  }
0xd9: {  	_ = 	snop  }
0xda: {  	[tilespmem:s18+$0xFFFFFFF0] =	vst v0  }
0xdb: {  	v0 =	vld [tilespmem:s2+$0x0]  }
0xdc: {  	v1 =	vld [tilespmem:s14+$0x0]  }
0xdd: {  	_ =	sdelay $0x3  }
0xde: {  	v0 =	vmul.f32 v1, v0;
	_ =	sdelay $0x1  }
0xdf: {  	s2 =	simm.s32 $0x3EF0;
	s14 =	simm.s32 $0xB570;
	[tilespmem:s24+$0x0] =	vst v0  }
0xe0: {  	[spmem:s3] =	stream.indirect.scatter.add.f32 [tilespmem:s14], [sflag:$0x5], $0x1, s2, s17, $0xb8;
	[tilespmem:$0xC800] =	vst v63  }
0xe1: {  	_ =	swait.ge [sflag:s22], $0x7D0  }
0xe2: {  	[sflag:s22] =	ssyncset.done $0x0  }
0xe3: {  	s2 =	simm.s32 $0x95F0;
	[sflag:s22] =	ssyncadd.s32 $0xFFFFF830  }
0xe4: {  	s14 =	simm.s32 $0x6E70;
	v0 =	vld [tilespmem:s2+$0xFFFFFFD0]  }
0xe5: {  	v1 =	vld [tilespmem:s14+$0xFFFFFFD0];
	_ =	sdelay $0x4  }
0xe6: {  	v0 =	vmul.f32 v1, v0  }
0xe7: {  	s18 =	simm.s32 $0xBD70  }
0xe8: {  	[tilespmem:s18+$0xFFFFFFD0] =	vst v0  }
0xe9: {  	v0 =	vld [tilespmem:s14+$0xFFFFFFE0]  }
0xea: {  	v1 =	vld [tilespmem:s2+$0xFFFFFFE0];
	_ =	sdelay $0x4  }
0xeb: {  	v0 =	vmul.f32 v0, v1;
	_ =	sdelay $0x1  }
0xec: {  	[tilespmem:s18+$0xFFFFFFE0] =	vst v0  }
0xed: {  	v0 =	vld [tilespmem:s2+$0xFFFFFFF0]  }
0xee: {  	v1 =	vld [tilespmem:s14+$0xFFFFFFF0];
	_ =	sdelay $0x4  }
0xef: {  	v0 =	vmul.f32 v1, v0;
	_ =	sdelay $0x1  }
0xf0: {  	[tilespmem:s18+$0xFFFFFFF0] =	vst v0  }
0xf1: {  	v0 =	vld [tilespmem:s2+$0x0]  }
0xf2: {  	v1 =	vld [tilespmem:s14+$0x0];
	_ =	sdelay $0x4  }
0xf3: {  	v0 =	vmul.f32 v1, v0  }
0xf4: {  	s23 =	simm.s32 $0x0  }
0xf5: {  	s24 =	sand.u32 $0xFF0, s23;
	[tilespmem:s18+$0x0] =	vst v0  }
0xf6: {  	v0 =	vld [tilespmem:s24+$0x9600]  }
0xf7: {  	s23 =	simm.s32 $0x50;
	v1 =	vld [tilespmem:s24+$0x6E80]  }
.LBB2_10:
0xf8: {  	_ =	sdelay $0x1  }
0xf9: {  	s2 =	sadd.s32 $0x50, s2;
	s14 =	sadd.s32 $0x50, s14;
	s18 =	sadd.s32 $0x50, s18  }
0xfa: {  	p0 =	sne.s32 s23, $0x780;
	s25 =	smov.u32 s23;
	s23 =	sadd.s32 $0x50, s23  }
0xfb: {  	v0 =	vmul.f32 v1, v0;
	_ =	sdelay $0x1  }
0xfc: {  	[tilespmem:s24+$0xBD80] =	vst v0  }
0xfd: {  	v0 =	vld [tilespmem:s2+$0xFFFFFFD0]  }
0xfe: {  	v1 =	vld [tilespmem:s14+$0xFFFFFFD0];
	_ =	sdelay $0x4  }
0xff: {  	v0 =	vmul.f32 v1, v0;
	_ =	sdelay $0x1  }
0x100: {  	[tilespmem:s18+$0xFFFFFFD0] =	vst v0  }
0x101: {  	v0 =	vld [tilespmem:s14+$0xFFFFFFE0]  }
0x102: {  	v1 =	vld [tilespmem:s2+$0xFFFFFFE0];
	_ =	sdelay $0x4  }
0x103: {  	v0 =	vmul.f32 v0, v1;
	_ =	sdelay $0x1  }
0x104: {  	[tilespmem:s18+$0xFFFFFFE0] =	vst v0  }
0x105: {  	v0 =	vld [tilespmem:s2+$0xFFFFFFF0]  }
0x106: {  	v1 =	vld [tilespmem:s14+$0xFFFFFFF0];
	_ =	sdelay $0x4  }
0x107: {  	v0 =	vmul.f32 v1, v0;
	_ =	sdelay $0x1  }
0x108: {  	[tilespmem:s18+$0xFFFFFFF0] =	vst v0  }
0x109: {  	v0 =	vld [tilespmem:s2+$0x0]  }
0x10a: {  	v1 =	vld [tilespmem:s14+$0x0];
	_ =	sdelay $0x4  }
.Ltmp4:
0x10b: {  	v0 =	vmul.f32 v1, v0;
	(pc) =	sbr.rel @p0 .LBB2_10-.Ltmp4, $4  }
0x10c: {  	_ = 	snop  }
0x10d: {  	s24 =	sand.u32 $0xFF0, s25;
	[tilespmem:s18+$0x0] =	vst v0  }
0x10e: {  	v0 =	vld [tilespmem:s24+$0x9600]  }
0x10f: {  	v1 =	vld [tilespmem:s24+$0x6E80]  }
0x110: {  	_ =	sdelay $0x3  }
0x111: {  	v0 =	vmul.f32 v1, v0;
	_ =	sdelay $0x1  }
0x112: {  	s2 =	simm.s32 $0x46C0;
	[tilespmem:s24+$0xBD80] =	vst v0  }
0x113: {  	[spmem:s3] =	stream.indirect.scatter.add.f32 [tilespmem:s26], [sflag:$0x5], $0x1, s2, s17, $0xb8;
	[tilespmem:$0xC800] =	vst v63  }
0x114: {  	_ =	swait.ge [sflag:s28], $0x7D0  }
0x115: {  	[sflag:s28] =	ssyncset.done $0x0  }
0x116: {  	[sflag:s28] =	ssyncadd.s32 $0xFFFFF830  }
0x117: {  	_ =	swait.ge [sflag:s28], $0x7D0  }
0x118: {  	[sflag:s28] =	ssyncset.done $0x0  }
0x119: {  	[sflag:s28] =	ssyncadd.s32 $0xFFFFF830  }
0x11a: {  	_ =	swait.ge [sflag:s28], $0x7D0  }
0x11b: {  	[sflag:s28] =	ssyncset.done $0x0  }
0x11c: {  	[sflag:s28] =	ssyncadd.s32 $0xFFFFF830  }
0x11d: {  	_ =	swait.ge [sflag:s28], $0x7D0  }
0x11e: {  	[sflag:s28] =	ssyncset.done $0x0  }
0x11f: {  	[sflag:s28] =	ssyncadd.s32 $0xFFFFF830  }
0x120: {  	_ =	swait.ge [sflag:s28], $0x7D0  }
0x121: {  	s0 =	sadd.s32 $0x1, s0;
	[sflag:s28] =	ssyncset.done $0x0  }
0x122: {  	p0 =	sne.s32 s0, s12;
	[sflag:s28] =	ssyncadd.s32 $0xFFFFF830  }
.Ltmp5:
0x123: {  	s25 =	sor.u32 $0x1C07, s8;
	[bflag:$0x0] =	sbarrier.arrive $0xFFFF;
	(pc) =	sbr.rel @p0 .LBB2_1-.Ltmp5, $4  }
0x124: {  	[hbm:s11@s29], [sflag:s25] =	dma.strided [spmem:s15@s30], $0x50, s16, $0x10   }
0x125: {  	_ =	swait.ge [sflag:s31], $0x50  }
0x126: {  	[sflag:s31] =	ssyncset.done $0x0  }
0x127: {  	[sflag:s31] =	ssyncadd.s32 $0xFFFFFFB0  }
0x128: {  	_ =	sfence.sel $0x180000  }
0x129: {  	[bflag:$0x0] =	sbarrier.arrive $0xFFFF  }
0x12a: {  	_ =	strace $0x90000047  }
0x12b: {  	s0 =	stileid.u32;
	[bflag:$0x2] =	sbarrier.arrive $0xFFFF  }
0x12c: {  	p0 =	sne.s32 s0, $0x0;
	s0 =	rddreg [dreg:$0x5]  }
0x12d: {  	s0 =	sadd.s32 @!p0 $0x100000, s0  }
0x12e: {  	[sflag:s0] =	ssyncadd.tile.s32 @!p0 $0x1;
	_ =	shalt  }
.Lfunc_end2:
_tile_overlayer_lowered:
.L_overlay_start_2:
0x12f: {  	(tag) =	ssettag $0x2  }
0x130: {  	s0 =	rddreg [dreg:$0x0];
	s2 =	stileid.u32  }
0x131: {  	s1 =	rddreg [dreg:$0x1];
	p0 =	sne.s32 s2, $0x0  }
0x132: {  	s3 =	rddreg [dreg:$0x2];
	[bflag:$0x3] =	sbarrier.arrive $0xFFFF;
	s2 =	simm.s32 @!p0 $0x1C07  }
0x133: {  	[timem:s3], [sflag:s2] =	dma.local @!p0 [hbm:s0], s1  }
0x134: {  	s0 =	simm.s32 @!p0 $0x7  }
0x135: {  	_ =	swait.ge @!p0 [sflag:s0], s1  }
0x136: {  	s1 =	ssub.s32 @!p0 $0x0, s1;
	[sflag:s0] =	ssyncset.done @!p0 $0x0  }
0x137: {  	[sflag:s0] =	ssyncadd.s32 @!p0 s1  }
0x138: {  	[bflag:$0x3] =	sbarrier.arrive $0xFFFF  }
0x139: {  	_ =	shalt  }

// kernel: kernel.9.cloned.1.call-start
scs
__scs_entry_jumppad:
0x0: {  	(pc) =	sbr.rel $0x88, $3  }
0x1: {  	(tag) =	ssettag $0x0;
	lr =	simm.s32 $0x1  }
0x2: {  	[smem:$0x3F9A] =	sst lr;
	_ =	strace $0xD0000000  }
0x3: {  	_ = 	snop  }
0x4: {  	_ = 	snop  }
0x5: {  	_ = 	snop  }
0x6: {  	_ = 	snop  }
0x7: {  	_ = 	snop  }
__scs_overlays_trampoline_lowered:
0x8: {  	[smem:$0x3FA9] =	sst s0  }
0x9: {  	[smem:$0x3FAA] =	sst s1  }
0xa: {  	[smem:$0x3FAB] =	sst s2  }
0xb: {  	[smem:$0x3FAC] =	sst s3  }
0xc: {  	[smem:$0x3FAD] =	sst s4  }
0xd: {  	[smem:$0x3FAE] =	sst s5  }
0xe: {  	[smem:$0x3FAF] =	sst s6  }
0xf: {  	[smem:$0x3FB0] =	sst s7  }
0x10: {  	[smem:$0x3FB1] =	sst s8  }
0x11: {  	[smem:$0x3FB2] =	sst s9;
	s0 =	simm.s32 @!p0 $0x0  }
0x12: {  	s1 =	sld [smem:$0x3F98];
	s0 =	simm.s32 @p0 $0x1  }
0x13: {  	[smem:$0x3FB3] =	sst s0;
	s0 =	simm.s32 @!p1 $0x0  }
0x14: {  	s2 =	sld [smem:$0x3F97];
	s0 =	simm.s32 @p1 $0x1  }
0x15: {  	[smem:$0x3FB4] =	sst s0;
	s0 =	simm.s32 @!p2 $0x0  }
0x16: {  	s3 =	sld [smem:$0x3FDB];
	s0 =	simm.s32 @p2 $0x1  }
0x17: {  	s4 =	simm.s32 $0x1BF5;
	[smem:$0x3FB6] =	sst s0  }
0x18: {  	s0 =	sld [smem:$0x3F99];
	_ =	swait.ge [sflag:s4], $0x0  }
0x19: {  	s7 =	sld [smem:$0x3F9A]  }
0x1a: {  	s8 =	sadd.s32 $0xFFFFE003, lr  }
0x1b: {  	s9 =	sadd.s32 $0xFFFFFEF7, lr;
	s5 =	simm.s32 $0xFFFFFFFF;
	p2 =	slt.u32 s8, $0xFFFFF086  }
0x1c: {  	p1 =	slt.u32 s9, $0xF7A;
	s5 =	simm.s32 @!p2 $0x0  }
0x1d: {  	s5 =	simm.s32 @p1 $0x1;
	p0 =	seq.s32 s7, s2  }
0x1e: {  	s7 =	smul.u32 @!p0 $0xF7A, s2;
	p2 =	seq.s32 @!p0 s5, $0x0  }
0x1f: {  	s9 =	smul.u32 $0xF7A, s1;
	s8 =	simm.s32 @!p0 $0x1BF5;
	p2 =	por !p2, p0  }
0x20: {  	[sflag:s8] =	ssyncset.s32 @!p0 $0xFFFFF086;
	s6 =	sadd.s32 @!p0 s3, s7;
	s7 =	simm.s32 @!p0 $0x108  }
0x21: {  	s3 =	sadd.s32 s3, s9;
	s6 =	sadd.s32 @!p0 $0x88, s6;
	s7 =	simm.s32 @p2 $0x1082  }
0x22: {  	[simem:s7], [sflag:s8] =	dma.local @!p0 [hbm:s6], $0xF7A  }
0x23: {  	s9 =	sor.u32 $0xD0000000, s2;
	s6 =	simm.s32 $0x108;
	_ =	swait.ge @!p0 [sflag:s8], $0x0  }
0x24: {  	s3 =	sadd.s32 $0x88, s3;
	s6 =	simm.s32 @!p1 $0x1082;
	[sflag:s4] =	ssyncset.s32 $0xFFFFF086  }
0x25: {  	[simem:s6], [sflag:s4] =	dma.local [hbm:s3], $0xF7A  }
0x26: {  	[smem:$0x3F9A] =	sst s1;
	(tag) =	ssettag s2;
	_ =	strace s9  }
0x27: {  	s1 =	sld [smem:$0x3FAA]  }
0x28: {  	s2 =	sld [smem:$0x3FAB]  }
0x29: {  	s4 =	sld [smem:$0x3FAD]  }
0x2a: {  	p0 =	seq.s32 s5, $0x0;
	s5 =	sld [smem:$0x3FAE]  }
0x2b: {  	s6 =	sld [smem:$0x3FAF]  }
0x2c: {  	s7 =	sld [smem:$0x3FB0]  }
0x2d: {  	s3 =	simm.s32 $0x108;
	s8 =	sld [smem:$0x3FB1]  }
0x2e: {  	s3 =	simm.s32 @!p0 $0x1082;
	s9 =	sld [smem:$0x3FB2]  }
0x2f: {  	lr =	sadd.s32 s0, s3;
	s0 =	sld [smem:$0x3FA9]  }
0x30: {  	s3 =	sld [smem:$0x3FAC]  }
0x31: {  	[smem:$0x3FB5] =	sst s10  }
0x32: {  	s10 =	sld [smem:$0x3FB3];
	_ =	sdelay $0x3  }
0x33: {  	p0 =	seq.s32 s10, $0x1;
	s10 =	sld [smem:$0x3FB5];
	_ =	sdelay $0x3  }
0x34: {  	[smem:$0x3FB5] =	sst s10  }
0x35: {  	s10 =	sld [smem:$0x3FB4];
	_ =	sdelay $0x3  }
0x36: {  	p1 =	seq.s32 s10, $0x1;
	s10 =	sld [smem:$0x3FB5];
	_ =	sdelay $0x3  }
0x37: {  	[smem:$0x3FB5] =	sst s10  }
0x38: {  	s10 =	sld [smem:$0x3FB6]  }
0x39: {  	_ = 	snop;
	(pc) =	sbr.ind lr, $3  }
0x3a: {  	_ = 	snop  }
0x3b: {  	_ = 	snop  }
0x3c: {  	p2 =	seq.s32 s10, $0x1;
	s10 =	sld [smem:$0x3FB5]  }
0x3d: {  	_ =	shalt  }
0x3e: {  	_ =	shalt  }
0x3f: {  	_ =	shalt  }
0x40: {  	_ =	shalt  }
0x41: {  	_ =	shalt  }
0x42: {  	_ =	shalt  }
0x43: {  	_ =	shalt  }
0x44: {  	_ =	shalt  }
0x45: {  	_ =	shalt  }
0x46: {  	_ =	shalt  }
0x47: {  	_ =	shalt  }
0x48: {  	_ =	shalt  }
0x49: {  	_ =	shalt  }
0x4a: {  	_ =	shalt  }
0x4b: {  	_ =	shalt  }
0x4c: {  	_ =	shalt  }
0x4d: {  	_ =	shalt  }
0x4e: {  	_ =	shalt  }
0x4f: {  	_ =	shalt  }
0x50: {  	_ =	shalt  }
0x51: {  	_ =	shalt  }
0x52: {  	_ =	shalt  }
0x53: {  	_ =	shalt  }
0x54: {  	_ =	shalt  }
0x55: {  	_ =	shalt  }
0x56: {  	_ =	shalt  }
0x57: {  	_ =	shalt  }
0x58: {  	_ =	shalt  }
0x59: {  	_ =	shalt  }
0x5a: {  	_ =	shalt  }
0x5b: {  	_ =	shalt  }
0x5c: {  	_ =	shalt  }
0x5d: {  	_ =	shalt  }
0x5e: {  	_ =	shalt  }
0x5f: {  	_ =	shalt  }
0x60: {  	_ =	shalt  }
0x61: {  	_ =	shalt  }
0x62: {  	_ =	shalt  }
0x63: {  	_ =	shalt  }
0x64: {  	_ =	shalt  }
0x65: {  	_ =	shalt  }
0x66: {  	_ =	shalt  }
0x67: {  	_ =	shalt  }
0x68: {  	_ =	shalt  }
0x69: {  	_ =	shalt  }
0x6a: {  	_ =	shalt  }
0x6b: {  	_ =	shalt  }
0x6c: {  	_ =	shalt  }
0x6d: {  	_ =	shalt  }
0x6e: {  	_ =	shalt  }
0x6f: {  	_ =	shalt  }
0x70: {  	_ =	shalt  }
0x71: {  	_ =	shalt  }
0x72: {  	_ =	shalt  }
0x73: {  	_ =	shalt  }
0x74: {  	_ =	shalt  }
0x75: {  	_ =	shalt  }
0x76: {  	_ =	shalt  }
0x77: {  	_ =	shalt  }
0x78: {  	_ =	shalt  }
0x79: {  	_ =	shalt  }
0x7a: {  	_ =	shalt  }
0x7b: {  	_ =	shalt  }
0x7c: {  	_ =	shalt  }
0x7d: {  	_ =	shalt  }
0x7e: {  	_ =	shalt  }
0x7f: {  	_ =	shalt  }
0x80: {  	_ =	shalt  }
0x81: {  	_ =	shalt  }
0x82: {  	_ =	shalt  }
0x83: {  	_ =	shalt  }
0x84: {  	_ =	shalt  }
0x85: {  	_ =	shalt  }
0x86: {  	_ =	shalt  }
0x87: {  	_ =	shalt  }
.Lfunc_end0:
.L_simem_size_0:
called_computation.1_lowered:
.L_overlay_start_0:
0x88: {  	s2 =	sld [smem:$0x3FD9]  }
0x89: {  	s3 =	sld [smem:$0x3FFE];
	_ =	sdelay $0x1  }
0x8a: {  	s1 =	srdreg.scid  }
0x8b: {  	s0 =	sand.u32 $0x1, s1  }
0x8c: {  	s14 =	sshll.u32 s0, $0xA;
	s2 =	sadd.s32 s3, s2  }
0x8d: {  	s2 =	sadd.s32 s2, s14  }
0x8e: {  	[smem:$0x3FC1] =	sst s2  }
0x8f: {  	_ = 	snop  }
0x90: {  	s2 =	sld [smem:$0x3FD0];
	_ =	sdelay $0x2  }
0x91: {  	s4 =	simm.s32 $0xA;
	s5 =	simm.s32 $0x10;
	s15 =	sld [smem:$0x3FC9]  }
0x92: {  	[smem:s5], [sflag:s4] =	dma.local [hbm:s2], $0x1  }
0x93: {  	_ =	swait.eq [sflag:s4], $0x1  }
0x94: {  	[sflag:s4] =	ssyncset.done $0x0  }
0x95: {  	[sflag:s4] =	ssyncadd.s32 $0xFFFFFFFF  }
0x96: {  	s16 =	sld [smem:$0x10];
	(tm) =	ssettm $0x1  }
0x97: {  	s17 =	sld [smem:$0x3FFB];
	_ =	sdelay $0x3  }
0x98: {  	_ =	strace s17  }
0x99: {  	s4 =	sld [smem:$0x3FFC];
	_ =	sdelay $0x3  }
0x9a: {  	_ =	strace s4  }
0x9b: {  	s4 =	sld [smem:$0x3FFD];
	_ =	sdelay $0x3  }
0x9c: {  	_ =	strace s4  }
0x9d: {  	_ =	strace $0x8FFFFFFF  }
0x9e: {  	s18 =	sld [smem:$0x3FDB];
	_ =	sdelay $0x1  }
0x9f: {  	s19 =	simm.s32 $_scs_section_size  }
0xa0: {  	s6 =	simm.s32 $_size__tile_overlayer_lowered;
	s7 =	simm.s32 $_tile_overlayer_lowered  }
0xa1: {  	s22 =	simm.s32 $0x1BFF;
	s21 =	sshll.u32 s7, $0x1;
	s4 =	sadd.s32 s19, s18  }
0xa2: {  	s8 =	simm.s32 $0x0;
	s20 =	sshll.u32 s6, $0x1;
	s6 =	sadd.s32 s21, s4  }
0xa3: {  	[timem:s8], [sflag:s22] =	dma.local [hbm:s6], s20  }
0xa4: {  	_ =	swait.ge [sflag:s22], s20  }
0xa5: {  	s5 =	ssub.s32 $0x0, s20;
	[sflag:s22] =	ssyncset.done $0x0  }
0xa6: {  	[sflag:s22] =	ssyncadd.s32 s5;
	_ =	sdelay $0x1  }
0xa7: {  	s23 =	simm.s32 $0x1B8B  }
0xa8: {  	_ =	swait.ge [sflag:s23], $0x1  }
0xa9: {  	[sflag:s23] =	ssyncset.done $0x0  }
0xaa: {  	s25 =	simm.s32 $0x1B8E;
	s24 =	sld [smem:$0x3FFE];
	[sflag:s23] =	ssyncadd.s32 $0xFFFFFFFF  }
0xab: {  	s26 =	simm.s32 $execute0_lowered;
	[smem:$0x3FD2] =	sst s25  }
0xac: {  	s6 =	sshll.u32 s26, $0x1;
	_ =	strace $0x80000049;
	[dreg:$0x1] =	wrdreg $0xFFFFFFFF  }
0xad: {  	s28 =	simm.s32 $_size_execute0_lowered;
	s4 =	sadd.s32 s4, s6;
	[dreg:$0x0] =	wrdreg $0x0  }
0xae: {  	s6 =	sshll.u32 s28, $0x1;
	[dreg:$0x2] =	wrdreg s4  }
0xaf: {  	[dreg:$0x3] =	wrdreg s6  }
0xb0: {  	[dreg:$0x4] =	wrdreg $0xC0  }
0xb1: {  	_ =	task [dreg:s8], $0x5FFFF  }
0xb2: {  	[dreg:$0x1] =	wrdreg $0xFFFFFFFF  }
0xb3: {  	[dreg:$0x0] =	wrdreg $0x60  }
0xb4: {  	[dreg:$0x2] =	wrdreg s24  }
0xb5: {  	[dreg:$0x3] =	wrdreg s15  }
0xb6: {  	[dreg:$0x4] =	wrdreg s16  }
0xb7: {  	[dreg:$0x5] =	wrdreg $0x57000  }
0xb8: {  	[dreg:$0x6] =	wrdreg $0x9  }
0xb9: {  	_ =	task.clear_ibuf [dreg:s8], $0x7FFFF;
	_ =	strace $0x90000049  }
0xba: {  	s29 =	simm.s32 $0x9;
	_ =	strace $0x8000004B  }
0xbb: {  	_ =	swait.ge [sflag:s29], $0x1  }
0xbc: {  	[sflag:s29] =	ssyncadd.s32 $0xFFFFFFFF  }
0xbd: {  	_ =	strace $0x9000004B  }
0xbe: {  	_ =	sfence  }
0xbf: {  	s30 =	sld [smem:$0x0];
	_ =	sdelay $0x2  }
0xc0: {  	s31 =	sshll.u32 s1, $0xD;
	s1 =	sshrl.u32 s1, $0x2  }
0xc1: {  	s3 =	sand.u32 $0x4000, s31;
	s1 =	sadd.s32 s1, s30  }
0xc2: {  	s0 =	sor.u32 s3, s0;
	s1 =	sshll.u32 s1, $0x11  }
0xc3: {  	s0 =	sor.u32 s1, s0  }
0xc4: {  	s0 =	sadd.s32 $0x8F2B, s0  }
0xc5: {  	[sflag:s0] =	ssyncadd.remote.s32 $0x1  }
0xc6: {  	_ =	sfence.sel $0xFFFF  }
0xc7: {  	[dreg:$0x0] =	wrdreg $0xFFFFFFFF;
	(pc) =	sbr.abs _section_cstart, $3  }
0xc8: {  	[dreg:$0x1] =	wrdreg $0xFFFFFFFF  }
0xc9: {  	_ =	task.clear_ibuf [dreg:s8], $0x2FFFF;
	_ =	strace $0x9FFFFFFF  }
0xca: {  	(tm) =	ssettm $0x7FFFFFFF  }
0xcb: {  	_ =	shalt  }
tec
execute0_lowered:
.L_overlay_start_1:
0x0: {  	(tag) =	ssettag $0x1  }
0x1: {  	s2 =	rddreg [dreg:$0x0]  }
0x2: {  	s3 =	rddreg [dreg:$0x1]  }
0x3: {  	s10 =	rddreg [dreg:$0x2]  }
0x4: {  	s4 =	rddreg [dreg:$0x3];
	s1 =	stileid.u32  }
0x5: {  	s0 =	rddreg [dreg:$0x4];
	s6 =	srdreg.scid;
	s12 =	simm.s32 $0x80  }
0x6: {  	s13 =	simm.s32 $0x400;
	s14 =	simm.s32 $0x3;
	s15 =	simm.s32 $0x280  }
0x7: {  	s16 =	simm.s32 $0x500;
	s17 =	simm.s32 $0xA0;
	s18 =	simm.s32 $0x600  }
0x8: {  	s19 =	simm.s32 $0x700;
	s20 =	simm.s32 $0x1;
	s21 =	simm.s32 $0x2  }
0x9: {  	s5 =	sshrl.u32 s1, $0x3;
	s8 =	sshll.u32 s1, $0x7;
	s6 =	sand.u32 $0x1, s6  }
0xa: {  	s7 =	smul.u32 $0x1400, s5;
	s5 =	simm.s32 $0x0;
	s8 =	sand.u32 $0x380, s8  }
0xb: {  	s9 =	sshll.u32 s6, $0x4;
	s6 =	ssub.s32 $0x2, s6;
	[smem:$0x7FF] =	sst s5  }
0xc: {  	s22 =	sor.u32 s1, s9;
	s30 =	sshrl.u32 s6, $0x1;
	s7 =	sor.u32 s8, s7  }
0xd: {  	s29 =	smul.u32 $0x280, s22;
	_ =	strace $0x8000004A;
	s11 =	ssub.s32 s6, s30  }
0xe: {  	s31 =	smul.u32 $0xA00, s22;
	p0 =	seq.s32 s22, $0x1F;
	s7 =	sshrl.u32 s7, $0x3  }
0xf: {  	s22 =	simm.s32 $0x0;
	s11 =	smax.u32 s11, $0x1;
	s7 =	sadd.s32 s7, s2  }
0x10: {  	s8 =	sshrl.u32 s29, $0x2;
	s9 =	sadd.s32 s10, s31;
	s10 =	sadd.s32 $0x13600, s10  }
0x11: {  	v0 =	vlaneseq.u32;
	s6 =	sadd.s32 $0x600, s7;
	s7 =	smul.u32 $0x280, s1;
	s8 =	sadd.s32 s8, s4  }
.LBB2_1:
0x12: {  	[tilespmem:s5], [sflag:$0x3] =	stream.strided.gather [hbm4b:s6+s12], $0x280, s13, s12, $0x38;
	[tilespmem:$0x5980] =	vst v63  }
0x13: {  	_ =	swait.ge [sflag:s14], $0x280  }
0x14: {  	s23 =	simm.s32 $0x40;
	[sflag:s14] =	ssyncset.done $0x0  }
0x15: {  	s25 =	simm.s32 $0x0;
	v1 =	vor.u32 s7, v0;
	s24 =	smov.u32 s7;
	[sflag:s14] =	ssyncadd.s32 $0xFFFFFD80  }
.LBB2_2:
0x16: {  	p1 =	sne.s32 s23, $0x9C0  }
0x17: {  	[tilespmem:s25+$0x280] =	vst v1;
	s24 =	sadd.s32 $0x10, s24;
	s25 =	smov.u32 s23;
	s23 =	sadd.s32 $0x40, s23  }
.Ltmp0:
0x18: {  	(pc) =	sbr.rel @p1 .LBB2_2-.Ltmp0, $2  }
0x19: {  	_ =	sdelay $0x2  }
0x1a: {  	v1 =	vor.u32 s24, v0;
	s25 =	sshra.s32 s25, $0x2  }
0x1b: {  	[tilespmem:s25+$0x280] =	vst v1;
	s23 =	simm.s32 $0x0  }
0x1c: {  	[spmem:s4] =	stream.indirect.scatter [tilespmem:s15], [sflag:$0x3], $0x1, s23, s15, $0xb8;
	[tilespmem:$0x5980] =	vst v63  }
0x1d: {  	_ =	swait.ge [sflag:s14], $0x280  }
0x1e: {  	[sflag:s14] =	ssyncset.done $0x0  }
0x1f: {  	[sflag:s14] =	ssyncadd.s32 $0xFFFFFD80  }
0x20: {  	[bflag:$0x0] =	sbarrier.arrive $0xFFFF  }
0x21: {  	[tilespmem:s16], [sflag:$0x3] =	stream.linear.gather [spmem:s8], $0xA0, $0x38;
	[tilespmem:$0x5980] =	vst v63  }
0x22: {  	_ =	swait.ge [sflag:s14], $0xA0  }
0x23: {  	[sflag:s14] =	ssyncset.done $0x0  }
0x24: {  	[sflag:s14] =	ssyncadd.s32 $0xFFFFFF60  }
0x25: {  	[tilespmem:s18], [sflag:$0x1] =	stream.indirect.gather [hbm4b:s2+s17], $0x1, s16, s17, $0xb8;
	[tilespmem:$0x5980] =	vst v63  }
0x26: {  	_ = 	snop  }
0x27: {  	[tilespmem:s19], [sflag:$0x2] =	stream.indirect.gather [hbm4b:s3+s17], $0x80, s16, s17, $0xb8;
	[tilespmem:$0x5980] =	vst v63  }
0x28: {  	_ =	swait.ge [sflag:s20], $0xA0  }
0x29: {  	[sflag:s20] =	ssyncset.done $0x0  }
0x2a: {  	[sflag:s20] =	ssyncadd.s32 $0xFFFFFF60  }
0x2b: {  	_ =	swait.ge [sflag:s21], $0x5000  }
0x2c: {  	s31 =	simm.s32 $0x0;
	[sflag:s21] =	ssyncset.done $0x0  }
0x2d: {  	s23 =	sand.u32 $0x3FFFFFF0, s31;
	[sflag:s21] =	ssyncadd.s32 $0xFFFFB000  }
0x2e: {  	s24 =	simm.s32 $0x0;
	v1 =	vld [tilespmem:s23+$0x600]  }
0x2f: {  	s23 =	sand.u32 $0x3FFFF800, s24  }
0x30: {  	v3 =	vld [tilespmem:s23+$0x720]  }
0x31: {  	v4 =	vld [tilespmem:s23+$0x730]  }
0x32: {  	v10 =	vld [tilespmem:s23+$0x760]  }
0x33: {  	v11 =	vld [tilespmem:s23+$0x770];
	v2 =	vbroadcast v1, $0x0  }
0x34: {  	v12 =	vld [tilespmem:s23+$0x780]  }
0x35: {  	v13 =	vld [tilespmem:s23+$0x790];
	v3 =	vmul.f32 v3, v2  }
0x36: {  	v14 =	vld [tilespmem:s23+$0x7A0];
	v4 =	vmul.f32 v4, v2  }
0x37: {  	v9 =	vld [tilespmem:s23+$0x7B0];
	v23 =	vbroadcast v1, $0x1;
	v22 =	vmul.f32 v10, v2;
	[tilespmem:s23+$0x720] =	vst v3  }
0x38: {  	v7 =	vld [tilespmem:s23+$0x7C0];
	v11 =	vmul.f32 v11, v2;
	[tilespmem:s23+$0x730] =	vst v4  }
0x39: {  	v8 =	vld [tilespmem:s23+$0x7D0];
	v12 =	vmul.f32 v12, v23;
	[tilespmem:s23+$0x760] =	vst v22  }
0x3a: {  	v25 =	vld [tilespmem:s23+$0x7F0];
	v13 =	vmul.f32 v13, v23;
	[tilespmem:s23+$0x770] =	vst v11  }
0x3b: {  	v26 =	vld [tilespmem:s23+$0x800];
	v14 =	vmul.f32 v14, v23;
	[tilespmem:s23+$0x780] =	vst v12  }
0x3c: {  	v27 =	vld [tilespmem:s23+$0x810];
	v9 =	vmul.f32 v9, v23;
	[tilespmem:s23+$0x790] =	vst v13  }
0x3d: {  	v6 =	vld [tilespmem:s23+$0xC70];
	v7 =	vmul.f32 v7, v23;
	[tilespmem:s23+$0x7A0] =	vst v14  }
0x3e: {  	v24 =	vld [tilespmem:s23+$0x7E0];
	v15 =	vbroadcast v1, $0x2;
	v8 =	vmul.f32 v8, v23;
	[tilespmem:s23+$0x7B0] =	vst v9  }
0x3f: {  	v28 =	vld [tilespmem:s23+$0x820];
	v10 =	vmul.f32 v25, v23;
	[tilespmem:s23+$0x7C0] =	vst v7  }
0x40: {  	v29 =	vld [tilespmem:s23+$0x830];
	v5 =	vbroadcast v1, $0xA;
	v32 =	vmul.f32 v26, v15;
	[tilespmem:s23+$0x7D0] =	vst v8  }
0x41: {  	v30 =	vld [tilespmem:s23+$0x840];
	v34 =	vmul.f32 v27, v15;
	[tilespmem:s23+$0x7F0] =	vst v10  }
0x42: {  	v33 =	vld [tilespmem:s23+$0x860];
	v3 =	vmul.f32 v6, v5;
	[tilespmem:s23+$0x800] =	vst v32  }
0x43: {  	v35 =	vld [tilespmem:s23+$0x870];
	v11 =	vmul.f32 v24, v23;
	[tilespmem:s23+$0x810] =	vst v34  }
0x44: {  	v36 =	vld [tilespmem:s23+$0x880];
	v9 =	vmul.f32 v28, v15;
	[tilespmem:s23+$0xC70] =	vst v3  }
0x45: {  	v31 =	vld [tilespmem:s23+$0x850];
	v7 =	vmul.f32 v29, v15;
	[tilespmem:s23+$0x7E0] =	vst v11  }
0x46: {  	v37 =	vld [tilespmem:s23+$0x890];
	v8 =	vmul.f32 v30, v15;
	[tilespmem:s23+$0x820] =	vst v9  }
0x47: {  	v38 =	vld [tilespmem:s23+$0x8A0];
	v41 =	vbroadcast v1, $0x3;
	v10 =	vmul.f32 v33, v15;
	[tilespmem:s23+$0x830] =	vst v7  }
0x48: {  	v39 =	vld [tilespmem:s23+$0x8B0];
	v12 =	vmul.f32 v35, v15;
	[tilespmem:s23+$0x840] =	vst v8  }
0x49: {  	v42 =	vld [tilespmem:s23+$0x8D0];
	v13 =	vmul.f32 v36, v41;
	[tilespmem:s23+$0x860] =	vst v10  }
0x4a: {  	v43 =	vld [tilespmem:s23+$0x8E0];
	v11 =	vmul.f32 v31, v15;
	[tilespmem:s23+$0x870] =	vst v12  }
0x4b: {  	v44 =	vld [tilespmem:s23+$0x8F0];
	v9 =	vmul.f32 v37, v41;
	[tilespmem:s23+$0x880] =	vst v13  }
0x4c: {  	v40 =	vld [tilespmem:s23+$0x8C0];
	v7 =	vmul.f32 v38, v41;
	[tilespmem:s23+$0x850] =	vst v11  }
0x4d: {  	v45 =	vld [tilespmem:s23+$0x900];
	v8 =	vmul.f32 v39, v41;
	[tilespmem:s23+$0x890] =	vst v9  }
0x4e: {  	v46 =	vld [tilespmem:s23+$0x910];
	v10 =	vmul.f32 v42, v41;
	[tilespmem:s23+$0x8A0] =	vst v7  }
0x4f: {  	v47 =	vld [tilespmem:s23+$0x920];
	v12 =	vmul.f32 v43, v41;
	[tilespmem:s23+$0x8B0] =	vst v8  }
0x50: {  	v49 =	vld [tilespmem:s23+$0x940];
	v50 =	vbroadcast v1, $0x4;
	v13 =	vmul.f32 v44, v41;
	[tilespmem:s23+$0x8D0] =	vst v10  }
0x51: {  	v51 =	vld [tilespmem:s23+$0x950];
	v11 =	vmul.f32 v40, v41;
	[tilespmem:s23+$0x8E0] =	vst v12  }
0x52: {  	v52 =	vld [tilespmem:s23+$0x960];
	v9 =	vmul.f32 v45, v50;
	[tilespmem:s23+$0x8F0] =	vst v13  }
0x53: {  	v48 =	vld [tilespmem:s23+$0x930];
	v7 =	vmul.f32 v46, v50;
	[tilespmem:s23+$0x8C0] =	vst v11  }
0x54: {  	v53 =	vld [tilespmem:s23+$0x970];
	v8 =	vmul.f32 v47, v50;
	[tilespmem:s23+$0x900] =	vst v9  }
0x55: {  	v54 =	vld [tilespmem:s23+$0x980];
	v10 =	vmul.f32 v49, v50;
	[tilespmem:s23+$0x910] =	vst v7  }
0x56: {  	v55 =	vld [tilespmem:s23+$0x990];
	v12 =	vmul.f32 v51, v50;
	[tilespmem:s23+$0x920] =	vst v8  }
0x57: {  	v57 =	vld [tilespmem:s23+$0x9B0];
	v13 =	vmul.f32 v52, v50;
	[tilespmem:s23+$0x940] =	vst v10  }
0x58: {  	v58 =	vld [tilespmem:s23+$0x9C0];
	v59 =	vbroadcast v1, $0x5;
	v11 =	vmul.f32 v48, v50;
	[tilespmem:s23+$0x950] =	vst v12  }
0x59: {  	v60 =	vld [tilespmem:s23+$0x9D0];
	v9 =	vmul.f32 v53, v50;
	[tilespmem:s23+$0x960] =	vst v13  }
0x5a: {  	v56 =	vld [tilespmem:s23+$0x9A0];
	v7 =	vmul.f32 v54, v59;
	[tilespmem:s23+$0x930] =	vst v11  }
0x5b: {  	v61 =	vld [tilespmem:s23+$0x9E0];
	v8 =	vmul.f32 v55, v59;
	[tilespmem:s23+$0x970] =	vst v9  }
0x5c: {  	v62 =	vld [tilespmem:s23+$0x9F0];
	v10 =	vmul.f32 v57, v59;
	[tilespmem:s23+$0x980] =	vst v7  }
0x5d: {  	v63 =	vld [tilespmem:s23+$0xA00];
	v12 =	vmul.f32 v58, v59;
	[tilespmem:s23+$0x990] =	vst v8  }
0x5e: {  	v19 =	vld [tilespmem:s23+$0xA20];
	v13 =	vmul.f32 v60, v59;
	[tilespmem:s23+$0x9B0] =	vst v10  }
0x5f: {  	v20 =	vld [tilespmem:s23+$0xA30];
	v11 =	vmul.f32 v56, v59;
	[tilespmem:s23+$0x9C0] =	vst v12  }
0x60: {  	v21 =	vld [tilespmem:s23+$0xA40];
	v22 =	vbroadcast v1, $0x6;
	v9 =	vmul.f32 v61, v59;
	[tilespmem:s23+$0x9D0] =	vst v13  }
0x61: {  	v18 =	vld [tilespmem:s23+$0xA10];
	v7 =	vmul.f32 v62, v59;
	[tilespmem:s23+$0x9A0] =	vst v11  }
0x62: {  	v23 =	vld [tilespmem:s23+$0xA50];
	v8 =	vmul.f32 v63, v22;
	[tilespmem:s23+$0x9E0] =	vst v9  }
0x63: {  	v24 =	vld [tilespmem:s23+$0xA60];
	v10 =	vmul.f32 v19, v22;
	[tilespmem:s23+$0x9F0] =	vst v7  }
0x64: {  	v25 =	vld [tilespmem:s23+$0xA70];
	v12 =	vmul.f32 v20, v22;
	[tilespmem:s23+$0xA00] =	vst v8  }
0x65: {  	v27 =	vld [tilespmem:s23+$0xA90];
	v13 =	vmul.f32 v21, v22;
	[tilespmem:s23+$0xA20] =	vst v10  }
0x66: {  	v28 =	vld [tilespmem:s23+$0xAA0];
	v11 =	vmul.f32 v18, v22;
	[tilespmem:s23+$0xA30] =	vst v12  }
0x67: {  	v29 =	vld [tilespmem:s23+$0xAB0];
	v9 =	vmul.f32 v23, v22;
	[tilespmem:s23+$0xA40] =	vst v13  }
0x68: {  	v31 =	vbroadcast v1, $0x7;
	v53 =	vld [tilespmem:s23+$0xC00];
	v7 =	vmul.f32 v24, v22;
	[tilespmem:s23+$0xA10] =	vst v11  }
0x69: {  	v57 =	vld [tilespmem:s23+$0xC40];
	v8 =	vmul.f32 v25, v22;
	[tilespmem:s23+$0xA50] =	vst v9  }
0x6a: {  	v58 =	vld [tilespmem:s23+$0xC50];
	v10 =	vmul.f32 v27, v31;
	[tilespmem:s23+$0xA60] =	vst v7  }
0x6b: {  	v26 =	vld [tilespmem:s23+$0xA80];
	v12 =	vmul.f32 v28, v31;
	[tilespmem:s23+$0xA70] =	vst v8  }
0x6c: {  	v30 =	vld [tilespmem:s23+$0xAC0];
	v13 =	vmul.f32 v29, v31;
	[tilespmem:s23+$0xA90] =	vst v10  }
0x6d: {  	v32 =	vld [tilespmem:s23+$0xAD0];
	v59 =	vmul.f32 v53, v5;
	[tilespmem:s23+$0xAA0] =	vst v12  }
0x6e: {  	v33 =	vld [tilespmem:s23+$0xAE0];
	v18 =	vmul.f32 v57, v5;
	[tilespmem:s23+$0xAB0] =	vst v13  }
0x6f: {  	v35 =	vld [tilespmem:s23+$0xB00];
	v20 =	vmul.f32 v58, v5;
	[tilespmem:s23+$0xC00] =	vst v59  }
0x70: {  	v36 =	vld [tilespmem:s23+$0xB10];
	v11 =	vmul.f32 v26, v31;
	[tilespmem:s23+$0xC40] =	vst v18  }
0x71: {  	v37 =	vld [tilespmem:s23+$0xB20];
	v9 =	vmul.f32 v30, v31;
	[tilespmem:s23+$0xC50] =	vst v20  }
0x72: {  	v4 =	vld [tilespmem:s23+$0xC80];
	v40 =	vbroadcast v1, $0x8;
	v7 =	vmul.f32 v32, v31;
	[tilespmem:s23+$0xA80] =	vst v11  }
0x73: {  	v6 =	vld [tilespmem:s23+$0xC90];
	v8 =	vmul.f32 v33, v31;
	[tilespmem:s23+$0xAC0] =	vst v9  }
0x74: {  	v3 =	vld [tilespmem:s23+$0xED0];
	v10 =	vmul.f32 v35, v40;
	[tilespmem:s23+$0xAD0] =	vst v7  }
0x75: {  	v61 =	vld [tilespmem:s23+$0x700];
	v23 =	vbroadcast v1, $0xB;
	v12 =	vmul.f32 v36, v40;
	[tilespmem:s23+$0xAE0] =	vst v8  }
0x76: {  	v34 =	vld [tilespmem:s23+$0xAF0];
	v13 =	vmul.f32 v37, v40;
	[tilespmem:s23+$0xB00] =	vst v10  }
0x77: {  	v38 =	vld [tilespmem:s23+$0xB30];
	v27 =	vbroadcast v1, $0xF;
	v4 =	vmul.f32 v4, v23;
	[tilespmem:s23+$0xB10] =	vst v12  }
0x78: {  	v39 =	vld [tilespmem:s23+$0xB40];
	v6 =	vmul.f32 v6, v23;
	[tilespmem:s23+$0xB20] =	vst v13  }
0x79: {  	v41 =	vld [tilespmem:s23+$0xB50];
	v3 =	vmul.f32 v3, v27;
	[tilespmem:s23+$0xC80] =	vst v4  }
0x7a: {  	v43 =	vld [tilespmem:s23+$0xB70];
	v24 =	vmul.f32 v2, v61;
	[tilespmem:s23+$0xC90] =	vst v6  }
0x7b: {  	v44 =	vld [tilespmem:s23+$0xB80];
	v11 =	vmul.f32 v34, v31;
	[tilespmem:s23+$0xED0] =	vst v3  }
0x7c: {  	v45 =	vld [tilespmem:s23+$0xB90];
	v9 =	vmul.f32 v38, v40;
	[tilespmem:s23+$0x700] =	vst v24  }
0x7d: {  	v63 =	vld [tilespmem:s23+$0x740];
	v7 =	vmul.f32 v39, v40;
	[tilespmem:s23+$0xAF0] =	vst v11  }
0x7e: {  	v49 =	vbroadcast v1, $0x9;
	v29 =	vld [tilespmem:s23+$0xCF0];
	v8 =	vmul.f32 v41, v40;
	[tilespmem:s23+$0xB30] =	vst v9  }
0x7f: {  	v42 =	vld [tilespmem:s23+$0xB60];
	v10 =	vmul.f32 v43, v40;
	[tilespmem:s23+$0xB40] =	vst v7  }
0x80: {  	v46 =	vld [tilespmem:s23+$0xBA0];
	v12 =	vmul.f32 v44, v49;
	[tilespmem:s23+$0xB50] =	vst v8  }
0x81: {  	v47 =	vld [tilespmem:s23+$0xBB0];
	v13 =	vmul.f32 v45, v49;
	[tilespmem:s23+$0xB70] =	vst v10  }
0x82: {  	v48 =	vld [tilespmem:s23+$0xBC0];
	v3 =	vmul.f32 v63, v2;
	[tilespmem:s23+$0xB80] =	vst v12  }
0x83: {  	v51 =	vld [tilespmem:s23+$0xBE0];
	v6 =	vmul.f32 v29, v23;
	[tilespmem:s23+$0xB90] =	vst v13  }
0x84: {  	v52 =	vld [tilespmem:s23+$0xBF0];
	v11 =	vmul.f32 v42, v40;
	[tilespmem:s23+$0x740] =	vst v3  }
0x85: {  	v28 =	vld [tilespmem:s23+$0xCE0];
	v9 =	vmul.f32 v46, v49;
	[tilespmem:s23+$0xCF0] =	vst v6  }
0x86: {  	v26 =	vld [tilespmem:s23+$0xCD0];
	v7 =	vmul.f32 v47, v49;
	[tilespmem:s23+$0xB60] =	vst v11  }
0x87: {  	v30 =	vld [tilespmem:s23+$0xD00];
	v8 =	vmul.f32 v48, v49;
	[tilespmem:s23+$0xBA0] =	vst v9  }
0x88: {  	v50 =	vld [tilespmem:s23+$0xBD0];
	v10 =	vmul.f32 v51, v49;
	[tilespmem:s23+$0xBB0] =	vst v7  }
0x89: {  	v54 =	vld [tilespmem:s23+$0xC10];
	v12 =	vmul.f32 v52, v49;
	[tilespmem:s23+$0xBC0] =	vst v8  }
0x8a: {  	v55 =	vld [tilespmem:s23+$0xC20];
	v35 =	vbroadcast v1, $0xC;
	v40 =	vmul.f32 v28, v23;
	[tilespmem:s23+$0xBE0] =	vst v10  }
0x8b: {  	v56 =	vld [tilespmem:s23+$0xC30];
	v32 =	vmul.f32 v26, v23;
	[tilespmem:s23+$0xBF0] =	vst v12  }
0x8c: {  	v60 =	vld [tilespmem:s23+$0xC60];
	v15 =	vmul.f32 v30, v35;
	[tilespmem:s23+$0xCE0] =	vst v40  }
0x8d: {  	v62 =	vld [tilespmem:s23+$0x710];
	v11 =	vmul.f32 v50, v49;
	[tilespmem:s23+$0xCD0] =	vst v32  }
0x8e: {  	v19 =	vld [tilespmem:s23+$0x750];
	v9 =	vmul.f32 v54, v5;
	[tilespmem:s23+$0xD00] =	vst v15  }
0x8f: {  	v33 =	vld [tilespmem:s23+$0xD30];
	v7 =	vmul.f32 v55, v5;
	[tilespmem:s23+$0xBD0] =	vst v11  }
0x90: {  	v61 =	vld [tilespmem:s23+$0xEF0];
	v8 =	vmul.f32 v56, v5;
	[tilespmem:s23+$0xC10] =	vst v9  }
0x91: {  	v38 =	vld [tilespmem:s23+$0xD70];
	v5 =	vmul.f32 v60, v5;
	[tilespmem:s23+$0xC20] =	vst v7  }
0x92: {  	v21 =	vld [tilespmem:s23+$0xCA0];
	v12 =	vmul.f32 v62, v2;
	[tilespmem:s23+$0xC30] =	vst v8  }
0x93: {  	v22 =	vld [tilespmem:s23+$0xCB0];
	v2 =	vmul.f32 v19, v2;
	[tilespmem:s23+$0xC60] =	vst v5  }
0x94: {  	v25 =	vld [tilespmem:s23+$0xCC0];
	v62 =	vmul.f32 v33, v35;
	[tilespmem:s23+$0x710] =	vst v12  }
0x95: {  	v31 =	vld [tilespmem:s23+$0xD10];
	v63 =	vmul.f32 v61, v27;
	[tilespmem:s23+$0x750] =	vst v2  }
0x96: {  	v34 =	vld [tilespmem:s23+$0xD40];
	v15 =	vmul.f32 v38, v35;
	[tilespmem:s23+$0xD30] =	vst v62  }
0x97: {  	v41 =	vld [tilespmem:s23+$0xDA0];
	v7 =	vmul.f32 v21, v23;
	[tilespmem:s23+$0xEF0] =	vst v63  }
0x98: {  	v46 =	vld [tilespmem:s23+$0xDE0];
	v8 =	vmul.f32 v22, v23;
	[tilespmem:s23+$0xD70] =	vst v15  }
0x99: {  	v36 =	vld [tilespmem:s23+$0xD50];
	v5 =	vmul.f32 v25, v23;
	[tilespmem:s23+$0xCA0] =	vst v7  }
0x9a: {  	v44 =	vbroadcast v1, $0xD;
	v9 =	vmul.f32 v31, v35;
	v2 =	vld [tilespmem:s23+$0xD90];
	[tilespmem:s23+$0xCB0] =	vst v8  }
0x9b: {  	v37 =	vld [tilespmem:s23+$0xD60];
	v12 =	vmul.f32 v34, v35;
	[tilespmem:s23+$0xCC0] =	vst v5  }
0x9c: {  	v39 =	vld [tilespmem:s23+$0xD80];
	v11 =	vmul.f32 v41, v44;
	[tilespmem:s23+$0xD10] =	vst v9  }
0x9d: {  	v42 =	vld [tilespmem:s23+$0xDB0];
	v51 =	vmul.f32 v46, v44;
	[tilespmem:s23+$0xD40] =	vst v12  }
0x9e: {  	v48 =	vld [tilespmem:s23+$0xE10];
	v8 =	vmul.f32 v36, v35;
	[tilespmem:s23+$0xDA0] =	vst v11  }
0x9f: {  	v49 =	vld [tilespmem:s23+$0xE20];
	[tilespmem:s23+$0xDE0] =	vst v51;
	v2 =	vmul.f32 v2, v44  }
0xa0: {  	v50 =	vld [tilespmem:s23+$0xE30];
	v5 =	vmul.f32 v37, v35;
	[tilespmem:s23+$0xD50] =	vst v8  }
0xa1: {  	v1 =	vbroadcast v1, $0xE;
	v9 =	vmul.f32 v39, v44;
	[tilespmem:s23+$0xD90] =	vst v2;
	v2 =	vld [tilespmem:s23+$0xE00]  }
0xa2: {  	v60 =	vld [tilespmem:s23+$0xEE0];
	v12 =	vmul.f32 v42, v44;
	[tilespmem:s23+$0xD60] =	vst v5  }
0xa3: {  	v45 =	vld [tilespmem:s23+$0xDD0];
	v11 =	vmul.f32 v48, v1;
	[tilespmem:s23+$0xD80] =	vst v9  }
0xa4: {  	v47 =	vld [tilespmem:s23+$0xDF0];
	v10 =	vmul.f32 v49, v1;
	[tilespmem:s23+$0xDB0] =	vst v12  }
0xa5: {  	v43 =	vld [tilespmem:s23+$0xDC0];
	v6 =	vmul.f32 v50, v1;
	[tilespmem:s23+$0xE10] =	vst v11  }
0xa6: {  	v55 =	vld [tilespmem:s23+$0xE80];
	[tilespmem:s23+$0xE20] =	vst v10;
	v2 =	vmul.f32 v2, v1  }
0xa7: {  	v57 =	vld [tilespmem:s23+$0xEA0];
	v4 =	vmul.f32 v60, v27;
	[tilespmem:s23+$0xE30] =	vst v6  }
0xa8: {  	v5 =	vmul.f32 v45, v44;
	[tilespmem:s23+$0xE00] =	vst v2;
	v2 =	vld [tilespmem:s23+$0xE70]  }
0xa9: {  	v52 =	vld [tilespmem:s23+$0xE40];
	v9 =	vmul.f32 v47, v44;
	[tilespmem:s23+$0xEE0] =	vst v4  }
0xaa: {  	v56 =	vld [tilespmem:s23+$0xE90];
	v8 =	vmul.f32 v43, v44;
	[tilespmem:s23+$0xDD0] =	vst v5  }
0xab: {  	v54 =	vld [tilespmem:s23+$0xE60];
	v11 =	vmul.f32 v55, v27;
	[tilespmem:s23+$0xDF0] =	vst v9  }
0xac: {  	v58 =	vld [tilespmem:s23+$0xEB0];
	v6 =	vmul.f32 v57, v27;
	[tilespmem:s23+$0xDC0] =	vst v8  }
0xad: {  	v53 =	vld [tilespmem:s23+$0xE50];
	[tilespmem:s23+$0xE80] =	vst v11;
	v2 =	vmul.f32 v2, v1  }
0xae: {  	v59 =	vld [tilespmem:s23+$0xEC0];
	v5 =	vmul.f32 v52, v1;
	[tilespmem:s23+$0xEA0] =	vst v6  }
0xaf: {  	[tilespmem:s23+$0xE70] =	vst v2;
	v2 =	vmul.f32 v56, v27  }
0xb0: {  	v3 =	vld [tilespmem:s23+$0xD20];
	v9 =	vmul.f32 v54, v1;
	[tilespmem:s23+$0xE40] =	vst v5  }
0xb1: {  	[tilespmem:s23+$0xE90] =	vst v2;
	v2 =	vmul.f32 v58, v27  }
0xb2: {  	[tilespmem:s23+$0xE60] =	vst v9;
	v1 =	vmul.f32 v53, v1  }
0xb3: {  	[tilespmem:s23+$0xEB0] =	vst v2;
	v2 =	vmul.f32 v59, v27  }
0xb4: {  	[tilespmem:s23+$0xE50] =	vst v1  }
0xb5: {  	s24 =	simm.s32 $0x1;
	[tilespmem:s23+$0xEC0] =	vst v2;
	v2 =	vmul.f32 v3, v35  }
.LBB2_4:
0xb6: {  	s25 =	sshll.u32 s24, $0x4  }
0xb7: {  	p1 =	sne.s32 s24, $0x9;
	[tilespmem:s23+$0xD20] =	vst v2;
	s23 =	smov.u32 s24;
	s24 =	sadd.s32 $0x1, s24  }
0xb8: {  	s25 =	sand.u32 $0x3FFFFFF0, s25  }
0xb9: {  	s23 =	sshll.u32 s23, $0xB;
	v1 =	vld [tilespmem:s25+$0x600]  }
0xba: {  	s23 =	sand.u32 $0x3FFFF800, s23  }
0xbb: {  	v8 =	vld [tilespmem:s23+$0x7C0]  }
0xbc: {  	v9 =	vld [tilespmem:s23+$0x7D0]  }
0xbd: {  	v10 =	vld [tilespmem:s23+$0x7B0]  }
0xbe: {  	v2 =	vbroadcast v1, $0x0;
	v3 =	vld [tilespmem:s23+$0x720];
	v7 =	vbroadcast v1, $0x4  }
0xbf: {  	v5 =	vld [tilespmem:s23+$0x730]  }
0xc0: {  	v6 =	vld [tilespmem:s23+$0xC70]  }
0xc1: {  	v11 =	vld [tilespmem:s23+$0x760]  }
0xc2: {  	v12 =	vld [tilespmem:s23+$0x770]  }
0xc3: {  	v4 =	vbroadcast v1, $0xA;
	v3 =	vmul.f32 v3, v2;
	v13 =	vld [tilespmem:s23+$0x780]  }
0xc4: {  	v5 =	vmul.f32 v5, v2;
	v14 =	vld [tilespmem:s23+$0x790]  }
0xc5: {  	[tilespmem:s23+$0x720] =	vst v3;
	v15 =	vld [tilespmem:s23+$0x7A0];
	v3 =	vmul.f32 v6, v4  }
0xc6: {  	[tilespmem:s23+$0x730] =	vst v5;
	v6 =	vmul.f32 v11, v2;
	v11 =	vbroadcast v1, $0x1;
	v5 =	vld [tilespmem:s23+$0xC80]  }
0xc7: {  	v12 =	vmul.f32 v12, v2;
	[tilespmem:s23+$0xC70] =	vst v3;
	v3 =	vld [tilespmem:s23+$0xED0]  }
0xc8: {  	[tilespmem:s23+$0x760] =	vst v6;
	v13 =	vmul.f32 v13, v11;
	v6 =	vld [tilespmem:s23+$0xC90]  }
0xc9: {  	[tilespmem:s23+$0x770] =	vst v12;
	v12 =	vmul.f32 v14, v11;
	v14 =	vld [tilespmem:s23+$0x7E0]  }
0xca: {  	[tilespmem:s23+$0x780] =	vst v13;
	v13 =	vmul.f32 v15, v11;
	v15 =	vld [tilespmem:s23+$0x7F0]  }
0xcb: {  	v10 =	vmul.f32 v10, v11;
	[tilespmem:s23+$0x790] =	vst v12;
	v12 =	vld [tilespmem:s23+$0x800]  }
0xcc: {  	v8 =	vmul.f32 v8, v11;
	[tilespmem:s23+$0x7A0] =	vst v13;
	v13 =	vld [tilespmem:s23+$0x810]  }
0xcd: {  	v9 =	vmul.f32 v9, v11;
	[tilespmem:s23+$0x7B0] =	vst v10;
	v10 =	vld [tilespmem:s23+$0x820]  }
0xce: {  	[tilespmem:s23+$0x7C0] =	vst v8;
	v8 =	vmul.f32 v14, v11;
	v14 =	vbroadcast v1, $0x2;
	v16 =	vld [tilespmem:s23+$0x830]  }
0xcf: {  	[tilespmem:s23+$0x7D0] =	vst v9;
	v9 =	vmul.f32 v15, v11;
	v11 =	vld [tilespmem:s23+$0x840]  }
0xd0: {  	[tilespmem:s23+$0x7E0] =	vst v8;
	v8 =	vmul.f32 v12, v14;
	v12 =	vld [tilespmem:s23+$0x850]  }
0xd1: {  	[tilespmem:s23+$0x7F0] =	vst v9;
	v9 =	vmul.f32 v13, v14;
	v13 =	vld [tilespmem:s23+$0x860]  }
0xd2: {  	[tilespmem:s23+$0x800] =	vst v8;
	v8 =	vmul.f32 v10, v14;
	v10 =	vld [tilespmem:s23+$0x870]  }
0xd3: {  	[tilespmem:s23+$0x810] =	vst v9;
	v9 =	vmul.f32 v16, v14;
	v15 =	vld [tilespmem:s23+$0x880]  }
0xd4: {  	[tilespmem:s23+$0x820] =	vst v8;
	v8 =	vmul.f32 v11, v14;
	v11 =	vld [tilespmem:s23+$0x890]  }
0xd5: {  	[tilespmem:s23+$0x830] =	vst v9;
	v9 =	vmul.f32 v12, v14;
	v12 =	vld [tilespmem:s23+$0x8A0]  }
0xd6: {  	[tilespmem:s23+$0x840] =	vst v8;
	v8 =	vmul.f32 v13, v14;
	v13 =	vbroadcast v1, $0x3;
	v16 =	vld [tilespmem:s23+$0x8B0]  }
0xd7: {  	[tilespmem:s23+$0x850] =	vst v9;
	v9 =	vmul.f32 v10, v14;
	v10 =	vld [tilespmem:s23+$0x8C0]  }
0xd8: {  	[tilespmem:s23+$0x860] =	vst v8;
	v8 =	vmul.f32 v15, v13;
	v14 =	vld [tilespmem:s23+$0x8D0]  }
0xd9: {  	[tilespmem:s23+$0x870] =	vst v9;
	v9 =	vmul.f32 v11, v13;
	v11 =	vld [tilespmem:s23+$0x8E0]  }
0xda: {  	[tilespmem:s23+$0x880] =	vst v8;
	v8 =	vmul.f32 v12, v13;
	v12 =	vld [tilespmem:s23+$0x8F0]  }
0xdb: {  	[tilespmem:s23+$0x890] =	vst v9;
	v9 =	vmul.f32 v16, v13;
	v15 =	vld [tilespmem:s23+$0x900]  }
0xdc: {  	[tilespmem:s23+$0x8A0] =	vst v8;
	v8 =	vmul.f32 v10, v13;
	v10 =	vld [tilespmem:s23+$0x910]  }
0xdd: {  	[tilespmem:s23+$0x8B0] =	vst v9;
	v9 =	vmul.f32 v14, v13;
	v14 =	vld [tilespmem:s23+$0x920]  }
0xde: {  	[tilespmem:s23+$0x8C0] =	vst v8;
	v8 =	vmul.f32 v11, v13;
	v11 =	vld [tilespmem:s23+$0x930]  }
0xdf: {  	[tilespmem:s23+$0x8D0] =	vst v9;
	v9 =	vmul.f32 v12, v13;
	v12 =	vld [tilespmem:s23+$0x940]  }
0xe0: {  	[tilespmem:s23+$0x8E0] =	vst v8;
	v8 =	vmul.f32 v15, v7;
	v13 =	vld [tilespmem:s23+$0x950]  }
0xe1: {  	[tilespmem:s23+$0x8F0] =	vst v9;
	v9 =	vmul.f32 v10, v7;
	v10 =	vld [tilespmem:s23+$0x960]  }
0xe2: {  	[tilespmem:s23+$0x900] =	vst v8;
	v8 =	vmul.f32 v14, v7;
	v14 =	vld [tilespmem:s23+$0x970]  }
0xe3: {  	[tilespmem:s23+$0x910] =	vst v9;
	v9 =	vmul.f32 v11, v7;
	v11 =	vld [tilespmem:s23+$0x980]  }
0xe4: {  	[tilespmem:s23+$0x920] =	vst v8;
	v8 =	vmul.f32 v12, v7;
	v12 =	vld [tilespmem:s23+$0x990]  }
0xe5: {  	[tilespmem:s23+$0x930] =	vst v9;
	v9 =	vmul.f32 v13, v7;
	v13 =	vld [tilespmem:s23+$0x9A0]  }
0xe6: {  	[tilespmem:s23+$0x940] =	vst v8;
	v8 =	vmul.f32 v10, v7;
	v10 =	vbroadcast v1, $0x5;
	v15 =	vld [tilespmem:s23+$0x9B0]  }
0xe7: {  	[tilespmem:s23+$0x950] =	vst v9;
	v7 =	vmul.f32 v14, v7;
	v9 =	vld [tilespmem:s23+$0x9C0]  }
0xe8: {  	[tilespmem:s23+$0x960] =	vst v8;
	v8 =	vmul.f32 v11, v10;
	v11 =	vld [tilespmem:s23+$0x9D0]  }
0xe9: {  	[tilespmem:s23+$0x970] =	vst v7;
	v7 =	vmul.f32 v12, v10;
	v12 =	vld [tilespmem:s23+$0x9E0]  }
0xea: {  	[tilespmem:s23+$0x980] =	vst v8;
	v8 =	vmul.f32 v13, v10;
	v13 =	vld [tilespmem:s23+$0x9F0]  }
0xeb: {  	[tilespmem:s23+$0x990] =	vst v7;
	v7 =	vmul.f32 v15, v10;
	v14 =	vld [tilespmem:s23+$0xA00]  }
0xec: {  	[tilespmem:s23+$0x9A0] =	vst v8;
	v8 =	vmul.f32 v9, v10;
	v9 =	vld [tilespmem:s23+$0xA10]  }
0xed: {  	[tilespmem:s23+$0x9B0] =	vst v7;
	v7 =	vmul.f32 v11, v10;
	v11 =	vld [tilespmem:s23+$0xA20]  }
0xee: {  	[tilespmem:s23+$0x9C0] =	vst v8;
	v8 =	vmul.f32 v12, v10;
	v12 =	vbroadcast v1, $0x6;
	v15 =	vld [tilespmem:s23+$0xA30]  }
0xef: {  	[tilespmem:s23+$0x9D0] =	vst v7;
	v7 =	vmul.f32 v13, v10;
	v10 =	vld [tilespmem:s23+$0xA40]  }
0xf0: {  	[tilespmem:s23+$0x9E0] =	vst v8;
	v8 =	vmul.f32 v14, v12;
	v13 =	vld [tilespmem:s23+$0xA50]  }
0xf1: {  	[tilespmem:s23+$0x9F0] =	vst v7;
	v7 =	vmul.f32 v9, v12;
	v9 =	vld [tilespmem:s23+$0xA60]  }
0xf2: {  	[tilespmem:s23+$0xA00] =	vst v8;
	v8 =	vmul.f32 v11, v12;
	v11 =	vld [tilespmem:s23+$0xA70]  }
0xf3: {  	[tilespmem:s23+$0xA10] =	vst v7;
	v7 =	vmul.f32 v15, v12;
	v14 =	vld [tilespmem:s23+$0xA80]  }
0xf4: {  	[tilespmem:s23+$0xA20] =	vst v8;
	v8 =	vmul.f32 v10, v12;
	v10 =	vld [tilespmem:s23+$0xA90]  }
0xf5: {  	[tilespmem:s23+$0xA30] =	vst v7;
	v7 =	vmul.f32 v13, v12;
	v13 =	vld [tilespmem:s23+$0xAA0]  }
0xf6: {  	[tilespmem:s23+$0xA40] =	vst v8;
	v8 =	vmul.f32 v9, v12;
	v9 =	vbroadcast v1, $0x7;
	v15 =	vld [tilespmem:s23+$0xAB0]  }
0xf7: {  	[tilespmem:s23+$0xA50] =	vst v7;
	v7 =	vmul.f32 v11, v12;
	v11 =	vld [tilespmem:s23+$0xAC0]  }
0xf8: {  	[tilespmem:s23+$0xA60] =	vst v8;
	v8 =	vmul.f32 v14, v9;
	v12 =	vld [tilespmem:s23+$0xAD0]  }
0xf9: {  	[tilespmem:s23+$0xA70] =	vst v7;
	v7 =	vmul.f32 v10, v9;
	v10 =	vld [tilespmem:s23+$0xAE0]  }
0xfa: {  	[tilespmem:s23+$0xA80] =	vst v8;
	v8 =	vmul.f32 v13, v9;
	v13 =	vld [tilespmem:s23+$0xAF0]  }
0xfb: {  	[tilespmem:s23+$0xA90] =	vst v7;
	v7 =	vmul.f32 v15, v9;
	v14 =	vld [tilespmem:s23+$0xB00]  }
0xfc: {  	[tilespmem:s23+$0xAA0] =	vst v8;
	v8 =	vmul.f32 v11, v9;
	v11 =	vld [tilespmem:s23+$0xB10]  }
0xfd: {  	[tilespmem:s23+$0xAB0] =	vst v7;
	v7 =	vmul.f32 v12, v9;
	v12 =	vld [tilespmem:s23+$0xB20]  }
0xfe: {  	[tilespmem:s23+$0xAC0] =	vst v8;
	v8 =	vmul.f32 v10, v9;
	v10 =	vbroadcast v1, $0x8;
	v15 =	vld [tilespmem:s23+$0xB30]  }
0xff: {  	[tilespmem:s23+$0xAD0] =	vst v7;
	v7 =	vmul.f32 v13, v9;
	v9 =	vld [tilespmem:s23+$0xB40]  }
0x100: {  	[tilespmem:s23+$0xAE0] =	vst v8;
	v8 =	vmul.f32 v14, v10;
	v13 =	vld [tilespmem:s23+$0xB50]  }
0x101: {  	[tilespmem:s23+$0xAF0] =	vst v7;
	v7 =	vmul.f32 v11, v10;
	v11 =	vld [tilespmem:s23+$0xB60]  }
0x102: {  	[tilespmem:s23+$0xB00] =	vst v8;
	v8 =	vmul.f32 v12, v10;
	v12 =	vld [tilespmem:s23+$0xB70]  }
0x103: {  	[tilespmem:s23+$0xB10] =	vst v7;
	v7 =	vmul.f32 v15, v10;
	v14 =	vld [tilespmem:s23+$0xB80]  }
0x104: {  	[tilespmem:s23+$0xB20] =	vst v8;
	v8 =	vmul.f32 v9, v10;
	v9 =	vld [tilespmem:s23+$0xB90]  }
0x105: {  	[tilespmem:s23+$0xB30] =	vst v7;
	v7 =	vmul.f32 v13, v10;
	v13 =	vld [tilespmem:s23+$0xBA0]  }
0x106: {  	[tilespmem:s23+$0xB40] =	vst v8;
	v8 =	vmul.f32 v11, v10;
	v11 =	vbroadcast v1, $0x9;
	v15 =	vld [tilespmem:s23+$0xBB0]  }
0x107: {  	[tilespmem:s23+$0xB50] =	vst v7;
	v7 =	vmul.f32 v12, v10;
	v10 =	vld [tilespmem:s23+$0xBC0]  }
0x108: {  	[tilespmem:s23+$0xB60] =	vst v8;
	v8 =	vmul.f32 v14, v11;
	v12 =	vld [tilespmem:s23+$0xBD0]  }
0x109: {  	[tilespmem:s23+$0xB70] =	vst v7;
	v7 =	vmul.f32 v9, v11;
	v9 =	vld [tilespmem:s23+$0xBE0]  }
0x10a: {  	[tilespmem:s23+$0xB80] =	vst v8;
	v8 =	vmul.f32 v13, v11;
	v13 =	vld [tilespmem:s23+$0xBF0]  }
0x10b: {  	[tilespmem:s23+$0xB90] =	vst v7;
	v7 =	vmul.f32 v15, v11;
	v14 =	vld [tilespmem:s23+$0xC00]  }
0x10c: {  	[tilespmem:s23+$0xBA0] =	vst v8;
	v8 =	vmul.f32 v10, v11;
	v10 =	vld [tilespmem:s23+$0xC10]  }
0x10d: {  	[tilespmem:s23+$0xBB0] =	vst v7;
	v7 =	vmul.f32 v12, v11;
	v12 =	vld [tilespmem:s23+$0xC20]  }
0x10e: {  	[tilespmem:s23+$0xBC0] =	vst v8;
	v8 =	vmul.f32 v9, v11;
	v9 =	vld [tilespmem:s23+$0xC30]  }
0x10f: {  	[tilespmem:s23+$0xBD0] =	vst v7;
	v7 =	vmul.f32 v13, v11;
	v11 =	vld [tilespmem:s23+$0xC40]  }
0x110: {  	[tilespmem:s23+$0xBE0] =	vst v8;
	v8 =	vmul.f32 v14, v4;
	v13 =	vld [tilespmem:s23+$0xC50]  }
0x111: {  	[tilespmem:s23+$0xBF0] =	vst v7;
	v7 =	vmul.f32 v10, v4;
	v10 =	vld [tilespmem:s23+$0xC60]  }
0x112: {  	v14 =	vld [tilespmem:s23+$0x700];
	[tilespmem:s23+$0xC00] =	vst v8;
	v8 =	vmul.f32 v12, v4  }
0x113: {  	v12 =	vld [tilespmem:s23+$0x710];
	[tilespmem:s23+$0xC10] =	vst v7;
	v7 =	vmul.f32 v9, v4  }
0x114: {  	v9 =	vld [tilespmem:s23+$0x740];
	[tilespmem:s23+$0xC20] =	vst v8;
	v8 =	vmul.f32 v11, v4  }
0x115: {  	v11 =	vld [tilespmem:s23+$0x750];
	[tilespmem:s23+$0xC30] =	vst v7;
	v7 =	vmul.f32 v13, v4  }
0x116: {  	[tilespmem:s23+$0xC40] =	vst v8;
	v8 =	vmul.f32 v10, v4;
	v10 =	vbroadcast v1, $0xB;
	v13 =	vld [tilespmem:s23+$0xCA0]  }
0x117: {  	v4 =	vbroadcast v1, $0xF;
	v14 =	vmul.f32 v2, v14;
	[tilespmem:s23+$0xC50] =	vst v7;
	v7 =	vld [tilespmem:s23+$0xCB0]  }
0x118: {  	v12 =	vmul.f32 v12, v2;
	[tilespmem:s23+$0xC60] =	vst v8;
	v5 =	vmul.f32 v5, v10;
	v8 =	vld [tilespmem:s23+$0xCC0]  }
0x119: {  	v6 =	vmul.f32 v6, v10;
	[tilespmem:s23+$0x700] =	vst v14;
	v9 =	vmul.f32 v9, v2;
	v14 =	vld [tilespmem:s23+$0xCD0]  }
0x11a: {  	v3 =	vmul.f32 v3, v4;
	v11 =	vmul.f32 v11, v2;
	[tilespmem:s23+$0xC80] =	vst v5;
	v2 =	vld [tilespmem:s23+$0xCE0]  }
0x11b: {  	[tilespmem:s23+$0xC90] =	vst v6;
	v5 =	vmul.f32 v13, v10;
	v6 =	vld [tilespmem:s23+$0xCF0]  }
0x11c: {  	v7 =	vmul.f32 v7, v10;
	v13 =	vld [tilespmem:s23+$0xD00];
	[tilespmem:s23+$0xED0] =	vst v3  }
0x11d: {  	[tilespmem:s23+$0x710] =	vst v12;
	v3 =	vmul.f32 v8, v10;
	v8 =	vld [tilespmem:s23+$0xD10]  }
0x11e: {  	[tilespmem:s23+$0x740] =	vst v9;
	v9 =	vmul.f32 v14, v10;
	v12 =	vld [tilespmem:s23+$0xD20]  }
0x11f: {  	v14 =	vbroadcast v1, $0xC;
	[tilespmem:s23+$0xCA0] =	vst v5;
	v5 =	vmul.f32 v2, v10;
	v15 =	vld [tilespmem:s23+$0xD30]  }
0x120: {  	[tilespmem:s23+$0xCD0] =	vst v9;
	v6 =	vmul.f32 v6, v10;
	v9 =	vld [tilespmem:s23+$0xD40]  }
0x121: {  	[tilespmem:s23+$0xCB0] =	vst v7;
	v2 =	vmul.f32 v13, v14;
	v7 =	vld [tilespmem:s23+$0xD50]  }
0x122: {  	[tilespmem:s23+$0xCC0] =	vst v3;
	v3 =	vmul.f32 v8, v14;
	v8 =	vld [tilespmem:s23+$0xD60]  }
0x123: {  	[tilespmem:s23+$0xD00] =	vst v2;
	v2 =	vmul.f32 v12, v14;
	v10 =	vld [tilespmem:s23+$0xD70]  }
0x124: {  	[tilespmem:s23+$0xD10] =	vst v3;
	v3 =	vld [tilespmem:s23+$0xD80]  }
0x125: {  	[tilespmem:s23+$0x750] =	vst v11;
	v9 =	vmul.f32 v9, v14;
	v11 =	vld [tilespmem:s23+$0xD90]  }
0x126: {  	[tilespmem:s23+$0xCE0] =	vst v5;
	v5 =	vmul.f32 v7, v14;
	v7 =	vld [tilespmem:s23+$0xDA0]  }
0x127: {  	[tilespmem:s23+$0xD40] =	vst v9;
	v8 =	vmul.f32 v8, v14;
	v9 =	vbroadcast v1, $0xD;
	v12 =	vld [tilespmem:s23+$0xDB0]  }
0x128: {  	[tilespmem:s23+$0xD50] =	vst v5;
	v5 =	vmul.f32 v10, v14;
	v10 =	vld [tilespmem:s23+$0xDC0]  }
0x129: {  	[tilespmem:s23+$0xD60] =	vst v8;
	v3 =	vmul.f32 v3, v9;
	v8 =	vld [tilespmem:s23+$0xDD0]  }
0x12a: {  	[tilespmem:s23+$0xD70] =	vst v5;
	v5 =	vmul.f32 v11, v9;
	v11 =	vld [tilespmem:s23+$0xDE0]  }
0x12b: {  	[tilespmem:s23+$0xD80] =	vst v3;
	v3 =	vmul.f32 v7, v9;
	v7 =	vld [tilespmem:s23+$0xDF0]  }
0x12c: {  	[tilespmem:s23+$0xD90] =	vst v5;
	v5 =	vmul.f32 v12, v9;
	v12 =	vld [tilespmem:s23+$0xE00]  }
0x12d: {  	[tilespmem:s23+$0xDA0] =	vst v3;
	v3 =	vmul.f32 v10, v9;
	v10 =	vld [tilespmem:s23+$0xE10]  }
0x12e: {  	[tilespmem:s23+$0xDB0] =	vst v5;
	v5 =	vmul.f32 v8, v9;
	v8 =	vld [tilespmem:s23+$0xE20]  }
0x12f: {  	v1 =	vbroadcast v1, $0xE;
	[tilespmem:s23+$0xCF0] =	vst v6;
	v6 =	vmul.f32 v11, v9;
	v11 =	vld [tilespmem:s23+$0xE30]  }
0x130: {  	[tilespmem:s23+$0xDD0] =	vst v5;
	v5 =	vmul.f32 v7, v9;
	v7 =	vld [tilespmem:s23+$0xE40]  }
0x131: {  	[tilespmem:s23+$0xDE0] =	vst v6;
	v6 =	vmul.f32 v12, v1;
	v9 =	vld [tilespmem:s23+$0xE50]  }
0x132: {  	[tilespmem:s23+$0xDF0] =	vst v5;
	v5 =	vmul.f32 v10, v1;
	v10 =	vld [tilespmem:s23+$0xE60]  }
0x133: {  	[tilespmem:s23+$0xE00] =	vst v6;
	v6 =	vmul.f32 v8, v1;
	v8 =	vld [tilespmem:s23+$0xE70]  }
0x134: {  	[tilespmem:s23+$0xE10] =	vst v5;
	v5 =	vmul.f32 v11, v1;
	v11 =	vld [tilespmem:s23+$0xE80]  }
0x135: {  	[tilespmem:s23+$0xE20] =	vst v6;
	v6 =	vmul.f32 v7, v1;
	v7 =	vld [tilespmem:s23+$0xE90]  }
0x136: {  	[tilespmem:s23+$0xE30] =	vst v5;
	v5 =	vmul.f32 v9, v1;
	v9 =	vld [tilespmem:s23+$0xEA0]  }
0x137: {  	[tilespmem:s23+$0xE40] =	vst v6;
	v6 =	vmul.f32 v10, v1;
	v10 =	vld [tilespmem:s23+$0xEB0]  }
0x138: {  	[tilespmem:s23+$0xDC0] =	vst v3;
	v1 =	vmul.f32 v8, v1;
	v3 =	vld [tilespmem:s23+$0xEC0]  }
0x139: {  	[tilespmem:s23+$0xE60] =	vst v6;
	v6 =	vmul.f32 v11, v4;
	v8 =	vld [tilespmem:s23+$0xEE0]  }
0x13a: {  	[tilespmem:s23+$0xE70] =	vst v1;
	v1 =	vmul.f32 v7, v4;
	v7 =	vld [tilespmem:s23+$0xEF0]  }
0x13b: {  	[tilespmem:s23+$0xE80] =	vst v6;
	v6 =	vmul.f32 v9, v4  }
0x13c: {  	[tilespmem:s23+$0xE90] =	vst v1;
	v1 =	vmul.f32 v10, v4  }
0x13d: {  	v9 =	vmul.f32 v15, v14;
	[tilespmem:s23+$0xEA0] =	vst v6  }
0x13e: {  	[tilespmem:s23+$0xEB0] =	vst v1;
	v1 =	vmul.f32 v3, v4  }
.Ltmp1:
0x13f: {  	[tilespmem:s23+$0xD30] =	vst v9;
	v3 =	vmul.f32 v7, v4;
	(pc) =	sbr.rel @p1 .LBB2_4-.Ltmp1, $4  }
0x140: {  	[tilespmem:s23+$0xEC0] =	vst v1  }
0x141: {  	v1 =	vmul.f32 v8, v4;
	[tilespmem:s23+$0xEF0] =	vst v3  }
0x142: {  	[tilespmem:s23+$0xE50] =	vst v5  }
0x143: {  	[tilespmem:s23+$0xEE0] =	vst v1  }
0x144: {  	[tilespmem:s23+$0xD20] =	vst v2;
	s23 =	simm.s32 @p0 $0x0;
	s24 =	simm.s32 @p0 $0x700  }
0x145: {  	[hbm4b:s10+s23] =	stream.linear.scatter @p0 [tilespmem:s24], [sflag:$0x3], $0x1400, $0x38;
	[tilespmem:$0x5980] =	vst v63  }
0x146: {  	s23 =	simm.s32 @p0 $0x3  }
0x147: {  	_ =	swait.ge @p0 [sflag:s23], $0x1400  }
0x148: {  	s22 =	sadd.s32 $0x1, s22;
	s24 =	simm.s32 @!p0 $0x700;
	[sflag:s23] =	ssyncset.done @p0 $0x0  }
0x149: {  	p1 =	sne.s32 s22, s11;
	[sflag:s23] =	ssyncadd.s32 @p0 $0xFFFFEC00;
	s23 =	simm.s32 @!p0 $0x0  }
0x14a: {  	[hbm4b:s9+s23] =	stream.linear.scatter @!p0 [tilespmem:s24], [sflag:$0x3], $0x5000, $0x38;
	[tilespmem:$0x5980] =	vst v63  }
.Ltmp2:
0x14b: {  	_ = 	snop;
	(pc) =	sbr.rel @p1 .LBB2_1-.Ltmp2, $4  }
0x14c: {  	s23 =	simm.s32 @!p0 $0x3  }
0x14d: {  	_ =	swait.ge @!p0 [sflag:s23], $0x5000  }
0x14e: {  	[sflag:s23] =	ssyncset.done @!p0 $0x0  }
0x14f: {  	[sflag:s23] =	ssyncadd.s32 @!p0 $0xFFFFB000  }
0x150: {  	_ =	sfence.sel $0x180000  }
0x151: {  	[bflag:$0x0] =	sbarrier.arrive $0xFFFF  }
0x152: {  	p0 =	sne.s32 s1, $0x0;
	_ =	strace $0x9000004A  }
0x153: {  	s0 =	sadd.s32 @!p0 $0x100000, s0;
	[bflag:$0x2] =	sbarrier.arrive $0xFFFF  }
0x154: {  	[sflag:s0] =	ssyncadd.tile.s32 @!p0 $0x1;
	_ =	shalt  }
.Lfunc_end2:
_tile_overlayer_lowered:
.L_overlay_start_2:
0x155: {  	(tag) =	ssettag $0x2  }
0x156: {  	s0 =	rddreg [dreg:$0x0];
	s2 =	stileid.u32  }
0x157: {  	s1 =	rddreg [dreg:$0x1];
	p0 =	sne.s32 s2, $0x0  }
0x158: {  	s3 =	rddreg [dreg:$0x2];
	[bflag:$0x3] =	sbarrier.arrive $0xFFFF;
	s2 =	simm.s32 @!p0 $0x1C03  }
0x159: {  	[timem:s3], [sflag:s2] =	dma.local @!p0 [hbm:s0], s1  }
0x15a: {  	s0 =	simm.s32 @!p0 $0x3  }
0x15b: {  	_ =	swait.ge @!p0 [sflag:s0], s1  }
0x15c: {  	s1 =	ssub.s32 @!p0 $0x0, s1;
	[sflag:s0] =	ssyncset.done @!p0 $0x0  }
0x15d: {  	[sflag:s0] =	ssyncadd.s32 @!p0 s1  }
0x15e: {  	[bflag:$0x3] =	sbarrier.arrive $0xFFFF  }
0x15f: {  	_ =	shalt  }

</sc_bundles>
